<compile_context>
chip_gen: v7x
topology: tpu7x:2x2x1
jax: 0.10.2.dev20260603
libtpu: 0.0.44.dev20260713+nightly
codegen_flags: <defaults>
</compile_context>

<pallas_src>
import jax
import jax.numpy as jnp
from jax import lax
from jax.experimental import pallas as pl
from jax.experimental.pallas import tpu as pltpu
from jax.experimental.pallas import tpu_sc as plsc

_NH = 1024
_DT = 0.1
_DELAY = 512
_K = 0.1

_ROWS = 2048
_COLS = 32768
_R = 64
_GRID = _ROWS // _R

_LANES = 16
_NW = 32
_CHUNK = _COLS // _NW


def _sc_body(buf_hbm, w_hbm, t_hbm, nx_hbm, tv, av, bv, xv, wv, nxv):
    c = lax.axis_index("c")
    s = lax.axis_index("s")
    wid = s * 2 + c
    base = wid * _CHUNK
    pltpu.sync_copy(t_hbm.at[0, pl.ds(0, _LANES)], tv)
    ts = tv[...][0]
    pltpu.sync_copy(buf_hbm.at[_NH + ts - _DELAY, pl.ds(base, _CHUNK)], av)
    pltpu.sync_copy(buf_hbm.at[_NH + ts + 1 - _DELAY, pl.ds(base, _CHUNK)], bv)
    pltpu.sync_copy(buf_hbm.at[_NH + ts, pl.ds(base, _CHUNK)], xv)
    pltpu.sync_copy(w_hbm.at[pl.ds(base, _CHUNK)], wv)
    for i in range(_CHUNK // _LANES):
        sl = pl.ds(i * _LANES, _LANES)
        x = xv[sl]
        a = av[sl]
        b = bv[sl]
        w = wv[sl]
        th1 = 1.0 - 2.0 / (jnp.exp(a * 2.0) + 1.0)
        d1 = -x + _K * th1
        xi = x + _DT * d1 + w
        th2 = 1.0 - 2.0 / (jnp.exp(b * 2.0) + 1.0)
        d2 = -xi + _K * th2
        nxv[sl] = x + _DT * 0.5 * (d1 + d2) + w
    pltpu.sync_copy(nxv, nx_hbm.at[pl.ds(base, _CHUNK)])


def _sc_nx(buf, dWt, t):
    mesh = plsc.VectorSubcoreMesh(core_axis_name="c", subcore_axis_name="s")
    return pl.kernel(
        _sc_body,
        out_type=jax.ShapeDtypeStruct((_COLS,), jnp.float32),
        mesh=mesh,
        scratch_types=[
            pltpu.VMEM((_LANES,), jnp.int32),
            pltpu.VMEM((_CHUNK,), jnp.float32),
            pltpu.VMEM((_CHUNK,), jnp.float32),
            pltpu.VMEM((_CHUNK,), jnp.float32),
            pltpu.VMEM((_CHUNK,), jnp.float32),
            pltpu.VMEM((_CHUNK,), jnp.float32),
        ],
    )(buf, dWt, t)


def _copy_body(buf_ref, outb_ref):
    outb_ref[...] = buf_ref[...]


def _patch_body(ts_ref, bufw_ref, nx_ref, outb_ref):
    ts = ts_ref[0]
    outb_ref[...] = bufw_ref[...]
    outb_ref[(_NH + ts + 1) % 8, :] = nx_ref[...]


def kernel(buf, dWt, t):
    nx = _sc_nx(buf, dWt, t)
    ts = t[0, 0:1].astype(jnp.int32)
    buf2a = pl.pallas_call(
        _copy_body,
        grid=(_GRID,),
        in_specs=[pl.BlockSpec((_R, _COLS), lambda i: (i, 0))],
        out_specs=pl.BlockSpec((_R, _COLS), lambda i: (i, 0)),
        out_shape=jax.ShapeDtypeStruct((_ROWS, _COLS), jnp.float32),
    )(buf)
    grid_spec = pltpu.PrefetchScalarGridSpec(
        num_scalar_prefetch=1,
        grid=(1,),
        in_specs=[
            pl.BlockSpec((8, _COLS), lambda i, ts: ((_NH + ts[0] + 1) // 8, 0)),
            pl.BlockSpec((_COLS,), lambda i, ts: (0,)),
        ],
        out_specs=[
            pl.BlockSpec((8, _COLS), lambda i, ts: ((_NH + ts[0] + 1) // 8, 0)),
        ],
    )
    (buf2,) = pl.pallas_call(
        _patch_body,
        grid_spec=grid_spec,
        out_shape=[jax.ShapeDtypeStruct((_ROWS, _COLS), jnp.float32)],
        input_output_aliases={1: 0},
    )(ts, buf2a, nx)
    return (buf2, nx)

# --- scband reference (transcript-rebuilt; emitter-appended) ---
"""Pipeline reference for scband-buffer-step-30983894073954 (READ-ONLY COPY).

The authoritative reference and input builder live on the scoring server;
editing this copy changes nothing except your own understanding.
"""

import jax, jax.numpy as jnp
import numpy as np

NH = 1024
DT = 0.1
DELAY = 512
K = 0.1


def setup_inputs(seed: int = 0) -> dict:
    key = jax.random.key(seed)
    k1, k2 = jax.random.split(key)
    buf = jax.random.normal(k1, (2048, 32768), dtype=jnp.float32)
    dWt = jax.random.normal(k2, (32768,), dtype=jnp.float32) * 0.01
    t = jnp.zeros((2, 32768), dtype=jnp.int32)
    return {"buf": buf, "dWt": dWt, "t": t}


def _dfun(buf, x, i, t):
    # delayed-coupling dynamics: leak + tanh of delayed buffer row
    return -x + K * jnp.tanh(buf[i - DELAY])


def _adhoc(x):
    return x


def reference(buf, dWt, t):
    t_step = t[0, 0].astype(jnp.int32)
    # x = buf[nh + t_step]  (pytree with a single array leaf)
    x = buf[NH + t_step]
    d1 = _dfun(buf, x, NH + t_step, t)
    xi = _adhoc(x + DT * d1 + dWt)
    d2 = _dfun(buf, xi, NH + t_step + 1, t)
    nx = _adhoc(x + DT * 0.5 * (d1 + d2) + dWt)
    buf2 = buf.at[NH + t_step + 1].set(nx)
    return (buf2, nx)

if __name__ == "__main__":
    import jax
    _d = setup_inputs()
    print(jax.jit(kernel)(*tuple(_d.values())))

</pallas_src>

<mosaic_0001>
#map = affine_map<(d0, d1) -> (0, 0)>
#map1 = affine_map<(d0, d1) -> (0)>
module attributes {stable_mosaic.version = 14 : i64} {
  func.func @_sc_body(%arg0: i32, %arg1: i32, %arg2: memref<2048x32768xf32, #tpu.memory_space<hbm>>, %arg3: memref<32768xf32, #tpu.memory_space<hbm>>, %arg4: memref<2x32768xi32, #tpu.memory_space<hbm>>, %arg5: memref<32768xf32, #tpu.memory_space<hbm>>, %arg6: memref<16xi32, #tpu.memory_space<vmem>>, %arg7: memref<1024xf32, #tpu.memory_space<vmem>>, %arg8: memref<1024xf32, #tpu.memory_space<vmem>>, %arg9: memref<1024xf32, #tpu.memory_space<vmem>>, %arg10: memref<1024xf32, #tpu.memory_space<vmem>>, %arg11: memref<1024xf32, #tpu.memory_space<vmem>>) attributes {dimension_semantics = [#tpu.dimension_semantics<core_parallel>, #tpu.dimension_semantics<subcore_parallel>], iteration_bounds = array<i64: 2, 16>, scalar_prefetch = 0 : i64, scratch_operands = 6 : i64, tpu.core_type = #tpu.core_type<sc_vector_subcore>, window_params = [{transform_indices = #map}, {transform_indices = #map1}, {transform_indices = #map}, {transform_indices = #map1}]} {
    %mul3A = arith.constant 2 : i32
    %mul3A_0 = arith.muli %arg1, %mul3A : i32
    %add3A = arith.addi %mul3A_0, %arg0 : i32
    %mul3A_1 = arith.constant 1024 : i32
    %mul3A_2 = arith.muli %add3A, %mul3A_1 : i32
    %run_scoped3A = arith.constant 0 : i32
    "tpu.region"() ({
      %run_scoped3A_4300 = tpu.sem_alloc : memref<!tpu.dma_semaphore, #tpu.memory_space<semaphore_mem>>
      %dma_start3A = arith.constant 0 : i32
      %dma_start3A_4301 = tpu.memref_slice %arg4[%run_scoped3A, %dma_start3A] : memref<2x32768xi32, #tpu.memory_space<hbm>> -> memref<1x16xi32, #tpu.memory_space<hbm>>
      %dma_start3A_4302 = tpu.memref_squeeze %dma_start3A_4301 : memref<1x16xi32, #tpu.memory_space<hbm>> -> memref<16xi32, #tpu.memory_space<hbm>>
      %dma_start3A_4303 = arith.constant 0 : i32
      %dma_start3A_4304 = tpu.memref_slice %arg4[%run_scoped3A, %dma_start3A_4303] : memref<2x32768xi32, #tpu.memory_space<hbm>> -> memref<1x16xi32, #tpu.memory_space<hbm>>
      %dma_start3A_4305 = tpu.memref_squeeze %dma_start3A_4304 : memref<1x16xi32, #tpu.memory_space<hbm>> -> memref<16xi32, #tpu.memory_space<hbm>>
      tpu.enqueue_dma source(%dma_start3A_4305 : memref<16xi32, #tpu.memory_space<hbm>>) target(%arg6 : memref<16xi32, #tpu.memory_space<vmem>>) target_semaphore(%run_scoped3A_4300 : memref<!tpu.dma_semaphore, #tpu.memory_space<semaphore_mem>>)
      %dma_wait3A = arith.constant 0 : i32
      %dma_wait3A_4306 = tpu.memref_slice %arg4[%run_scoped3A, %dma_wait3A] : memref<2x32768xi32, #tpu.memory_space<hbm>> -> memref<1x16xi32, #tpu.memory_space<hbm>>
      %dma_wait3A_4307 = tpu.memref_squeeze %dma_wait3A_4306 : memref<1x16xi32, #tpu.memory_space<hbm>> -> memref<16xi32, #tpu.memory_space<hbm>>
      %dma_wait3A_4308 = arith.constant 0 : i32
      %dma_wait3A_4309 = tpu.memref_slice %arg4[%run_scoped3A, %dma_wait3A_4308] : memref<2x32768xi32, #tpu.memory_space<hbm>> -> memref<1x16xi32, #tpu.memory_space<hbm>>
      %dma_wait3A_4310 = tpu.memref_squeeze %dma_wait3A_4309 : memref<1x16xi32, #tpu.memory_space<hbm>> -> memref<16xi32, #tpu.memory_space<hbm>>
      tpu.wait_dma2 semaphore(%run_scoped3A_4300 : memref<!tpu.dma_semaphore, #tpu.memory_space<semaphore_mem>>) src(%dma_wait3A_4310 : memref<16xi32, #tpu.memory_space<hbm>>) dst(%arg6 : memref<16xi32, #tpu.memory_space<vmem>>)
      tpu.yield
    }) : () -> ()
    %get3A = arith.constant 0 : index
    %get3A_3 = tpu.vector_load %arg6[%get3A] {strides = array<i32>} : memref<16xi32, #tpu.memory_space<vmem>>, vector<16xi32>,
    %get3A_4 = vector.shape_cast %get3A_3 : vector<16xi32> to vector<16xi32>
    %slice3A = vector.extract_strided_slice %get3A_4 {offsets = [0], sizes = [1], strides = [1]} : vector<16xi32> to vector<1xi32>
    %squeeze3A = vector.extract %slice3A[0] : i32 from vector<1xi32>
    %add3A_5 = arith.constant 1024 : i32
    %add3A_6 = arith.addi %add3A_5, %squeeze3A : i32
    %sub3A = arith.constant 512 : i32
    %sub3A_7 = arith.subi %add3A_6, %sub3A : i32
    "tpu.region"() ({
      %run_scoped3A_4300 = tpu.sem_alloc : memref<!tpu.dma_semaphore, #tpu.memory_space<semaphore_mem>>
      %dma_start3A = tpu.memref_slice %arg2[%sub3A_7, %mul3A_2] : memref<2048x32768xf32, #tpu.memory_space<hbm>> -> memref<1x1024xf32, #tpu.memory_space<hbm>>
      %dma_start3A_4301 = tpu.memref_squeeze %dma_start3A : memref<1x1024xf32, #tpu.memory_space<hbm>> -> memref<1024xf32, #tpu.memory_space<hbm>>
      %dma_start3A_4302 = tpu.memref_slice %arg2[%sub3A_7, %mul3A_2] : memref<2048x32768xf32, #tpu.memory_space<hbm>> -> memref<1x1024xf32, #tpu.memory_space<hbm>>
      %dma_start3A_4303 = tpu.memref_squeeze %dma_start3A_4302 : memref<1x1024xf32, #tpu.memory_space<hbm>> -> memref<1024xf32, #tpu.memory_space<hbm>>
      tpu.enqueue_dma source(%dma_start3A_4303 : memref<1024xf32, #tpu.memory_space<hbm>>) target(%arg7 : memref<1024xf32, #tpu.memory_space<vmem>>) target_semaphore(%run_scoped3A_4300 : memref<!tpu.dma_semaphore, #tpu.memory_space<semaphore_mem>>)
      %dma_wait3A = tpu.memref_slice %arg2[%sub3A_7, %mul3A_2] : memref<2048x32768xf32, #tpu.memory_space<hbm>> -> memref<1x1024xf32, #tpu.memory_space<hbm>>
      %dma_wait3A_4304 = tpu.memref_squeeze %dma_wait3A : memref<1x1024xf32, #tpu.memory_space<hbm>> -> memref<1024xf32, #tpu.memory_space<hbm>>
      %dma_wait3A_4305 = tpu.memref_slice %arg2[%sub3A_7, %mul3A_2] : memref<2048x32768xf32, #tpu.memory_space<hbm>> -> memref<1x1024xf32, #tpu.memory_space<hbm>>
      %dma_wait3A_4306 = tpu.memref_squeeze %dma_wait3A_4305 : memref<1x1024xf32, #tpu.memory_space<hbm>> -> memref<1024xf32, #tpu.memory_space<hbm>>
      tpu.wait_dma2 semaphore(%run_scoped3A_4300 : memref<!tpu.dma_semaphore, #tpu.memory_space<semaphore_mem>>) src(%dma_wait3A_4306 : memref<1024xf32, #tpu.memory_space<hbm>>) dst(%arg7 : memref<1024xf32, #tpu.memory_space<vmem>>)
      tpu.yield
    }) : () -> ()
    %add3A_8 = arith.constant 1024 : i32
    %add3A_9 = arith.addi %add3A_8, %squeeze3A : i32
    %add3A_10 = arith.constant 1 : i32
    %add3A_11 = arith.addi %add3A_9, %add3A_10 : i32
    %sub3A_12 = arith.constant 512 : i32
    %sub3A_13 = arith.subi %add3A_11, %sub3A_12 : i32
    "tpu.region"() ({
      %run_scoped3A_4300 = tpu.sem_alloc : memref<!tpu.dma_semaphore, #tpu.memory_space<semaphore_mem>>
      %dma_start3A = tpu.memref_slice %arg2[%sub3A_13, %mul3A_2] : memref<2048x32768xf32, #tpu.memory_space<hbm>> -> memref<1x1024xf32, #tpu.memory_space<hbm>>
      %dma_start3A_4301 = tpu.memref_squeeze %dma_start3A : memref<1x1024xf32, #tpu.memory_space<hbm>> -> memref<1024xf32, #tpu.memory_space<hbm>>
      %dma_start3A_4302 = tpu.memref_slice %arg2[%sub3A_13, %mul3A_2] : memref<2048x32768xf32, #tpu.memory_space<hbm>> -> memref<1x1024xf32, #tpu.memory_space<hbm>>
      %dma_start3A_4303 = tpu.memref_squeeze %dma_start3A_4302 : memref<1x1024xf32, #tpu.memory_space<hbm>> -> memref<1024xf32, #tpu.memory_space<hbm>>
      tpu.enqueue_dma source(%dma_start3A_4303 : memref<1024xf32, #tpu.memory_space<hbm>>) target(%arg8 : memref<1024xf32, #tpu.memory_space<vmem>>) target_semaphore(%run_scoped3A_4300 : memref<!tpu.dma_semaphore, #tpu.memory_space<semaphore_mem>>)
      %dma_wait3A = tpu.memref_slice %arg2[%sub3A_13, %mul3A_2] : memref<2048x32768xf32, #tpu.memory_space<hbm>> -> memref<1x1024xf32, #tpu.memory_space<hbm>>
      %dma_wait3A_4304 = tpu.memref_squeeze %dma_wait3A : memref<1x1024xf32, #tpu.memory_space<hbm>> -> memref<1024xf32, #tpu.memory_space<hbm>>
      %dma_wait3A_4305 = tpu.memref_slice %arg2[%sub3A_13, %mul3A_2] : memref<2048x32768xf32, #tpu.memory_space<hbm>> -> memref<1x1024xf32, #tpu.memory_space<hbm>>
      %dma_wait3A_4306 = tpu.memref_squeeze %dma_wait3A_4305 : memref<1x1024xf32, #tpu.memory_space<hbm>> -> memref<1024xf32, #tpu.memory_space<hbm>>
      tpu.wait_dma2 semaphore(%run_scoped3A_4300 : memref<!tpu.dma_semaphore, #tpu.memory_space<semaphore_mem>>) src(%dma_wait3A_4306 : memref<1024xf32, #tpu.memory_space<hbm>>) dst(%arg8 : memref<1024xf32, #tpu.memory_space<vmem>>)
      tpu.yield
    }) : () -> ()
    %add3A_14 = arith.constant 1024 : i32
    %add3A_15 = arith.addi %add3A_14, %squeeze3A : i32
    "tpu.region"() ({
      %run_scoped3A_4300 = tpu.sem_alloc : memref<!tpu.dma_semaphore, #tpu.memory_space<semaphore_mem>>
      %dma_start3A = tpu.memref_slice %arg2[%add3A_15, %mul3A_2] : memref<2048x32768xf32, #tpu.memory_space<hbm>> -> memref<1x1024xf32, #tpu.memory_space<hbm>>
      %dma_start3A_4301 = tpu.memref_squeeze %dma_start3A : memref<1x1024xf32, #tpu.memory_space<hbm>> -> memref<1024xf32, #tpu.memory_space<hbm>>
      %dma_start3A_4302 = tpu.memref_slice %arg2[%add3A_15, %mul3A_2] : memref<2048x32768xf32, #tpu.memory_space<hbm>> -> memref<1x1024xf32, #tpu.memory_space<hbm>>
      %dma_start3A_4303 = tpu.memref_squeeze %dma_start3A_4302 : memref<1x1024xf32, #tpu.memory_space<hbm>> -> memref<1024xf32, #tpu.memory_space<hbm>>
      tpu.enqueue_dma source(%dma_start3A_4303 : memref<1024xf32, #tpu.memory_space<hbm>>) target(%arg9 : memref<1024xf32, #tpu.memory_space<vmem>>) target_semaphore(%run_scoped3A_4300 : memref<!tpu.dma_semaphore, #tpu.memory_space<semaphore_mem>>)
      %dma_wait3A = tpu.memref_slice %arg2[%add3A_15, %mul3A_2] : memref<2048x32768xf32, #tpu.memory_space<hbm>> -> memref<1x1024xf32, #tpu.memory_space<hbm>>
      %dma_wait3A_4304 = tpu.memref_squeeze %dma_wait3A : memref<1x1024xf32, #tpu.memory_space<hbm>> -> memref<1024xf32, #tpu.memory_space<hbm>>
      %dma_wait3A_4305 = tpu.memref_slice %arg2[%add3A_15, %mul3A_2] : memref<2048x32768xf32, #tpu.memory_space<hbm>> -> memref<1x1024xf32, #tpu.memory_space<hbm>>
      %dma_wait3A_4306 = tpu.memref_squeeze %dma_wait3A_4305 : memref<1x1024xf32, #tpu.memory_space<hbm>> -> memref<1024xf32, #tpu.memory_space<hbm>>
      tpu.wait_dma2 semaphore(%run_scoped3A_4300 : memref<!tpu.dma_semaphore, #tpu.memory_space<semaphore_mem>>) src(%dma_wait3A_4306 : memref<1024xf32, #tpu.memory_space<hbm>>) dst(%arg9 : memref<1024xf32, #tpu.memory_space<vmem>>)
      tpu.yield
    }) : () -> ()
    "tpu.region"() ({
      %run_scoped3A_4300 = tpu.sem_alloc : memref<!tpu.dma_semaphore, #tpu.memory_space<semaphore_mem>>
      %dma_start3A = tpu.memref_slice %arg3[%mul3A_2] : memref<32768xf32, #tpu.memory_space<hbm>> -> memref<1024xf32, #tpu.memory_space<hbm>>
      %dma_start3A_4301 = tpu.memref_slice %arg3[%mul3A_2] : memref<32768xf32, #tpu.memory_space<hbm>> -> memref<1024xf32, #tpu.memory_space<hbm>>
      tpu.enqueue_dma source(%dma_start3A_4301 : memref<1024xf32, #tpu.memory_space<hbm>>) target(%arg10 : memref<1024xf32, #tpu.memory_space<vmem>>) target_semaphore(%run_scoped3A_4300 : memref<!tpu.dma_semaphore, #tpu.memory_space<semaphore_mem>>)
      %dma_wait3A = tpu.memref_slice %arg3[%mul3A_2] : memref<32768xf32, #tpu.memory_space<hbm>> -> memref<1024xf32, #tpu.memory_space<hbm>>
      %dma_wait3A_4302 = tpu.memref_slice %arg3[%mul3A_2] : memref<32768xf32, #tpu.memory_space<hbm>> -> memref<1024xf32, #tpu.memory_space<hbm>>
      tpu.wait_dma2 semaphore(%run_scoped3A_4300 : memref<!tpu.dma_semaphore, #tpu.memory_space<semaphore_mem>>) src(%dma_wait3A_4302 : memref<1024xf32, #tpu.memory_space<hbm>>) dst(%arg10 : memref<1024xf32, #tpu.memory_space<vmem>>)
      tpu.yield
    }) : () -> ()
    %get3A_16 = arith.constant 0 : index
    %get3A_17 = tpu.vector_load %arg9[%get3A_16] {strides = array<i32>} : memref<1024xf32, #tpu.memory_space<vmem>>, vector<16xf32>,
    %get3A_18 = vector.shape_cast %get3A_17 : vector<16xf32> to vector<16xf32>
    %get3A_19 = arith.constant 0 : index
    %get3A_20 = tpu.vector_load %arg7[%get3A_19] {strides = array<i32>} : memref<1024xf32, #tpu.memory_space<vmem>>, vector<16xf32>,
    %get3A_21 = vector.shape_cast %get3A_20 : vector<16xf32> to vector<16xf32>
    %get3A_22 = arith.constant 0 : index
    %get3A_23 = tpu.vector_load %arg8[%get3A_22] {strides = array<i32>} : memref<1024xf32, #tpu.memory_space<vmem>>, vector<16xf32>,
    %get3A_24 = vector.shape_cast %get3A_23 : vector<16xf32> to vector<16xf32>
    %get3A_25 = arith.constant 0 : index
    %get3A_26 = tpu.vector_load %arg10[%get3A_25] {strides = array<i32>} : memref<1024xf32, #tpu.memory_space<vmem>>, vector<16xf32>,
    %get3A_27 = vector.shape_cast %get3A_26 : vector<16xf32> to vector<16xf32>
    %mul3A_28 = arith.constant 2.000000e+00 : f32
    %mul3A_29 = vector.broadcast %mul3A_28 : f32 to vector<16xf32>
    %mul3A_30 = arith.mulf %get3A_21, %mul3A_29 : vector<16xf32>
    %exp3A = math.exp %mul3A_30 : vector<16xf32>
    %add3A_31 = arith.constant 1.000000e+00 : f32
    %add3A_32 = vector.broadcast %add3A_31 : f32 to vector<16xf32>
    %add3A_33 = arith.addf %exp3A, %add3A_32 : vector<16xf32>
    %div3A = arith.constant 2.000000e+00 : f32
    %div3A_34 = vector.broadcast %div3A : f32 to vector<16xf32>
    %div3A_35 = arith.divf %div3A_34, %add3A_33 : vector<16xf32>
    %sub3A_36 = arith.constant 1.000000e+00 : f32
    %sub3A_37 = vector.broadcast %sub3A_36 : f32 to vector<16xf32>
    %sub3A_38 = arith.subf %sub3A_37, %div3A_35 : vector<16xf32>
    %neg3A = arith.constant 0.000000e+00 : f32
    %neg3A_39 = vector.broadcast %neg3A : f32 to vector<16xf32>
    %neg3A_40 = arith.subf %neg3A_39, %get3A_18 : vector<16xf32>
    %mul3A_41 = arith.constant 1.000000e-01 : f32
    %mul3A_42 = vector.broadcast %mul3A_41 : f32 to vector<16xf32>
    %mul3A_43 = arith.mulf %mul3A_42, %sub3A_38 : vector<16xf32>
    %add3A_44 = arith.addf %neg3A_40, %mul3A_43 : vector<16xf32>
    %mul3A_45 = arith.constant 1.000000e-01 : f32
    %mul3A_46 = vector.broadcast %mul3A_45 : f32 to vector<16xf32>
    %mul3A_47 = arith.mulf %mul3A_46, %add3A_44 : vector<16xf32>
    %add3A_48 = arith.addf %get3A_18, %mul3A_47 : vector<16xf32>
    %add3A_49 = arith.addf %add3A_48, %get3A_27 : vector<16xf32>
    %mul3A_50 = arith.constant 2.000000e+00 : f32
    %mul3A_51 = vector.broadcast %mul3A_50 : f32 to vector<16xf32>
    %mul3A_52 = arith.mulf %get3A_24, %mul3A_51 : vector<16xf32>
    %exp3A_53 = math.exp %mul3A_52 : vector<16xf32>
    %add3A_54 = arith.constant 1.000000e+00 : f32
    %add3A_55 = vector.broadcast %add3A_54 : f32 to vector<16xf32>
    %add3A_56 = arith.addf %exp3A_53, %add3A_55 : vector<16xf32>
    %div3A_57 = arith.constant 2.000000e+00 : f32
    %div3A_58 = vector.broadcast %div3A_57 : f32 to vector<16xf32>
    %div3A_59 = arith.divf %div3A_58, %add3A_56 : vector<16xf32>
    %sub3A_60 = arith.constant 1.000000e+00 : f32
    %sub3A_61 = vector.broadcast %sub3A_60 : f32 to vector<16xf32>
    %sub3A_62 = arith.subf %sub3A_61, %div3A_59 : vector<16xf32>
    %neg3A_63 = arith.constant 0.000000e+00 : f32
    %neg3A_64 = vector.broadcast %neg3A_63 : f32 to vector<16xf32>
    %neg3A_65 = arith.subf %neg3A_64, %add3A_49 : vector<16xf32>
    %mul3A_66 = arith.constant 1.000000e-01 : f32
    %mul3A_67 = vector.broadcast %mul3A_66 : f32 to vector<16xf32>
    %mul3A_68 = arith.mulf %mul3A_67, %sub3A_62 : vector<16xf32>
    %add3A_69 = arith.addf %neg3A_65, %mul3A_68 : vector<16xf32>
    %add3A_70 = arith.addf %add3A_44, %add3A_69 : vector<16xf32>
    %mul3A_71 = arith.constant 5.000000e-02 : f32
    %mul3A_72 = vector.broadcast %mul3A_71 : f32 to vector<16xf32>
    %mul3A_73 = arith.mulf %mul3A_72, %add3A_70 : vector<16xf32>
    %add3A_74 = arith.addf %get3A_18, %mul3A_73 : vector<16xf32>
    %add3A_75 = arith.addf %add3A_74, %get3A_27 : vector<16xf32>
    %swap3A = arith.constant 0 : index
    %swap3A_76 = tpu.vector_load %arg11[%swap3A] {strides = array<i32>} : memref<1024xf32, #tpu.memory_space<vmem>>, vector<16xf32>,
    %swap3A_77 = vector.shape_cast %swap3A_76 : vector<16xf32> to vector<16xf32>
    %swap3A_78 = vector.shape_cast %add3A_75 : vector<16xf32> to vector<16xf32>
    tpu.vector_store %arg11[%swap3A], %swap3A_78 {strides = array<i32>} : memref<1024xf32, #tpu.memory_space<vmem>>, vector<16xf32>,
    %get3A_79 = arith.constant 16 : index
    %get3A_80 = tpu.vector_load %arg9[%get3A_79] {strides = array<i32>} : memref<1024xf32, #tpu.memory_space<vmem>>, vector<16xf32>,
    %get3A_81 = vector.shape_cast %get3A_80 : vector<16xf32> to vector<16xf32>
    %get3A_82 = arith.constant 16 : index
    %get3A_83 = tpu.vector_load %arg7[%get3A_82] {strides = array<i32>} : memref<1024xf32, #tpu.memory_space<vmem>>, vector<16xf32>,
    %get3A_84 = vector.shape_cast %get3A_83 : vector<16xf32> to vector<16xf32>
    %get3A_85 = arith.constant 16 : index
    %get3A_86 = tpu.vector_load %arg8[%get3A_85] {strides = array<i32>} : memref<1024xf32, #tpu.memory_space<vmem>>, vector<16xf32>,
    %get3A_87 = vector.shape_cast %get3A_86 : vector<16xf32> to vector<16xf32>
    %get3A_88 = arith.constant 16 : index
    %get3A_89 = tpu.vector_load %arg10[%get3A_88] {strides = array<i32>} : memref<1024xf32, #tpu.memory_space<vmem>>, vector<16xf32>,
    %get3A_90 = vector.shape_cast %get3A_89 : vector<16xf32> to vector<16xf32>
    %mul3A_91 = arith.constant 2.000000e+00 : f32
    %mul3A_92 = vector.broadcast %mul3A_91 : f32 to vector<16xf32>
    %mul3A_93 = arith.mulf %get3A_84, %mul3A_92 : vector<16xf32>
    %exp3A_94 = math.exp %mul3A_93 : vector<16xf32>
    %add3A_95 = arith.constant 1.000000e+00 : f32
    %add3A_96 = vector.broadcast %add3A_95 : f32 to vector<16xf32>
    %add3A_97 = arith.addf %exp3A_94, %add3A_96 : vector<16xf32>
    %div3A_98 = arith.constant 2.000000e+00 : f32
    %div3A_99 = vector.broadcast %div3A_98 : f32 to vector<16xf32>
    %div3A_100 = arith.divf %div3A_99, %add3A_97 : vector<16xf32>
    %sub3A_101 = arith.constant 1.000000e+00 : f32
    %sub3A_102 = vector.broadcast %sub3A_101 : f32 to vector<16xf32>
    %sub3A_103 = arith.subf %sub3A_102, %div3A_100 : vector<16xf32>
    %neg3A_104 = arith.constant 0.000000e+00 : f32
    %neg3A_105 = vector.broadcast %neg3A_104 : f32 to vector<16xf32>
    %neg3A_106 = arith.subf %neg3A_105, %get3A_81 : vector<16xf32>
    %mul3A_107 = arith.constant 1.000000e-01 : f32
    %mul3A_108 = vector.broadcast %mul3A_107 : f32 to vector<16xf32>
    %mul3A_109 = arith.mulf %mul3A_108, %sub3A_103 : vector<16xf32>
    %add3A_110 = arith.addf %neg3A_106, %mul3A_109 : vector<16xf32>
    %mul3A_111 = arith.constant 1.000000e-01 : f32
    %mul3A_112 = vector.broadcast %mul3A_111 : f32 to vector<16xf32>
    %mul3A_113 = arith.mulf %mul3A_112, %add3A_110 : vector<16xf32>
    %add3A_114 = arith.addf %get3A_81, %mul3A_113 : vector<16xf32>
    %add3A_115 = arith.addf %add3A_114, %get3A_90 : vector<16xf32>
    %mul3A_116 = arith.constant 2.000000e+00 : f32
    %mul3A_117 = vector.broadcast %mul3A_116 : f32 to vector<16xf32>
    %mul3A_118 = arith.mulf %get3A_87, %mul3A_117 : vector<16xf32>
    %exp3A_119 = math.exp %mul3A_118 : vector<16xf32>
    %add3A_120 = arith.constant 1.000000e+00 : f32
    %add3A_121 = vector.broadcast %add3A_120 : f32 to vector<16xf32>
    %add3A_122 = arith.addf %exp3A_119, %add3A_121 : vector<16xf32>
    %div3A_123 = arith.constant 2.000000e+00 : f32
    %div3A_124 = vector.broadcast %div3A_123 : f32 to vector<16xf32>
    %div3A_125 = arith.divf %div3A_124, %add3A_122 : vector<16xf32>
    %sub3A_126 = arith.constant 1.000000e+00 : f32
    %sub3A_127 = vector.broadcast %sub3A_126 : f32 to vector<16xf32>
    %sub3A_128 = arith.subf %sub3A_127, %div3A_125 : vector<16xf32>
    %neg3A_129 = arith.constant 0.000000e+00 : f32
    %neg3A_130 = vector.broadcast %neg3A_129 : f32 to vector<16xf32>
    %neg3A_131 = arith.subf %neg3A_130, %add3A_115 : vector<16xf32>
    %mul3A_132 = arith.constant 1.000000e-01 : f32
    %mul3A_133 = vector.broadcast %mul3A_132 : f32 to vector<16xf32>
    %mul3A_134 = arith.mulf %mul3A_133, %sub3A_128 : vector<16xf32>
    %add3A_135 = arith.addf %neg3A_131, %mul3A_134 : vector<16xf32>
    %add3A_136 = arith.addf %add3A_110, %add3A_135 : vector<16xf32>
    %mul3A_137 = arith.constant 5.000000e-02 : f32
    %mul3A_138 = vector.broadcast %mul3A_137 : f32 to vector<16xf32>
    %mul3A_139 = arith.mulf %mul3A_138, %add3A_136 : vector<16xf32>
    %add3A_140 = arith.addf %get3A_81, %mul3A_139 : vector<16xf32>
    %add3A_141 = arith.addf %add3A_140, %get3A_90 : vector<16xf32>
    %swap3A_142 = arith.constant 16 : index
    %swap3A_143 = tpu.vector_load %arg11[%swap3A_142] {strides = array<i32>} : memref<1024xf32, #tpu.memory_space<vmem>>, vector<16xf32>,
    %swap3A_144 = vector.shape_cast %swap3A_143 : vector<16xf32> to vector<16xf32>
    %swap3A_145 = vector.shape_cast %add3A_141 : vector<16xf32> to vector<16xf32>
    tpu.vector_store %arg11[%swap3A_142], %swap3A_145 {strides = array<i32>} : memref<1024xf32, #tpu.memory_space<vmem>>, vector<16xf32>,
    %get3A_146 = arith.constant 32 : index
    %get3A_147 = tpu.vector_load %arg9[%get3A_146] {strides = array<i32>} : memref<1024xf32, #tpu.memory_space<vmem>>, vector<16xf32>,
    %get3A_148 = vector.shape_cast %get3A_147 : vector<16xf32> to vector<16xf32>
    %get3A_149 = arith.constant 32 : index
    %get3A_150 = tpu.vector_load %arg7[%get3A_149] {strides = array<i32>} : memref<1024xf32, #tpu.memory_space<vmem>>, vector<16xf32>,
    %get3A_151 = vector.shape_cast %get3A_150 : vector<16xf32> to vector<16xf32>
    %get3A_152 = arith.constant 32 : index
    %get3A_153 = tpu.vector_load %arg8[%get3A_152] {strides = array<i32>} : memref<1024xf32, #tpu.memory_space<vmem>>, vector<16xf32>,
    %get3A_154 = vector.shape_cast %get3A_153 : vector<16xf32> to vector<16xf32>
    %get3A_155 = arith.constant 32 : index
    %get3A_156 = tpu.vector_load %arg10[%get3A_155] {strides = array<i32>} : memref<1024xf32, #tpu.memory_space<vmem>>, vector<16xf32>,
    %get3A_157 = vector.shape_cast %get3A_156 : vector<16xf32> to vector<16xf32>
    %mul3A_158 = arith.constant 2.000000e+00 : f32
    %mul3A_159 = vector.broadcast %mul3A_158 : f32 to vector<16xf32>
    %mul3A_160 = arith.mulf %get3A_151, %mul3A_159 : vector<16xf32>
    %exp3A_161 = math.exp %mul3A_160 : vector<16xf32>
    %add3A_162 = arith.constant 1.000000e+00 : f32
    %add3A_163 = vector.broadcast %add3A_162 : f32 to vector<16xf32>
    %add3A_164 = arith.addf %exp3A_161, %add3A_163 : vector<16xf32>
    %div3A_165 = arith.constant 2.000000e+00 : f32
    %div3A_166 = vector.broadcast %div3A_165 : f32 to vector<16xf32>
    %div3A_167 = arith.divf %div3A_166, %add3A_164 : vector<16xf32>
    %sub3A_168 = arith.constant 1.000000e+00 : f32
    %sub3A_169 = vector.broadcast %sub3A_168 : f32 to vector<16xf32>
    %sub3A_170 = arith.subf %sub3A_169, %div3A_167 : vector<16xf32>
    %neg3A_171 = arith.constant 0.000000e+00 : f32
    %neg3A_172 = vector.broadcast %neg3A_171 : f32 to vector<16xf32>
    %neg3A_173 = arith.subf %neg3A_172, %get3A_148 : vector<16xf32>
    %mul3A_174 = arith.constant 1.000000e-01 : f32
    %mul3A_175 = vector.broadcast %mul3A_174 : f32 to vector<16xf32>
    %mul3A_176 = arith.mulf %mul3A_175, %sub3A_170 : vector<16xf32>
    %add3A_177 = arith.addf %neg3A_173, %mul3A_176 : vector<16xf32>
    %mul3A_178 = arith.constant 1.000000e-01 : f32
    %mul3A_179 = vector.broadcast %mul3A_178 : f32 to vector<16xf32>
    %mul3A_180 = arith.mulf %mul3A_179, %add3A_177 : vector<16xf32>
    %add3A_181 = arith.addf %get3A_148, %mul3A_180 : vector<16xf32>
    %add3A_182 = arith.addf %add3A_181, %get3A_157 : vector<16xf32>
    %mul3A_183 = arith.constant 2.000000e+00 : f32
    %mul3A_184 = vector.broadcast %mul3A_183 : f32 to vector<16xf32>
    %mul3A_185 = arith.mulf %get3A_154, %mul3A_184 : vector<16xf32>
    %exp3A_186 = math.exp %mul3A_185 : vector<16xf32>
    %add3A_187 = arith.constant 1.000000e+00 : f32
    %add3A_188 = vector.broadcast %add3A_187 : f32 to vector<16xf32>
    %add3A_189 = arith.addf %exp3A_186, %add3A_188 : vector<16xf32>
    %div3A_190 = arith.constant 2.000000e+00 : f32
    %div3A_191 = vector.broadcast %div3A_190 : f32 to vector<16xf32>
    %div3A_192 = arith.divf %div3A_191, %add3A_189 : vector<16xf32>
    %sub3A_193 = arith.constant 1.000000e+00 : f32
    %sub3A_194 = vector.broadcast %sub3A_193 : f32 to vector<16xf32>
    %sub3A_195 = arith.subf %sub3A_194, %div3A_192 : vector<16xf32>
    %neg3A_196 = arith.constant 0.000000e+00 : f32
    %neg3A_197 = vector.broadcast %neg3A_196 : f32 to vector<16xf32>
    %neg3A_198 = arith.subf %neg3A_197, %add3A_182 : vector<16xf32>
    %mul3A_199 = arith.constant 1.000000e-01 : f32
    %mul3A_200 = vector.broadcast %mul3A_199 : f32 to vector<16xf32>
    %mul3A_201 = arith.mulf %mul3A_200, %sub3A_195 : vector<16xf32>
    %add3A_202 = arith.addf %neg3A_198, %mul3A_201 : vector<16xf32>
    %add3A_203 = arith.addf %add3A_177, %add3A_202 : vector<16xf32>
    %mul3A_204 = arith.constant 5.000000e-02 : f32
    %mul3A_205 = vector.broadcast %mul3A_204 : f32 to vector<16xf32>
    %mul3A_206 = arith.mulf %mul3A_205, %add3A_203 : vector<16xf32>
    %add3A_207 = arith.addf %get3A_148, %mul3A_206 : vector<16xf32>
    %add3A_208 = arith.addf %add3A_207, %get3A_157 : vector<16xf32>
    %swap3A_209 = arith.constant 32 : index
    %swap3A_210 = tpu.vector_load %arg11[%swap3A_209] {strides = array<i32>} : memref<1024xf32, #tpu.memory_space<vmem>>, vector<16xf32>,
    %swap3A_211 = vector.shape_cast %swap3A_210 : vector<16xf32> to vector<16xf32>
    %swap3A_212 = vector.shape_cast %add3A_208 : vector<16xf32> to vector<16xf32>
    tpu.vector_store %arg11[%swap3A_209], %swap3A_212 {strides = array<i32>} : memref<1024xf32, #tpu.memory_space<vmem>>, vector<16xf32>,
    %get3A_213 = arith.constant 48 : index
    %get3A_214 = tpu.vector_load %arg9[%get3A_213] {strides = array<i32>} : memref<1024xf32, #tpu.memory_space<vmem>>, vector<16xf32>,
    %get3A_215 = vector.shape_cast %get3A_214 : vector<16xf32> to vector<16xf32>
    %get3A_216 = arith.constant 48 : index
    %get3A_217 = tpu.vector_load %arg7[%get3A_216] {strides = array<i32>} : memref<1024xf32, #tpu.memory_space<vmem>>, vector<16xf32>,
    %get3A_218 = vector.shape_cast %get3A_217 : vector<16xf32> to vector<16xf32>
    %get3A_219 = arith.constant 48 : index
    %get3A_220 = tpu.vector_load %arg8[%get3A_219] {strides = array<i32>} : memref<1024xf32, #tpu.memory_space<vmem>>, vector<16xf32>,
    %get3A_221 = vector.shape_cast %get3A_220 : vector<16xf32> to vector<16xf32>
    %get3A_222 = arith.constant 48 : index
    %get3A_223 = tpu.vector_load %arg10[%get3A_222] {strides = array<i32>} : memref<1024xf32, #tpu.memory_space<vmem>>, vector<16xf32>,
    %get3A_224 = vector.shape_cast %get3A_223 : vector<16xf32> to vector<16xf32>
    %mul3A_225 = arith.constant 2.000000e+00 : f32
    %mul3A_226 = vector.broadcast %mul3A_225 : f32 to vector<16xf32>
    %mul3A_227 = arith.mulf %get3A_218, %mul3A_226 : vector<16xf32>
    %exp3A_228 = math.exp %mul3A_227 : vector<16xf32>
    %add3A_229 = arith.constant 1.000000e+00 : f32
    %add3A_230 = vector.broadcast %add3A_229 : f32 to vector<16xf32>
    %add3A_231 = arith.addf %exp3A_228, %add3A_230 : vector<16xf32>
    %div3A_232 = arith.constant 2.000000e+00 : f32
    %div3A_233 = vector.broadcast %div3A_232 : f32 to vector<16xf32>
    %div3A_234 = arith.divf %div3A_233, %add3A_231 : vector<16xf32>
    %sub3A_235 = arith.constant 1.000000e+00 : f32
    %sub3A_236 = vector.broadcast %sub3A_235 : f32 to vector<16xf32>
    %sub3A_237 = arith.subf %sub3A_236, %div3A_234 : vector<16xf32>
    %neg3A_238 = arith.constant 0.000000e+00 : f32
    %neg3A_239 = vector.broadcast %neg3A_238 : f32 to vector<16xf32>
    %neg3A_240 = arith.subf %neg3A_239, %get3A_215 : vector<16xf32>
    %mul3A_241 = arith.constant 1.000000e-01 : f32
    %mul3A_242 = vector.broadcast %mul3A_241 : f32 to vector<16xf32>
    %mul3A_243 = arith.mulf %mul3A_242, %sub3A_237 : vector<16xf32>
    %add3A_244 = arith.addf %neg3A_240, %mul3A_243 : vector<16xf32>
    %mul3A_245 = arith.constant 1.000000e-01 : f32
    %mul3A_246 = vector.broadcast %mul3A_245 : f32 to vector<16xf32>
    %mul3A_247 = arith.mulf %mul3A_246, %add3A_244 : vector<16xf32>
    %add3A_248 = arith.addf %get3A_215, %mul3A_247 : vector<16xf32>
    %add3A_249 = arith.addf %add3A_248, %get3A_224 : vector<16xf32>
    %mul3A_250 = arith.constant 2.000000e+00 : f32
    %mul3A_251 = vector.broadcast %mul3A_250 : f32 to vector<16xf32>
    %mul3A_252 = arith.mulf %get3A_221, %mul3A_251 : vector<16xf32>
    %exp3A_253 = math.exp %mul3A_252 : vector<16xf32>
    %add3A_254 = arith.constant 1.000000e+00 : f32
    %add3A_255 = vector.broadcast %add3A_254 : f32 to vector<16xf32>
    %add3A_256 = arith.addf %exp3A_253, %add3A_255 : vector<16xf32>
    %div3A_257 = arith.constant 2.000000e+00 : f32
    %div3A_258 = vector.broadcast %div3A_257 : f32 to vector<16xf32>
    %div3A_259 = arith.divf %div3A_258, %add3A_256 : vector<16xf32>
    %sub3A_260 = arith.constant 1.000000e+00 : f32
    %sub3A_261 = vector.broadcast %sub3A_260 : f32 to vector<16xf32>
    %sub3A_262 = arith.subf %sub3A_261, %div3A_259 : vector<16xf32>
    %neg3A_263 = arith.constant 0.000000e+00 : f32
    %neg3A_264 = vector.broadcast %neg3A_263 : f32 to vector<16xf32>
    %neg3A_265 = arith.subf %neg3A_264, %add3A_249 : vector<16xf32>
    %mul3A_266 = arith.constant 1.000000e-01 : f32
    %mul3A_267 = vector.broadcast %mul3A_266 : f32 to vector<16xf32>
    %mul3A_268 = arith.mulf %mul3A_267, %sub3A_262 : vector<16xf32>
    %add3A_269 = arith.addf %neg3A_265, %mul3A_268 : vector<16xf32>
    %add3A_270 = arith.addf %add3A_244, %add3A_269 : vector<16xf32>
    %mul3A_271 = arith.constant 5.000000e-02 : f32
    %mul3A_272 = vector.broadcast %mul3A_271 : f32 to vector<16xf32>
    %mul3A_273 = arith.mulf %mul3A_272, %add3A_270 : vector<16xf32>
    %add3A_274 = arith.addf %get3A_215, %mul3A_273 : vector<16xf32>
    %add3A_275 = arith.addf %add3A_274, %get3A_224 : vector<16xf32>
    %swap3A_276 = arith.constant 48 : index
    %swap3A_277 = tpu.vector_load %arg11[%swap3A_276] {strides = array<i32>} : memref<1024xf32, #tpu.memory_space<vmem>>, vector<16xf32>,
    %swap3A_278 = vector.shape_cast %swap3A_277 : vector<16xf32> to vector<16xf32>
    %swap3A_279 = vector.shape_cast %add3A_275 : vector<16xf32> to vector<16xf32>
    tpu.vector_store %arg11[%swap3A_276], %swap3A_279 {strides = array<i32>} : memref<1024xf32, #tpu.memory_space<vmem>>, vector<16xf32>,
    %get3A_280 = arith.constant 64 : index
    %get3A_281 = tpu.vector_load %arg9[%get3A_280] {strides = array<i32>} : memref<1024xf32, #tpu.memory_space<vmem>>, vector<16xf32>,
    %get3A_282 = vector.shape_cast %get3A_281 : vector<16xf32> to vector<16xf32>
    %get3A_283 = arith.constant 64 : index
    %get3A_284 = tpu.vector_load %arg7[%get3A_283] {strides = array<i32>} : memref<1024xf32, #tpu.memory_space<vmem>>, vector<16xf32>,
    %get3A_285 = vector.shape_cast %get3A_284 : vector<16xf32> to vector<16xf32>
    %get3A_286 = arith.constant 64 : index
    %get3A_287 = tpu.vector_load %arg8[%get3A_286] {strides = array<i32>} : memref<1024xf32, #tpu.memory_space<vmem>>, vector<16xf32>,
    %get3A_288 = vector.shape_cast %get3A_287 : vector<16xf32> to vector<16xf32>
    %get3A_289 = arith.constant 64 : index
    %get3A_290 = tpu.vector_load %arg10[%get3A_289] {strides = array<i32>} : memref<1024xf32, #tpu.memory_space<vmem>>, vector<16xf32>,
    %get3A_291 = vector.shape_cast %get3A_290 : vector<16xf32> to vector<16xf32>
    %mul3A_292 = arith.constant 2.000000e+00 : f32
    %mul3A_293 = vector.broadcast %mul3A_292 : f32 to vector<16xf32>
    %mul3A_294 = arith.mulf %get3A_285, %mul3A_293 : vector<16xf32>
    %exp3A_295 = math.exp %mul3A_294 : vector<16xf32>
    %add3A_296 = arith.constant 1.000000e+00 : f32
    %add3A_297 = vector.broadcast %add3A_296 : f32 to vector<16xf32>
    %add3A_298 = arith.addf %exp3A_295, %add3A_297 : vector<16xf32>
    %div3A_299 = arith.constant 2.000000e+00 : f32
    %div3A_300 = vector.broadcast %div3A_299 : f32 to vector<16xf32>
    %div3A_301 = arith.divf %div3A_300, %add3A_298 : vector<16xf32>
    %sub3A_302 = arith.constant 1.000000e+00 : f32
    %sub3A_303 = vector.broadcast %sub3A_302 : f32 to vector<16xf32>
    %sub3A_304 = arith.subf %sub3A_303, %div3A_301 : vector<16xf32>
    %neg3A_305 = arith.constant 0.000000e+00 : f32
    %neg3A_306 = vector.broadcast %neg3A_305 : f32 to vector<16xf32>
    %neg3A_307 = arith.subf %neg3A_306, %get3A_282 : vector<16xf32>
    %mul3A_308 = arith.constant 1.000000e-01 : f32
    %mul3A_309 = vector.broadcast %mul3A_308 : f32 to vector<16xf32>
    %mul3A_310 = arith.mulf %mul3A_309, %sub3A_304 : vector<16xf32>
    %add3A_311 = arith.addf %neg3A_307, %mul3A_310 : vector<16xf32>
    %mul3A_312 = arith.constant 1.000000e-01 : f32
    %mul3A_313 = vector.broadcast %mul3A_312 : f32 to vector<16xf32>
    %mul3A_314 = arith.mulf %mul3A_313, %add3A_311 : vector<16xf32>
    %add3A_315 = arith.addf %get3A_282, %mul3A_314 : vector<16xf32>
    %add3A_316 = arith.addf %add3A_315, %get3A_291 : vector<16xf32>
    %mul3A_317 = arith.constant 2.000000e+00 : f32
    %mul3A_318 = vector.broadcast %mul3A_317 : f32 to vector<16xf32>
    %mul3A_319 = arith.mulf %get3A_288, %mul3A_318 : vector<16xf32>
    %exp3A_320 = math.exp %mul3A_319 : vector<16xf32>
    %add3A_321 = arith.constant 1.000000e+00 : f32
    %add3A_322 = vector.broadcast %add3A_321 : f32 to vector<16xf32>
    %add3A_323 = arith.addf %exp3A_320, %add3A_322 : vector<16xf32>
    %div3A_324 = arith.constant 2.000000e+00 : f32
    %div3A_325 = vector.broadcast %div3A_324 : f32 to vector<16xf32>
    %div3A_326 = arith.divf %div3A_325, %add3A_323 : vector<16xf32>
    %sub3A_327 = arith.constant 1.000000e+00 : f32
    %sub3A_328 = vector.broadcast %sub3A_327 : f32 to vector<16xf32>
    %sub3A_329 = arith.subf %sub3A_328, %div3A_326 : vector<16xf32>
    %neg3A_330 = arith.constant 0.000000e+00 : f32
    %neg3A_331 = vector.broadcast %neg3A_330 : f32 to vector<16xf32>
    %neg3A_332 = arith.subf %neg3A_331, %add3A_316 : vector<16xf32>
    %mul3A_333 = arith.constant 1.000000e-01 : f32
    %mul3A_334 = vector.broadcast %mul3A_333 : f32 to vector<16xf32>
    %mul3A_335 = arith.mulf %mul3A_334, %sub3A_329 : vector<16xf32>
    %add3A_336 = arith.addf %neg3A_332, %mul3A_335 : vector<16xf32>
    %add3A_337 = arith.addf %add3A_311, %add3A_336 : vector<16xf32>
    %mul3A_338 = arith.constant 5.000000e-02 : f32
    %mul3A_339 = vector.broadcast %mul3A_338 : f32 to vector<16xf32>
    %mul3A_340 = arith.mulf %mul3A_339, %add3A_337 : vector<16xf32>
    %add3A_341 = arith.addf %get3A_282, %mul3A_340 : vector<16xf32>
    %add3A_342 = arith.addf %add3A_341, %get3A_291 : vector<16xf32>
    %swap3A_343 = arith.constant 64 : index
    %swap3A_344 = tpu.vector_load %arg11[%swap3A_343] {strides = array<i32>} : memref<1024xf32, #tpu.memory_space<vmem>>, vector<16xf32>,
    %swap3A_345 = vector.shape_cast %swap3A_344 : vector<16xf32> to vector<16xf32>
    %swap3A_346 = vector.shape_cast %add3A_342 : vector<16xf32> to vector<16xf32>
    tpu.vector_store %arg11[%swap3A_343], %swap3A_346 {strides = array<i32>} : memref<1024xf32, #tpu.memory_space<vmem>>, vector<16xf32>,
    %get3A_347 = arith.constant 80 : index
    %get3A_348 = tpu.vector_load %arg9[%get3A_347] {strides = array<i32>} : memref<1024xf32, #tpu.memory_space<vmem>>, vector<16xf32>,
    %get3A_349 = vector.shape_cast %get3A_348 : vector<16xf32> to vector<16xf32>
    %get3A_350 = arith.constant 80 : index
    %get3A_351 = tpu.vector_load %arg7[%get3A_350] {strides = array<i32>} : memref<1024xf32, #tpu.memory_space<vmem>>, vector<16xf32>,
    %get3A_352 = vector.shape_cast %get3A_351 : vector<16xf32> to vector<16xf32>
    %get3A_353 = arith.constant 80 : index
    %get3A_354 = tpu.vector_load %arg8[%get3A_353] {strides = array<i32>} : memref<1024xf32, #tpu.memory_space<vmem>>, vector<16xf32>,
    %get3A_355 = vector.shape_cast %get3A_354 : vector<16xf32> to vector<16xf32>
    %get3A_356 = arith.constant 80 : index
    %get3A_357 = tpu.vector_load %arg10[%get3A_356] {strides = array<i32>} : memref<1024xf32, #tpu.memory_space<vmem>>, vector<16xf32>,
    %get3A_358 = vector.shape_cast %get3A_357 : vector<16xf32> to vector<16xf32>
    %mul3A_359 = arith.constant 2.000000e+00 : f32
    %mul3A_360 = vector.broadcast %mul3A_359 : f32 to vector<16xf32>
    %mul3A_361 = arith.mulf %get3A_352, %mul3A_360 : vector<16xf32>
    %exp3A_362 = math.exp %mul3A_361 : vector<16xf32>
    %add3A_363 = arith.constant 1.000000e+00 : f32
    %add3A_364 = vector.broadcast %add3A_363 : f32 to vector<16xf32>
    %add3A_365 = arith.addf %exp3A_362, %add3A_364 : vector<16xf32>
    %div3A_366 = arith.constant 2.000000e+00 : f32
    %div3A_367 = vector.broadcast %div3A_366 : f32 to vector<16xf32>
    %div3A_368 = arith.divf %div3A_367, %add3A_365 : vector<16xf32>
    %sub3A_369 = arith.constant 1.000000e+00 : f32
    %sub3A_370 = vector.broadcast %sub3A_369 : f32 to vector<16xf32>
    %sub3A_371 = arith.subf %sub3A_370, %div3A_368 : vector<16xf32>
    %neg3A_372 = arith.constant 0.000000e+00 : f32
    %neg3A_373 = vector.broadcast %neg3A_372 : f32 to vector<16xf32>
    %neg3A_374 = arith.subf %neg3A_373, %get3A_349 : vector<16xf32>
    %mul3A_375 = arith.constant 1.000000e-01 : f32
    %mul3A_376 = vector.broadcast %mul3A_375 : f32 to vector<16xf32>
    %mul3A_377 = arith.mulf %mul3A_376, %sub3A_371 : vector<16xf32>
    %add3A_378 = arith.addf %neg3A_374, %mul3A_377 : vector<16xf32>
    %mul3A_379 = arith.constant 1.000000e-01 : f32
    %mul3A_380 = vector.broadcast %mul3A_379 : f32 to vector<16xf32>
    %mul3A_381 = arith.mulf %mul3A_380, %add3A_378 : vector<16xf32>
    %add3A_382 = arith.addf %get3A_349, %mul3A_381 : vector<16xf32>
    %add3A_383 = arith.addf %add3A_382, %get3A_358 : vector<16xf32>
    %mul3A_384 = arith.constant 2.000000e+00 : f32
    %mul3A_385 = vector.broadcast %mul3A_384 : f32 to vector<16xf32>
    %mul3A_386 = arith.mulf %get3A_355, %mul3A_385 : vector<16xf32>
    %exp3A_387 = math.exp %mul3A_386 : vector<16xf32>
    %add3A_388 = arith.constant 1.000000e+00 : f32
    %add3A_389 = vector.broadcast %add3A_388 : f32 to vector<16xf32>
    %add3A_390 = arith.addf %exp3A_387, %add3A_389 : vector<16xf32>
    %div3A_391 = arith.constant 2.000000e+00 : f32
    %div3A_392 = vector.broadcast %div3A_391 : f32 to vector<16xf32>
    %div3A_393 = arith.divf %div3A_392, %add3A_390 : vector<16xf32>
    %sub3A_394 = arith.constant 1.000000e+00 : f32
    %sub3A_395 = vector.broadcast %sub3A_394 : f32 to vector<16xf32>
    %sub3A_396 = arith.subf %sub3A_395, %div3A_393 : vector<16xf32>
    %neg3A_397 = arith.constant 0.000000e+00 : f32
    %neg3A_398 = vector.broadcast %neg3A_397 : f32 to vector<16xf32>
    %neg3A_399 = arith.subf %neg3A_398, %add3A_383 : vector<16xf32>
    %mul3A_400 = arith.constant 1.000000e-01 : f32
    %mul3A_401 = vector.broadcast %mul3A_400 : f32 to vector<16xf32>
    %mul3A_402 = arith.mulf %mul3A_401, %sub3A_396 : vector<16xf32>
    %add3A_403 = arith.addf %neg3A_399, %mul3A_402 : vector<16xf32>
    %add3A_404 = arith.addf %add3A_378, %add3A_403 : vector<16xf32>
    %mul3A_405 = arith.constant 5.000000e-02 : f32
    %mul3A_406 = vector.broadcast %mul3A_405 : f32 to vector<16xf32>
    %mul3A_407 = arith.mulf %mul3A_406, %add3A_404 : vector<16xf32>
    %add3A_408 = arith.addf %get3A_349, %mul3A_407 : vector<16xf32>
    %add3A_409 = arith.addf %add3A_408, %get3A_358 : vector<16xf32>
    %swap3A_410 = arith.constant 80 : index
    %swap3A_411 = tpu.vector_load %arg11[%swap3A_410] {strides = array<i32>} : memref<1024xf32, #tpu.memory_space<vmem>>, vector<16xf32>,
    %swap3A_412 = vector.shape_cast %swap3A_411 : vector<16xf32> to vector<16xf32>
    %swap3A_413 = vector.shape_cast %add3A_409 : vector<16xf32> to vector<16xf32>
    tpu.vector_store %arg11[%swap3A_410], %swap3A_413 {strides = array<i32>} : memref<1024xf32, #tpu.memory_space<vmem>>, vector<16xf32>,
    %get3A_414 = arith.constant 96 : index
    %get3A_415 = tpu.vector_load %arg9[%get3A_414] {strides = array<i32>} : memref<1024xf32, #tpu.memory_space<vmem>>, vector<16xf32>,
    %get3A_416 = vector.shape_cast %get3A_415 : vector<16xf32> to vector<16xf32>
    %get3A_417 = arith.constant 96 : index
    %get3A_418 = tpu.vector_load %arg7[%get3A_417] {strides = array<i32>} : memref<1024xf32, #tpu.memory_space<vmem>>, vector<16xf32>,
    %get3A_419 = vector.shape_cast %get3A_418 : vector<16xf32> to vector<16xf32>
    %get3A_420 = arith.constant 96 : index
    %get3A_421 = tpu.vector_load %arg8[%get3A_420] {strides = array<i32>} : memref<1024xf32, #tpu.memory_space<vmem>>, vector<16xf32>,
    %get3A_422 = vector.shape_cast %get3A_421 : vector<16xf32> to vector<16xf32>
    %get3A_423 = arith.constant 96 : index
    %get3A_424 = tpu.vector_load %arg10[%get3A_423] {strides = array<i32>} : memref<1024xf32, #tpu.memory_space<vmem>>, vector<16xf32>,
    %get3A_425 = vector.shape_cast %get3A_424 : vector<16xf32> to vector<16xf32>
    %mul3A_426 = arith.constant 2.000000e+00 : f32
    %mul3A_427 = vector.broadcast %mul3A_426 : f32 to vector<16xf32>
    %mul3A_428 = arith.mulf %get3A_419, %mul3A_427 : vector<16xf32>
    %exp3A_429 = math.exp %mul3A_428 : vector<16xf32>
    %add3A_430 = arith.constant 1.000000e+00 : f32
    %add3A_431 = vector.broadcast %add3A_430 : f32 to vector<16xf32>
    %add3A_432 = arith.addf %exp3A_429, %add3A_431 : vector<16xf32>
    %div3A_433 = arith.constant 2.000000e+00 : f32
    %div3A_434 = vector.broadcast %div3A_433 : f32 to vector<16xf32>
    %div3A_435 = arith.divf %div3A_434, %add3A_432 : vector<16xf32>
    %sub3A_436 = arith.constant 1.000000e+00 : f32
    %sub3A_437 = vector.broadcast %sub3A_436 : f32 to vector<16xf32>
    %sub3A_438 = arith.subf %sub3A_437, %div3A_435 : vector<16xf32>
    %neg3A_439 = arith.constant 0.000000e+00 : f32
    %neg3A_440 = vector.broadcast %neg3A_439 : f32 to vector<16xf32>
    %neg3A_441 = arith.subf %neg3A_440, %get3A_416 : vector<16xf32>
    %mul3A_442 = arith.constant 1.000000e-01 : f32
    %mul3A_443 = vector.broadcast %mul3A_442 : f32 to vector<16xf32>
    %mul3A_444 = arith.mulf %mul3A_443, %sub3A_438 : vector<16xf32>
    %add3A_445 = arith.addf %neg3A_441, %mul3A_444 : vector<16xf32>
    %mul3A_446 = arith.constant 1.000000e-01 : f32
    %mul3A_447 = vector.broadcast %mul3A_446 : f32 to vector<16xf32>
    %mul3A_448 = arith.mulf %mul3A_447, %add3A_445 : vector<16xf32>
    %add3A_449 = arith.addf %get3A_416, %mul3A_448 : vector<16xf32>
    %add3A_450 = arith.addf %add3A_449, %get3A_425 : vector<16xf32>
    %mul3A_451 = arith.constant 2.000000e+00 : f32
    %mul3A_452 = vector.broadcast %mul3A_451 : f32 to vector<16xf32>
    %mul3A_453 = arith.mulf %get3A_422, %mul3A_452 : vector<16xf32>
    %exp3A_454 = math.exp %mul3A_453 : vector<16xf32>
    %add3A_455 = arith.constant 1.000000e+00 : f32
    %add3A_456 = vector.broadcast %add3A_455 : f32 to vector<16xf32>
    %add3A_457 = arith.addf %exp3A_454, %add3A_456 : vector<16xf32>
    %div3A_458 = arith.constant 2.000000e+00 : f32
    %div3A_459 = vector.broadcast %div3A_458 : f32 to vector<16xf32>
    %div3A_460 = arith.divf %div3A_459, %add3A_457 : vector<16xf32>
    %sub3A_461 = arith.constant 1.000000e+00 : f32
    %sub3A_462 = vector.broadcast %sub3A_461 : f32 to vector<16xf32>
    %sub3A_463 = arith.subf %sub3A_462, %div3A_460 : vector<16xf32>
    %neg3A_464 = arith.constant 0.000000e+00 : f32
    %neg3A_465 = vector.broadcast %neg3A_464 : f32 to vector<16xf32>
    %neg3A_466 = arith.subf %neg3A_465, %add3A_450 : vector<16xf32>
    %mul3A_467 = arith.constant 1.000000e-01 : f32
    %mul3A_468 = vector.broadcast %mul3A_467 : f32 to vector<16xf32>
    %mul3A_469 = arith.mulf %mul3A_468, %sub3A_463 : vector<16xf32>
    %add3A_470 = arith.addf %neg3A_466, %mul3A_469 : vector<16xf32>
    %add3A_471 = arith.addf %add3A_445, %add3A_470 : vector<16xf32>
    %mul3A_472 = arith.constant 5.000000e-02 : f32
    %mul3A_473 = vector.broadcast %mul3A_472 : f32 to vector<16xf32>
    %mul3A_474 = arith.mulf %mul3A_473, %add3A_471 : vector<16xf32>
    %add3A_475 = arith.addf %get3A_416, %mul3A_474 : vector<16xf32>
    %add3A_476 = arith.addf %add3A_475, %get3A_425 : vector<16xf32>
    %swap3A_477 = arith.constant 96 : index
    %swap3A_478 = tpu.vector_load %arg11[%swap3A_477] {strides = array<i32>} : memref<1024xf32, #tpu.memory_space<vmem>>, vector<16xf32>,
    %swap3A_479 = vector.shape_cast %swap3A_478 : vector<16xf32> to vector<16xf32>
    %swap3A_480 = vector.shape_cast %add3A_476 : vector<16xf32> to vector<16xf32>
    tpu.vector_store %arg11[%swap3A_477], %swap3A_480 {strides = array<i32>} : memref<1024xf32, #tpu.memory_space<vmem>>, vector<16xf32>,
    %get3A_481 = arith.constant 112 : index
    %get3A_482 = tpu.vector_load %arg9[%get3A_481] {strides = array<i32>} : memref<1024xf32, #tpu.memory_space<vmem>>, vector<16xf32>,
    %get3A_483 = vector.shape_cast %get3A_482 : vector<16xf32> to vector<16xf32>
    %get3A_484 = arith.constant 112 : index
    %get3A_485 = tpu.vector_load %arg7[%get3A_484] {strides = array<i32>} : memref<1024xf32, #tpu.memory_space<vmem>>, vector<16xf32>,
    %get3A_486 = vector.shape_cast %get3A_485 : vector<16xf32> to vector<16xf32>
    %get3A_487 = arith.constant 112 : index
    %get3A_488 = tpu.vector_load %arg8[%get3A_487] {strides = array<i32>} : memref<1024xf32, #tpu.memory_space<vmem>>, vector<16xf32>,
    %get3A_489 = vector.shape_cast %get3A_488 : vector<16xf32> to vector<16xf32>
    %get3A_490 = arith.constant 112 : index
    %get3A_491 = tpu.vector_load %arg10[%get3A_490] {strides = array<i32>} : memref<1024xf32, #tpu.memory_space<vmem>>, vector<16xf32>,
    %get3A_492 = vector.shape_cast %get3A_491 : vector<16xf32> to vector<16xf32>
    %mul3A_493 = arith.constant 2.000000e+00 : f32
    %mul3A_494 = vector.broadcast %mul3A_493 : f32 to vector<16xf32>
    %mul3A_495 = arith.mulf %get3A_486, %mul3A_494 : vector<16xf32>
    %exp3A_496 = math.exp %mul3A_495 : vector<16xf32>
    %add3A_497 = arith.constant 1.000000e+00 : f32
    %add3A_498 = vector.broadcast %add3A_497 : f32 to vector<16xf32>
    %add3A_499 = arith.addf %exp3A_496, %add3A_498 : vector<16xf32>
    %div3A_500 = arith.constant 2.000000e+00 : f32
    %div3A_501 = vector.broadcast %div3A_500 : f32 to vector<16xf32>
    %div3A_502 = arith.divf %div3A_501, %add3A_499 : vector<16xf32>
    %sub3A_503 = arith.constant 1.000000e+00 : f32
    %sub3A_504 = vector.broadcast %sub3A_503 : f32 to vector<16xf32>
    %sub3A_505 = arith.subf %sub3A_504, %div3A_502 : vector<16xf32>
    %neg3A_506 = arith.constant 0.000000e+00 : f32
    %neg3A_507 = vector.broadcast %neg3A_506 : f32 to vector<16xf32>
    %neg3A_508 = arith.subf %neg3A_507, %get3A_483 : vector<16xf32>
    %mul3A_509 = arith.constant 1.000000e-01 : f32
    %mul3A_510 = vector.broadcast %mul3A_509 : f32 to vector<16xf32>
    %mul3A_511 = arith.mulf %mul3A_510, %sub3A_505 : vector<16xf32>
    %add3A_512 = arith.addf %neg3A_508, %mul3A_511 : vector<16xf32>
    %mul3A_513 = arith.constant 1.000000e-01 : f32
    %mul3A_514 = vector.broadcast %mul3A_513 : f32 to vector<16xf32>
    %mul3A_515 = arith.mulf %mul3A_514, %add3A_512 : vector<16xf32>
    %add3A_516 = arith.addf %get3A_483, %mul3A_515 : vector<16xf32>
    %add3A_517 = arith.addf %add3A_516, %get3A_492 : vector<16xf32>
    %mul3A_518 = arith.constant 2.000000e+00 : f32
    %mul3A_519 = vector.broadcast %mul3A_518 : f32 to vector<16xf32>
    %mul3A_520 = arith.mulf %get3A_489, %mul3A_519 : vector<16xf32>
    %exp3A_521 = math.exp %mul3A_520 : vector<16xf32>
    %add3A_522 = arith.constant 1.000000e+00 : f32
    %add3A_523 = vector.broadcast %add3A_522 : f32 to vector<16xf32>
    %add3A_524 = arith.addf %exp3A_521, %add3A_523 : vector<16xf32>
    %div3A_525 = arith.constant 2.000000e+00 : f32
    %div3A_526 = vector.broadcast %div3A_525 : f32 to vector<16xf32>
    %div3A_527 = arith.divf %div3A_526, %add3A_524 : vector<16xf32>
    %sub3A_528 = arith.constant 1.000000e+00 : f32
    %sub3A_529 = vector.broadcast %sub3A_528 : f32 to vector<16xf32>
    %sub3A_530 = arith.subf %sub3A_529, %div3A_527 : vector<16xf32>
    %neg3A_531 = arith.constant 0.000000e+00 : f32
    %neg3A_532 = vector.broadcast %neg3A_531 : f32 to vector<16xf32>
    %neg3A_533 = arith.subf %neg3A_532, %add3A_517 : vector<16xf32>
    %mul3A_534 = arith.constant 1.000000e-01 : f32
    %mul3A_535 = vector.broadcast %mul3A_534 : f32 to vector<16xf32>
    %mul3A_536 = arith.mulf %mul3A_535, %sub3A_530 : vector<16xf32>
    %add3A_537 = arith.addf %neg3A_533, %mul3A_536 : vector<16xf32>
    %add3A_538 = arith.addf %add3A_512, %add3A_537 : vector<16xf32>
    %mul3A_539 = arith.constant 5.000000e-02 : f32
    %mul3A_540 = vector.broadcast %mul3A_539 : f32 to vector<16xf32>
    %mul3A_541 = arith.mulf %mul3A_540, %add3A_538 : vector<16xf32>
    %add3A_542 = arith.addf %get3A_483, %mul3A_541 : vector<16xf32>
    %add3A_543 = arith.addf %add3A_542, %get3A_492 : vector<16xf32>
    %swap3A_544 = arith.constant 112 : index
    %swap3A_545 = tpu.vector_load %arg11[%swap3A_544] {strides = array<i32>} : memref<1024xf32, #tpu.memory_space<vmem>>, vector<16xf32>,
    %swap3A_546 = vector.shape_cast %swap3A_545 : vector<16xf32> to vector<16xf32>
    %swap3A_547 = vector.shape_cast %add3A_543 : vector<16xf32> to vector<16xf32>
    tpu.vector_store %arg11[%swap3A_544], %swap3A_547 {strides = array<i32>} : memref<1024xf32, #tpu.memory_space<vmem>>, vector<16xf32>,
    %get3A_548 = arith.constant 128 : index
    %get3A_549 = tpu.vector_load %arg9[%get3A_548] {strides = array<i32>} : memref<1024xf32, #tpu.memory_space<vmem>>, vector<16xf32>,
    %get3A_550 = vector.shape_cast %get3A_549 : vector<16xf32> to vector<16xf32>
    %get3A_551 = arith.constant 128 : index
    %get3A_552 = tpu.vector_load %arg7[%get3A_551] {strides = array<i32>} : memref<1024xf32, #tpu.memory_space<vmem>>, vector<16xf32>,
    %get3A_553 = vector.shape_cast %get3A_552 : vector<16xf32> to vector<16xf32>
    %get3A_554 = arith.constant 128 : index
    %get3A_555 = tpu.vector_load %arg8[%get3A_554] {strides = array<i32>} : memref<1024xf32, #tpu.memory_space<vmem>>, vector<16xf32>,
    %get3A_556 = vector.shape_cast %get3A_555 : vector<16xf32> to vector<16xf32>
    %get3A_557 = arith.constant 128 : index
    %get3A_558 = tpu.vector_load %arg10[%get3A_557] {strides = array<i32>} : memref<1024xf32, #tpu.memory_space<vmem>>, vector<16xf32>,
    %get3A_559 = vector.shape_cast %get3A_558 : vector<16xf32> to vector<16xf32>
    %mul3A_560 = arith.constant 2.000000e+00 : f32
    %mul3A_561 = vector.broadcast %mul3A_560 : f32 to vector<16xf32>
    %mul3A_562 = arith.mulf %get3A_553, %mul3A_561 : vector<16xf32>
    %exp3A_563 = math.exp %mul3A_562 : vector<16xf32>
    %add3A_564 = arith.constant 1.000000e+00 : f32
    %add3A_565 = vector.broadcast %add3A_564 : f32 to vector<16xf32>
    %add3A_566 = arith.addf %exp3A_563, %add3A_565 : vector<16xf32>
    %div3A_567 = arith.constant 2.000000e+00 : f32
    %div3A_568 = vector.broadcast %div3A_567 : f32 to vector<16xf32>
    %div3A_569 = arith.divf %div3A_568, %add3A_566 : vector<16xf32>
    %sub3A_570 = arith.constant 1.000000e+00 : f32
    %sub3A_571 = vector.broadcast %sub3A_570 : f32 to vector<16xf32>
    %sub3A_572 = arith.subf %sub3A_571, %div3A_569 : vector<16xf32>
    %neg3A_573 = arith.constant 0.000000e+00 : f32
    %neg3A_574 = vector.broadcast %neg3A_573 : f32 to vector<16xf32>
    %neg3A_575 = arith.subf %neg3A_574, %get3A_550 : vector<16xf32>
    %mul3A_576 = arith.constant 1.000000e-01 : f32
    %mul3A_577 = vector.broadcast %mul3A_576 : f32 to vector<16xf32>
    %mul3A_578 = arith.mulf %mul3A_577, %sub3A_572 : vector<16xf32>
    %add3A_579 = arith.addf %neg3A_575, %mul3A_578 : vector<16xf32>
    %mul3A_580 = arith.constant 1.000000e-01 : f32
    %mul3A_581 = vector.broadcast %mul3A_580 : f32 to vector<16xf32>
    %mul3A_582 = arith.mulf %mul3A_581, %add3A_579 : vector<16xf32>
    %add3A_583 = arith.addf %get3A_550, %mul3A_582 : vector<16xf32>
    %add3A_584 = arith.addf %add3A_583, %get3A_559 : vector<16xf32>
    %mul3A_585 = arith.constant 2.000000e+00 : f32
    %mul3A_586 = vector.broadcast %mul3A_585 : f32 to vector<16xf32>
    %mul3A_587 = arith.mulf %get3A_556, %mul3A_586 : vector<16xf32>
    %exp3A_588 = math.exp %mul3A_587 : vector<16xf32>
    %add3A_589 = arith.constant 1.000000e+00 : f32
    %add3A_590 = vector.broadcast %add3A_589 : f32 to vector<16xf32>
    %add3A_591 = arith.addf %exp3A_588, %add3A_590 : vector<16xf32>
    %div3A_592 = arith.constant 2.000000e+00 : f32
    %div3A_593 = vector.broadcast %div3A_592 : f32 to vector<16xf32>
    %div3A_594 = arith.divf %div3A_593, %add3A_591 : vector<16xf32>
    %sub3A_595 = arith.constant 1.000000e+00 : f32
    %sub3A_596 = vector.broadcast %sub3A_595 : f32 to vector<16xf32>
    %sub3A_597 = arith.subf %sub3A_596, %div3A_594 : vector<16xf32>
    %neg3A_598 = arith.constant 0.000000e+00 : f32
    %neg3A_599 = vector.broadcast %neg3A_598 : f32 to vector<16xf32>
    %neg3A_600 = arith.subf %neg3A_599, %add3A_584 : vector<16xf32>
    %mul3A_601 = arith.constant 1.000000e-01 : f32
    %mul3A_602 = vector.broadcast %mul3A_601 : f32 to vector<16xf32>
    %mul3A_603 = arith.mulf %mul3A_602, %sub3A_597 : vector<16xf32>
    %add3A_604 = arith.addf %neg3A_600, %mul3A_603 : vector<16xf32>
    %add3A_605 = arith.addf %add3A_579, %add3A_604 : vector<16xf32>
    %mul3A_606 = arith.constant 5.000000e-02 : f32
    %mul3A_607 = vector.broadcast %mul3A_606 : f32 to vector<16xf32>
    %mul3A_608 = arith.mulf %mul3A_607, %add3A_605 : vector<16xf32>
    %add3A_609 = arith.addf %get3A_550, %mul3A_608 : vector<16xf32>
    %add3A_610 = arith.addf %add3A_609, %get3A_559 : vector<16xf32>
    %swap3A_611 = arith.constant 128 : index
    %swap3A_612 = tpu.vector_load %arg11[%swap3A_611] {strides = array<i32>} : memref<1024xf32, #tpu.memory_space<vmem>>, vector<16xf32>,
    %swap3A_613 = vector.shape_cast %swap3A_612 : vector<16xf32> to vector<16xf32>
    %swap3A_614 = vector.shape_cast %add3A_610 : vector<16xf32> to vector<16xf32>
    tpu.vector_store %arg11[%swap3A_611], %swap3A_614 {strides = array<i32>} : memref<1024xf32, #tpu.memory_space<vmem>>, vector<16xf32>,
    %get3A_615 = arith.constant 144 : index
    %get3A_616 = tpu.vector_load %arg9[%get3A_615] {strides = array<i32>} : memref<1024xf32, #tpu.memory_space<vmem>>, vector<16xf32>,
    %get3A_617 = vector.shape_cast %get3A_616 : vector<16xf32> to vector<16xf32>
    %get3A_618 = arith.constant 144 : index
    %get3A_619 = tpu.vector_load %arg7[%get3A_618] {strides = array<i32>} : memref<1024xf32, #tpu.memory_space<vmem>>, vector<16xf32>,
    %get3A_620 = vector.shape_cast %get3A_619 : vector<16xf32> to vector<16xf32>
    %get3A_621 = arith.constant 144 : index
    %get3A_622 = tpu.vector_load %arg8[%get3A_621] {strides = array<i32>} : memref<1024xf32, #tpu.memory_space<vmem>>, vector<16xf32>,
    %get3A_623 = vector.shape_cast %get3A_622 : vector<16xf32> to vector<16xf32>
    %get3A_624 = arith.constant 144 : index
    %get3A_625 = tpu.vector_load %arg10[%get3A_624] {strides = array<i32>} : memref<1024xf32, #tpu.memory_space<vmem>>, vector<16xf32>,
    %get3A_626 = vector.shape_cast %get3A_625 : vector<16xf32> to vector<16xf32>
    %mul3A_627 = arith.constant 2.000000e+00 : f32
    %mul3A_628 = vector.broadcast %mul3A_627 : f32 to vector<16xf32>
    %mul3A_629 = arith.mulf %get3A_620, %mul3A_628 : vector<16xf32>
    %exp3A_630 = math.exp %mul3A_629 : vector<16xf32>
    %add3A_631 = arith.constant 1.000000e+00 : f32
    %add3A_632 = vector.broadcast %add3A_631 : f32 to vector<16xf32>
    %add3A_633 = arith.addf %exp3A_630, %add3A_632 : vector<16xf32>
    %div3A_634 = arith.constant 2.000000e+00 : f32
    %div3A_635 = vector.broadcast %div3A_634 : f32 to vector<16xf32>
    %div3A_636 = arith.divf %div3A_635, %add3A_633 : vector<16xf32>
    %sub3A_637 = arith.constant 1.000000e+00 : f32
    %sub3A_638 = vector.broadcast %sub3A_637 : f32 to vector<16xf32>
    %sub3A_639 = arith.subf %sub3A_638, %div3A_636 : vector<16xf32>
    %neg3A_640 = arith.constant 0.000000e+00 : f32
    %neg3A_641 = vector.broadcast %neg3A_640 : f32 to vector<16xf32>
    %neg3A_642 = arith.subf %neg3A_641, %get3A_617 : vector<16xf32>
    %mul3A_643 = arith.constant 1.000000e-01 : f32
    %mul3A_644 = vector.broadcast %mul3A_643 : f32 to vector<16xf32>
    %mul3A_645 = arith.mulf %mul3A_644, %sub3A_639 : vector<16xf32>
    %add3A_646 = arith.addf %neg3A_642, %mul3A_645 : vector<16xf32>
    %mul3A_647 = arith.constant 1.000000e-01 : f32
    %mul3A_648 = vector.broadcast %mul3A_647 : f32 to vector<16xf32>
    %mul3A_649 = arith.mulf %mul3A_648, %add3A_646 : vector<16xf32>
    %add3A_650 = arith.addf %get3A_617, %mul3A_649 : vector<16xf32>
    %add3A_651 = arith.addf %add3A_650, %get3A_626 : vector<16xf32>
    %mul3A_652 = arith.constant 2.000000e+00 : f32
    %mul3A_653 = vector.broadcast %mul3A_652 : f32 to vector<16xf32>
    %mul3A_654 = arith.mulf %get3A_623, %mul3A_653 : vector<16xf32>
    %exp3A_655 = math.exp %mul3A_654 : vector<16xf32>
    %add3A_656 = arith.constant 1.000000e+00 : f32
    %add3A_657 = vector.broadcast %add3A_656 : f32 to vector<16xf32>
    %add3A_658 = arith.addf %exp3A_655, %add3A_657 : vector<16xf32>
    %div3A_659 = arith.constant 2.000000e+00 : f32
    %div3A_660 = vector.broadcast %div3A_659 : f32 to vector<16xf32>
    %div3A_661 = arith.divf %div3A_660, %add3A_658 : vector<16xf32>
    %sub3A_662 = arith.constant 1.000000e+00 : f32
    %sub3A_663 = vector.broadcast %sub3A_662 : f32 to vector<16xf32>
    %sub3A_664 = arith.subf %sub3A_663, %div3A_661 : vector<16xf32>
    %neg3A_665 = arith.constant 0.000000e+00 : f32
    %neg3A_666 = vector.broadcast %neg3A_665 : f32 to vector<16xf32>
    %neg3A_667 = arith.subf %neg3A_666, %add3A_651 : vector<16xf32>
    %mul3A_668 = arith.constant 1.000000e-01 : f32
    %mul3A_669 = vector.broadcast %mul3A_668 : f32 to vector<16xf32>
    %mul3A_670 = arith.mulf %mul3A_669, %sub3A_664 : vector<16xf32>
    %add3A_671 = arith.addf %neg3A_667, %mul3A_670 : vector<16xf32>
    %add3A_672 = arith.addf %add3A_646, %add3A_671 : vector<16xf32>
    %mul3A_673 = arith.constant 5.000000e-02 : f32
    %mul3A_674 = vector.broadcast %mul3A_673 : f32 to vector<16xf32>
    %mul3A_675 = arith.mulf %mul3A_674, %add3A_672 : vector<16xf32>
    %add3A_676 = arith.addf %get3A_617, %mul3A_675 : vector<16xf32>
    %add3A_677 = arith.addf %add3A_676, %get3A_626 : vector<16xf32>
    %swap3A_678 = arith.constant 144 : index
    %swap3A_679 = tpu.vector_load %arg11[%swap3A_678] {strides = array<i32>} : memref<1024xf32, #tpu.memory_space<vmem>>, vector<16xf32>,
    %swap3A_680 = vector.shape_cast %swap3A_679 : vector<16xf32> to vector<16xf32>
    %swap3A_681 = vector.shape_cast %add3A_677 : vector<16xf32> to vector<16xf32>
    tpu.vector_store %arg11[%swap3A_678], %swap3A_681 {strides = array<i32>} : memref<1024xf32, #tpu.memory_space<vmem>>, vector<16xf32>,
    %get3A_682 = arith.constant 160 : index
    %get3A_683 = tpu.vector_load %arg9[%get3A_682] {strides = array<i32>} : memref<1024xf32, #tpu.memory_space<vmem>>, vector<16xf32>,
    %get3A_684 = vector.shape_cast %get3A_683 : vector<16xf32> to vector<16xf32>
    %get3A_685 = arith.constant 160 : index
    %get3A_686 = tpu.vector_load %arg7[%get3A_685] {strides = array<i32>} : memref<1024xf32, #tpu.memory_space<vmem>>, vector<16xf32>,
    %get3A_687 = vector.shape_cast %get3A_686 : vector<16xf32> to vector<16xf32>
    %get3A_688 = arith.constant 160 : index
    %get3A_689 = tpu.vector_load %arg8[%get3A_688] {strides = array<i32>} : memref<1024xf32, #tpu.memory_space<vmem>>, vector<16xf32>,
    %get3A_690 = vector.shape_cast %get3A_689 : vector<16xf32> to vector<16xf32>
    %get3A_691 = arith.constant 160 : index
    %get3A_692 = tpu.vector_load %arg10[%get3A_691] {strides = array<i32>} : memref<1024xf32, #tpu.memory_space<vmem>>, vector<16xf32>,
    %get3A_693 = vector.shape_cast %get3A_692 : vector<16xf32> to vector<16xf32>
    %mul3A_694 = arith.constant 2.000000e+00 : f32
    %mul3A_695 = vector.broadcast %mul3A_694 : f32 to vector<16xf32>
    %mul3A_696 = arith.mulf %get3A_687, %mul3A_695 : vector<16xf32>
    %exp3A_697 = math.exp %mul3A_696 : vector<16xf32>
    %add3A_698 = arith.constant 1.000000e+00 : f32
    %add3A_699 = vector.broadcast %add3A_698 : f32 to vector<16xf32>
    %add3A_700 = arith.addf %exp3A_697, %add3A_699 : vector<16xf32>
    %div3A_701 = arith.constant 2.000000e+00 : f32
    %div3A_702 = vector.broadcast %div3A_701 : f32 to vector<16xf32>
    %div3A_703 = arith.divf %div3A_702, %add3A_700 : vector<16xf32>
    %sub3A_704 = arith.constant 1.000000e+00 : f32
    %sub3A_705 = vector.broadcast %sub3A_704 : f32 to vector<16xf32>
    %sub3A_706 = arith.subf %sub3A_705, %div3A_703 : vector<16xf32>
    %neg3A_707 = arith.constant 0.000000e+00 : f32
    %neg3A_708 = vector.broadcast %neg3A_707 : f32 to vector<16xf32>
    %neg3A_709 = arith.subf %neg3A_708, %get3A_684 : vector<16xf32>
    %mul3A_710 = arith.constant 1.000000e-01 : f32
    %mul3A_711 = vector.broadcast %mul3A_710 : f32 to vector<16xf32>
    %mul3A_712 = arith.mulf %mul3A_711, %sub3A_706 : vector<16xf32>
    %add3A_713 = arith.addf %neg3A_709, %mul3A_712 : vector<16xf32>
    %mul3A_714 = arith.constant 1.000000e-01 : f32
    %mul3A_715 = vector.broadcast %mul3A_714 : f32 to vector<16xf32>
    %mul3A_716 = arith.mulf %mul3A_715, %add3A_713 : vector<16xf32>
    %add3A_717 = arith.addf %get3A_684, %mul3A_716 : vector<16xf32>
    %add3A_718 = arith.addf %add3A_717, %get3A_693 : vector<16xf32>
    %mul3A_719 = arith.constant 2.000000e+00 : f32
    %mul3A_720 = vector.broadcast %mul3A_719 : f32 to vector<16xf32>
    %mul3A_721 = arith.mulf %get3A_690, %mul3A_720 : vector<16xf32>
    %exp3A_722 = math.exp %mul3A_721 : vector<16xf32>
    %add3A_723 = arith.constant 1.000000e+00 : f32
    %add3A_724 = vector.broadcast %add3A_723 : f32 to vector<16xf32>
    %add3A_725 = arith.addf %exp3A_722, %add3A_724 : vector<16xf32>
    %div3A_726 = arith.constant 2.000000e+00 : f32
    %div3A_727 = vector.broadcast %div3A_726 : f32 to vector<16xf32>
    %div3A_728 = arith.divf %div3A_727, %add3A_725 : vector<16xf32>
    %sub3A_729 = arith.constant 1.000000e+00 : f32
    %sub3A_730 = vector.broadcast %sub3A_729 : f32 to vector<16xf32>
    %sub3A_731 = arith.subf %sub3A_730, %div3A_728 : vector<16xf32>
    %neg3A_732 = arith.constant 0.000000e+00 : f32
    %neg3A_733 = vector.broadcast %neg3A_732 : f32 to vector<16xf32>
    %neg3A_734 = arith.subf %neg3A_733, %add3A_718 : vector<16xf32>
    %mul3A_735 = arith.constant 1.000000e-01 : f32
    %mul3A_736 = vector.broadcast %mul3A_735 : f32 to vector<16xf32>
    %mul3A_737 = arith.mulf %mul3A_736, %sub3A_731 : vector<16xf32>
    %add3A_738 = arith.addf %neg3A_734, %mul3A_737 : vector<16xf32>
    %add3A_739 = arith.addf %add3A_713, %add3A_738 : vector<16xf32>
    %mul3A_740 = arith.constant 5.000000e-02 : f32
    %mul3A_741 = vector.broadcast %mul3A_740 : f32 to vector<16xf32>
    %mul3A_742 = arith.mulf %mul3A_741, %add3A_739 : vector<16xf32>
    %add3A_743 = arith.addf %get3A_684, %mul3A_742 : vector<16xf32>
    %add3A_744 = arith.addf %add3A_743, %get3A_693 : vector<16xf32>
    %swap3A_745 = arith.constant 160 : index
    %swap3A_746 = tpu.vector_load %arg11[%swap3A_745] {strides = array<i32>} : memref<1024xf32, #tpu.memory_space<vmem>>, vector<16xf32>,
    %swap3A_747 = vector.shape_cast %swap3A_746 : vector<16xf32> to vector<16xf32>
    %swap3A_748 = vector.shape_cast %add3A_744 : vector<16xf32> to vector<16xf32>
    tpu.vector_store %arg11[%swap3A_745], %swap3A_748 {strides = array<i32>} : memref<1024xf32, #tpu.memory_space<vmem>>, vector<16xf32>,
    %get3A_749 = arith.constant 176 : index
    %get3A_750 = tpu.vector_load %arg9[%get3A_749] {strides = array<i32>} : memref<1024xf32, #tpu.memory_space<vmem>>, vector<16xf32>,
    %get3A_751 = vector.shape_cast %get3A_750 : vector<16xf32> to vector<16xf32>
    %get3A_752 = arith.constant 176 : index
    %get3A_753 = tpu.vector_load %arg7[%get3A_752] {strides = array<i32>} : memref<1024xf32, #tpu.memory_space<vmem>>, vector<16xf32>,
    %get3A_754 = vector.shape_cast %get3A_753 : vector<16xf32> to vector<16xf32>
    %get3A_755 = arith.constant 176 : index
    %get3A_756 = tpu.vector_load %arg8[%get3A_755] {strides = array<i32>} : memref<1024xf32, #tpu.memory_space<vmem>>, vector<16xf32>,
    %get3A_757 = vector.shape_cast %get3A_756 : vector<16xf32> to vector<16xf32>
    %get3A_758 = arith.constant 176 : index
    %get3A_759 = tpu.vector_load %arg10[%get3A_758] {strides = array<i32>} : memref<1024xf32, #tpu.memory_space<vmem>>, vector<16xf32>,
    %get3A_760 = vector.shape_cast %get3A_759 : vector<16xf32> to vector<16xf32>
    %mul3A_761 = arith.constant 2.000000e+00 : f32
    %mul3A_762 = vector.broadcast %mul3A_761 : f32 to vector<16xf32>
    %mul3A_763 = arith.mulf %get3A_754, %mul3A_762 : vector<16xf32>
    %exp3A_764 = math.exp %mul3A_763 : vector<16xf32>
    %add3A_765 = arith.constant 1.000000e+00 : f32
    %add3A_766 = vector.broadcast %add3A_765 : f32 to vector<16xf32>
    %add3A_767 = arith.addf %exp3A_764, %add3A_766 : vector<16xf32>
    %div3A_768 = arith.constant 2.000000e+00 : f32
    %div3A_769 = vector.broadcast %div3A_768 : f32 to vector<16xf32>
    %div3A_770 = arith.divf %div3A_769, %add3A_767 : vector<16xf32>
    %sub3A_771 = arith.constant 1.000000e+00 : f32
    %sub3A_772 = vector.broadcast %sub3A_771 : f32 to vector<16xf32>
    %sub3A_773 = arith.subf %sub3A_772, %div3A_770 : vector<16xf32>
    %neg3A_774 = arith.constant 0.000000e+00 : f32
    %neg3A_775 = vector.broadcast %neg3A_774 : f32 to vector<16xf32>
    %neg3A_776 = arith.subf %neg3A_775, %get3A_751 : vector<16xf32>
    %mul3A_777 = arith.constant 1.000000e-01 : f32
    %mul3A_778 = vector.broadcast %mul3A_777 : f32 to vector<16xf32>
    %mul3A_779 = arith.mulf %mul3A_778, %sub3A_773 : vector<16xf32>
    %add3A_780 = arith.addf %neg3A_776, %mul3A_779 : vector<16xf32>
    %mul3A_781 = arith.constant 1.000000e-01 : f32
    %mul3A_782 = vector.broadcast %mul3A_781 : f32 to vector<16xf32>
    %mul3A_783 = arith.mulf %mul3A_782, %add3A_780 : vector<16xf32>
    %add3A_784 = arith.addf %get3A_751, %mul3A_783 : vector<16xf32>
    %add3A_785 = arith.addf %add3A_784, %get3A_760 : vector<16xf32>
    %mul3A_786 = arith.constant 2.000000e+00 : f32
    %mul3A_787 = vector.broadcast %mul3A_786 : f32 to vector<16xf32>
    %mul3A_788 = arith.mulf %get3A_757, %mul3A_787 : vector<16xf32>
    %exp3A_789 = math.exp %mul3A_788 : vector<16xf32>
    %add3A_790 = arith.constant 1.000000e+00 : f32
    %add3A_791 = vector.broadcast %add3A_790 : f32 to vector<16xf32>
    %add3A_792 = arith.addf %exp3A_789, %add3A_791 : vector<16xf32>
    %div3A_793 = arith.constant 2.000000e+00 : f32
    %div3A_794 = vector.broadcast %div3A_793 : f32 to vector<16xf32>
    %div3A_795 = arith.divf %div3A_794, %add3A_792 : vector<16xf32>
    %sub3A_796 = arith.constant 1.000000e+00 : f32
    %sub3A_797 = vector.broadcast %sub3A_796 : f32 to vector<16xf32>
    %sub3A_798 = arith.subf %sub3A_797, %div3A_795 : vector<16xf32>
    %neg3A_799 = arith.constant 0.000000e+00 : f32
    %neg3A_800 = vector.broadcast %neg3A_799 : f32 to vector<16xf32>
    %neg3A_801 = arith.subf %neg3A_800, %add3A_785 : vector<16xf32>
    %mul3A_802 = arith.constant 1.000000e-01 : f32
    %mul3A_803 = vector.broadcast %mul3A_802 : f32 to vector<16xf32>
    %mul3A_804 = arith.mulf %mul3A_803, %sub3A_798 : vector<16xf32>
    %add3A_805 = arith.addf %neg3A_801, %mul3A_804 : vector<16xf32>
    %add3A_806 = arith.addf %add3A_780, %add3A_805 : vector<16xf32>
    %mul3A_807 = arith.constant 5.000000e-02 : f32
    %mul3A_808 = vector.broadcast %mul3A_807 : f32 to vector<16xf32>
    %mul3A_809 = arith.mulf %mul3A_808, %add3A_806 : vector<16xf32>
    %add3A_810 = arith.addf %get3A_751, %mul3A_809 : vector<16xf32>
    %add3A_811 = arith.addf %add3A_810, %get3A_760 : vector<16xf32>
    %swap3A_812 = arith.constant 176 : index
    %swap3A_813 = tpu.vector_load %arg11[%swap3A_812] {strides = array<i32>} : memref<1024xf32, #tpu.memory_space<vmem>>, vector<16xf32>,
    %swap3A_814 = vector.shape_cast %swap3A_813 : vector<16xf32> to vector<16xf32>
    %swap3A_815 = vector.shape_cast %add3A_811 : vector<16xf32> to vector<16xf32>
    tpu.vector_store %arg11[%swap3A_812], %swap3A_815 {strides = array<i32>} : memref<1024xf32, #tpu.memory_space<vmem>>, vector<16xf32>,
    %get3A_816 = arith.constant 192 : index
    %get3A_817 = tpu.vector_load %arg9[%get3A_816] {strides = array<i32>} : memref<1024xf32, #tpu.memory_space<vmem>>, vector<16xf32>,
    %get3A_818 = vector.shape_cast %get3A_817 : vector<16xf32> to vector<16xf32>
    %get3A_819 = arith.constant 192 : index
    %get3A_820 = tpu.vector_load %arg7[%get3A_819] {strides = array<i32>} : memref<1024xf32, #tpu.memory_space<vmem>>, vector<16xf32>,
    %get3A_821 = vector.shape_cast %get3A_820 : vector<16xf32> to vector<16xf32>
    %get3A_822 = arith.constant 192 : index
    %get3A_823 = tpu.vector_load %arg8[%get3A_822] {strides = array<i32>} : memref<1024xf32, #tpu.memory_space<vmem>>, vector<16xf32>,
    %get3A_824 = vector.shape_cast %get3A_823 : vector<16xf32> to vector<16xf32>
    %get3A_825 = arith.constant 192 : index
    %get3A_826 = tpu.vector_load %arg10[%get3A_825] {strides = array<i32>} : memref<1024xf32, #tpu.memory_space<vmem>>, vector<16xf32>,
    %get3A_827 = vector.shape_cast %get3A_826 : vector<16xf32> to vector<16xf32>
    %mul3A_828 = arith.constant 2.000000e+00 : f32
    %mul3A_829 = vector.broadcast %mul3A_828 : f32 to vector<16xf32>
    %mul3A_830 = arith.mulf %get3A_821, %mul3A_829 : vector<16xf32>
    %exp3A_831 = math.exp %mul3A_830 : vector<16xf32>
    %add3A_832 = arith.constant 1.000000e+00 : f32
    %add3A_833 = vector.broadcast %add3A_832 : f32 to vector<16xf32>
    %add3A_834 = arith.addf %exp3A_831, %add3A_833 : vector<16xf32>
    %div3A_835 = arith.constant 2.000000e+00 : f32
    %div3A_836 = vector.broadcast %div3A_835 : f32 to vector<16xf32>
    %div3A_837 = arith.divf %div3A_836, %add3A_834 : vector<16xf32>
    %sub3A_838 = arith.constant 1.000000e+00 : f32
    %sub3A_839 = vector.broadcast %sub3A_838 : f32 to vector<16xf32>
    %sub3A_840 = arith.subf %sub3A_839, %div3A_837 : vector<16xf32>
    %neg3A_841 = arith.constant 0.000000e+00 : f32
    %neg3A_842 = vector.broadcast %neg3A_841 : f32 to vector<16xf32>
    %neg3A_843 = arith.subf %neg3A_842, %get3A_818 : vector<16xf32>
    %mul3A_844 = arith.constant 1.000000e-01 : f32
    %mul3A_845 = vector.broadcast %mul3A_844 : f32 to vector<16xf32>
    %mul3A_846 = arith.mulf %mul3A_845, %sub3A_840 : vector<16xf32>
    %add3A_847 = arith.addf %neg3A_843, %mul3A_846 : vector<16xf32>
    %mul3A_848 = arith.constant 1.000000e-01 : f32
    %mul3A_849 = vector.broadcast %mul3A_848 : f32 to vector<16xf32>
    %mul3A_850 = arith.mulf %mul3A_849, %add3A_847 : vector<16xf32>
    %add3A_851 = arith.addf %get3A_818, %mul3A_850 : vector<16xf32>
    %add3A_852 = arith.addf %add3A_851, %get3A_827 : vector<16xf32>
    %mul3A_853 = arith.constant 2.000000e+00 : f32
    %mul3A_854 = vector.broadcast %mul3A_853 : f32 to vector<16xf32>
    %mul3A_855 = arith.mulf %get3A_824, %mul3A_854 : vector<16xf32>
    %exp3A_856 = math.exp %mul3A_855 : vector<16xf32>
    %add3A_857 = arith.constant 1.000000e+00 : f32
    %add3A_858 = vector.broadcast %add3A_857 : f32 to vector<16xf32>
    %add3A_859 = arith.addf %exp3A_856, %add3A_858 : vector<16xf32>
    %div3A_860 = arith.constant 2.000000e+00 : f32
    %div3A_861 = vector.broadcast %div3A_860 : f32 to vector<16xf32>
    %div3A_862 = arith.divf %div3A_861, %add3A_859 : vector<16xf32>
    %sub3A_863 = arith.constant 1.000000e+00 : f32
    %sub3A_864 = vector.broadcast %sub3A_863 : f32 to vector<16xf32>
    %sub3A_865 = arith.subf %sub3A_864, %div3A_862 : vector<16xf32>
    %neg3A_866 = arith.constant 0.000000e+00 : f32
    %neg3A_867 = vector.broadcast %neg3A_866 : f32 to vector<16xf32>
    %neg3A_868 = arith.subf %neg3A_867, %add3A_852 : vector<16xf32>
    %mul3A_869 = arith.constant 1.000000e-01 : f32
    %mul3A_870 = vector.broadcast %mul3A_869 : f32 to vector<16xf32>
    %mul3A_871 = arith.mulf %mul3A_870, %sub3A_865 : vector<16xf32>
    %add3A_872 = arith.addf %neg3A_868, %mul3A_871 : vector<16xf32>
    %add3A_873 = arith.addf %add3A_847, %add3A_872 : vector<16xf32>
    %mul3A_874 = arith.constant 5.000000e-02 : f32
    %mul3A_875 = vector.broadcast %mul3A_874 : f32 to vector<16xf32>
    %mul3A_876 = arith.mulf %mul3A_875, %add3A_873 : vector<16xf32>
    %add3A_877 = arith.addf %get3A_818, %mul3A_876 : vector<16xf32>
    %add3A_878 = arith.addf %add3A_877, %get3A_827 : vector<16xf32>
    %swap3A_879 = arith.constant 192 : index
    %swap3A_880 = tpu.vector_load %arg11[%swap3A_879] {strides = array<i32>} : memref<1024xf32, #tpu.memory_space<vmem>>, vector<16xf32>,
    %swap3A_881 = vector.shape_cast %swap3A_880 : vector<16xf32> to vector<16xf32>
    %swap3A_882 = vector.shape_cast %add3A_878 : vector<16xf32> to vector<16xf32>
    tpu.vector_store %arg11[%swap3A_879], %swap3A_882 {strides = array<i32>} : memref<1024xf32, #tpu.memory_space<vmem>>, vector<16xf32>,
    %get3A_883 = arith.constant 208 : index
    %get3A_884 = tpu.vector_load %arg9[%get3A_883] {strides = array<i32>} : memref<1024xf32, #tpu.memory_space<vmem>>, vector<16xf32>,
    %get3A_885 = vector.shape_cast %get3A_884 : vector<16xf32> to vector<16xf32>
    %get3A_886 = arith.constant 208 : index
    %get3A_887 = tpu.vector_load %arg7[%get3A_886] {strides = array<i32>} : memref<1024xf32, #tpu.memory_space<vmem>>, vector<16xf32>,
    %get3A_888 = vector.shape_cast %get3A_887 : vector<16xf32> to vector<16xf32>
    %get3A_889 = arith.constant 208 : index
    %get3A_890 = tpu.vector_load %arg8[%get3A_889] {strides = array<i32>} : memref<1024xf32, #tpu.memory_space<vmem>>, vector<16xf32>,
    %get3A_891 = vector.shape_cast %get3A_890 : vector<16xf32> to vector<16xf32>
    %get3A_892 = arith.constant 208 : index
    %get3A_893 = tpu.vector_load %arg10[%get3A_892] {strides = array<i32>} : memref<1024xf32, #tpu.memory_space<vmem>>, vector<16xf32>,
    %get3A_894 = vector.shape_cast %get3A_893 : vector<16xf32> to vector<16xf32>
    %mul3A_895 = arith.constant 2.000000e+00 : f32
    %mul3A_896 = vector.broadcast %mul3A_895 : f32 to vector<16xf32>
    %mul3A_897 = arith.mulf %get3A_888, %mul3A_896 : vector<16xf32>
    %exp3A_898 = math.exp %mul3A_897 : vector<16xf32>
    %add3A_899 = arith.constant 1.000000e+00 : f32
    %add3A_900 = vector.broadcast %add3A_899 : f32 to vector<16xf32>
    %add3A_901 = arith.addf %exp3A_898, %add3A_900 : vector<16xf32>
    %div3A_902 = arith.constant 2.000000e+00 : f32
    %div3A_903 = vector.broadcast %div3A_902 : f32 to vector<16xf32>
    %div3A_904 = arith.divf %div3A_903, %add3A_901 : vector<16xf32>
    %sub3A_905 = arith.constant 1.000000e+00 : f32
    %sub3A_906 = vector.broadcast %sub3A_905 : f32 to vector<16xf32>
    %sub3A_907 = arith.subf %sub3A_906, %div3A_904 : vector<16xf32>
    %neg3A_908 = arith.constant 0.000000e+00 : f32
    %neg3A_909 = vector.broadcast %neg3A_908 : f32 to vector<16xf32>
    %neg3A_910 = arith.subf %neg3A_909, %get3A_885 : vector<16xf32>
    %mul3A_911 = arith.constant 1.000000e-01 : f32
    %mul3A_912 = vector.broadcast %mul3A_911 : f32 to vector<16xf32>
    %mul3A_913 = arith.mulf %mul3A_912, %sub3A_907 : vector<16xf32>
    %add3A_914 = arith.addf %neg3A_910, %mul3A_913 : vector<16xf32>
    %mul3A_915 = arith.constant 1.000000e-01 : f32
    %mul3A_916 = vector.broadcast %mul3A_915 : f32 to vector<16xf32>
    %mul3A_917 = arith.mulf %mul3A_916, %add3A_914 : vector<16xf32>
    %add3A_918 = arith.addf %get3A_885, %mul3A_917 : vector<16xf32>
    %add3A_919 = arith.addf %add3A_918, %get3A_894 : vector<16xf32>
    %mul3A_920 = arith.constant 2.000000e+00 : f32
    %mul3A_921 = vector.broadcast %mul3A_920 : f32 to vector<16xf32>
    %mul3A_922 = arith.mulf %get3A_891, %mul3A_921 : vector<16xf32>
    %exp3A_923 = math.exp %mul3A_922 : vector<16xf32>
    %add3A_924 = arith.constant 1.000000e+00 : f32
    %add3A_925 = vector.broadcast %add3A_924 : f32 to vector<16xf32>
    %add3A_926 = arith.addf %exp3A_923, %add3A_925 : vector<16xf32>
    %div3A_927 = arith.constant 2.000000e+00 : f32
    %div3A_928 = vector.broadcast %div3A_927 : f32 to vector<16xf32>
    %div3A_929 = arith.divf %div3A_928, %add3A_926 : vector<16xf32>
    %sub3A_930 = arith.constant 1.000000e+00 : f32
    %sub3A_931 = vector.broadcast %sub3A_930 : f32 to vector<16xf32>
    %sub3A_932 = arith.subf %sub3A_931, %div3A_929 : vector<16xf32>
    %neg3A_933 = arith.constant 0.000000e+00 : f32
    %neg3A_934 = vector.broadcast %neg3A_933 : f32 to vector<16xf32>
    %neg3A_935 = arith.subf %neg3A_934, %add3A_919 : vector<16xf32>
    %mul3A_936 = arith.constant 1.000000e-01 : f32
    %mul3A_937 = vector.broadcast %mul3A_936 : f32 to vector<16xf32>
    %mul3A_938 = arith.mulf %mul3A_937, %sub3A_932 : vector<16xf32>
    %add3A_939 = arith.addf %neg3A_935, %mul3A_938 : vector<16xf32>
    %add3A_940 = arith.addf %add3A_914, %add3A_939 : vector<16xf32>
    %mul3A_941 = arith.constant 5.000000e-02 : f32
    %mul3A_942 = vector.broadcast %mul3A_941 : f32 to vector<16xf32>
    %mul3A_943 = arith.mulf %mul3A_942, %add3A_940 : vector<16xf32>
    %add3A_944 = arith.addf %get3A_885, %mul3A_943 : vector<16xf32>
    %add3A_945 = arith.addf %add3A_944, %get3A_894 : vector<16xf32>
    %swap3A_946 = arith.constant 208 : index
    %swap3A_947 = tpu.vector_load %arg11[%swap3A_946] {strides = array<i32>} : memref<1024xf32, #tpu.memory_space<vmem>>, vector<16xf32>,
    %swap3A_948 = vector.shape_cast %swap3A_947 : vector<16xf32> to vector<16xf32>
    %swap3A_949 = vector.shape_cast %add3A_945 : vector<16xf32> to vector<16xf32>
    tpu.vector_store %arg11[%swap3A_946], %swap3A_949 {strides = array<i32>} : memref<1024xf32, #tpu.memory_space<vmem>>, vector<16xf32>,
    %get3A_950 = arith.constant 224 : index
    %get3A_951 = tpu.vector_load %arg9[%get3A_950] {strides = array<i32>} : memref<1024xf32, #tpu.memory_space<vmem>>, vector<16xf32>,
    %get3A_952 = vector.shape_cast %get3A_951 : vector<16xf32> to vector<16xf32>
    %get3A_953 = arith.constant 224 : index
    %get3A_954 = tpu.vector_load %arg7[%get3A_953] {strides = array<i32>} : memref<1024xf32, #tpu.memory_space<vmem>>, vector<16xf32>,
    %get3A_955 = vector.shape_cast %get3A_954 : vector<16xf32> to vector<16xf32>
    %get3A_956 = arith.constant 224 : index
    %get3A_957 = tpu.vector_load %arg8[%get3A_956] {strides = array<i32>} : memref<1024xf32, #tpu.memory_space<vmem>>, vector<16xf32>,
    %get3A_958 = vector.shape_cast %get3A_957 : vector<16xf32> to vector<16xf32>
    %get3A_959 = arith.constant 224 : index
    %get3A_960 = tpu.vector_load %arg10[%get3A_959] {strides = array<i32>} : memref<1024xf32, #tpu.memory_space<vmem>>, vector<16xf32>,
    %get3A_961 = vector.shape_cast %get3A_960 : vector<16xf32> to vector<16xf32>
    %mul3A_962 = arith.constant 2.000000e+00 : f32
    %mul3A_963 = vector.broadcast %mul3A_962 : f32 to vector<16xf32>
    %mul3A_964 = arith.mulf %get3A_955, %mul3A_963 : vector<16xf32>
    %exp3A_965 = math.exp %mul3A_964 : vector<16xf32>
    %add3A_966 = arith.constant 1.000000e+00 : f32
    %add3A_967 = vector.broadcast %add3A_966 : f32 to vector<16xf32>
    %add3A_968 = arith.addf %exp3A_965, %add3A_967 : vector<16xf32>
    %div3A_969 = arith.constant 2.000000e+00 : f32
    %div3A_970 = vector.broadcast %div3A_969 : f32 to vector<16xf32>
    %div3A_971 = arith.divf %div3A_970, %add3A_968 : vector<16xf32>
    %sub3A_972 = arith.constant 1.000000e+00 : f32
    %sub3A_973 = vector.broadcast %sub3A_972 : f32 to vector<16xf32>
    %sub3A_974 = arith.subf %sub3A_973, %div3A_971 : vector<16xf32>
    %neg3A_975 = arith.constant 0.000000e+00 : f32
    %neg3A_976 = vector.broadcast %neg3A_975 : f32 to vector<16xf32>
    %neg3A_977 = arith.subf %neg3A_976, %get3A_952 : vector<16xf32>
    %mul3A_978 = arith.constant 1.000000e-01 : f32
    %mul3A_979 = vector.broadcast %mul3A_978 : f32 to vector<16xf32>
    %mul3A_980 = arith.mulf %mul3A_979, %sub3A_974 : vector<16xf32>
    %add3A_981 = arith.addf %neg3A_977, %mul3A_980 : vector<16xf32>
    %mul3A_982 = arith.constant 1.000000e-01 : f32
    %mul3A_983 = vector.broadcast %mul3A_982 : f32 to vector<16xf32>
    %mul3A_984 = arith.mulf %mul3A_983, %add3A_981 : vector<16xf32>
    %add3A_985 = arith.addf %get3A_952, %mul3A_984 : vector<16xf32>
    %add3A_986 = arith.addf %add3A_985, %get3A_961 : vector<16xf32>
    %mul3A_987 = arith.constant 2.000000e+00 : f32
    %mul3A_988 = vector.broadcast %mul3A_987 : f32 to vector<16xf32>
    %mul3A_989 = arith.mulf %get3A_958, %mul3A_988 : vector<16xf32>
    %exp3A_990 = math.exp %mul3A_989 : vector<16xf32>
    %add3A_991 = arith.constant 1.000000e+00 : f32
    %add3A_992 = vector.broadcast %add3A_991 : f32 to vector<16xf32>
    %add3A_993 = arith.addf %exp3A_990, %add3A_992 : vector<16xf32>
    %div3A_994 = arith.constant 2.000000e+00 : f32
    %div3A_995 = vector.broadcast %div3A_994 : f32 to vector<16xf32>
    %div3A_996 = arith.divf %div3A_995, %add3A_993 : vector<16xf32>
    %sub3A_997 = arith.constant 1.000000e+00 : f32
    %sub3A_998 = vector.broadcast %sub3A_997 : f32 to vector<16xf32>
    %sub3A_999 = arith.subf %sub3A_998, %div3A_996 : vector<16xf32>
    %neg3A_1000 = arith.constant 0.000000e+00 : f32
    %neg3A_1001 = vector.broadcast %neg3A_1000 : f32 to vector<16xf32>
    %neg3A_1002 = arith.subf %neg3A_1001, %add3A_986 : vector<16xf32>
    %mul3A_1003 = arith.constant 1.000000e-01 : f32
    %mul3A_1004 = vector.broadcast %mul3A_1003 : f32 to vector<16xf32>
    %mul3A_1005 = arith.mulf %mul3A_1004, %sub3A_999 : vector<16xf32>
    %add3A_1006 = arith.addf %neg3A_1002, %mul3A_1005 : vector<16xf32>
    %add3A_1007 = arith.addf %add3A_981, %add3A_1006 : vector<16xf32>
    %mul3A_1008 = arith.constant 5.000000e-02 : f32
    %mul3A_1009 = vector.broadcast %mul3A_1008 : f32 to vector<16xf32>
    %mul3A_1010 = arith.mulf %mul3A_1009, %add3A_1007 : vector<16xf32>
    %add3A_1011 = arith.addf %get3A_952, %mul3A_1010 : vector<16xf32>
    %add3A_1012 = arith.addf %add3A_1011, %get3A_961 : vector<16xf32>
    %swap3A_1013 = arith.constant 224 : index
    %swap3A_1014 = tpu.vector_load %arg11[%swap3A_1013] {strides = array<i32>} : memref<1024xf32, #tpu.memory_space<vmem>>, vector<16xf32>,
    %swap3A_1015 = vector.shape_cast %swap3A_1014 : vector<16xf32> to vector<16xf32>
    %swap3A_1016 = vector.shape_cast %add3A_1012 : vector<16xf32> to vector<16xf32>
    tpu.vector_store %arg11[%swap3A_1013], %swap3A_1016 {strides = array<i32>} : memref<1024xf32, #tpu.memory_space<vmem>>, vector<16xf32>,
    %get3A_1017 = arith.constant 240 : index
    %get3A_1018 = tpu.vector_load %arg9[%get3A_1017] {strides = array<i32>} : memref<1024xf32, #tpu.memory_space<vmem>>, vector<16xf32>,
    %get3A_1019 = vector.shape_cast %get3A_1018 : vector<16xf32> to vector<16xf32>
    %get3A_1020 = arith.constant 240 : index
    %get3A_1021 = tpu.vector_load %arg7[%get3A_1020] {strides = array<i32>} : memref<1024xf32, #tpu.memory_space<vmem>>, vector<16xf32>,
    %get3A_1022 = vector.shape_cast %get3A_1021 : vector<16xf32> to vector<16xf32>
    %get3A_1023 = arith.constant 240 : index
    %get3A_1024 = tpu.vector_load %arg8[%get3A_1023] {strides = array<i32>} : memref<1024xf32, #tpu.memory_space<vmem>>, vector<16xf32>,
    %get3A_1025 = vector.shape_cast %get3A_1024 : vector<16xf32> to vector<16xf32>
    %get3A_1026 = arith.constant 240 : index
    %get3A_1027 = tpu.vector_load %arg10[%get3A_1026] {strides = array<i32>} : memref<1024xf32, #tpu.memory_space<vmem>>, vector<16xf32>,
    %get3A_1028 = vector.shape_cast %get3A_1027 : vector<16xf32> to vector<16xf32>
    %mul3A_1029 = arith.constant 2.000000e+00 : f32
    %mul3A_1030 = vector.broadcast %mul3A_1029 : f32 to vector<16xf32>
    %mul3A_1031 = arith.mulf %get3A_1022, %mul3A_1030 : vector<16xf32>
    %exp3A_1032 = math.exp %mul3A_1031 : vector<16xf32>
    %add3A_1033 = arith.constant 1.000000e+00 : f32
    %add3A_1034 = vector.broadcast %add3A_1033 : f32 to vector<16xf32>
    %add3A_1035 = arith.addf %exp3A_1032, %add3A_1034 : vector<16xf32>
    %div3A_1036 = arith.constant 2.000000e+00 : f32
    %div3A_1037 = vector.broadcast %div3A_1036 : f32 to vector<16xf32>
    %div3A_1038 = arith.divf %div3A_1037, %add3A_1035 : vector<16xf32>
    %sub3A_1039 = arith.constant 1.000000e+00 : f32
    %sub3A_1040 = vector.broadcast %sub3A_1039 : f32 to vector<16xf32>
    %sub3A_1041 = arith.subf %sub3A_1040, %div3A_1038 : vector<16xf32>
    %neg3A_1042 = arith.constant 0.000000e+00 : f32
    %neg3A_1043 = vector.broadcast %neg3A_1042 : f32 to vector<16xf32>
    %neg3A_1044 = arith.subf %neg3A_1043, %get3A_1019 : vector<16xf32>
    %mul3A_1045 = arith.constant 1.000000e-01 : f32
    %mul3A_1046 = vector.broadcast %mul3A_1045 : f32 to vector<16xf32>
    %mul3A_1047 = arith.mulf %mul3A_1046, %sub3A_1041 : vector<16xf32>
    %add3A_1048 = arith.addf %neg3A_1044, %mul3A_1047 : vector<16xf32>
    %mul3A_1049 = arith.constant 1.000000e-01 : f32
    %mul3A_1050 = vector.broadcast %mul3A_1049 : f32 to vector<16xf32>
    %mul3A_1051 = arith.mulf %mul3A_1050, %add3A_1048 : vector<16xf32>
    %add3A_1052 = arith.addf %get3A_1019, %mul3A_1051 : vector<16xf32>
    %add3A_1053 = arith.addf %add3A_1052, %get3A_1028 : vector<16xf32>
    %mul3A_1054 = arith.constant 2.000000e+00 : f32
    %mul3A_1055 = vector.broadcast %mul3A_1054 : f32 to vector<16xf32>
    %mul3A_1056 = arith.mulf %get3A_1025, %mul3A_1055 : vector<16xf32>
    %exp3A_1057 = math.exp %mul3A_1056 : vector<16xf32>
    %add3A_1058 = arith.constant 1.000000e+00 : f32
    %add3A_1059 = vector.broadcast %add3A_1058 : f32 to vector<16xf32>
    %add3A_1060 = arith.addf %exp3A_1057, %add3A_1059 : vector<16xf32>
    %div3A_1061 = arith.constant 2.000000e+00 : f32
    %div3A_1062 = vector.broadcast %div3A_1061 : f32 to vector<16xf32>
    %div3A_1063 = arith.divf %div3A_1062, %add3A_1060 : vector<16xf32>
    %sub3A_1064 = arith.constant 1.000000e+00 : f32
    %sub3A_1065 = vector.broadcast %sub3A_1064 : f32 to vector<16xf32>
    %sub3A_1066 = arith.subf %sub3A_1065, %div3A_1063 : vector<16xf32>
    %neg3A_1067 = arith.constant 0.000000e+00 : f32
    %neg3A_1068 = vector.broadcast %neg3A_1067 : f32 to vector<16xf32>
    %neg3A_1069 = arith.subf %neg3A_1068, %add3A_1053 : vector<16xf32>
    %mul3A_1070 = arith.constant 1.000000e-01 : f32
    %mul3A_1071 = vector.broadcast %mul3A_1070 : f32 to vector<16xf32>
    %mul3A_1072 = arith.mulf %mul3A_1071, %sub3A_1066 : vector<16xf32>
    %add3A_1073 = arith.addf %neg3A_1069, %mul3A_1072 : vector<16xf32>
    %add3A_1074 = arith.addf %add3A_1048, %add3A_1073 : vector<16xf32>
    %mul3A_1075 = arith.constant 5.000000e-02 : f32
    %mul3A_1076 = vector.broadcast %mul3A_1075 : f32 to vector<16xf32>
    %mul3A_1077 = arith.mulf %mul3A_1076, %add3A_1074 : vector<16xf32>
    %add3A_1078 = arith.addf %get3A_1019, %mul3A_1077 : vector<16xf32>
    %add3A_1079 = arith.addf %add3A_1078, %get3A_1028 : vector<16xf32>
    %swap3A_1080 = arith.constant 240 : index
    %swap3A_1081 = tpu.vector_load %arg11[%swap3A_1080] {strides = array<i32>} : memref<1024xf32, #tpu.memory_space<vmem>>, vector<16xf32>,
    %swap3A_1082 = vector.shape_cast %swap3A_1081 : vector<16xf32> to vector<16xf32>
    %swap3A_1083 = vector.shape_cast %add3A_1079 : vector<16xf32> to vector<16xf32>
    tpu.vector_store %arg11[%swap3A_1080], %swap3A_1083 {strides = array<i32>} : memref<1024xf32, #tpu.memory_space<vmem>>, vector<16xf32>,
    %get3A_1084 = arith.constant 256 : index
    %get3A_1085 = tpu.vector_load %arg9[%get3A_1084] {strides = array<i32>} : memref<1024xf32, #tpu.memory_space<vmem>>, vector<16xf32>,
    %get3A_1086 = vector.shape_cast %get3A_1085 : vector<16xf32> to vector<16xf32>
    %get3A_1087 = arith.constant 256 : index
    %get3A_1088 = tpu.vector_load %arg7[%get3A_1087] {strides = array<i32>} : memref<1024xf32, #tpu.memory_space<vmem>>, vector<16xf32>,
    %get3A_1089 = vector.shape_cast %get3A_1088 : vector<16xf32> to vector<16xf32>
    %get3A_1090 = arith.constant 256 : index
    %get3A_1091 = tpu.vector_load %arg8[%get3A_1090] {strides = array<i32>} : memref<1024xf32, #tpu.memory_space<vmem>>, vector<16xf32>,
    %get3A_1092 = vector.shape_cast %get3A_1091 : vector<16xf32> to vector<16xf32>
    %get3A_1093 = arith.constant 256 : index
    %get3A_1094 = tpu.vector_load %arg10[%get3A_1093] {strides = array<i32>} : memref<1024xf32, #tpu.memory_space<vmem>>, vector<16xf32>,
    %get3A_1095 = vector.shape_cast %get3A_1094 : vector<16xf32> to vector<16xf32>
    %mul3A_1096 = arith.constant 2.000000e+00 : f32
    %mul3A_1097 = vector.broadcast %mul3A_1096 : f32 to vector<16xf32>
    %mul3A_1098 = arith.mulf %get3A_1089, %mul3A_1097 : vector<16xf32>
    %exp3A_1099 = math.exp %mul3A_1098 : vector<16xf32>
    %add3A_1100 = arith.constant 1.000000e+00 : f32
    %add3A_1101 = vector.broadcast %add3A_1100 : f32 to vector<16xf32>
    %add3A_1102 = arith.addf %exp3A_1099, %add3A_1101 : vector<16xf32>
    %div3A_1103 = arith.constant 2.000000e+00 : f32
    %div3A_1104 = vector.broadcast %div3A_1103 : f32 to vector<16xf32>
    %div3A_1105 = arith.divf %div3A_1104, %add3A_1102 : vector<16xf32>
    %sub3A_1106 = arith.constant 1.000000e+00 : f32
    %sub3A_1107 = vector.broadcast %sub3A_1106 : f32 to vector<16xf32>
    %sub3A_1108 = arith.subf %sub3A_1107, %div3A_1105 : vector<16xf32>
    %neg3A_1109 = arith.constant 0.000000e+00 : f32
    %neg3A_1110 = vector.broadcast %neg3A_1109 : f32 to vector<16xf32>
    %neg3A_1111 = arith.subf %neg3A_1110, %get3A_1086 : vector<16xf32>
    %mul3A_1112 = arith.constant 1.000000e-01 : f32
    %mul3A_1113 = vector.broadcast %mul3A_1112 : f32 to vector<16xf32>
    %mul3A_1114 = arith.mulf %mul3A_1113, %sub3A_1108 : vector<16xf32>
    %add3A_1115 = arith.addf %neg3A_1111, %mul3A_1114 : vector<16xf32>
    %mul3A_1116 = arith.constant 1.000000e-01 : f32
    %mul3A_1117 = vector.broadcast %mul3A_1116 : f32 to vector<16xf32>
    %mul3A_1118 = arith.mulf %mul3A_1117, %add3A_1115 : vector<16xf32>
    %add3A_1119 = arith.addf %get3A_1086, %mul3A_1118 : vector<16xf32>
    %add3A_1120 = arith.addf %add3A_1119, %get3A_1095 : vector<16xf32>
    %mul3A_1121 = arith.constant 2.000000e+00 : f32
    %mul3A_1122 = vector.broadcast %mul3A_1121 : f32 to vector<16xf32>
    %mul3A_1123 = arith.mulf %get3A_1092, %mul3A_1122 : vector<16xf32>
    %exp3A_1124 = math.exp %mul3A_1123 : vector<16xf32>
    %add3A_1125 = arith.constant 1.000000e+00 : f32
    %add3A_1126 = vector.broadcast %add3A_1125 : f32 to vector<16xf32>
    %add3A_1127 = arith.addf %exp3A_1124, %add3A_1126 : vector<16xf32>
    %div3A_1128 = arith.constant 2.000000e+00 : f32
    %div3A_1129 = vector.broadcast %div3A_1128 : f32 to vector<16xf32>
    %div3A_1130 = arith.divf %div3A_1129, %add3A_1127 : vector<16xf32>
    %sub3A_1131 = arith.constant 1.000000e+00 : f32
    %sub3A_1132 = vector.broadcast %sub3A_1131 : f32 to vector<16xf32>
    %sub3A_1133 = arith.subf %sub3A_1132, %div3A_1130 : vector<16xf32>
    %neg3A_1134 = arith.constant 0.000000e+00 : f32
    %neg3A_1135 = vector.broadcast %neg3A_1134 : f32 to vector<16xf32>
    %neg3A_1136 = arith.subf %neg3A_1135, %add3A_1120 : vector<16xf32>
    %mul3A_1137 = arith.constant 1.000000e-01 : f32
    %mul3A_1138 = vector.broadcast %mul3A_1137 : f32 to vector<16xf32>
    %mul3A_1139 = arith.mulf %mul3A_1138, %sub3A_1133 : vector<16xf32>
    %add3A_1140 = arith.addf %neg3A_1136, %mul3A_1139 : vector<16xf32>
    %add3A_1141 = arith.addf %add3A_1115, %add3A_1140 : vector<16xf32>
    %mul3A_1142 = arith.constant 5.000000e-02 : f32
    %mul3A_1143 = vector.broadcast %mul3A_1142 : f32 to vector<16xf32>
    %mul3A_1144 = arith.mulf %mul3A_1143, %add3A_1141 : vector<16xf32>
    %add3A_1145 = arith.addf %get3A_1086, %mul3A_1144 : vector<16xf32>
    %add3A_1146 = arith.addf %add3A_1145, %get3A_1095 : vector<16xf32>
    %swap3A_1147 = arith.constant 256 : index
    %swap3A_1148 = tpu.vector_load %arg11[%swap3A_1147] {strides = array<i32>} : memref<1024xf32, #tpu.memory_space<vmem>>, vector<16xf32>,
    %swap3A_1149 = vector.shape_cast %swap3A_1148 : vector<16xf32> to vector<16xf32>
    %swap3A_1150 = vector.shape_cast %add3A_1146 : vector<16xf32> to vector<16xf32>
    tpu.vector_store %arg11[%swap3A_1147], %swap3A_1150 {strides = array<i32>} : memref<1024xf32, #tpu.memory_space<vmem>>, vector<16xf32>,
    %get3A_1151 = arith.constant 272 : index
    %get3A_1152 = tpu.vector_load %arg9[%get3A_1151] {strides = array<i32>} : memref<1024xf32, #tpu.memory_space<vmem>>, vector<16xf32>,
    %get3A_1153 = vector.shape_cast %get3A_1152 : vector<16xf32> to vector<16xf32>
    %get3A_1154 = arith.constant 272 : index
    %get3A_1155 = tpu.vector_load %arg7[%get3A_1154] {strides = array<i32>} : memref<1024xf32, #tpu.memory_space<vmem>>, vector<16xf32>,
    %get3A_1156 = vector.shape_cast %get3A_1155 : vector<16xf32> to vector<16xf32>
    %get3A_1157 = arith.constant 272 : index
    %get3A_1158 = tpu.vector_load %arg8[%get3A_1157] {strides = array<i32>} : memref<1024xf32, #tpu.memory_space<vmem>>, vector<16xf32>,
    %get3A_1159 = vector.shape_cast %get3A_1158 : vector<16xf32> to vector<16xf32>
    %get3A_1160 = arith.constant 272 : index
    %get3A_1161 = tpu.vector_load %arg10[%get3A_1160] {strides = array<i32>} : memref<1024xf32, #tpu.memory_space<vmem>>, vector<16xf32>,
    %get3A_1162 = vector.shape_cast %get3A_1161 : vector<16xf32> to vector<16xf32>
    %mul3A_1163 = arith.constant 2.000000e+00 : f32
    %mul3A_1164 = vector.broadcast %mul3A_1163 : f32 to vector<16xf32>
    %mul3A_1165 = arith.mulf %get3A_1156, %mul3A_1164 : vector<16xf32>
    %exp3A_1166 = math.exp %mul3A_1165 : vector<16xf32>
    %add3A_1167 = arith.constant 1.000000e+00 : f32
    %add3A_1168 = vector.broadcast %add3A_1167 : f32 to vector<16xf32>
    %add3A_1169 = arith.addf %exp3A_1166, %add3A_1168 : vector<16xf32>
    %div3A_1170 = arith.constant 2.000000e+00 : f32
    %div3A_1171 = vector.broadcast %div3A_1170 : f32 to vector<16xf32>
    %div3A_1172 = arith.divf %div3A_1171, %add3A_1169 : vector<16xf32>
    %sub3A_1173 = arith.constant 1.000000e+00 : f32
    %sub3A_1174 = vector.broadcast %sub3A_1173 : f32 to vector<16xf32>
    %sub3A_1175 = arith.subf %sub3A_1174, %div3A_1172 : vector<16xf32>
    %neg3A_1176 = arith.constant 0.000000e+00 : f32
    %neg3A_1177 = vector.broadcast %neg3A_1176 : f32 to vector<16xf32>
    %neg3A_1178 = arith.subf %neg3A_1177, %get3A_1153 : vector<16xf32>
    %mul3A_1179 = arith.constant 1.000000e-01 : f32
    %mul3A_1180 = vector.broadcast %mul3A_1179 : f32 to vector<16xf32>
    %mul3A_1181 = arith.mulf %mul3A_1180, %sub3A_1175 : vector<16xf32>
    %add3A_1182 = arith.addf %neg3A_1178, %mul3A_1181 : vector<16xf32>
    %mul3A_1183 = arith.constant 1.000000e-01 : f32
    %mul3A_1184 = vector.broadcast %mul3A_1183 : f32 to vector<16xf32>
    %mul3A_1185 = arith.mulf %mul3A_1184, %add3A_1182 : vector<16xf32>
    %add3A_1186 = arith.addf %get3A_1153, %mul3A_1185 : vector<16xf32>
    %add3A_1187 = arith.addf %add3A_1186, %get3A_1162 : vector<16xf32>
    %mul3A_1188 = arith.constant 2.000000e+00 : f32
    %mul3A_1189 = vector.broadcast %mul3A_1188 : f32 to vector<16xf32>
    %mul3A_1190 = arith.mulf %get3A_1159, %mul3A_1189 : vector<16xf32>
    %exp3A_1191 = math.exp %mul3A_1190 : vector<16xf32>
    %add3A_1192 = arith.constant 1.000000e+00 : f32
    %add3A_1193 = vector.broadcast %add3A_1192 : f32 to vector<16xf32>
    %add3A_1194 = arith.addf %exp3A_1191, %add3A_1193 : vector<16xf32>
    %div3A_1195 = arith.constant 2.000000e+00 : f32
    %div3A_1196 = vector.broadcast %div3A_1195 : f32 to vector<16xf32>
    %div3A_1197 = arith.divf %div3A_1196, %add3A_1194 : vector<16xf32>
    %sub3A_1198 = arith.constant 1.000000e+00 : f32
    %sub3A_1199 = vector.broadcast %sub3A_1198 : f32 to vector<16xf32>
    %sub3A_1200 = arith.subf %sub3A_1199, %div3A_1197 : vector<16xf32>
    %neg3A_1201 = arith.constant 0.000000e+00 : f32
    %neg3A_1202 = vector.broadcast %neg3A_1201 : f32 to vector<16xf32>
    %neg3A_1203 = arith.subf %neg3A_1202, %add3A_1187 : vector<16xf32>
    %mul3A_1204 = arith.constant 1.000000e-01 : f32
    %mul3A_1205 = vector.broadcast %mul3A_1204 : f32 to vector<16xf32>
    %mul3A_1206 = arith.mulf %mul3A_1205, %sub3A_1200 : vector<16xf32>
    %add3A_1207 = arith.addf %neg3A_1203, %mul3A_1206 : vector<16xf32>
    %add3A_1208 = arith.addf %add3A_1182, %add3A_1207 : vector<16xf32>
    %mul3A_1209 = arith.constant 5.000000e-02 : f32
    %mul3A_1210 = vector.broadcast %mul3A_1209 : f32 to vector<16xf32>
    %mul3A_1211 = arith.mulf %mul3A_1210, %add3A_1208 : vector<16xf32>
    %add3A_1212 = arith.addf %get3A_1153, %mul3A_1211 : vector<16xf32>
    %add3A_1213 = arith.addf %add3A_1212, %get3A_1162 : vector<16xf32>
    %swap3A_1214 = arith.constant 272 : index
    %swap3A_1215 = tpu.vector_load %arg11[%swap3A_1214] {strides = array<i32>} : memref<1024xf32, #tpu.memory_space<vmem>>, vector<16xf32>,
    %swap3A_1216 = vector.shape_cast %swap3A_1215 : vector<16xf32> to vector<16xf32>
    %swap3A_1217 = vector.shape_cast %add3A_1213 : vector<16xf32> to vector<16xf32>
    tpu.vector_store %arg11[%swap3A_1214], %swap3A_1217 {strides = array<i32>} : memref<1024xf32, #tpu.memory_space<vmem>>, vector<16xf32>,
    %get3A_1218 = arith.constant 288 : index
    %get3A_1219 = tpu.vector_load %arg9[%get3A_1218] {strides = array<i32>} : memref<1024xf32, #tpu.memory_space<vmem>>, vector<16xf32>,
    %get3A_1220 = vector.shape_cast %get3A_1219 : vector<16xf32> to vector<16xf32>
    %get3A_1221 = arith.constant 288 : index
    %get3A_1222 = tpu.vector_load %arg7[%get3A_1221] {strides = array<i32>} : memref<1024xf32, #tpu.memory_space<vmem>>, vector<16xf32>,
    %get3A_1223 = vector.shape_cast %get3A_1222 : vector<16xf32> to vector<16xf32>
    %get3A_1224 = arith.constant 288 : index
    %get3A_1225 = tpu.vector_load %arg8[%get3A_1224] {strides = array<i32>} : memref<1024xf32, #tpu.memory_space<vmem>>, vector<16xf32>,
    %get3A_1226 = vector.shape_cast %get3A_1225 : vector<16xf32> to vector<16xf32>
    %get3A_1227 = arith.constant 288 : index
    %get3A_1228 = tpu.vector_load %arg10[%get3A_1227] {strides = array<i32>} : memref<1024xf32, #tpu.memory_space<vmem>>, vector<16xf32>,
    %get3A_1229 = vector.shape_cast %get3A_1228 : vector<16xf32> to vector<16xf32>
    %mul3A_1230 = arith.constant 2.000000e+00 : f32
    %mul3A_1231 = vector.broadcast %mul3A_1230 : f32 to vector<16xf32>
    %mul3A_1232 = arith.mulf %get3A_1223, %mul3A_1231 : vector<16xf32>
    %exp3A_1233 = math.exp %mul3A_1232 : vector<16xf32>
    %add3A_1234 = arith.constant 1.000000e+00 : f32
    %add3A_1235 = vector.broadcast %add3A_1234 : f32 to vector<16xf32>
    %add3A_1236 = arith.addf %exp3A_1233, %add3A_1235 : vector<16xf32>
    %div3A_1237 = arith.constant 2.000000e+00 : f32
    %div3A_1238 = vector.broadcast %div3A_1237 : f32 to vector<16xf32>
    %div3A_1239 = arith.divf %div3A_1238, %add3A_1236 : vector<16xf32>
    %sub3A_1240 = arith.constant 1.000000e+00 : f32
    %sub3A_1241 = vector.broadcast %sub3A_1240 : f32 to vector<16xf32>
    %sub3A_1242 = arith.subf %sub3A_1241, %div3A_1239 : vector<16xf32>
    %neg3A_1243 = arith.constant 0.000000e+00 : f32
    %neg3A_1244 = vector.broadcast %neg3A_1243 : f32 to vector<16xf32>
    %neg3A_1245 = arith.subf %neg3A_1244, %get3A_1220 : vector<16xf32>
    %mul3A_1246 = arith.constant 1.000000e-01 : f32
    %mul3A_1247 = vector.broadcast %mul3A_1246 : f32 to vector<16xf32>
    %mul3A_1248 = arith.mulf %mul3A_1247, %sub3A_1242 : vector<16xf32>
    %add3A_1249 = arith.addf %neg3A_1245, %mul3A_1248 : vector<16xf32>
    %mul3A_1250 = arith.constant 1.000000e-01 : f32
    %mul3A_1251 = vector.broadcast %mul3A_1250 : f32 to vector<16xf32>
    %mul3A_1252 = arith.mulf %mul3A_1251, %add3A_1249 : vector<16xf32>
    %add3A_1253 = arith.addf %get3A_1220, %mul3A_1252 : vector<16xf32>
    %add3A_1254 = arith.addf %add3A_1253, %get3A_1229 : vector<16xf32>
    %mul3A_1255 = arith.constant 2.000000e+00 : f32
    %mul3A_1256 = vector.broadcast %mul3A_1255 : f32 to vector<16xf32>
    %mul3A_1257 = arith.mulf %get3A_1226, %mul3A_1256 : vector<16xf32>
    %exp3A_1258 = math.exp %mul3A_1257 : vector<16xf32>
    %add3A_1259 = arith.constant 1.000000e+00 : f32
    %add3A_1260 = vector.broadcast %add3A_1259 : f32 to vector<16xf32>
    %add3A_1261 = arith.addf %exp3A_1258, %add3A_1260 : vector<16xf32>
    %div3A_1262 = arith.constant 2.000000e+00 : f32
    %div3A_1263 = vector.broadcast %div3A_1262 : f32 to vector<16xf32>
    %div3A_1264 = arith.divf %div3A_1263, %add3A_1261 : vector<16xf32>
    %sub3A_1265 = arith.constant 1.000000e+00 : f32
    %sub3A_1266 = vector.broadcast %sub3A_1265 : f32 to vector<16xf32>
    %sub3A_1267 = arith.subf %sub3A_1266, %div3A_1264 : vector<16xf32>
    %neg3A_1268 = arith.constant 0.000000e+00 : f32
    %neg3A_1269 = vector.broadcast %neg3A_1268 : f32 to vector<16xf32>
    %neg3A_1270 = arith.subf %neg3A_1269, %add3A_1254 : vector<16xf32>
    %mul3A_1271 = arith.constant 1.000000e-01 : f32
    %mul3A_1272 = vector.broadcast %mul3A_1271 : f32 to vector<16xf32>
    %mul3A_1273 = arith.mulf %mul3A_1272, %sub3A_1267 : vector<16xf32>
    %add3A_1274 = arith.addf %neg3A_1270, %mul3A_1273 : vector<16xf32>
    %add3A_1275 = arith.addf %add3A_1249, %add3A_1274 : vector<16xf32>
    %mul3A_1276 = arith.constant 5.000000e-02 : f32
    %mul3A_1277 = vector.broadcast %mul3A_1276 : f32 to vector<16xf32>
    %mul3A_1278 = arith.mulf %mul3A_1277, %add3A_1275 : vector<16xf32>
    %add3A_1279 = arith.addf %get3A_1220, %mul3A_1278 : vector<16xf32>
    %add3A_1280 = arith.addf %add3A_1279, %get3A_1229 : vector<16xf32>
    %swap3A_1281 = arith.constant 288 : index
    %swap3A_1282 = tpu.vector_load %arg11[%swap3A_1281] {strides = array<i32>} : memref<1024xf32, #tpu.memory_space<vmem>>, vector<16xf32>,
    %swap3A_1283 = vector.shape_cast %swap3A_1282 : vector<16xf32> to vector<16xf32>
    %swap3A_1284 = vector.shape_cast %add3A_1280 : vector<16xf32> to vector<16xf32>
    tpu.vector_store %arg11[%swap3A_1281], %swap3A_1284 {strides = array<i32>} : memref<1024xf32, #tpu.memory_space<vmem>>, vector<16xf32>,
    %get3A_1285 = arith.constant 304 : index
    %get3A_1286 = tpu.vector_load %arg9[%get3A_1285] {strides = array<i32>} : memref<1024xf32, #tpu.memory_space<vmem>>, vector<16xf32>,
    %get3A_1287 = vector.shape_cast %get3A_1286 : vector<16xf32> to vector<16xf32>
    %get3A_1288 = arith.constant 304 : index
    %get3A_1289 = tpu.vector_load %arg7[%get3A_1288] {strides = array<i32>} : memref<1024xf32, #tpu.memory_space<vmem>>, vector<16xf32>,
    %get3A_1290 = vector.shape_cast %get3A_1289 : vector<16xf32> to vector<16xf32>
    %get3A_1291 = arith.constant 304 : index
    %get3A_1292 = tpu.vector_load %arg8[%get3A_1291] {strides = array<i32>} : memref<1024xf32, #tpu.memory_space<vmem>>, vector<16xf32>,
    %get3A_1293 = vector.shape_cast %get3A_1292 : vector<16xf32> to vector<16xf32>
    %get3A_1294 = arith.constant 304 : index
    %get3A_1295 = tpu.vector_load %arg10[%get3A_1294] {strides = array<i32>} : memref<1024xf32, #tpu.memory_space<vmem>>, vector<16xf32>,
    %get3A_1296 = vector.shape_cast %get3A_1295 : vector<16xf32> to vector<16xf32>
    %mul3A_1297 = arith.constant 2.000000e+00 : f32
    %mul3A_1298 = vector.broadcast %mul3A_1297 : f32 to vector<16xf32>
    %mul3A_1299 = arith.mulf %get3A_1290, %mul3A_1298 : vector<16xf32>
    %exp3A_1300 = math.exp %mul3A_1299 : vector<16xf32>
    %add3A_1301 = arith.constant 1.000000e+00 : f32
    %add3A_1302 = vector.broadcast %add3A_1301 : f32 to vector<16xf32>
    %add3A_1303 = arith.addf %exp3A_1300, %add3A_1302 : vector<16xf32>
    %div3A_1304 = arith.constant 2.000000e+00 : f32
    %div3A_1305 = vector.broadcast %div3A_1304 : f32 to vector<16xf32>
    %div3A_1306 = arith.divf %div3A_1305, %add3A_1303 : vector<16xf32>
    %sub3A_1307 = arith.constant 1.000000e+00 : f32
    %sub3A_1308 = vector.broadcast %sub3A_1307 : f32 to vector<16xf32>
    %sub3A_1309 = arith.subf %sub3A_1308, %div3A_1306 : vector<16xf32>
    %neg3A_1310 = arith.constant 0.000000e+00 : f32
    %neg3A_1311 = vector.broadcast %neg3A_1310 : f32 to vector<16xf32>
    %neg3A_1312 = arith.subf %neg3A_1311, %get3A_1287 : vector<16xf32>
    %mul3A_1313 = arith.constant 1.000000e-01 : f32
    %mul3A_1314 = vector.broadcast %mul3A_1313 : f32 to vector<16xf32>
    %mul3A_1315 = arith.mulf %mul3A_1314, %sub3A_1309 : vector<16xf32>
    %add3A_1316 = arith.addf %neg3A_1312, %mul3A_1315 : vector<16xf32>
    %mul3A_1317 = arith.constant 1.000000e-01 : f32
    %mul3A_1318 = vector.broadcast %mul3A_1317 : f32 to vector<16xf32>
    %mul3A_1319 = arith.mulf %mul3A_1318, %add3A_1316 : vector<16xf32>
    %add3A_1320 = arith.addf %get3A_1287, %mul3A_1319 : vector<16xf32>
    %add3A_1321 = arith.addf %add3A_1320, %get3A_1296 : vector<16xf32>
    %mul3A_1322 = arith.constant 2.000000e+00 : f32
    %mul3A_1323 = vector.broadcast %mul3A_1322 : f32 to vector<16xf32>
    %mul3A_1324 = arith.mulf %get3A_1293, %mul3A_1323 : vector<16xf32>
    %exp3A_1325 = math.exp %mul3A_1324 : vector<16xf32>
    %add3A_1326 = arith.constant 1.000000e+00 : f32
    %add3A_1327 = vector.broadcast %add3A_1326 : f32 to vector<16xf32>
    %add3A_1328 = arith.addf %exp3A_1325, %add3A_1327 : vector<16xf32>
    %div3A_1329 = arith.constant 2.000000e+00 : f32
    %div3A_1330 = vector.broadcast %div3A_1329 : f32 to vector<16xf32>
    %div3A_1331 = arith.divf %div3A_1330, %add3A_1328 : vector<16xf32>
    %sub3A_1332 = arith.constant 1.000000e+00 : f32
    %sub3A_1333 = vector.broadcast %sub3A_1332 : f32 to vector<16xf32>
    %sub3A_1334 = arith.subf %sub3A_1333, %div3A_1331 : vector<16xf32>
    %neg3A_1335 = arith.constant 0.000000e+00 : f32
    %neg3A_1336 = vector.broadcast %neg3A_1335 : f32 to vector<16xf32>
    %neg3A_1337 = arith.subf %neg3A_1336, %add3A_1321 : vector<16xf32>
    %mul3A_1338 = arith.constant 1.000000e-01 : f32
    %mul3A_1339 = vector.broadcast %mul3A_1338 : f32 to vector<16xf32>
    %mul3A_1340 = arith.mulf %mul3A_1339, %sub3A_1334 : vector<16xf32>
    %add3A_1341 = arith.addf %neg3A_1337, %mul3A_1340 : vector<16xf32>
    %add3A_1342 = arith.addf %add3A_1316, %add3A_1341 : vector<16xf32>
    %mul3A_1343 = arith.constant 5.000000e-02 : f32
    %mul3A_1344 = vector.broadcast %mul3A_1343 : f32 to vector<16xf32>
    %mul3A_1345 = arith.mulf %mul3A_1344, %add3A_1342 : vector<16xf32>
    %add3A_1346 = arith.addf %get3A_1287, %mul3A_1345 : vector<16xf32>
    %add3A_1347 = arith.addf %add3A_1346, %get3A_1296 : vector<16xf32>
    %swap3A_1348 = arith.constant 304 : index
    %swap3A_1349 = tpu.vector_load %arg11[%swap3A_1348] {strides = array<i32>} : memref<1024xf32, #tpu.memory_space<vmem>>, vector<16xf32>,
    %swap3A_1350 = vector.shape_cast %swap3A_1349 : vector<16xf32> to vector<16xf32>
    %swap3A_1351 = vector.shape_cast %add3A_1347 : vector<16xf32> to vector<16xf32>
    tpu.vector_store %arg11[%swap3A_1348], %swap3A_1351 {strides = array<i32>} : memref<1024xf32, #tpu.memory_space<vmem>>, vector<16xf32>,
    %get3A_1352 = arith.constant 320 : index
    %get3A_1353 = tpu.vector_load %arg9[%get3A_1352] {strides = array<i32>} : memref<1024xf32, #tpu.memory_space<vmem>>, vector<16xf32>,
    %get3A_1354 = vector.shape_cast %get3A_1353 : vector<16xf32> to vector<16xf32>
    %get3A_1355 = arith.constant 320 : index
    %get3A_1356 = tpu.vector_load %arg7[%get3A_1355] {strides = array<i32>} : memref<1024xf32, #tpu.memory_space<vmem>>, vector<16xf32>,
    %get3A_1357 = vector.shape_cast %get3A_1356 : vector<16xf32> to vector<16xf32>
    %get3A_1358 = arith.constant 320 : index
    %get3A_1359 = tpu.vector_load %arg8[%get3A_1358] {strides = array<i32>} : memref<1024xf32, #tpu.memory_space<vmem>>, vector<16xf32>,
    %get3A_1360 = vector.shape_cast %get3A_1359 : vector<16xf32> to vector<16xf32>
    %get3A_1361 = arith.constant 320 : index
    %get3A_1362 = tpu.vector_load %arg10[%get3A_1361] {strides = array<i32>} : memref<1024xf32, #tpu.memory_space<vmem>>, vector<16xf32>,
    %get3A_1363 = vector.shape_cast %get3A_1362 : vector<16xf32> to vector<16xf32>
    %mul3A_1364 = arith.constant 2.000000e+00 : f32
    %mul3A_1365 = vector.broadcast %mul3A_1364 : f32 to vector<16xf32>
    %mul3A_1366 = arith.mulf %get3A_1357, %mul3A_1365 : vector<16xf32>
    %exp3A_1367 = math.exp %mul3A_1366 : vector<16xf32>
    %add3A_1368 = arith.constant 1.000000e+00 : f32
    %add3A_1369 = vector.broadcast %add3A_1368 : f32 to vector<16xf32>
    %add3A_1370 = arith.addf %exp3A_1367, %add3A_1369 : vector<16xf32>
    %div3A_1371 = arith.constant 2.000000e+00 : f32
    %div3A_1372 = vector.broadcast %div3A_1371 : f32 to vector<16xf32>
    %div3A_1373 = arith.divf %div3A_1372, %add3A_1370 : vector<16xf32>
    %sub3A_1374 = arith.constant 1.000000e+00 : f32
    %sub3A_1375 = vector.broadcast %sub3A_1374 : f32 to vector<16xf32>
    %sub3A_1376 = arith.subf %sub3A_1375, %div3A_1373 : vector<16xf32>
    %neg3A_1377 = arith.constant 0.000000e+00 : f32
    %neg3A_1378 = vector.broadcast %neg3A_1377 : f32 to vector<16xf32>
    %neg3A_1379 = arith.subf %neg3A_1378, %get3A_1354 : vector<16xf32>
    %mul3A_1380 = arith.constant 1.000000e-01 : f32
    %mul3A_1381 = vector.broadcast %mul3A_1380 : f32 to vector<16xf32>
    %mul3A_1382 = arith.mulf %mul3A_1381, %sub3A_1376 : vector<16xf32>
    %add3A_1383 = arith.addf %neg3A_1379, %mul3A_1382 : vector<16xf32>
    %mul3A_1384 = arith.constant 1.000000e-01 : f32
    %mul3A_1385 = vector.broadcast %mul3A_1384 : f32 to vector<16xf32>
    %mul3A_1386 = arith.mulf %mul3A_1385, %add3A_1383 : vector<16xf32>
    %add3A_1387 = arith.addf %get3A_1354, %mul3A_1386 : vector<16xf32>
    %add3A_1388 = arith.addf %add3A_1387, %get3A_1363 : vector<16xf32>
    %mul3A_1389 = arith.constant 2.000000e+00 : f32
    %mul3A_1390 = vector.broadcast %mul3A_1389 : f32 to vector<16xf32>
    %mul3A_1391 = arith.mulf %get3A_1360, %mul3A_1390 : vector<16xf32>
    %exp3A_1392 = math.exp %mul3A_1391 : vector<16xf32>
    %add3A_1393 = arith.constant 1.000000e+00 : f32
    %add3A_1394 = vector.broadcast %add3A_1393 : f32 to vector<16xf32>
    %add3A_1395 = arith.addf %exp3A_1392, %add3A_1394 : vector<16xf32>
    %div3A_1396 = arith.constant 2.000000e+00 : f32
    %div3A_1397 = vector.broadcast %div3A_1396 : f32 to vector<16xf32>
    %div3A_1398 = arith.divf %div3A_1397, %add3A_1395 : vector<16xf32>
    %sub3A_1399 = arith.constant 1.000000e+00 : f32
    %sub3A_1400 = vector.broadcast %sub3A_1399 : f32 to vector<16xf32>
    %sub3A_1401 = arith.subf %sub3A_1400, %div3A_1398 : vector<16xf32>
    %neg3A_1402 = arith.constant 0.000000e+00 : f32
    %neg3A_1403 = vector.broadcast %neg3A_1402 : f32 to vector<16xf32>
    %neg3A_1404 = arith.subf %neg3A_1403, %add3A_1388 : vector<16xf32>
    %mul3A_1405 = arith.constant 1.000000e-01 : f32
    %mul3A_1406 = vector.broadcast %mul3A_1405 : f32 to vector<16xf32>
    %mul3A_1407 = arith.mulf %mul3A_1406, %sub3A_1401 : vector<16xf32>
    %add3A_1408 = arith.addf %neg3A_1404, %mul3A_1407 : vector<16xf32>
    %add3A_1409 = arith.addf %add3A_1383, %add3A_1408 : vector<16xf32>
    %mul3A_1410 = arith.constant 5.000000e-02 : f32
    %mul3A_1411 = vector.broadcast %mul3A_1410 : f32 to vector<16xf32>
    %mul3A_1412 = arith.mulf %mul3A_1411, %add3A_1409 : vector<16xf32>
    %add3A_1413 = arith.addf %get3A_1354, %mul3A_1412 : vector<16xf32>
    %add3A_1414 = arith.addf %add3A_1413, %get3A_1363 : vector<16xf32>
    %swap3A_1415 = arith.constant 320 : index
    %swap3A_1416 = tpu.vector_load %arg11[%swap3A_1415] {strides = array<i32>} : memref<1024xf32, #tpu.memory_space<vmem>>, vector<16xf32>,
    %swap3A_1417 = vector.shape_cast %swap3A_1416 : vector<16xf32> to vector<16xf32>
    %swap3A_1418 = vector.shape_cast %add3A_1414 : vector<16xf32> to vector<16xf32>
    tpu.vector_store %arg11[%swap3A_1415], %swap3A_1418 {strides = array<i32>} : memref<1024xf32, #tpu.memory_space<vmem>>, vector<16xf32>,
    %get3A_1419 = arith.constant 336 : index
    %get3A_1420 = tpu.vector_load %arg9[%get3A_1419] {strides = array<i32>} : memref<1024xf32, #tpu.memory_space<vmem>>, vector<16xf32>,
    %get3A_1421 = vector.shape_cast %get3A_1420 : vector<16xf32> to vector<16xf32>
    %get3A_1422 = arith.constant 336 : index
    %get3A_1423 = tpu.vector_load %arg7[%get3A_1422] {strides = array<i32>} : memref<1024xf32, #tpu.memory_space<vmem>>, vector<16xf32>,
    %get3A_1424 = vector.shape_cast %get3A_1423 : vector<16xf32> to vector<16xf32>
    %get3A_1425 = arith.constant 336 : index
    %get3A_1426 = tpu.vector_load %arg8[%get3A_1425] {strides = array<i32>} : memref<1024xf32, #tpu.memory_space<vmem>>, vector<16xf32>,
    %get3A_1427 = vector.shape_cast %get3A_1426 : vector<16xf32> to vector<16xf32>
    %get3A_1428 = arith.constant 336 : index
    %get3A_1429 = tpu.vector_load %arg10[%get3A_1428] {strides = array<i32>} : memref<1024xf32, #tpu.memory_space<vmem>>, vector<16xf32>,
    %get3A_1430 = vector.shape_cast %get3A_1429 : vector<16xf32> to vector<16xf32>
    %mul3A_1431 = arith.constant 2.000000e+00 : f32
    %mul3A_1432 = vector.broadcast %mul3A_1431 : f32 to vector<16xf32>
    %mul3A_1433 = arith.mulf %get3A_1424, %mul3A_1432 : vector<16xf32>
    %exp3A_1434 = math.exp %mul3A_1433 : vector<16xf32>
    %add3A_1435 = arith.constant 1.000000e+00 : f32
    %add3A_1436 = vector.broadcast %add3A_1435 : f32 to vector<16xf32>
    %add3A_1437 = arith.addf %exp3A_1434, %add3A_1436 : vector<16xf32>
    %div3A_1438 = arith.constant 2.000000e+00 : f32
    %div3A_1439 = vector.broadcast %div3A_1438 : f32 to vector<16xf32>
    %div3A_1440 = arith.divf %div3A_1439, %add3A_1437 : vector<16xf32>
    %sub3A_1441 = arith.constant 1.000000e+00 : f32
    %sub3A_1442 = vector.broadcast %sub3A_1441 : f32 to vector<16xf32>
    %sub3A_1443 = arith.subf %sub3A_1442, %div3A_1440 : vector<16xf32>
    %neg3A_1444 = arith.constant 0.000000e+00 : f32
    %neg3A_1445 = vector.broadcast %neg3A_1444 : f32 to vector<16xf32>
    %neg3A_1446 = arith.subf %neg3A_1445, %get3A_1421 : vector<16xf32>
    %mul3A_1447 = arith.constant 1.000000e-01 : f32
    %mul3A_1448 = vector.broadcast %mul3A_1447 : f32 to vector<16xf32>
    %mul3A_1449 = arith.mulf %mul3A_1448, %sub3A_1443 : vector<16xf32>
    %add3A_1450 = arith.addf %neg3A_1446, %mul3A_1449 : vector<16xf32>
    %mul3A_1451 = arith.constant 1.000000e-01 : f32
    %mul3A_1452 = vector.broadcast %mul3A_1451 : f32 to vector<16xf32>
    %mul3A_1453 = arith.mulf %mul3A_1452, %add3A_1450 : vector<16xf32>
    %add3A_1454 = arith.addf %get3A_1421, %mul3A_1453 : vector<16xf32>
    %add3A_1455 = arith.addf %add3A_1454, %get3A_1430 : vector<16xf32>
    %mul3A_1456 = arith.constant 2.000000e+00 : f32
    %mul3A_1457 = vector.broadcast %mul3A_1456 : f32 to vector<16xf32>
    %mul3A_1458 = arith.mulf %get3A_1427, %mul3A_1457 : vector<16xf32>
    %exp3A_1459 = math.exp %mul3A_1458 : vector<16xf32>
    %add3A_1460 = arith.constant 1.000000e+00 : f32
    %add3A_1461 = vector.broadcast %add3A_1460 : f32 to vector<16xf32>
    %add3A_1462 = arith.addf %exp3A_1459, %add3A_1461 : vector<16xf32>
    %div3A_1463 = arith.constant 2.000000e+00 : f32
    %div3A_1464 = vector.broadcast %div3A_1463 : f32 to vector<16xf32>
    %div3A_1465 = arith.divf %div3A_1464, %add3A_1462 : vector<16xf32>
    %sub3A_1466 = arith.constant 1.000000e+00 : f32
    %sub3A_1467 = vector.broadcast %sub3A_1466 : f32 to vector<16xf32>
    %sub3A_1468 = arith.subf %sub3A_1467, %div3A_1465 : vector<16xf32>
    %neg3A_1469 = arith.constant 0.000000e+00 : f32
    %neg3A_1470 = vector.broadcast %neg3A_1469 : f32 to vector<16xf32>
    %neg3A_1471 = arith.subf %neg3A_1470, %add3A_1455 : vector<16xf32>
    %mul3A_1472 = arith.constant 1.000000e-01 : f32
    %mul3A_1473 = vector.broadcast %mul3A_1472 : f32 to vector<16xf32>
    %mul3A_1474 = arith.mulf %mul3A_1473, %sub3A_1468 : vector<16xf32>
    %add3A_1475 = arith.addf %neg3A_1471, %mul3A_1474 : vector<16xf32>
    %add3A_1476 = arith.addf %add3A_1450, %add3A_1475 : vector<16xf32>
    %mul3A_1477 = arith.constant 5.000000e-02 : f32
    %mul3A_1478 = vector.broadcast %mul3A_1477 : f32 to vector<16xf32>
    %mul3A_1479 = arith.mulf %mul3A_1478, %add3A_1476 : vector<16xf32>
    %add3A_1480 = arith.addf %get3A_1421, %mul3A_1479 : vector<16xf32>
    %add3A_1481 = arith.addf %add3A_1480, %get3A_1430 : vector<16xf32>
    %swap3A_1482 = arith.constant 336 : index
    %swap3A_1483 = tpu.vector_load %arg11[%swap3A_1482] {strides = array<i32>} : memref<1024xf32, #tpu.memory_space<vmem>>, vector<16xf32>,
    %swap3A_1484 = vector.shape_cast %swap3A_1483 : vector<16xf32> to vector<16xf32>
    %swap3A_1485 = vector.shape_cast %add3A_1481 : vector<16xf32> to vector<16xf32>
    tpu.vector_store %arg11[%swap3A_1482], %swap3A_1485 {strides = array<i32>} : memref<1024xf32, #tpu.memory_space<vmem>>, vector<16xf32>,
    %get3A_1486 = arith.constant 352 : index
    %get3A_1487 = tpu.vector_load %arg9[%get3A_1486] {strides = array<i32>} : memref<1024xf32, #tpu.memory_space<vmem>>, vector<16xf32>,
    %get3A_1488 = vector.shape_cast %get3A_1487 : vector<16xf32> to vector<16xf32>
    %get3A_1489 = arith.constant 352 : index
    %get3A_1490 = tpu.vector_load %arg7[%get3A_1489] {strides = array<i32>} : memref<1024xf32, #tpu.memory_space<vmem>>, vector<16xf32>,
    %get3A_1491 = vector.shape_cast %get3A_1490 : vector<16xf32> to vector<16xf32>
    %get3A_1492 = arith.constant 352 : index
    %get3A_1493 = tpu.vector_load %arg8[%get3A_1492] {strides = array<i32>} : memref<1024xf32, #tpu.memory_space<vmem>>, vector<16xf32>,
    %get3A_1494 = vector.shape_cast %get3A_1493 : vector<16xf32> to vector<16xf32>
    %get3A_1495 = arith.constant 352 : index
    %get3A_1496 = tpu.vector_load %arg10[%get3A_1495] {strides = array<i32>} : memref<1024xf32, #tpu.memory_space<vmem>>, vector<16xf32>,
    %get3A_1497 = vector.shape_cast %get3A_1496 : vector<16xf32> to vector<16xf32>
    %mul3A_1498 = arith.constant 2.000000e+00 : f32
    %mul3A_1499 = vector.broadcast %mul3A_1498 : f32 to vector<16xf32>
    %mul3A_1500 = arith.mulf %get3A_1491, %mul3A_1499 : vector<16xf32>
    %exp3A_1501 = math.exp %mul3A_1500 : vector<16xf32>
    %add3A_1502 = arith.constant 1.000000e+00 : f32
    %add3A_1503 = vector.broadcast %add3A_1502 : f32 to vector<16xf32>
    %add3A_1504 = arith.addf %exp3A_1501, %add3A_1503 : vector<16xf32>
    %div3A_1505 = arith.constant 2.000000e+00 : f32
    %div3A_1506 = vector.broadcast %div3A_1505 : f32 to vector<16xf32>
    %div3A_1507 = arith.divf %div3A_1506, %add3A_1504 : vector<16xf32>
    %sub3A_1508 = arith.constant 1.000000e+00 : f32
    %sub3A_1509 = vector.broadcast %sub3A_1508 : f32 to vector<16xf32>
    %sub3A_1510 = arith.subf %sub3A_1509, %div3A_1507 : vector<16xf32>
    %neg3A_1511 = arith.constant 0.000000e+00 : f32
    %neg3A_1512 = vector.broadcast %neg3A_1511 : f32 to vector<16xf32>
    %neg3A_1513 = arith.subf %neg3A_1512, %get3A_1488 : vector<16xf32>
    %mul3A_1514 = arith.constant 1.000000e-01 : f32
    %mul3A_1515 = vector.broadcast %mul3A_1514 : f32 to vector<16xf32>
    %mul3A_1516 = arith.mulf %mul3A_1515, %sub3A_1510 : vector<16xf32>
    %add3A_1517 = arith.addf %neg3A_1513, %mul3A_1516 : vector<16xf32>
    %mul3A_1518 = arith.constant 1.000000e-01 : f32
    %mul3A_1519 = vector.broadcast %mul3A_1518 : f32 to vector<16xf32>
    %mul3A_1520 = arith.mulf %mul3A_1519, %add3A_1517 : vector<16xf32>
    %add3A_1521 = arith.addf %get3A_1488, %mul3A_1520 : vector<16xf32>
    %add3A_1522 = arith.addf %add3A_1521, %get3A_1497 : vector<16xf32>
    %mul3A_1523 = arith.constant 2.000000e+00 : f32
    %mul3A_1524 = vector.broadcast %mul3A_1523 : f32 to vector<16xf32>
    %mul3A_1525 = arith.mulf %get3A_1494, %mul3A_1524 : vector<16xf32>
    %exp3A_1526 = math.exp %mul3A_1525 : vector<16xf32>
    %add3A_1527 = arith.constant 1.000000e+00 : f32
    %add3A_1528 = vector.broadcast %add3A_1527 : f32 to vector<16xf32>
    %add3A_1529 = arith.addf %exp3A_1526, %add3A_1528 : vector<16xf32>
    %div3A_1530 = arith.constant 2.000000e+00 : f32
    %div3A_1531 = vector.broadcast %div3A_1530 : f32 to vector<16xf32>
    %div3A_1532 = arith.divf %div3A_1531, %add3A_1529 : vector<16xf32>
    %sub3A_1533 = arith.constant 1.000000e+00 : f32
    %sub3A_1534 = vector.broadcast %sub3A_1533 : f32 to vector<16xf32>
    %sub3A_1535 = arith.subf %sub3A_1534, %div3A_1532 : vector<16xf32>
    %neg3A_1536 = arith.constant 0.000000e+00 : f32
    %neg3A_1537 = vector.broadcast %neg3A_1536 : f32 to vector<16xf32>
    %neg3A_1538 = arith.subf %neg3A_1537, %add3A_1522 : vector<16xf32>
    %mul3A_1539 = arith.constant 1.000000e-01 : f32
    %mul3A_1540 = vector.broadcast %mul3A_1539 : f32 to vector<16xf32>
    %mul3A_1541 = arith.mulf %mul3A_1540, %sub3A_1535 : vector<16xf32>
    %add3A_1542 = arith.addf %neg3A_1538, %mul3A_1541 : vector<16xf32>
    %add3A_1543 = arith.addf %add3A_1517, %add3A_1542 : vector<16xf32>
    %mul3A_1544 = arith.constant 5.000000e-02 : f32
    %mul3A_1545 = vector.broadcast %mul3A_1544 : f32 to vector<16xf32>
    %mul3A_1546 = arith.mulf %mul3A_1545, %add3A_1543 : vector<16xf32>
    %add3A_1547 = arith.addf %get3A_1488, %mul3A_1546 : vector<16xf32>
    %add3A_1548 = arith.addf %add3A_1547, %get3A_1497 : vector<16xf32>
    %swap3A_1549 = arith.constant 352 : index
    %swap3A_1550 = tpu.vector_load %arg11[%swap3A_1549] {strides = array<i32>} : memref<1024xf32, #tpu.memory_space<vmem>>, vector<16xf32>,
    %swap3A_1551 = vector.shape_cast %swap3A_1550 : vector<16xf32> to vector<16xf32>
    %swap3A_1552 = vector.shape_cast %add3A_1548 : vector<16xf32> to vector<16xf32>
    tpu.vector_store %arg11[%swap3A_1549], %swap3A_1552 {strides = array<i32>} : memref<1024xf32, #tpu.memory_space<vmem>>, vector<16xf32>,
    %get3A_1553 = arith.constant 368 : index
    %get3A_1554 = tpu.vector_load %arg9[%get3A_1553] {strides = array<i32>} : memref<1024xf32, #tpu.memory_space<vmem>>, vector<16xf32>,
    %get3A_1555 = vector.shape_cast %get3A_1554 : vector<16xf32> to vector<16xf32>
    %get3A_1556 = arith.constant 368 : index
    %get3A_1557 = tpu.vector_load %arg7[%get3A_1556] {strides = array<i32>} : memref<1024xf32, #tpu.memory_space<vmem>>, vector<16xf32>,
    %get3A_1558 = vector.shape_cast %get3A_1557 : vector<16xf32> to vector<16xf32>
    %get3A_1559 = arith.constant 368 : index
    %get3A_1560 = tpu.vector_load %arg8[%get3A_1559] {strides = array<i32>} : memref<1024xf32, #tpu.memory_space<vmem>>, vector<16xf32>,
    %get3A_1561 = vector.shape_cast %get3A_1560 : vector<16xf32> to vector<16xf32>
    %get3A_1562 = arith.constant 368 : index
    %get3A_1563 = tpu.vector_load %arg10[%get3A_1562] {strides = array<i32>} : memref<1024xf32, #tpu.memory_space<vmem>>, vector<16xf32>,
    %get3A_1564 = vector.shape_cast %get3A_1563 : vector<16xf32> to vector<16xf32>
    %mul3A_1565 = arith.constant 2.000000e+00 : f32
    %mul3A_1566 = vector.broadcast %mul3A_1565 : f32 to vector<16xf32>
    %mul3A_1567 = arith.mulf %get3A_1558, %mul3A_1566 : vector<16xf32>
    %exp3A_1568 = math.exp %mul3A_1567 : vector<16xf32>
    %add3A_1569 = arith.constant 1.000000e+00 : f32
    %add3A_1570 = vector.broadcast %add3A_1569 : f32 to vector<16xf32>
    %add3A_1571 = arith.addf %exp3A_1568, %add3A_1570 : vector<16xf32>
    %div3A_1572 = arith.constant 2.000000e+00 : f32
    %div3A_1573 = vector.broadcast %div3A_1572 : f32 to vector<16xf32>
    %div3A_1574 = arith.divf %div3A_1573, %add3A_1571 : vector<16xf32>
    %sub3A_1575 = arith.constant 1.000000e+00 : f32
    %sub3A_1576 = vector.broadcast %sub3A_1575 : f32 to vector<16xf32>
    %sub3A_1577 = arith.subf %sub3A_1576, %div3A_1574 : vector<16xf32>
    %neg3A_1578 = arith.constant 0.000000e+00 : f32
    %neg3A_1579 = vector.broadcast %neg3A_1578 : f32 to vector<16xf32>
    %neg3A_1580 = arith.subf %neg3A_1579, %get3A_1555 : vector<16xf32>
    %mul3A_1581 = arith.constant 1.000000e-01 : f32
    %mul3A_1582 = vector.broadcast %mul3A_1581 : f32 to vector<16xf32>
    %mul3A_1583 = arith.mulf %mul3A_1582, %sub3A_1577 : vector<16xf32>
    %add3A_1584 = arith.addf %neg3A_1580, %mul3A_1583 : vector<16xf32>
    %mul3A_1585 = arith.constant 1.000000e-01 : f32
    %mul3A_1586 = vector.broadcast %mul3A_1585 : f32 to vector<16xf32>
    %mul3A_1587 = arith.mulf %mul3A_1586, %add3A_1584 : vector<16xf32>
    %add3A_1588 = arith.addf %get3A_1555, %mul3A_1587 : vector<16xf32>
    %add3A_1589 = arith.addf %add3A_1588, %get3A_1564 : vector<16xf32>
    %mul3A_1590 = arith.constant 2.000000e+00 : f32
    %mul3A_1591 = vector.broadcast %mul3A_1590 : f32 to vector<16xf32>
    %mul3A_1592 = arith.mulf %get3A_1561, %mul3A_1591 : vector<16xf32>
    %exp3A_1593 = math.exp %mul3A_1592 : vector<16xf32>
    %add3A_1594 = arith.constant 1.000000e+00 : f32
    %add3A_1595 = vector.broadcast %add3A_1594 : f32 to vector<16xf32>
    %add3A_1596 = arith.addf %exp3A_1593, %add3A_1595 : vector<16xf32>
    %div3A_1597 = arith.constant 2.000000e+00 : f32
    %div3A_1598 = vector.broadcast %div3A_1597 : f32 to vector<16xf32>
    %div3A_1599 = arith.divf %div3A_1598, %add3A_1596 : vector<16xf32>
    %sub3A_1600 = arith.constant 1.000000e+00 : f32
    %sub3A_1601 = vector.broadcast %sub3A_1600 : f32 to vector<16xf32>
    %sub3A_1602 = arith.subf %sub3A_1601, %div3A_1599 : vector<16xf32>
    %neg3A_1603 = arith.constant 0.000000e+00 : f32
    %neg3A_1604 = vector.broadcast %neg3A_1603 : f32 to vector<16xf32>
    %neg3A_1605 = arith.subf %neg3A_1604, %add3A_1589 : vector<16xf32>
    %mul3A_1606 = arith.constant 1.000000e-01 : f32
    %mul3A_1607 = vector.broadcast %mul3A_1606 : f32 to vector<16xf32>
    %mul3A_1608 = arith.mulf %mul3A_1607, %sub3A_1602 : vector<16xf32>
    %add3A_1609 = arith.addf %neg3A_1605, %mul3A_1608 : vector<16xf32>
    %add3A_1610 = arith.addf %add3A_1584, %add3A_1609 : vector<16xf32>
    %mul3A_1611 = arith.constant 5.000000e-02 : f32
    %mul3A_1612 = vector.broadcast %mul3A_1611 : f32 to vector<16xf32>
    %mul3A_1613 = arith.mulf %mul3A_1612, %add3A_1610 : vector<16xf32>
    %add3A_1614 = arith.addf %get3A_1555, %mul3A_1613 : vector<16xf32>
    %add3A_1615 = arith.addf %add3A_1614, %get3A_1564 : vector<16xf32>
    %swap3A_1616 = arith.constant 368 : index
    %swap3A_1617 = tpu.vector_load %arg11[%swap3A_1616] {strides = array<i32>} : memref<1024xf32, #tpu.memory_space<vmem>>, vector<16xf32>,
    %swap3A_1618 = vector.shape_cast %swap3A_1617 : vector<16xf32> to vector<16xf32>
    %swap3A_1619 = vector.shape_cast %add3A_1615 : vector<16xf32> to vector<16xf32>
    tpu.vector_store %arg11[%swap3A_1616], %swap3A_1619 {strides = array<i32>} : memref<1024xf32, #tpu.memory_space<vmem>>, vector<16xf32>,
    %get3A_1620 = arith.constant 384 : index
    %get3A_1621 = tpu.vector_load %arg9[%get3A_1620] {strides = array<i32>} : memref<1024xf32, #tpu.memory_space<vmem>>, vector<16xf32>,
    %get3A_1622 = vector.shape_cast %get3A_1621 : vector<16xf32> to vector<16xf32>
    %get3A_1623 = arith.constant 384 : index
    %get3A_1624 = tpu.vector_load %arg7[%get3A_1623] {strides = array<i32>} : memref<1024xf32, #tpu.memory_space<vmem>>, vector<16xf32>,
    %get3A_1625 = vector.shape_cast %get3A_1624 : vector<16xf32> to vector<16xf32>
    %get3A_1626 = arith.constant 384 : index
    %get3A_1627 = tpu.vector_load %arg8[%get3A_1626] {strides = array<i32>} : memref<1024xf32, #tpu.memory_space<vmem>>, vector<16xf32>,
    %get3A_1628 = vector.shape_cast %get3A_1627 : vector<16xf32> to vector<16xf32>
    %get3A_1629 = arith.constant 384 : index
    %get3A_1630 = tpu.vector_load %arg10[%get3A_1629] {strides = array<i32>} : memref<1024xf32, #tpu.memory_space<vmem>>, vector<16xf32>,
    %get3A_1631 = vector.shape_cast %get3A_1630 : vector<16xf32> to vector<16xf32>
    %mul3A_1632 = arith.constant 2.000000e+00 : f32
    %mul3A_1633 = vector.broadcast %mul3A_1632 : f32 to vector<16xf32>
    %mul3A_1634 = arith.mulf %get3A_1625, %mul3A_1633 : vector<16xf32>
    %exp3A_1635 = math.exp %mul3A_1634 : vector<16xf32>
    %add3A_1636 = arith.constant 1.000000e+00 : f32
    %add3A_1637 = vector.broadcast %add3A_1636 : f32 to vector<16xf32>
    %add3A_1638 = arith.addf %exp3A_1635, %add3A_1637 : vector<16xf32>
    %div3A_1639 = arith.constant 2.000000e+00 : f32
    %div3A_1640 = vector.broadcast %div3A_1639 : f32 to vector<16xf32>
    %div3A_1641 = arith.divf %div3A_1640, %add3A_1638 : vector<16xf32>
    %sub3A_1642 = arith.constant 1.000000e+00 : f32
    %sub3A_1643 = vector.broadcast %sub3A_1642 : f32 to vector<16xf32>
    %sub3A_1644 = arith.subf %sub3A_1643, %div3A_1641 : vector<16xf32>
    %neg3A_1645 = arith.constant 0.000000e+00 : f32
    %neg3A_1646 = vector.broadcast %neg3A_1645 : f32 to vector<16xf32>
    %neg3A_1647 = arith.subf %neg3A_1646, %get3A_1622 : vector<16xf32>
    %mul3A_1648 = arith.constant 1.000000e-01 : f32
    %mul3A_1649 = vector.broadcast %mul3A_1648 : f32 to vector<16xf32>
    %mul3A_1650 = arith.mulf %mul3A_1649, %sub3A_1644 : vector<16xf32>
    %add3A_1651 = arith.addf %neg3A_1647, %mul3A_1650 : vector<16xf32>
    %mul3A_1652 = arith.constant 1.000000e-01 : f32
    %mul3A_1653 = vector.broadcast %mul3A_1652 : f32 to vector<16xf32>
    %mul3A_1654 = arith.mulf %mul3A_1653, %add3A_1651 : vector<16xf32>
    %add3A_1655 = arith.addf %get3A_1622, %mul3A_1654 : vector<16xf32>
    %add3A_1656 = arith.addf %add3A_1655, %get3A_1631 : vector<16xf32>
    %mul3A_1657 = arith.constant 2.000000e+00 : f32
    %mul3A_1658 = vector.broadcast %mul3A_1657 : f32 to vector<16xf32>
    %mul3A_1659 = arith.mulf %get3A_1628, %mul3A_1658 : vector<16xf32>
    %exp3A_1660 = math.exp %mul3A_1659 : vector<16xf32>
    %add3A_1661 = arith.constant 1.000000e+00 : f32
    %add3A_1662 = vector.broadcast %add3A_1661 : f32 to vector<16xf32>
    %add3A_1663 = arith.addf %exp3A_1660, %add3A_1662 : vector<16xf32>
    %div3A_1664 = arith.constant 2.000000e+00 : f32
    %div3A_1665 = vector.broadcast %div3A_1664 : f32 to vector<16xf32>
    %div3A_1666 = arith.divf %div3A_1665, %add3A_1663 : vector<16xf32>
    %sub3A_1667 = arith.constant 1.000000e+00 : f32
    %sub3A_1668 = vector.broadcast %sub3A_1667 : f32 to vector<16xf32>
    %sub3A_1669 = arith.subf %sub3A_1668, %div3A_1666 : vector<16xf32>
    %neg3A_1670 = arith.constant 0.000000e+00 : f32
    %neg3A_1671 = vector.broadcast %neg3A_1670 : f32 to vector<16xf32>
    %neg3A_1672 = arith.subf %neg3A_1671, %add3A_1656 : vector<16xf32>
    %mul3A_1673 = arith.constant 1.000000e-01 : f32
    %mul3A_1674 = vector.broadcast %mul3A_1673 : f32 to vector<16xf32>
    %mul3A_1675 = arith.mulf %mul3A_1674, %sub3A_1669 : vector<16xf32>
    %add3A_1676 = arith.addf %neg3A_1672, %mul3A_1675 : vector<16xf32>
    %add3A_1677 = arith.addf %add3A_1651, %add3A_1676 : vector<16xf32>
    %mul3A_1678 = arith.constant 5.000000e-02 : f32
    %mul3A_1679 = vector.broadcast %mul3A_1678 : f32 to vector<16xf32>
    %mul3A_1680 = arith.mulf %mul3A_1679, %add3A_1677 : vector<16xf32>
    %add3A_1681 = arith.addf %get3A_1622, %mul3A_1680 : vector<16xf32>
    %add3A_1682 = arith.addf %add3A_1681, %get3A_1631 : vector<16xf32>
    %swap3A_1683 = arith.constant 384 : index
    %swap3A_1684 = tpu.vector_load %arg11[%swap3A_1683] {strides = array<i32>} : memref<1024xf32, #tpu.memory_space<vmem>>, vector<16xf32>,
    %swap3A_1685 = vector.shape_cast %swap3A_1684 : vector<16xf32> to vector<16xf32>
    %swap3A_1686 = vector.shape_cast %add3A_1682 : vector<16xf32> to vector<16xf32>
    tpu.vector_store %arg11[%swap3A_1683], %swap3A_1686 {strides = array<i32>} : memref<1024xf32, #tpu.memory_space<vmem>>, vector<16xf32>,
    %get3A_1687 = arith.constant 400 : index
    %get3A_1688 = tpu.vector_load %arg9[%get3A_1687] {strides = array<i32>} : memref<1024xf32, #tpu.memory_space<vmem>>, vector<16xf32>,
    %get3A_1689 = vector.shape_cast %get3A_1688 : vector<16xf32> to vector<16xf32>
    %get3A_1690 = arith.constant 400 : index
    %get3A_1691 = tpu.vector_load %arg7[%get3A_1690] {strides = array<i32>} : memref<1024xf32, #tpu.memory_space<vmem>>, vector<16xf32>,
    %get3A_1692 = vector.shape_cast %get3A_1691 : vector<16xf32> to vector<16xf32>
    %get3A_1693 = arith.constant 400 : index
    %get3A_1694 = tpu.vector_load %arg8[%get3A_1693] {strides = array<i32>} : memref<1024xf32, #tpu.memory_space<vmem>>, vector<16xf32>,
    %get3A_1695 = vector.shape_cast %get3A_1694 : vector<16xf32> to vector<16xf32>
    %get3A_1696 = arith.constant 400 : index
    %get3A_1697 = tpu.vector_load %arg10[%get3A_1696] {strides = array<i32>} : memref<1024xf32, #tpu.memory_space<vmem>>, vector<16xf32>,
    %get3A_1698 = vector.shape_cast %get3A_1697 : vector<16xf32> to vector<16xf32>
    %mul3A_1699 = arith.constant 2.000000e+00 : f32
    %mul3A_1700 = vector.broadcast %mul3A_1699 : f32 to vector<16xf32>
    %mul3A_1701 = arith.mulf %get3A_1692, %mul3A_1700 : vector<16xf32>
    %exp3A_1702 = math.exp %mul3A_1701 : vector<16xf32>
    %add3A_1703 = arith.constant 1.000000e+00 : f32
    %add3A_1704 = vector.broadcast %add3A_1703 : f32 to vector<16xf32>
    %add3A_1705 = arith.addf %exp3A_1702, %add3A_1704 : vector<16xf32>
    %div3A_1706 = arith.constant 2.000000e+00 : f32
    %div3A_1707 = vector.broadcast %div3A_1706 : f32 to vector<16xf32>
    %div3A_1708 = arith.divf %div3A_1707, %add3A_1705 : vector<16xf32>
    %sub3A_1709 = arith.constant 1.000000e+00 : f32
    %sub3A_1710 = vector.broadcast %sub3A_1709 : f32 to vector<16xf32>
    %sub3A_1711 = arith.subf %sub3A_1710, %div3A_1708 : vector<16xf32>
    %neg3A_1712 = arith.constant 0.000000e+00 : f32
    %neg3A_1713 = vector.broadcast %neg3A_1712 : f32 to vector<16xf32>
    %neg3A_1714 = arith.subf %neg3A_1713, %get3A_1689 : vector<16xf32>
    %mul3A_1715 = arith.constant 1.000000e-01 : f32
    %mul3A_1716 = vector.broadcast %mul3A_1715 : f32 to vector<16xf32>
    %mul3A_1717 = arith.mulf %mul3A_1716, %sub3A_1711 : vector<16xf32>
    %add3A_1718 = arith.addf %neg3A_1714, %mul3A_1717 : vector<16xf32>
    %mul3A_1719 = arith.constant 1.000000e-01 : f32
    %mul3A_1720 = vector.broadcast %mul3A_1719 : f32 to vector<16xf32>
    %mul3A_1721 = arith.mulf %mul3A_1720, %add3A_1718 : vector<16xf32>
    %add3A_1722 = arith.addf %get3A_1689, %mul3A_1721 : vector<16xf32>
    %add3A_1723 = arith.addf %add3A_1722, %get3A_1698 : vector<16xf32>
    %mul3A_1724 = arith.constant 2.000000e+00 : f32
    %mul3A_1725 = vector.broadcast %mul3A_1724 : f32 to vector<16xf32>
    %mul3A_1726 = arith.mulf %get3A_1695, %mul3A_1725 : vector<16xf32>
    %exp3A_1727 = math.exp %mul3A_1726 : vector<16xf32>
    %add3A_1728 = arith.constant 1.000000e+00 : f32
    %add3A_1729 = vector.broadcast %add3A_1728 : f32 to vector<16xf32>
    %add3A_1730 = arith.addf %exp3A_1727, %add3A_1729 : vector<16xf32>
    %div3A_1731 = arith.constant 2.000000e+00 : f32
    %div3A_1732 = vector.broadcast %div3A_1731 : f32 to vector<16xf32>
    %div3A_1733 = arith.divf %div3A_1732, %add3A_1730 : vector<16xf32>
    %sub3A_1734 = arith.constant 1.000000e+00 : f32
    %sub3A_1735 = vector.broadcast %sub3A_1734 : f32 to vector<16xf32>
    %sub3A_1736 = arith.subf %sub3A_1735, %div3A_1733 : vector<16xf32>
    %neg3A_1737 = arith.constant 0.000000e+00 : f32
    %neg3A_1738 = vector.broadcast %neg3A_1737 : f32 to vector<16xf32>
    %neg3A_1739 = arith.subf %neg3A_1738, %add3A_1723 : vector<16xf32>
    %mul3A_1740 = arith.constant 1.000000e-01 : f32
    %mul3A_1741 = vector.broadcast %mul3A_1740 : f32 to vector<16xf32>
    %mul3A_1742 = arith.mulf %mul3A_1741, %sub3A_1736 : vector<16xf32>
    %add3A_1743 = arith.addf %neg3A_1739, %mul3A_1742 : vector<16xf32>
    %add3A_1744 = arith.addf %add3A_1718, %add3A_1743 : vector<16xf32>
    %mul3A_1745 = arith.constant 5.000000e-02 : f32
    %mul3A_1746 = vector.broadcast %mul3A_1745 : f32 to vector<16xf32>
    %mul3A_1747 = arith.mulf %mul3A_1746, %add3A_1744 : vector<16xf32>
    %add3A_1748 = arith.addf %get3A_1689, %mul3A_1747 : vector<16xf32>
    %add3A_1749 = arith.addf %add3A_1748, %get3A_1698 : vector<16xf32>
    %swap3A_1750 = arith.constant 400 : index
    %swap3A_1751 = tpu.vector_load %arg11[%swap3A_1750] {strides = array<i32>} : memref<1024xf32, #tpu.memory_space<vmem>>, vector<16xf32>,
    %swap3A_1752 = vector.shape_cast %swap3A_1751 : vector<16xf32> to vector<16xf32>
    %swap3A_1753 = vector.shape_cast %add3A_1749 : vector<16xf32> to vector<16xf32>
    tpu.vector_store %arg11[%swap3A_1750], %swap3A_1753 {strides = array<i32>} : memref<1024xf32, #tpu.memory_space<vmem>>, vector<16xf32>,
    %get3A_1754 = arith.constant 416 : index
    %get3A_1755 = tpu.vector_load %arg9[%get3A_1754] {strides = array<i32>} : memref<1024xf32, #tpu.memory_space<vmem>>, vector<16xf32>,
    %get3A_1756 = vector.shape_cast %get3A_1755 : vector<16xf32> to vector<16xf32>
    %get3A_1757 = arith.constant 416 : index
    %get3A_1758 = tpu.vector_load %arg7[%get3A_1757] {strides = array<i32>} : memref<1024xf32, #tpu.memory_space<vmem>>, vector<16xf32>,
    %get3A_1759 = vector.shape_cast %get3A_1758 : vector<16xf32> to vector<16xf32>
    %get3A_1760 = arith.constant 416 : index
    %get3A_1761 = tpu.vector_load %arg8[%get3A_1760] {strides = array<i32>} : memref<1024xf32, #tpu.memory_space<vmem>>, vector<16xf32>,
    %get3A_1762 = vector.shape_cast %get3A_1761 : vector<16xf32> to vector<16xf32>
    %get3A_1763 = arith.constant 416 : index
    %get3A_1764 = tpu.vector_load %arg10[%get3A_1763] {strides = array<i32>} : memref<1024xf32, #tpu.memory_space<vmem>>, vector<16xf32>,
    %get3A_1765 = vector.shape_cast %get3A_1764 : vector<16xf32> to vector<16xf32>
    %mul3A_1766 = arith.constant 2.000000e+00 : f32
    %mul3A_1767 = vector.broadcast %mul3A_1766 : f32 to vector<16xf32>
    %mul3A_1768 = arith.mulf %get3A_1759, %mul3A_1767 : vector<16xf32>
    %exp3A_1769 = math.exp %mul3A_1768 : vector<16xf32>
    %add3A_1770 = arith.constant 1.000000e+00 : f32
    %add3A_1771 = vector.broadcast %add3A_1770 : f32 to vector<16xf32>
    %add3A_1772 = arith.addf %exp3A_1769, %add3A_1771 : vector<16xf32>
    %div3A_1773 = arith.constant 2.000000e+00 : f32
    %div3A_1774 = vector.broadcast %div3A_1773 : f32 to vector<16xf32>
    %div3A_1775 = arith.divf %div3A_1774, %add3A_1772 : vector<16xf32>
    %sub3A_1776 = arith.constant 1.000000e+00 : f32
    %sub3A_1777 = vector.broadcast %sub3A_1776 : f32 to vector<16xf32>
    %sub3A_1778 = arith.subf %sub3A_1777, %div3A_1775 : vector<16xf32>
    %neg3A_1779 = arith.constant 0.000000e+00 : f32
    %neg3A_1780 = vector.broadcast %neg3A_1779 : f32 to vector<16xf32>
    %neg3A_1781 = arith.subf %neg3A_1780, %get3A_1756 : vector<16xf32>
    %mul3A_1782 = arith.constant 1.000000e-01 : f32
    %mul3A_1783 = vector.broadcast %mul3A_1782 : f32 to vector<16xf32>
    %mul3A_1784 = arith.mulf %mul3A_1783, %sub3A_1778 : vector<16xf32>
    %add3A_1785 = arith.addf %neg3A_1781, %mul3A_1784 : vector<16xf32>
    %mul3A_1786 = arith.constant 1.000000e-01 : f32
    %mul3A_1787 = vector.broadcast %mul3A_1786 : f32 to vector<16xf32>
    %mul3A_1788 = arith.mulf %mul3A_1787, %add3A_1785 : vector<16xf32>
    %add3A_1789 = arith.addf %get3A_1756, %mul3A_1788 : vector<16xf32>
    %add3A_1790 = arith.addf %add3A_1789, %get3A_1765 : vector<16xf32>
    %mul3A_1791 = arith.constant 2.000000e+00 : f32
    %mul3A_1792 = vector.broadcast %mul3A_1791 : f32 to vector<16xf32>
    %mul3A_1793 = arith.mulf %get3A_1762, %mul3A_1792 : vector<16xf32>
    %exp3A_1794 = math.exp %mul3A_1793 : vector<16xf32>
    %add3A_1795 = arith.constant 1.000000e+00 : f32
    %add3A_1796 = vector.broadcast %add3A_1795 : f32 to vector<16xf32>
    %add3A_1797 = arith.addf %exp3A_1794, %add3A_1796 : vector<16xf32>
    %div3A_1798 = arith.constant 2.000000e+00 : f32
    %div3A_1799 = vector.broadcast %div3A_1798 : f32 to vector<16xf32>
    %div3A_1800 = arith.divf %div3A_1799, %add3A_1797 : vector<16xf32>
    %sub3A_1801 = arith.constant 1.000000e+00 : f32
    %sub3A_1802 = vector.broadcast %sub3A_1801 : f32 to vector<16xf32>
    %sub3A_1803 = arith.subf %sub3A_1802, %div3A_1800 : vector<16xf32>
    %neg3A_1804 = arith.constant 0.000000e+00 : f32
    %neg3A_1805 = vector.broadcast %neg3A_1804 : f32 to vector<16xf32>
    %neg3A_1806 = arith.subf %neg3A_1805, %add3A_1790 : vector<16xf32>
    %mul3A_1807 = arith.constant 1.000000e-01 : f32
    %mul3A_1808 = vector.broadcast %mul3A_1807 : f32 to vector<16xf32>
    %mul3A_1809 = arith.mulf %mul3A_1808, %sub3A_1803 : vector<16xf32>
    %add3A_1810 = arith.addf %neg3A_1806, %mul3A_1809 : vector<16xf32>
    %add3A_1811 = arith.addf %add3A_1785, %add3A_1810 : vector<16xf32>
    %mul3A_1812 = arith.constant 5.000000e-02 : f32
    %mul3A_1813 = vector.broadcast %mul3A_1812 : f32 to vector<16xf32>
    %mul3A_1814 = arith.mulf %mul3A_1813, %add3A_1811 : vector<16xf32>
    %add3A_1815 = arith.addf %get3A_1756, %mul3A_1814 : vector<16xf32>
    %add3A_1816 = arith.addf %add3A_1815, %get3A_1765 : vector<16xf32>
    %swap3A_1817 = arith.constant 416 : index
    %swap3A_1818 = tpu.vector_load %arg11[%swap3A_1817] {strides = array<i32>} : memref<1024xf32, #tpu.memory_space<vmem>>, vector<16xf32>,
    %swap3A_1819 = vector.shape_cast %swap3A_1818 : vector<16xf32> to vector<16xf32>
    %swap3A_1820 = vector.shape_cast %add3A_1816 : vector<16xf32> to vector<16xf32>
    tpu.vector_store %arg11[%swap3A_1817], %swap3A_1820 {strides = array<i32>} : memref<1024xf32, #tpu.memory_space<vmem>>, vector<16xf32>,
    %get3A_1821 = arith.constant 432 : index
    %get3A_1822 = tpu.vector_load %arg9[%get3A_1821] {strides = array<i32>} : memref<1024xf32, #tpu.memory_space<vmem>>, vector<16xf32>,
    %get3A_1823 = vector.shape_cast %get3A_1822 : vector<16xf32> to vector<16xf32>
    %get3A_1824 = arith.constant 432 : index
    %get3A_1825 = tpu.vector_load %arg7[%get3A_1824] {strides = array<i32>} : memref<1024xf32, #tpu.memory_space<vmem>>, vector<16xf32>,
    %get3A_1826 = vector.shape_cast %get3A_1825 : vector<16xf32> to vector<16xf32>
    %get3A_1827 = arith.constant 432 : index
    %get3A_1828 = tpu.vector_load %arg8[%get3A_1827] {strides = array<i32>} : memref<1024xf32, #tpu.memory_space<vmem>>, vector<16xf32>,
    %get3A_1829 = vector.shape_cast %get3A_1828 : vector<16xf32> to vector<16xf32>
    %get3A_1830 = arith.constant 432 : index
    %get3A_1831 = tpu.vector_load %arg10[%get3A_1830] {strides = array<i32>} : memref<1024xf32, #tpu.memory_space<vmem>>, vector<16xf32>,
    %get3A_1832 = vector.shape_cast %get3A_1831 : vector<16xf32> to vector<16xf32>
    %mul3A_1833 = arith.constant 2.000000e+00 : f32
    %mul3A_1834 = vector.broadcast %mul3A_1833 : f32 to vector<16xf32>
    %mul3A_1835 = arith.mulf %get3A_1826, %mul3A_1834 : vector<16xf32>
    %exp3A_1836 = math.exp %mul3A_1835 : vector<16xf32>
    %add3A_1837 = arith.constant 1.000000e+00 : f32
    %add3A_1838 = vector.broadcast %add3A_1837 : f32 to vector<16xf32>
    %add3A_1839 = arith.addf %exp3A_1836, %add3A_1838 : vector<16xf32>
    %div3A_1840 = arith.constant 2.000000e+00 : f32
    %div3A_1841 = vector.broadcast %div3A_1840 : f32 to vector<16xf32>
    %div3A_1842 = arith.divf %div3A_1841, %add3A_1839 : vector<16xf32>
    %sub3A_1843 = arith.constant 1.000000e+00 : f32
    %sub3A_1844 = vector.broadcast %sub3A_1843 : f32 to vector<16xf32>
    %sub3A_1845 = arith.subf %sub3A_1844, %div3A_1842 : vector<16xf32>
    %neg3A_1846 = arith.constant 0.000000e+00 : f32
    %neg3A_1847 = vector.broadcast %neg3A_1846 : f32 to vector<16xf32>
    %neg3A_1848 = arith.subf %neg3A_1847, %get3A_1823 : vector<16xf32>
    %mul3A_1849 = arith.constant 1.000000e-01 : f32
    %mul3A_1850 = vector.broadcast %mul3A_1849 : f32 to vector<16xf32>
    %mul3A_1851 = arith.mulf %mul3A_1850, %sub3A_1845 : vector<16xf32>
    %add3A_1852 = arith.addf %neg3A_1848, %mul3A_1851 : vector<16xf32>
    %mul3A_1853 = arith.constant 1.000000e-01 : f32
    %mul3A_1854 = vector.broadcast %mul3A_1853 : f32 to vector<16xf32>
    %mul3A_1855 = arith.mulf %mul3A_1854, %add3A_1852 : vector<16xf32>
    %add3A_1856 = arith.addf %get3A_1823, %mul3A_1855 : vector<16xf32>
    %add3A_1857 = arith.addf %add3A_1856, %get3A_1832 : vector<16xf32>
    %mul3A_1858 = arith.constant 2.000000e+00 : f32
    %mul3A_1859 = vector.broadcast %mul3A_1858 : f32 to vector<16xf32>
    %mul3A_1860 = arith.mulf %get3A_1829, %mul3A_1859 : vector<16xf32>
    %exp3A_1861 = math.exp %mul3A_1860 : vector<16xf32>
    %add3A_1862 = arith.constant 1.000000e+00 : f32
    %add3A_1863 = vector.broadcast %add3A_1862 : f32 to vector<16xf32>
    %add3A_1864 = arith.addf %exp3A_1861, %add3A_1863 : vector<16xf32>
    %div3A_1865 = arith.constant 2.000000e+00 : f32
    %div3A_1866 = vector.broadcast %div3A_1865 : f32 to vector<16xf32>
    %div3A_1867 = arith.divf %div3A_1866, %add3A_1864 : vector<16xf32>
    %sub3A_1868 = arith.constant 1.000000e+00 : f32
    %sub3A_1869 = vector.broadcast %sub3A_1868 : f32 to vector<16xf32>
    %sub3A_1870 = arith.subf %sub3A_1869, %div3A_1867 : vector<16xf32>
    %neg3A_1871 = arith.constant 0.000000e+00 : f32
    %neg3A_1872 = vector.broadcast %neg3A_1871 : f32 to vector<16xf32>
    %neg3A_1873 = arith.subf %neg3A_1872, %add3A_1857 : vector<16xf32>
    %mul3A_1874 = arith.constant 1.000000e-01 : f32
    %mul3A_1875 = vector.broadcast %mul3A_1874 : f32 to vector<16xf32>
    %mul3A_1876 = arith.mulf %mul3A_1875, %sub3A_1870 : vector<16xf32>
    %add3A_1877 = arith.addf %neg3A_1873, %mul3A_1876 : vector<16xf32>
    %add3A_1878 = arith.addf %add3A_1852, %add3A_1877 : vector<16xf32>
    %mul3A_1879 = arith.constant 5.000000e-02 : f32
    %mul3A_1880 = vector.broadcast %mul3A_1879 : f32 to vector<16xf32>
    %mul3A_1881 = arith.mulf %mul3A_1880, %add3A_1878 : vector<16xf32>
    %add3A_1882 = arith.addf %get3A_1823, %mul3A_1881 : vector<16xf32>
    %add3A_1883 = arith.addf %add3A_1882, %get3A_1832 : vector<16xf32>
    %swap3A_1884 = arith.constant 432 : index
    %swap3A_1885 = tpu.vector_load %arg11[%swap3A_1884] {strides = array<i32>} : memref<1024xf32, #tpu.memory_space<vmem>>, vector<16xf32>,
    %swap3A_1886 = vector.shape_cast %swap3A_1885 : vector<16xf32> to vector<16xf32>
    %swap3A_1887 = vector.shape_cast %add3A_1883 : vector<16xf32> to vector<16xf32>
    tpu.vector_store %arg11[%swap3A_1884], %swap3A_1887 {strides = array<i32>} : memref<1024xf32, #tpu.memory_space<vmem>>, vector<16xf32>,
    %get3A_1888 = arith.constant 448 : index
    %get3A_1889 = tpu.vector_load %arg9[%get3A_1888] {strides = array<i32>} : memref<1024xf32, #tpu.memory_space<vmem>>, vector<16xf32>,
    %get3A_1890 = vector.shape_cast %get3A_1889 : vector<16xf32> to vector<16xf32>
    %get3A_1891 = arith.constant 448 : index
    %get3A_1892 = tpu.vector_load %arg7[%get3A_1891] {strides = array<i32>} : memref<1024xf32, #tpu.memory_space<vmem>>, vector<16xf32>,
    %get3A_1893 = vector.shape_cast %get3A_1892 : vector<16xf32> to vector<16xf32>
    %get3A_1894 = arith.constant 448 : index
    %get3A_1895 = tpu.vector_load %arg8[%get3A_1894] {strides = array<i32>} : memref<1024xf32, #tpu.memory_space<vmem>>, vector<16xf32>,
    %get3A_1896 = vector.shape_cast %get3A_1895 : vector<16xf32> to vector<16xf32>
    %get3A_1897 = arith.constant 448 : index
    %get3A_1898 = tpu.vector_load %arg10[%get3A_1897] {strides = array<i32>} : memref<1024xf32, #tpu.memory_space<vmem>>, vector<16xf32>,
    %get3A_1899 = vector.shape_cast %get3A_1898 : vector<16xf32> to vector<16xf32>
    %mul3A_1900 = arith.constant 2.000000e+00 : f32
    %mul3A_1901 = vector.broadcast %mul3A_1900 : f32 to vector<16xf32>
    %mul3A_1902 = arith.mulf %get3A_1893, %mul3A_1901 : vector<16xf32>
    %exp3A_1903 = math.exp %mul3A_1902 : vector<16xf32>
    %add3A_1904 = arith.constant 1.000000e+00 : f32
    %add3A_1905 = vector.broadcast %add3A_1904 : f32 to vector<16xf32>
    %add3A_1906 = arith.addf %exp3A_1903, %add3A_1905 : vector<16xf32>
    %div3A_1907 = arith.constant 2.000000e+00 : f32
    %div3A_1908 = vector.broadcast %div3A_1907 : f32 to vector<16xf32>
    %div3A_1909 = arith.divf %div3A_1908, %add3A_1906 : vector<16xf32>
    %sub3A_1910 = arith.constant 1.000000e+00 : f32
    %sub3A_1911 = vector.broadcast %sub3A_1910 : f32 to vector<16xf32>
    %sub3A_1912 = arith.subf %sub3A_1911, %div3A_1909 : vector<16xf32>
    %neg3A_1913 = arith.constant 0.000000e+00 : f32
    %neg3A_1914 = vector.broadcast %neg3A_1913 : f32 to vector<16xf32>
    %neg3A_1915 = arith.subf %neg3A_1914, %get3A_1890 : vector<16xf32>
    %mul3A_1916 = arith.constant 1.000000e-01 : f32
    %mul3A_1917 = vector.broadcast %mul3A_1916 : f32 to vector<16xf32>
    %mul3A_1918 = arith.mulf %mul3A_1917, %sub3A_1912 : vector<16xf32>
    %add3A_1919 = arith.addf %neg3A_1915, %mul3A_1918 : vector<16xf32>
    %mul3A_1920 = arith.constant 1.000000e-01 : f32
    %mul3A_1921 = vector.broadcast %mul3A_1920 : f32 to vector<16xf32>
    %mul3A_1922 = arith.mulf %mul3A_1921, %add3A_1919 : vector<16xf32>
    %add3A_1923 = arith.addf %get3A_1890, %mul3A_1922 : vector<16xf32>
    %add3A_1924 = arith.addf %add3A_1923, %get3A_1899 : vector<16xf32>
    %mul3A_1925 = arith.constant 2.000000e+00 : f32
    %mul3A_1926 = vector.broadcast %mul3A_1925 : f32 to vector<16xf32>
    %mul3A_1927 = arith.mulf %get3A_1896, %mul3A_1926 : vector<16xf32>
    %exp3A_1928 = math.exp %mul3A_1927 : vector<16xf32>
    %add3A_1929 = arith.constant 1.000000e+00 : f32
    %add3A_1930 = vector.broadcast %add3A_1929 : f32 to vector<16xf32>
    %add3A_1931 = arith.addf %exp3A_1928, %add3A_1930 : vector<16xf32>
    %div3A_1932 = arith.constant 2.000000e+00 : f32
    %div3A_1933 = vector.broadcast %div3A_1932 : f32 to vector<16xf32>
    %div3A_1934 = arith.divf %div3A_1933, %add3A_1931 : vector<16xf32>
    %sub3A_1935 = arith.constant 1.000000e+00 : f32
    %sub3A_1936 = vector.broadcast %sub3A_1935 : f32 to vector<16xf32>
    %sub3A_1937 = arith.subf %sub3A_1936, %div3A_1934 : vector<16xf32>
    %neg3A_1938 = arith.constant 0.000000e+00 : f32
    %neg3A_1939 = vector.broadcast %neg3A_1938 : f32 to vector<16xf32>
    %neg3A_1940 = arith.subf %neg3A_1939, %add3A_1924 : vector<16xf32>
    %mul3A_1941 = arith.constant 1.000000e-01 : f32
    %mul3A_1942 = vector.broadcast %mul3A_1941 : f32 to vector<16xf32>
    %mul3A_1943 = arith.mulf %mul3A_1942, %sub3A_1937 : vector<16xf32>
    %add3A_1944 = arith.addf %neg3A_1940, %mul3A_1943 : vector<16xf32>
    %add3A_1945 = arith.addf %add3A_1919, %add3A_1944 : vector<16xf32>
    %mul3A_1946 = arith.constant 5.000000e-02 : f32
    %mul3A_1947 = vector.broadcast %mul3A_1946 : f32 to vector<16xf32>
    %mul3A_1948 = arith.mulf %mul3A_1947, %add3A_1945 : vector<16xf32>
    %add3A_1949 = arith.addf %get3A_1890, %mul3A_1948 : vector<16xf32>
    %add3A_1950 = arith.addf %add3A_1949, %get3A_1899 : vector<16xf32>
    %swap3A_1951 = arith.constant 448 : index
    %swap3A_1952 = tpu.vector_load %arg11[%swap3A_1951] {strides = array<i32>} : memref<1024xf32, #tpu.memory_space<vmem>>, vector<16xf32>,
    %swap3A_1953 = vector.shape_cast %swap3A_1952 : vector<16xf32> to vector<16xf32>
    %swap3A_1954 = vector.shape_cast %add3A_1950 : vector<16xf32> to vector<16xf32>
    tpu.vector_store %arg11[%swap3A_1951], %swap3A_1954 {strides = array<i32>} : memref<1024xf32, #tpu.memory_space<vmem>>, vector<16xf32>,
    %get3A_1955 = arith.constant 464 : index
    %get3A_1956 = tpu.vector_load %arg9[%get3A_1955] {strides = array<i32>} : memref<1024xf32, #tpu.memory_space<vmem>>, vector<16xf32>,
    %get3A_1957 = vector.shape_cast %get3A_1956 : vector<16xf32> to vector<16xf32>
    %get3A_1958 = arith.constant 464 : index
    %get3A_1959 = tpu.vector_load %arg7[%get3A_1958] {strides = array<i32>} : memref<1024xf32, #tpu.memory_space<vmem>>, vector<16xf32>,
    %get3A_1960 = vector.shape_cast %get3A_1959 : vector<16xf32> to vector<16xf32>
    %get3A_1961 = arith.constant 464 : index
    %get3A_1962 = tpu.vector_load %arg8[%get3A_1961] {strides = array<i32>} : memref<1024xf32, #tpu.memory_space<vmem>>, vector<16xf32>,
    %get3A_1963 = vector.shape_cast %get3A_1962 : vector<16xf32> to vector<16xf32>
    %get3A_1964 = arith.constant 464 : index
    %get3A_1965 = tpu.vector_load %arg10[%get3A_1964] {strides = array<i32>} : memref<1024xf32, #tpu.memory_space<vmem>>, vector<16xf32>,
    %get3A_1966 = vector.shape_cast %get3A_1965 : vector<16xf32> to vector<16xf32>
    %mul3A_1967 = arith.constant 2.000000e+00 : f32
    %mul3A_1968 = vector.broadcast %mul3A_1967 : f32 to vector<16xf32>
    %mul3A_1969 = arith.mulf %get3A_1960, %mul3A_1968 : vector<16xf32>
    %exp3A_1970 = math.exp %mul3A_1969 : vector<16xf32>
    %add3A_1971 = arith.constant 1.000000e+00 : f32
    %add3A_1972 = vector.broadcast %add3A_1971 : f32 to vector<16xf32>
    %add3A_1973 = arith.addf %exp3A_1970, %add3A_1972 : vector<16xf32>
    %div3A_1974 = arith.constant 2.000000e+00 : f32
    %div3A_1975 = vector.broadcast %div3A_1974 : f32 to vector<16xf32>
    %div3A_1976 = arith.divf %div3A_1975, %add3A_1973 : vector<16xf32>
    %sub3A_1977 = arith.constant 1.000000e+00 : f32
    %sub3A_1978 = vector.broadcast %sub3A_1977 : f32 to vector<16xf32>
    %sub3A_1979 = arith.subf %sub3A_1978, %div3A_1976 : vector<16xf32>
    %neg3A_1980 = arith.constant 0.000000e+00 : f32
    %neg3A_1981 = vector.broadcast %neg3A_1980 : f32 to vector<16xf32>
    %neg3A_1982 = arith.subf %neg3A_1981, %get3A_1957 : vector<16xf32>
    %mul3A_1983 = arith.constant 1.000000e-01 : f32
    %mul3A_1984 = vector.broadcast %mul3A_1983 : f32 to vector<16xf32>
    %mul3A_1985 = arith.mulf %mul3A_1984, %sub3A_1979 : vector<16xf32>
    %add3A_1986 = arith.addf %neg3A_1982, %mul3A_1985 : vector<16xf32>
    %mul3A_1987 = arith.constant 1.000000e-01 : f32
    %mul3A_1988 = vector.broadcast %mul3A_1987 : f32 to vector<16xf32>
    %mul3A_1989 = arith.mulf %mul3A_1988, %add3A_1986 : vector<16xf32>
    %add3A_1990 = arith.addf %get3A_1957, %mul3A_1989 : vector<16xf32>
    %add3A_1991 = arith.addf %add3A_1990, %get3A_1966 : vector<16xf32>
    %mul3A_1992 = arith.constant 2.000000e+00 : f32
    %mul3A_1993 = vector.broadcast %mul3A_1992 : f32 to vector<16xf32>
    %mul3A_1994 = arith.mulf %get3A_1963, %mul3A_1993 : vector<16xf32>
    %exp3A_1995 = math.exp %mul3A_1994 : vector<16xf32>
    %add3A_1996 = arith.constant 1.000000e+00 : f32
    %add3A_1997 = vector.broadcast %add3A_1996 : f32 to vector<16xf32>
    %add3A_1998 = arith.addf %exp3A_1995, %add3A_1997 : vector<16xf32>
    %div3A_1999 = arith.constant 2.000000e+00 : f32
    %div3A_2000 = vector.broadcast %div3A_1999 : f32 to vector<16xf32>
    %div3A_2001 = arith.divf %div3A_2000, %add3A_1998 : vector<16xf32>
    %sub3A_2002 = arith.constant 1.000000e+00 : f32
    %sub3A_2003 = vector.broadcast %sub3A_2002 : f32 to vector<16xf32>
    %sub3A_2004 = arith.subf %sub3A_2003, %div3A_2001 : vector<16xf32>
    %neg3A_2005 = arith.constant 0.000000e+00 : f32
    %neg3A_2006 = vector.broadcast %neg3A_2005 : f32 to vector<16xf32>
    %neg3A_2007 = arith.subf %neg3A_2006, %add3A_1991 : vector<16xf32>
    %mul3A_2008 = arith.constant 1.000000e-01 : f32
    %mul3A_2009 = vector.broadcast %mul3A_2008 : f32 to vector<16xf32>
    %mul3A_2010 = arith.mulf %mul3A_2009, %sub3A_2004 : vector<16xf32>
    %add3A_2011 = arith.addf %neg3A_2007, %mul3A_2010 : vector<16xf32>
    %add3A_2012 = arith.addf %add3A_1986, %add3A_2011 : vector<16xf32>
    %mul3A_2013 = arith.constant 5.000000e-02 : f32
    %mul3A_2014 = vector.broadcast %mul3A_2013 : f32 to vector<16xf32>
    %mul3A_2015 = arith.mulf %mul3A_2014, %add3A_2012 : vector<16xf32>
    %add3A_2016 = arith.addf %get3A_1957, %mul3A_2015 : vector<16xf32>
    %add3A_2017 = arith.addf %add3A_2016, %get3A_1966 : vector<16xf32>
    %swap3A_2018 = arith.constant 464 : index
    %swap3A_2019 = tpu.vector_load %arg11[%swap3A_2018] {strides = array<i32>} : memref<1024xf32, #tpu.memory_space<vmem>>, vector<16xf32>,
    %swap3A_2020 = vector.shape_cast %swap3A_2019 : vector<16xf32> to vector<16xf32>
    %swap3A_2021 = vector.shape_cast %add3A_2017 : vector<16xf32> to vector<16xf32>
    tpu.vector_store %arg11[%swap3A_2018], %swap3A_2021 {strides = array<i32>} : memref<1024xf32, #tpu.memory_space<vmem>>, vector<16xf32>,
    %get3A_2022 = arith.constant 480 : index
    %get3A_2023 = tpu.vector_load %arg9[%get3A_2022] {strides = array<i32>} : memref<1024xf32, #tpu.memory_space<vmem>>, vector<16xf32>,
    %get3A_2024 = vector.shape_cast %get3A_2023 : vector<16xf32> to vector<16xf32>
    %get3A_2025 = arith.constant 480 : index
    %get3A_2026 = tpu.vector_load %arg7[%get3A_2025] {strides = array<i32>} : memref<1024xf32, #tpu.memory_space<vmem>>, vector<16xf32>,
    %get3A_2027 = vector.shape_cast %get3A_2026 : vector<16xf32> to vector<16xf32>
    %get3A_2028 = arith.constant 480 : index
    %get3A_2029 = tpu.vector_load %arg8[%get3A_2028] {strides = array<i32>} : memref<1024xf32, #tpu.memory_space<vmem>>, vector<16xf32>,
    %get3A_2030 = vector.shape_cast %get3A_2029 : vector<16xf32> to vector<16xf32>
    %get3A_2031 = arith.constant 480 : index
    %get3A_2032 = tpu.vector_load %arg10[%get3A_2031] {strides = array<i32>} : memref<1024xf32, #tpu.memory_space<vmem>>, vector<16xf32>,
    %get3A_2033 = vector.shape_cast %get3A_2032 : vector<16xf32> to vector<16xf32>
    %mul3A_2034 = arith.constant 2.000000e+00 : f32
    %mul3A_2035 = vector.broadcast %mul3A_2034 : f32 to vector<16xf32>
    %mul3A_2036 = arith.mulf %get3A_2027, %mul3A_2035 : vector<16xf32>
    %exp3A_2037 = math.exp %mul3A_2036 : vector<16xf32>
    %add3A_2038 = arith.constant 1.000000e+00 : f32
    %add3A_2039 = vector.broadcast %add3A_2038 : f32 to vector<16xf32>
    %add3A_2040 = arith.addf %exp3A_2037, %add3A_2039 : vector<16xf32>
    %div3A_2041 = arith.constant 2.000000e+00 : f32
    %div3A_2042 = vector.broadcast %div3A_2041 : f32 to vector<16xf32>
    %div3A_2043 = arith.divf %div3A_2042, %add3A_2040 : vector<16xf32>
    %sub3A_2044 = arith.constant 1.000000e+00 : f32
    %sub3A_2045 = vector.broadcast %sub3A_2044 : f32 to vector<16xf32>
    %sub3A_2046 = arith.subf %sub3A_2045, %div3A_2043 : vector<16xf32>
    %neg3A_2047 = arith.constant 0.000000e+00 : f32
    %neg3A_2048 = vector.broadcast %neg3A_2047 : f32 to vector<16xf32>
    %neg3A_2049 = arith.subf %neg3A_2048, %get3A_2024 : vector<16xf32>
    %mul3A_2050 = arith.constant 1.000000e-01 : f32
    %mul3A_2051 = vector.broadcast %mul3A_2050 : f32 to vector<16xf32>
    %mul3A_2052 = arith.mulf %mul3A_2051, %sub3A_2046 : vector<16xf32>
    %add3A_2053 = arith.addf %neg3A_2049, %mul3A_2052 : vector<16xf32>
    %mul3A_2054 = arith.constant 1.000000e-01 : f32
    %mul3A_2055 = vector.broadcast %mul3A_2054 : f32 to vector<16xf32>
    %mul3A_2056 = arith.mulf %mul3A_2055, %add3A_2053 : vector<16xf32>
    %add3A_2057 = arith.addf %get3A_2024, %mul3A_2056 : vector<16xf32>
    %add3A_2058 = arith.addf %add3A_2057, %get3A_2033 : vector<16xf32>
    %mul3A_2059 = arith.constant 2.000000e+00 : f32
    %mul3A_2060 = vector.broadcast %mul3A_2059 : f32 to vector<16xf32>
    %mul3A_2061 = arith.mulf %get3A_2030, %mul3A_2060 : vector<16xf32>
    %exp3A_2062 = math.exp %mul3A_2061 : vector<16xf32>
    %add3A_2063 = arith.constant 1.000000e+00 : f32
    %add3A_2064 = vector.broadcast %add3A_2063 : f32 to vector<16xf32>
    %add3A_2065 = arith.addf %exp3A_2062, %add3A_2064 : vector<16xf32>
    %div3A_2066 = arith.constant 2.000000e+00 : f32
    %div3A_2067 = vector.broadcast %div3A_2066 : f32 to vector<16xf32>
    %div3A_2068 = arith.divf %div3A_2067, %add3A_2065 : vector<16xf32>
    %sub3A_2069 = arith.constant 1.000000e+00 : f32
    %sub3A_2070 = vector.broadcast %sub3A_2069 : f32 to vector<16xf32>
    %sub3A_2071 = arith.subf %sub3A_2070, %div3A_2068 : vector<16xf32>
    %neg3A_2072 = arith.constant 0.000000e+00 : f32
    %neg3A_2073 = vector.broadcast %neg3A_2072 : f32 to vector<16xf32>
    %neg3A_2074 = arith.subf %neg3A_2073, %add3A_2058 : vector<16xf32>
    %mul3A_2075 = arith.constant 1.000000e-01 : f32
    %mul3A_2076 = vector.broadcast %mul3A_2075 : f32 to vector<16xf32>
    %mul3A_2077 = arith.mulf %mul3A_2076, %sub3A_2071 : vector<16xf32>
    %add3A_2078 = arith.addf %neg3A_2074, %mul3A_2077 : vector<16xf32>
    %add3A_2079 = arith.addf %add3A_2053, %add3A_2078 : vector<16xf32>
    %mul3A_2080 = arith.constant 5.000000e-02 : f32
    %mul3A_2081 = vector.broadcast %mul3A_2080 : f32 to vector<16xf32>
    %mul3A_2082 = arith.mulf %mul3A_2081, %add3A_2079 : vector<16xf32>
    %add3A_2083 = arith.addf %get3A_2024, %mul3A_2082 : vector<16xf32>
    %add3A_2084 = arith.addf %add3A_2083, %get3A_2033 : vector<16xf32>
    %swap3A_2085 = arith.constant 480 : index
    %swap3A_2086 = tpu.vector_load %arg11[%swap3A_2085] {strides = array<i32>} : memref<1024xf32, #tpu.memory_space<vmem>>, vector<16xf32>,
    %swap3A_2087 = vector.shape_cast %swap3A_2086 : vector<16xf32> to vector<16xf32>
    %swap3A_2088 = vector.shape_cast %add3A_2084 : vector<16xf32> to vector<16xf32>
    tpu.vector_store %arg11[%swap3A_2085], %swap3A_2088 {strides = array<i32>} : memref<1024xf32, #tpu.memory_space<vmem>>, vector<16xf32>,
    %get3A_2089 = arith.constant 496 : index
    %get3A_2090 = tpu.vector_load %arg9[%get3A_2089] {strides = array<i32>} : memref<1024xf32, #tpu.memory_space<vmem>>, vector<16xf32>,
    %get3A_2091 = vector.shape_cast %get3A_2090 : vector<16xf32> to vector<16xf32>
    %get3A_2092 = arith.constant 496 : index
    %get3A_2093 = tpu.vector_load %arg7[%get3A_2092] {strides = array<i32>} : memref<1024xf32, #tpu.memory_space<vmem>>, vector<16xf32>,
    %get3A_2094 = vector.shape_cast %get3A_2093 : vector<16xf32> to vector<16xf32>
    %get3A_2095 = arith.constant 496 : index
    %get3A_2096 = tpu.vector_load %arg8[%get3A_2095] {strides = array<i32>} : memref<1024xf32, #tpu.memory_space<vmem>>, vector<16xf32>,
    %get3A_2097 = vector.shape_cast %get3A_2096 : vector<16xf32> to vector<16xf32>
    %get3A_2098 = arith.constant 496 : index
    %get3A_2099 = tpu.vector_load %arg10[%get3A_2098] {strides = array<i32>} : memref<1024xf32, #tpu.memory_space<vmem>>, vector<16xf32>,
    %get3A_2100 = vector.shape_cast %get3A_2099 : vector<16xf32> to vector<16xf32>
    %mul3A_2101 = arith.constant 2.000000e+00 : f32
    %mul3A_2102 = vector.broadcast %mul3A_2101 : f32 to vector<16xf32>
    %mul3A_2103 = arith.mulf %get3A_2094, %mul3A_2102 : vector<16xf32>
    %exp3A_2104 = math.exp %mul3A_2103 : vector<16xf32>
    %add3A_2105 = arith.constant 1.000000e+00 : f32
    %add3A_2106 = vector.broadcast %add3A_2105 : f32 to vector<16xf32>
    %add3A_2107 = arith.addf %exp3A_2104, %add3A_2106 : vector<16xf32>
    %div3A_2108 = arith.constant 2.000000e+00 : f32
    %div3A_2109 = vector.broadcast %div3A_2108 : f32 to vector<16xf32>
    %div3A_2110 = arith.divf %div3A_2109, %add3A_2107 : vector<16xf32>
    %sub3A_2111 = arith.constant 1.000000e+00 : f32
    %sub3A_2112 = vector.broadcast %sub3A_2111 : f32 to vector<16xf32>
    %sub3A_2113 = arith.subf %sub3A_2112, %div3A_2110 : vector<16xf32>
    %neg3A_2114 = arith.constant 0.000000e+00 : f32
    %neg3A_2115 = vector.broadcast %neg3A_2114 : f32 to vector<16xf32>
    %neg3A_2116 = arith.subf %neg3A_2115, %get3A_2091 : vector<16xf32>
    %mul3A_2117 = arith.constant 1.000000e-01 : f32
    %mul3A_2118 = vector.broadcast %mul3A_2117 : f32 to vector<16xf32>
    %mul3A_2119 = arith.mulf %mul3A_2118, %sub3A_2113 : vector<16xf32>
    %add3A_2120 = arith.addf %neg3A_2116, %mul3A_2119 : vector<16xf32>
    %mul3A_2121 = arith.constant 1.000000e-01 : f32
    %mul3A_2122 = vector.broadcast %mul3A_2121 : f32 to vector<16xf32>
    %mul3A_2123 = arith.mulf %mul3A_2122, %add3A_2120 : vector<16xf32>
    %add3A_2124 = arith.addf %get3A_2091, %mul3A_2123 : vector<16xf32>
    %add3A_2125 = arith.addf %add3A_2124, %get3A_2100 : vector<16xf32>
    %mul3A_2126 = arith.constant 2.000000e+00 : f32
    %mul3A_2127 = vector.broadcast %mul3A_2126 : f32 to vector<16xf32>
    %mul3A_2128 = arith.mulf %get3A_2097, %mul3A_2127 : vector<16xf32>
    %exp3A_2129 = math.exp %mul3A_2128 : vector<16xf32>
    %add3A_2130 = arith.constant 1.000000e+00 : f32
    %add3A_2131 = vector.broadcast %add3A_2130 : f32 to vector<16xf32>
    %add3A_2132 = arith.addf %exp3A_2129, %add3A_2131 : vector<16xf32>
    %div3A_2133 = arith.constant 2.000000e+00 : f32
    %div3A_2134 = vector.broadcast %div3A_2133 : f32 to vector<16xf32>
    %div3A_2135 = arith.divf %div3A_2134, %add3A_2132 : vector<16xf32>
    %sub3A_2136 = arith.constant 1.000000e+00 : f32
    %sub3A_2137 = vector.broadcast %sub3A_2136 : f32 to vector<16xf32>
    %sub3A_2138 = arith.subf %sub3A_2137, %div3A_2135 : vector<16xf32>
    %neg3A_2139 = arith.constant 0.000000e+00 : f32
    %neg3A_2140 = vector.broadcast %neg3A_2139 : f32 to vector<16xf32>
    %neg3A_2141 = arith.subf %neg3A_2140, %add3A_2125 : vector<16xf32>
    %mul3A_2142 = arith.constant 1.000000e-01 : f32
    %mul3A_2143 = vector.broadcast %mul3A_2142 : f32 to vector<16xf32>
    %mul3A_2144 = arith.mulf %mul3A_2143, %sub3A_2138 : vector<16xf32>
    %add3A_2145 = arith.addf %neg3A_2141, %mul3A_2144 : vector<16xf32>
    %add3A_2146 = arith.addf %add3A_2120, %add3A_2145 : vector<16xf32>
    %mul3A_2147 = arith.constant 5.000000e-02 : f32
    %mul3A_2148 = vector.broadcast %mul3A_2147 : f32 to vector<16xf32>
    %mul3A_2149 = arith.mulf %mul3A_2148, %add3A_2146 : vector<16xf32>
    %add3A_2150 = arith.addf %get3A_2091, %mul3A_2149 : vector<16xf32>
    %add3A_2151 = arith.addf %add3A_2150, %get3A_2100 : vector<16xf32>
    %swap3A_2152 = arith.constant 496 : index
    %swap3A_2153 = tpu.vector_load %arg11[%swap3A_2152] {strides = array<i32>} : memref<1024xf32, #tpu.memory_space<vmem>>, vector<16xf32>,
    %swap3A_2154 = vector.shape_cast %swap3A_2153 : vector<16xf32> to vector<16xf32>
    %swap3A_2155 = vector.shape_cast %add3A_2151 : vector<16xf32> to vector<16xf32>
    tpu.vector_store %arg11[%swap3A_2152], %swap3A_2155 {strides = array<i32>} : memref<1024xf32, #tpu.memory_space<vmem>>, vector<16xf32>,
    %get3A_2156 = arith.constant 512 : index
    %get3A_2157 = tpu.vector_load %arg9[%get3A_2156] {strides = array<i32>} : memref<1024xf32, #tpu.memory_space<vmem>>, vector<16xf32>,
    %get3A_2158 = vector.shape_cast %get3A_2157 : vector<16xf32> to vector<16xf32>
    %get3A_2159 = arith.constant 512 : index
    %get3A_2160 = tpu.vector_load %arg7[%get3A_2159] {strides = array<i32>} : memref<1024xf32, #tpu.memory_space<vmem>>, vector<16xf32>,
    %get3A_2161 = vector.shape_cast %get3A_2160 : vector<16xf32> to vector<16xf32>
    %get3A_2162 = arith.constant 512 : index
    %get3A_2163 = tpu.vector_load %arg8[%get3A_2162] {strides = array<i32>} : memref<1024xf32, #tpu.memory_space<vmem>>, vector<16xf32>,
    %get3A_2164 = vector.shape_cast %get3A_2163 : vector<16xf32> to vector<16xf32>
    %get3A_2165 = arith.constant 512 : index
    %get3A_2166 = tpu.vector_load %arg10[%get3A_2165] {strides = array<i32>} : memref<1024xf32, #tpu.memory_space<vmem>>, vector<16xf32>,
    %get3A_2167 = vector.shape_cast %get3A_2166 : vector<16xf32> to vector<16xf32>
    %mul3A_2168 = arith.constant 2.000000e+00 : f32
    %mul3A_2169 = vector.broadcast %mul3A_2168 : f32 to vector<16xf32>
    %mul3A_2170 = arith.mulf %get3A_2161, %mul3A_2169 : vector<16xf32>
    %exp3A_2171 = math.exp %mul3A_2170 : vector<16xf32>
    %add3A_2172 = arith.constant 1.000000e+00 : f32
    %add3A_2173 = vector.broadcast %add3A_2172 : f32 to vector<16xf32>
    %add3A_2174 = arith.addf %exp3A_2171, %add3A_2173 : vector<16xf32>
    %div3A_2175 = arith.constant 2.000000e+00 : f32
    %div3A_2176 = vector.broadcast %div3A_2175 : f32 to vector<16xf32>
    %div3A_2177 = arith.divf %div3A_2176, %add3A_2174 : vector<16xf32>
    %sub3A_2178 = arith.constant 1.000000e+00 : f32
    %sub3A_2179 = vector.broadcast %sub3A_2178 : f32 to vector<16xf32>
    %sub3A_2180 = arith.subf %sub3A_2179, %div3A_2177 : vector<16xf32>
    %neg3A_2181 = arith.constant 0.000000e+00 : f32
    %neg3A_2182 = vector.broadcast %neg3A_2181 : f32 to vector<16xf32>
    %neg3A_2183 = arith.subf %neg3A_2182, %get3A_2158 : vector<16xf32>
    %mul3A_2184 = arith.constant 1.000000e-01 : f32
    %mul3A_2185 = vector.broadcast %mul3A_2184 : f32 to vector<16xf32>
    %mul3A_2186 = arith.mulf %mul3A_2185, %sub3A_2180 : vector<16xf32>
    %add3A_2187 = arith.addf %neg3A_2183, %mul3A_2186 : vector<16xf32>
    %mul3A_2188 = arith.constant 1.000000e-01 : f32
    %mul3A_2189 = vector.broadcast %mul3A_2188 : f32 to vector<16xf32>
    %mul3A_2190 = arith.mulf %mul3A_2189, %add3A_2187 : vector<16xf32>
    %add3A_2191 = arith.addf %get3A_2158, %mul3A_2190 : vector<16xf32>
    %add3A_2192 = arith.addf %add3A_2191, %get3A_2167 : vector<16xf32>
    %mul3A_2193 = arith.constant 2.000000e+00 : f32
    %mul3A_2194 = vector.broadcast %mul3A_2193 : f32 to vector<16xf32>
    %mul3A_2195 = arith.mulf %get3A_2164, %mul3A_2194 : vector<16xf32>
    %exp3A_2196 = math.exp %mul3A_2195 : vector<16xf32>
    %add3A_2197 = arith.constant 1.000000e+00 : f32
    %add3A_2198 = vector.broadcast %add3A_2197 : f32 to vector<16xf32>
    %add3A_2199 = arith.addf %exp3A_2196, %add3A_2198 : vector<16xf32>
    %div3A_2200 = arith.constant 2.000000e+00 : f32
    %div3A_2201 = vector.broadcast %div3A_2200 : f32 to vector<16xf32>
    %div3A_2202 = arith.divf %div3A_2201, %add3A_2199 : vector<16xf32>
    %sub3A_2203 = arith.constant 1.000000e+00 : f32
    %sub3A_2204 = vector.broadcast %sub3A_2203 : f32 to vector<16xf32>
    %sub3A_2205 = arith.subf %sub3A_2204, %div3A_2202 : vector<16xf32>
    %neg3A_2206 = arith.constant 0.000000e+00 : f32
    %neg3A_2207 = vector.broadcast %neg3A_2206 : f32 to vector<16xf32>
    %neg3A_2208 = arith.subf %neg3A_2207, %add3A_2192 : vector<16xf32>
    %mul3A_2209 = arith.constant 1.000000e-01 : f32
    %mul3A_2210 = vector.broadcast %mul3A_2209 : f32 to vector<16xf32>
    %mul3A_2211 = arith.mulf %mul3A_2210, %sub3A_2205 : vector<16xf32>
    %add3A_2212 = arith.addf %neg3A_2208, %mul3A_2211 : vector<16xf32>
    %add3A_2213 = arith.addf %add3A_2187, %add3A_2212 : vector<16xf32>
    %mul3A_2214 = arith.constant 5.000000e-02 : f32
    %mul3A_2215 = vector.broadcast %mul3A_2214 : f32 to vector<16xf32>
    %mul3A_2216 = arith.mulf %mul3A_2215, %add3A_2213 : vector<16xf32>
    %add3A_2217 = arith.addf %get3A_2158, %mul3A_2216 : vector<16xf32>
    %add3A_2218 = arith.addf %add3A_2217, %get3A_2167 : vector<16xf32>
    %swap3A_2219 = arith.constant 512 : index
    %swap3A_2220 = tpu.vector_load %arg11[%swap3A_2219] {strides = array<i32>} : memref<1024xf32, #tpu.memory_space<vmem>>, vector<16xf32>,
    %swap3A_2221 = vector.shape_cast %swap3A_2220 : vector<16xf32> to vector<16xf32>
    %swap3A_2222 = vector.shape_cast %add3A_2218 : vector<16xf32> to vector<16xf32>
    tpu.vector_store %arg11[%swap3A_2219], %swap3A_2222 {strides = array<i32>} : memref<1024xf32, #tpu.memory_space<vmem>>, vector<16xf32>,
    %get3A_2223 = arith.constant 528 : index
    %get3A_2224 = tpu.vector_load %arg9[%get3A_2223] {strides = array<i32>} : memref<1024xf32, #tpu.memory_space<vmem>>, vector<16xf32>,
    %get3A_2225 = vector.shape_cast %get3A_2224 : vector<16xf32> to vector<16xf32>
    %get3A_2226 = arith.constant 528 : index
    %get3A_2227 = tpu.vector_load %arg7[%get3A_2226] {strides = array<i32>} : memref<1024xf32, #tpu.memory_space<vmem>>, vector<16xf32>,
    %get3A_2228 = vector.shape_cast %get3A_2227 : vector<16xf32> to vector<16xf32>
    %get3A_2229 = arith.constant 528 : index
    %get3A_2230 = tpu.vector_load %arg8[%get3A_2229] {strides = array<i32>} : memref<1024xf32, #tpu.memory_space<vmem>>, vector<16xf32>,
    %get3A_2231 = vector.shape_cast %get3A_2230 : vector<16xf32> to vector<16xf32>
    %get3A_2232 = arith.constant 528 : index
    %get3A_2233 = tpu.vector_load %arg10[%get3A_2232] {strides = array<i32>} : memref<1024xf32, #tpu.memory_space<vmem>>, vector<16xf32>,
    %get3A_2234 = vector.shape_cast %get3A_2233 : vector<16xf32> to vector<16xf32>
    %mul3A_2235 = arith.constant 2.000000e+00 : f32
    %mul3A_2236 = vector.broadcast %mul3A_2235 : f32 to vector<16xf32>
    %mul3A_2237 = arith.mulf %get3A_2228, %mul3A_2236 : vector<16xf32>
    %exp3A_2238 = math.exp %mul3A_2237 : vector<16xf32>
    %add3A_2239 = arith.constant 1.000000e+00 : f32
    %add3A_2240 = vector.broadcast %add3A_2239 : f32 to vector<16xf32>
    %add3A_2241 = arith.addf %exp3A_2238, %add3A_2240 : vector<16xf32>
    %div3A_2242 = arith.constant 2.000000e+00 : f32
    %div3A_2243 = vector.broadcast %div3A_2242 : f32 to vector<16xf32>
    %div3A_2244 = arith.divf %div3A_2243, %add3A_2241 : vector<16xf32>
    %sub3A_2245 = arith.constant 1.000000e+00 : f32
    %sub3A_2246 = vector.broadcast %sub3A_2245 : f32 to vector<16xf32>
    %sub3A_2247 = arith.subf %sub3A_2246, %div3A_2244 : vector<16xf32>
    %neg3A_2248 = arith.constant 0.000000e+00 : f32
    %neg3A_2249 = vector.broadcast %neg3A_2248 : f32 to vector<16xf32>
    %neg3A_2250 = arith.subf %neg3A_2249, %get3A_2225 : vector<16xf32>
    %mul3A_2251 = arith.constant 1.000000e-01 : f32
    %mul3A_2252 = vector.broadcast %mul3A_2251 : f32 to vector<16xf32>
    %mul3A_2253 = arith.mulf %mul3A_2252, %sub3A_2247 : vector<16xf32>
    %add3A_2254 = arith.addf %neg3A_2250, %mul3A_2253 : vector<16xf32>
    %mul3A_2255 = arith.constant 1.000000e-01 : f32
    %mul3A_2256 = vector.broadcast %mul3A_2255 : f32 to vector<16xf32>
    %mul3A_2257 = arith.mulf %mul3A_2256, %add3A_2254 : vector<16xf32>
    %add3A_2258 = arith.addf %get3A_2225, %mul3A_2257 : vector<16xf32>
    %add3A_2259 = arith.addf %add3A_2258, %get3A_2234 : vector<16xf32>
    %mul3A_2260 = arith.constant 2.000000e+00 : f32
    %mul3A_2261 = vector.broadcast %mul3A_2260 : f32 to vector<16xf32>
    %mul3A_2262 = arith.mulf %get3A_2231, %mul3A_2261 : vector<16xf32>
    %exp3A_2263 = math.exp %mul3A_2262 : vector<16xf32>
    %add3A_2264 = arith.constant 1.000000e+00 : f32
    %add3A_2265 = vector.broadcast %add3A_2264 : f32 to vector<16xf32>
    %add3A_2266 = arith.addf %exp3A_2263, %add3A_2265 : vector<16xf32>
    %div3A_2267 = arith.constant 2.000000e+00 : f32
    %div3A_2268 = vector.broadcast %div3A_2267 : f32 to vector<16xf32>
    %div3A_2269 = arith.divf %div3A_2268, %add3A_2266 : vector<16xf32>
    %sub3A_2270 = arith.constant 1.000000e+00 : f32
    %sub3A_2271 = vector.broadcast %sub3A_2270 : f32 to vector<16xf32>
    %sub3A_2272 = arith.subf %sub3A_2271, %div3A_2269 : vector<16xf32>
    %neg3A_2273 = arith.constant 0.000000e+00 : f32
    %neg3A_2274 = vector.broadcast %neg3A_2273 : f32 to vector<16xf32>
    %neg3A_2275 = arith.subf %neg3A_2274, %add3A_2259 : vector<16xf32>
    %mul3A_2276 = arith.constant 1.000000e-01 : f32
    %mul3A_2277 = vector.broadcast %mul3A_2276 : f32 to vector<16xf32>
    %mul3A_2278 = arith.mulf %mul3A_2277, %sub3A_2272 : vector<16xf32>
    %add3A_2279 = arith.addf %neg3A_2275, %mul3A_2278 : vector<16xf32>
    %add3A_2280 = arith.addf %add3A_2254, %add3A_2279 : vector<16xf32>
    %mul3A_2281 = arith.constant 5.000000e-02 : f32
    %mul3A_2282 = vector.broadcast %mul3A_2281 : f32 to vector<16xf32>
    %mul3A_2283 = arith.mulf %mul3A_2282, %add3A_2280 : vector<16xf32>
    %add3A_2284 = arith.addf %get3A_2225, %mul3A_2283 : vector<16xf32>
    %add3A_2285 = arith.addf %add3A_2284, %get3A_2234 : vector<16xf32>
    %swap3A_2286 = arith.constant 528 : index
    %swap3A_2287 = tpu.vector_load %arg11[%swap3A_2286] {strides = array<i32>} : memref<1024xf32, #tpu.memory_space<vmem>>, vector<16xf32>,
    %swap3A_2288 = vector.shape_cast %swap3A_2287 : vector<16xf32> to vector<16xf32>
    %swap3A_2289 = vector.shape_cast %add3A_2285 : vector<16xf32> to vector<16xf32>
    tpu.vector_store %arg11[%swap3A_2286], %swap3A_2289 {strides = array<i32>} : memref<1024xf32, #tpu.memory_space<vmem>>, vector<16xf32>,
    %get3A_2290 = arith.constant 544 : index
    %get3A_2291 = tpu.vector_load %arg9[%get3A_2290] {strides = array<i32>} : memref<1024xf32, #tpu.memory_space<vmem>>, vector<16xf32>,
    %get3A_2292 = vector.shape_cast %get3A_2291 : vector<16xf32> to vector<16xf32>
    %get3A_2293 = arith.constant 544 : index
    %get3A_2294 = tpu.vector_load %arg7[%get3A_2293] {strides = array<i32>} : memref<1024xf32, #tpu.memory_space<vmem>>, vector<16xf32>,
    %get3A_2295 = vector.shape_cast %get3A_2294 : vector<16xf32> to vector<16xf32>
    %get3A_2296 = arith.constant 544 : index
    %get3A_2297 = tpu.vector_load %arg8[%get3A_2296] {strides = array<i32>} : memref<1024xf32, #tpu.memory_space<vmem>>, vector<16xf32>,
    %get3A_2298 = vector.shape_cast %get3A_2297 : vector<16xf32> to vector<16xf32>
    %get3A_2299 = arith.constant 544 : index
    %get3A_2300 = tpu.vector_load %arg10[%get3A_2299] {strides = array<i32>} : memref<1024xf32, #tpu.memory_space<vmem>>, vector<16xf32>,
    %get3A_2301 = vector.shape_cast %get3A_2300 : vector<16xf32> to vector<16xf32>
    %mul3A_2302 = arith.constant 2.000000e+00 : f32
    %mul3A_2303 = vector.broadcast %mul3A_2302 : f32 to vector<16xf32>
    %mul3A_2304 = arith.mulf %get3A_2295, %mul3A_2303 : vector<16xf32>
    %exp3A_2305 = math.exp %mul3A_2304 : vector<16xf32>
    %add3A_2306 = arith.constant 1.000000e+00 : f32
    %add3A_2307 = vector.broadcast %add3A_2306 : f32 to vector<16xf32>
    %add3A_2308 = arith.addf %exp3A_2305, %add3A_2307 : vector<16xf32>
    %div3A_2309 = arith.constant 2.000000e+00 : f32
    %div3A_2310 = vector.broadcast %div3A_2309 : f32 to vector<16xf32>
    %div3A_2311 = arith.divf %div3A_2310, %add3A_2308 : vector<16xf32>
    %sub3A_2312 = arith.constant 1.000000e+00 : f32
    %sub3A_2313 = vector.broadcast %sub3A_2312 : f32 to vector<16xf32>
    %sub3A_2314 = arith.subf %sub3A_2313, %div3A_2311 : vector<16xf32>
    %neg3A_2315 = arith.constant 0.000000e+00 : f32
    %neg3A_2316 = vector.broadcast %neg3A_2315 : f32 to vector<16xf32>
    %neg3A_2317 = arith.subf %neg3A_2316, %get3A_2292 : vector<16xf32>
    %mul3A_2318 = arith.constant 1.000000e-01 : f32
    %mul3A_2319 = vector.broadcast %mul3A_2318 : f32 to vector<16xf32>
    %mul3A_2320 = arith.mulf %mul3A_2319, %sub3A_2314 : vector<16xf32>
    %add3A_2321 = arith.addf %neg3A_2317, %mul3A_2320 : vector<16xf32>
    %mul3A_2322 = arith.constant 1.000000e-01 : f32
    %mul3A_2323 = vector.broadcast %mul3A_2322 : f32 to vector<16xf32>
    %mul3A_2324 = arith.mulf %mul3A_2323, %add3A_2321 : vector<16xf32>
    %add3A_2325 = arith.addf %get3A_2292, %mul3A_2324 : vector<16xf32>
    %add3A_2326 = arith.addf %add3A_2325, %get3A_2301 : vector<16xf32>
    %mul3A_2327 = arith.constant 2.000000e+00 : f32
    %mul3A_2328 = vector.broadcast %mul3A_2327 : f32 to vector<16xf32>
    %mul3A_2329 = arith.mulf %get3A_2298, %mul3A_2328 : vector<16xf32>
    %exp3A_2330 = math.exp %mul3A_2329 : vector<16xf32>
    %add3A_2331 = arith.constant 1.000000e+00 : f32
    %add3A_2332 = vector.broadcast %add3A_2331 : f32 to vector<16xf32>
    %add3A_2333 = arith.addf %exp3A_2330, %add3A_2332 : vector<16xf32>
    %div3A_2334 = arith.constant 2.000000e+00 : f32
    %div3A_2335 = vector.broadcast %div3A_2334 : f32 to vector<16xf32>
    %div3A_2336 = arith.divf %div3A_2335, %add3A_2333 : vector<16xf32>
    %sub3A_2337 = arith.constant 1.000000e+00 : f32
    %sub3A_2338 = vector.broadcast %sub3A_2337 : f32 to vector<16xf32>
    %sub3A_2339 = arith.subf %sub3A_2338, %div3A_2336 : vector<16xf32>
    %neg3A_2340 = arith.constant 0.000000e+00 : f32
    %neg3A_2341 = vector.broadcast %neg3A_2340 : f32 to vector<16xf32>
    %neg3A_2342 = arith.subf %neg3A_2341, %add3A_2326 : vector<16xf32>
    %mul3A_2343 = arith.constant 1.000000e-01 : f32
    %mul3A_2344 = vector.broadcast %mul3A_2343 : f32 to vector<16xf32>
    %mul3A_2345 = arith.mulf %mul3A_2344, %sub3A_2339 : vector<16xf32>
    %add3A_2346 = arith.addf %neg3A_2342, %mul3A_2345 : vector<16xf32>
    %add3A_2347 = arith.addf %add3A_2321, %add3A_2346 : vector<16xf32>
    %mul3A_2348 = arith.constant 5.000000e-02 : f32
    %mul3A_2349 = vector.broadcast %mul3A_2348 : f32 to vector<16xf32>
    %mul3A_2350 = arith.mulf %mul3A_2349, %add3A_2347 : vector<16xf32>
    %add3A_2351 = arith.addf %get3A_2292, %mul3A_2350 : vector<16xf32>
    %add3A_2352 = arith.addf %add3A_2351, %get3A_2301 : vector<16xf32>
    %swap3A_2353 = arith.constant 544 : index
    %swap3A_2354 = tpu.vector_load %arg11[%swap3A_2353] {strides = array<i32>} : memref<1024xf32, #tpu.memory_space<vmem>>, vector<16xf32>,
    %swap3A_2355 = vector.shape_cast %swap3A_2354 : vector<16xf32> to vector<16xf32>
    %swap3A_2356 = vector.shape_cast %add3A_2352 : vector<16xf32> to vector<16xf32>
    tpu.vector_store %arg11[%swap3A_2353], %swap3A_2356 {strides = array<i32>} : memref<1024xf32, #tpu.memory_space<vmem>>, vector<16xf32>,
    %get3A_2357 = arith.constant 560 : index
    %get3A_2358 = tpu.vector_load %arg9[%get3A_2357] {strides = array<i32>} : memref<1024xf32, #tpu.memory_space<vmem>>, vector<16xf32>,
    %get3A_2359 = vector.shape_cast %get3A_2358 : vector<16xf32> to vector<16xf32>
    %get3A_2360 = arith.constant 560 : index
    %get3A_2361 = tpu.vector_load %arg7[%get3A_2360] {strides = array<i32>} : memref<1024xf32, #tpu.memory_space<vmem>>, vector<16xf32>,
    %get3A_2362 = vector.shape_cast %get3A_2361 : vector<16xf32> to vector<16xf32>
    %get3A_2363 = arith.constant 560 : index
    %get3A_2364 = tpu.vector_load %arg8[%get3A_2363] {strides = array<i32>} : memref<1024xf32, #tpu.memory_space<vmem>>, vector<16xf32>,
    %get3A_2365 = vector.shape_cast %get3A_2364 : vector<16xf32> to vector<16xf32>
    %get3A_2366 = arith.constant 560 : index
    %get3A_2367 = tpu.vector_load %arg10[%get3A_2366] {strides = array<i32>} : memref<1024xf32, #tpu.memory_space<vmem>>, vector<16xf32>,
    %get3A_2368 = vector.shape_cast %get3A_2367 : vector<16xf32> to vector<16xf32>
    %mul3A_2369 = arith.constant 2.000000e+00 : f32
    %mul3A_2370 = vector.broadcast %mul3A_2369 : f32 to vector<16xf32>
    %mul3A_2371 = arith.mulf %get3A_2362, %mul3A_2370 : vector<16xf32>
    %exp3A_2372 = math.exp %mul3A_2371 : vector<16xf32>
    %add3A_2373 = arith.constant 1.000000e+00 : f32
    %add3A_2374 = vector.broadcast %add3A_2373 : f32 to vector<16xf32>
    %add3A_2375 = arith.addf %exp3A_2372, %add3A_2374 : vector<16xf32>
    %div3A_2376 = arith.constant 2.000000e+00 : f32
    %div3A_2377 = vector.broadcast %div3A_2376 : f32 to vector<16xf32>
    %div3A_2378 = arith.divf %div3A_2377, %add3A_2375 : vector<16xf32>
    %sub3A_2379 = arith.constant 1.000000e+00 : f32
    %sub3A_2380 = vector.broadcast %sub3A_2379 : f32 to vector<16xf32>
    %sub3A_2381 = arith.subf %sub3A_2380, %div3A_2378 : vector<16xf32>
    %neg3A_2382 = arith.constant 0.000000e+00 : f32
    %neg3A_2383 = vector.broadcast %neg3A_2382 : f32 to vector<16xf32>
    %neg3A_2384 = arith.subf %neg3A_2383, %get3A_2359 : vector<16xf32>
    %mul3A_2385 = arith.constant 1.000000e-01 : f32
    %mul3A_2386 = vector.broadcast %mul3A_2385 : f32 to vector<16xf32>
    %mul3A_2387 = arith.mulf %mul3A_2386, %sub3A_2381 : vector<16xf32>
    %add3A_2388 = arith.addf %neg3A_2384, %mul3A_2387 : vector<16xf32>
    %mul3A_2389 = arith.constant 1.000000e-01 : f32
    %mul3A_2390 = vector.broadcast %mul3A_2389 : f32 to vector<16xf32>
    %mul3A_2391 = arith.mulf %mul3A_2390, %add3A_2388 : vector<16xf32>
    %add3A_2392 = arith.addf %get3A_2359, %mul3A_2391 : vector<16xf32>
    %add3A_2393 = arith.addf %add3A_2392, %get3A_2368 : vector<16xf32>
    %mul3A_2394 = arith.constant 2.000000e+00 : f32
    %mul3A_2395 = vector.broadcast %mul3A_2394 : f32 to vector<16xf32>
    %mul3A_2396 = arith.mulf %get3A_2365, %mul3A_2395 : vector<16xf32>
    %exp3A_2397 = math.exp %mul3A_2396 : vector<16xf32>
    %add3A_2398 = arith.constant 1.000000e+00 : f32
    %add3A_2399 = vector.broadcast %add3A_2398 : f32 to vector<16xf32>
    %add3A_2400 = arith.addf %exp3A_2397, %add3A_2399 : vector<16xf32>
    %div3A_2401 = arith.constant 2.000000e+00 : f32
    %div3A_2402 = vector.broadcast %div3A_2401 : f32 to vector<16xf32>
    %div3A_2403 = arith.divf %div3A_2402, %add3A_2400 : vector<16xf32>
    %sub3A_2404 = arith.constant 1.000000e+00 : f32
    %sub3A_2405 = vector.broadcast %sub3A_2404 : f32 to vector<16xf32>
    %sub3A_2406 = arith.subf %sub3A_2405, %div3A_2403 : vector<16xf32>
    %neg3A_2407 = arith.constant 0.000000e+00 : f32
    %neg3A_2408 = vector.broadcast %neg3A_2407 : f32 to vector<16xf32>
    %neg3A_2409 = arith.subf %neg3A_2408, %add3A_2393 : vector<16xf32>
    %mul3A_2410 = arith.constant 1.000000e-01 : f32
    %mul3A_2411 = vector.broadcast %mul3A_2410 : f32 to vector<16xf32>
    %mul3A_2412 = arith.mulf %mul3A_2411, %sub3A_2406 : vector<16xf32>
    %add3A_2413 = arith.addf %neg3A_2409, %mul3A_2412 : vector<16xf32>
    %add3A_2414 = arith.addf %add3A_2388, %add3A_2413 : vector<16xf32>
    %mul3A_2415 = arith.constant 5.000000e-02 : f32
    %mul3A_2416 = vector.broadcast %mul3A_2415 : f32 to vector<16xf32>
    %mul3A_2417 = arith.mulf %mul3A_2416, %add3A_2414 : vector<16xf32>
    %add3A_2418 = arith.addf %get3A_2359, %mul3A_2417 : vector<16xf32>
    %add3A_2419 = arith.addf %add3A_2418, %get3A_2368 : vector<16xf32>
    %swap3A_2420 = arith.constant 560 : index
    %swap3A_2421 = tpu.vector_load %arg11[%swap3A_2420] {strides = array<i32>} : memref<1024xf32, #tpu.memory_space<vmem>>, vector<16xf32>,
    %swap3A_2422 = vector.shape_cast %swap3A_2421 : vector<16xf32> to vector<16xf32>
    %swap3A_2423 = vector.shape_cast %add3A_2419 : vector<16xf32> to vector<16xf32>
    tpu.vector_store %arg11[%swap3A_2420], %swap3A_2423 {strides = array<i32>} : memref<1024xf32, #tpu.memory_space<vmem>>, vector<16xf32>,
    %get3A_2424 = arith.constant 576 : index
    %get3A_2425 = tpu.vector_load %arg9[%get3A_2424] {strides = array<i32>} : memref<1024xf32, #tpu.memory_space<vmem>>, vector<16xf32>,
    %get3A_2426 = vector.shape_cast %get3A_2425 : vector<16xf32> to vector<16xf32>
    %get3A_2427 = arith.constant 576 : index
    %get3A_2428 = tpu.vector_load %arg7[%get3A_2427] {strides = array<i32>} : memref<1024xf32, #tpu.memory_space<vmem>>, vector<16xf32>,
    %get3A_2429 = vector.shape_cast %get3A_2428 : vector<16xf32> to vector<16xf32>
    %get3A_2430 = arith.constant 576 : index
    %get3A_2431 = tpu.vector_load %arg8[%get3A_2430] {strides = array<i32>} : memref<1024xf32, #tpu.memory_space<vmem>>, vector<16xf32>,
    %get3A_2432 = vector.shape_cast %get3A_2431 : vector<16xf32> to vector<16xf32>
    %get3A_2433 = arith.constant 576 : index
    %get3A_2434 = tpu.vector_load %arg10[%get3A_2433] {strides = array<i32>} : memref<1024xf32, #tpu.memory_space<vmem>>, vector<16xf32>,
    %get3A_2435 = vector.shape_cast %get3A_2434 : vector<16xf32> to vector<16xf32>
    %mul3A_2436 = arith.constant 2.000000e+00 : f32
    %mul3A_2437 = vector.broadcast %mul3A_2436 : f32 to vector<16xf32>
    %mul3A_2438 = arith.mulf %get3A_2429, %mul3A_2437 : vector<16xf32>
    %exp3A_2439 = math.exp %mul3A_2438 : vector<16xf32>
    %add3A_2440 = arith.constant 1.000000e+00 : f32
    %add3A_2441 = vector.broadcast %add3A_2440 : f32 to vector<16xf32>
    %add3A_2442 = arith.addf %exp3A_2439, %add3A_2441 : vector<16xf32>
    %div3A_2443 = arith.constant 2.000000e+00 : f32
    %div3A_2444 = vector.broadcast %div3A_2443 : f32 to vector<16xf32>
    %div3A_2445 = arith.divf %div3A_2444, %add3A_2442 : vector<16xf32>
    %sub3A_2446 = arith.constant 1.000000e+00 : f32
    %sub3A_2447 = vector.broadcast %sub3A_2446 : f32 to vector<16xf32>
    %sub3A_2448 = arith.subf %sub3A_2447, %div3A_2445 : vector<16xf32>
    %neg3A_2449 = arith.constant 0.000000e+00 : f32
    %neg3A_2450 = vector.broadcast %neg3A_2449 : f32 to vector<16xf32>
    %neg3A_2451 = arith.subf %neg3A_2450, %get3A_2426 : vector<16xf32>
    %mul3A_2452 = arith.constant 1.000000e-01 : f32
    %mul3A_2453 = vector.broadcast %mul3A_2452 : f32 to vector<16xf32>
    %mul3A_2454 = arith.mulf %mul3A_2453, %sub3A_2448 : vector<16xf32>
    %add3A_2455 = arith.addf %neg3A_2451, %mul3A_2454 : vector<16xf32>
    %mul3A_2456 = arith.constant 1.000000e-01 : f32
    %mul3A_2457 = vector.broadcast %mul3A_2456 : f32 to vector<16xf32>
    %mul3A_2458 = arith.mulf %mul3A_2457, %add3A_2455 : vector<16xf32>
    %add3A_2459 = arith.addf %get3A_2426, %mul3A_2458 : vector<16xf32>
    %add3A_2460 = arith.addf %add3A_2459, %get3A_2435 : vector<16xf32>
    %mul3A_2461 = arith.constant 2.000000e+00 : f32
    %mul3A_2462 = vector.broadcast %mul3A_2461 : f32 to vector<16xf32>
    %mul3A_2463 = arith.mulf %get3A_2432, %mul3A_2462 : vector<16xf32>
    %exp3A_2464 = math.exp %mul3A_2463 : vector<16xf32>
    %add3A_2465 = arith.constant 1.000000e+00 : f32
    %add3A_2466 = vector.broadcast %add3A_2465 : f32 to vector<16xf32>
    %add3A_2467 = arith.addf %exp3A_2464, %add3A_2466 : vector<16xf32>
    %div3A_2468 = arith.constant 2.000000e+00 : f32
    %div3A_2469 = vector.broadcast %div3A_2468 : f32 to vector<16xf32>
    %div3A_2470 = arith.divf %div3A_2469, %add3A_2467 : vector<16xf32>
    %sub3A_2471 = arith.constant 1.000000e+00 : f32
    %sub3A_2472 = vector.broadcast %sub3A_2471 : f32 to vector<16xf32>
    %sub3A_2473 = arith.subf %sub3A_2472, %div3A_2470 : vector<16xf32>
    %neg3A_2474 = arith.constant 0.000000e+00 : f32
    %neg3A_2475 = vector.broadcast %neg3A_2474 : f32 to vector<16xf32>
    %neg3A_2476 = arith.subf %neg3A_2475, %add3A_2460 : vector<16xf32>
    %mul3A_2477 = arith.constant 1.000000e-01 : f32
    %mul3A_2478 = vector.broadcast %mul3A_2477 : f32 to vector<16xf32>
    %mul3A_2479 = arith.mulf %mul3A_2478, %sub3A_2473 : vector<16xf32>
    %add3A_2480 = arith.addf %neg3A_2476, %mul3A_2479 : vector<16xf32>
    %add3A_2481 = arith.addf %add3A_2455, %add3A_2480 : vector<16xf32>
    %mul3A_2482 = arith.constant 5.000000e-02 : f32
    %mul3A_2483 = vector.broadcast %mul3A_2482 : f32 to vector<16xf32>
    %mul3A_2484 = arith.mulf %mul3A_2483, %add3A_2481 : vector<16xf32>
    %add3A_2485 = arith.addf %get3A_2426, %mul3A_2484 : vector<16xf32>
    %add3A_2486 = arith.addf %add3A_2485, %get3A_2435 : vector<16xf32>
    %swap3A_2487 = arith.constant 576 : index
    %swap3A_2488 = tpu.vector_load %arg11[%swap3A_2487] {strides = array<i32>} : memref<1024xf32, #tpu.memory_space<vmem>>, vector<16xf32>,
    %swap3A_2489 = vector.shape_cast %swap3A_2488 : vector<16xf32> to vector<16xf32>
    %swap3A_2490 = vector.shape_cast %add3A_2486 : vector<16xf32> to vector<16xf32>
    tpu.vector_store %arg11[%swap3A_2487], %swap3A_2490 {strides = array<i32>} : memref<1024xf32, #tpu.memory_space<vmem>>, vector<16xf32>,
    %get3A_2491 = arith.constant 592 : index
    %get3A_2492 = tpu.vector_load %arg9[%get3A_2491] {strides = array<i32>} : memref<1024xf32, #tpu.memory_space<vmem>>, vector<16xf32>,
    %get3A_2493 = vector.shape_cast %get3A_2492 : vector<16xf32> to vector<16xf32>
    %get3A_2494 = arith.constant 592 : index
    %get3A_2495 = tpu.vector_load %arg7[%get3A_2494] {strides = array<i32>} : memref<1024xf32, #tpu.memory_space<vmem>>, vector<16xf32>,
    %get3A_2496 = vector.shape_cast %get3A_2495 : vector<16xf32> to vector<16xf32>
    %get3A_2497 = arith.constant 592 : index
    %get3A_2498 = tpu.vector_load %arg8[%get3A_2497] {strides = array<i32>} : memref<1024xf32, #tpu.memory_space<vmem>>, vector<16xf32>,
    %get3A_2499 = vector.shape_cast %get3A_2498 : vector<16xf32> to vector<16xf32>
    %get3A_2500 = arith.constant 592 : index
    %get3A_2501 = tpu.vector_load %arg10[%get3A_2500] {strides = array<i32>} : memref<1024xf32, #tpu.memory_space<vmem>>, vector<16xf32>,
    %get3A_2502 = vector.shape_cast %get3A_2501 : vector<16xf32> to vector<16xf32>
    %mul3A_2503 = arith.constant 2.000000e+00 : f32
    %mul3A_2504 = vector.broadcast %mul3A_2503 : f32 to vector<16xf32>
    %mul3A_2505 = arith.mulf %get3A_2496, %mul3A_2504 : vector<16xf32>
    %exp3A_2506 = math.exp %mul3A_2505 : vector<16xf32>
    %add3A_2507 = arith.constant 1.000000e+00 : f32
    %add3A_2508 = vector.broadcast %add3A_2507 : f32 to vector<16xf32>
    %add3A_2509 = arith.addf %exp3A_2506, %add3A_2508 : vector<16xf32>
    %div3A_2510 = arith.constant 2.000000e+00 : f32
    %div3A_2511 = vector.broadcast %div3A_2510 : f32 to vector<16xf32>
    %div3A_2512 = arith.divf %div3A_2511, %add3A_2509 : vector<16xf32>
    %sub3A_2513 = arith.constant 1.000000e+00 : f32
    %sub3A_2514 = vector.broadcast %sub3A_2513 : f32 to vector<16xf32>
    %sub3A_2515 = arith.subf %sub3A_2514, %div3A_2512 : vector<16xf32>
    %neg3A_2516 = arith.constant 0.000000e+00 : f32
    %neg3A_2517 = vector.broadcast %neg3A_2516 : f32 to vector<16xf32>
    %neg3A_2518 = arith.subf %neg3A_2517, %get3A_2493 : vector<16xf32>
    %mul3A_2519 = arith.constant 1.000000e-01 : f32
    %mul3A_2520 = vector.broadcast %mul3A_2519 : f32 to vector<16xf32>
    %mul3A_2521 = arith.mulf %mul3A_2520, %sub3A_2515 : vector<16xf32>
    %add3A_2522 = arith.addf %neg3A_2518, %mul3A_2521 : vector<16xf32>
    %mul3A_2523 = arith.constant 1.000000e-01 : f32
    %mul3A_2524 = vector.broadcast %mul3A_2523 : f32 to vector<16xf32>
    %mul3A_2525 = arith.mulf %mul3A_2524, %add3A_2522 : vector<16xf32>
    %add3A_2526 = arith.addf %get3A_2493, %mul3A_2525 : vector<16xf32>
    %add3A_2527 = arith.addf %add3A_2526, %get3A_2502 : vector<16xf32>
    %mul3A_2528 = arith.constant 2.000000e+00 : f32
    %mul3A_2529 = vector.broadcast %mul3A_2528 : f32 to vector<16xf32>
    %mul3A_2530 = arith.mulf %get3A_2499, %mul3A_2529 : vector<16xf32>
    %exp3A_2531 = math.exp %mul3A_2530 : vector<16xf32>
    %add3A_2532 = arith.constant 1.000000e+00 : f32
    %add3A_2533 = vector.broadcast %add3A_2532 : f32 to vector<16xf32>
    %add3A_2534 = arith.addf %exp3A_2531, %add3A_2533 : vector<16xf32>
    %div3A_2535 = arith.constant 2.000000e+00 : f32
    %div3A_2536 = vector.broadcast %div3A_2535 : f32 to vector<16xf32>
    %div3A_2537 = arith.divf %div3A_2536, %add3A_2534 : vector<16xf32>
    %sub3A_2538 = arith.constant 1.000000e+00 : f32
    %sub3A_2539 = vector.broadcast %sub3A_2538 : f32 to vector<16xf32>
    %sub3A_2540 = arith.subf %sub3A_2539, %div3A_2537 : vector<16xf32>
    %neg3A_2541 = arith.constant 0.000000e+00 : f32
    %neg3A_2542 = vector.broadcast %neg3A_2541 : f32 to vector<16xf32>
    %neg3A_2543 = arith.subf %neg3A_2542, %add3A_2527 : vector<16xf32>
    %mul3A_2544 = arith.constant 1.000000e-01 : f32
    %mul3A_2545 = vector.broadcast %mul3A_2544 : f32 to vector<16xf32>
    %mul3A_2546 = arith.mulf %mul3A_2545, %sub3A_2540 : vector<16xf32>
    %add3A_2547 = arith.addf %neg3A_2543, %mul3A_2546 : vector<16xf32>
    %add3A_2548 = arith.addf %add3A_2522, %add3A_2547 : vector<16xf32>
    %mul3A_2549 = arith.constant 5.000000e-02 : f32
    %mul3A_2550 = vector.broadcast %mul3A_2549 : f32 to vector<16xf32>
    %mul3A_2551 = arith.mulf %mul3A_2550, %add3A_2548 : vector<16xf32>
    %add3A_2552 = arith.addf %get3A_2493, %mul3A_2551 : vector<16xf32>
    %add3A_2553 = arith.addf %add3A_2552, %get3A_2502 : vector<16xf32>
    %swap3A_2554 = arith.constant 592 : index
    %swap3A_2555 = tpu.vector_load %arg11[%swap3A_2554] {strides = array<i32>} : memref<1024xf32, #tpu.memory_space<vmem>>, vector<16xf32>,
    %swap3A_2556 = vector.shape_cast %swap3A_2555 : vector<16xf32> to vector<16xf32>
    %swap3A_2557 = vector.shape_cast %add3A_2553 : vector<16xf32> to vector<16xf32>
    tpu.vector_store %arg11[%swap3A_2554], %swap3A_2557 {strides = array<i32>} : memref<1024xf32, #tpu.memory_space<vmem>>, vector<16xf32>,
    %get3A_2558 = arith.constant 608 : index
    %get3A_2559 = tpu.vector_load %arg9[%get3A_2558] {strides = array<i32>} : memref<1024xf32, #tpu.memory_space<vmem>>, vector<16xf32>,
    %get3A_2560 = vector.shape_cast %get3A_2559 : vector<16xf32> to vector<16xf32>
    %get3A_2561 = arith.constant 608 : index
    %get3A_2562 = tpu.vector_load %arg7[%get3A_2561] {strides = array<i32>} : memref<1024xf32, #tpu.memory_space<vmem>>, vector<16xf32>,
    %get3A_2563 = vector.shape_cast %get3A_2562 : vector<16xf32> to vector<16xf32>
    %get3A_2564 = arith.constant 608 : index
    %get3A_2565 = tpu.vector_load %arg8[%get3A_2564] {strides = array<i32>} : memref<1024xf32, #tpu.memory_space<vmem>>, vector<16xf32>,
    %get3A_2566 = vector.shape_cast %get3A_2565 : vector<16xf32> to vector<16xf32>
    %get3A_2567 = arith.constant 608 : index
    %get3A_2568 = tpu.vector_load %arg10[%get3A_2567] {strides = array<i32>} : memref<1024xf32, #tpu.memory_space<vmem>>, vector<16xf32>,
    %get3A_2569 = vector.shape_cast %get3A_2568 : vector<16xf32> to vector<16xf32>
    %mul3A_2570 = arith.constant 2.000000e+00 : f32
    %mul3A_2571 = vector.broadcast %mul3A_2570 : f32 to vector<16xf32>
    %mul3A_2572 = arith.mulf %get3A_2563, %mul3A_2571 : vector<16xf32>
    %exp3A_2573 = math.exp %mul3A_2572 : vector<16xf32>
    %add3A_2574 = arith.constant 1.000000e+00 : f32
    %add3A_2575 = vector.broadcast %add3A_2574 : f32 to vector<16xf32>
    %add3A_2576 = arith.addf %exp3A_2573, %add3A_2575 : vector<16xf32>
    %div3A_2577 = arith.constant 2.000000e+00 : f32
    %div3A_2578 = vector.broadcast %div3A_2577 : f32 to vector<16xf32>
    %div3A_2579 = arith.divf %div3A_2578, %add3A_2576 : vector<16xf32>
    %sub3A_2580 = arith.constant 1.000000e+00 : f32
    %sub3A_2581 = vector.broadcast %sub3A_2580 : f32 to vector<16xf32>
    %sub3A_2582 = arith.subf %sub3A_2581, %div3A_2579 : vector<16xf32>
    %neg3A_2583 = arith.constant 0.000000e+00 : f32
    %neg3A_2584 = vector.broadcast %neg3A_2583 : f32 to vector<16xf32>
    %neg3A_2585 = arith.subf %neg3A_2584, %get3A_2560 : vector<16xf32>
    %mul3A_2586 = arith.constant 1.000000e-01 : f32
    %mul3A_2587 = vector.broadcast %mul3A_2586 : f32 to vector<16xf32>
    %mul3A_2588 = arith.mulf %mul3A_2587, %sub3A_2582 : vector<16xf32>
    %add3A_2589 = arith.addf %neg3A_2585, %mul3A_2588 : vector<16xf32>
    %mul3A_2590 = arith.constant 1.000000e-01 : f32
    %mul3A_2591 = vector.broadcast %mul3A_2590 : f32 to vector<16xf32>
    %mul3A_2592 = arith.mulf %mul3A_2591, %add3A_2589 : vector<16xf32>
    %add3A_2593 = arith.addf %get3A_2560, %mul3A_2592 : vector<16xf32>
    %add3A_2594 = arith.addf %add3A_2593, %get3A_2569 : vector<16xf32>
    %mul3A_2595 = arith.constant 2.000000e+00 : f32
    %mul3A_2596 = vector.broadcast %mul3A_2595 : f32 to vector<16xf32>
    %mul3A_2597 = arith.mulf %get3A_2566, %mul3A_2596 : vector<16xf32>
    %exp3A_2598 = math.exp %mul3A_2597 : vector<16xf32>
    %add3A_2599 = arith.constant 1.000000e+00 : f32
    %add3A_2600 = vector.broadcast %add3A_2599 : f32 to vector<16xf32>
    %add3A_2601 = arith.addf %exp3A_2598, %add3A_2600 : vector<16xf32>
    %div3A_2602 = arith.constant 2.000000e+00 : f32
    %div3A_2603 = vector.broadcast %div3A_2602 : f32 to vector<16xf32>
    %div3A_2604 = arith.divf %div3A_2603, %add3A_2601 : vector<16xf32>
    %sub3A_2605 = arith.constant 1.000000e+00 : f32
    %sub3A_2606 = vector.broadcast %sub3A_2605 : f32 to vector<16xf32>
    %sub3A_2607 = arith.subf %sub3A_2606, %div3A_2604 : vector<16xf32>
    %neg3A_2608 = arith.constant 0.000000e+00 : f32
    %neg3A_2609 = vector.broadcast %neg3A_2608 : f32 to vector<16xf32>
    %neg3A_2610 = arith.subf %neg3A_2609, %add3A_2594 : vector<16xf32>
    %mul3A_2611 = arith.constant 1.000000e-01 : f32
    %mul3A_2612 = vector.broadcast %mul3A_2611 : f32 to vector<16xf32>
    %mul3A_2613 = arith.mulf %mul3A_2612, %sub3A_2607 : vector<16xf32>
    %add3A_2614 = arith.addf %neg3A_2610, %mul3A_2613 : vector<16xf32>
    %add3A_2615 = arith.addf %add3A_2589, %add3A_2614 : vector<16xf32>
    %mul3A_2616 = arith.constant 5.000000e-02 : f32
    %mul3A_2617 = vector.broadcast %mul3A_2616 : f32 to vector<16xf32>
    %mul3A_2618 = arith.mulf %mul3A_2617, %add3A_2615 : vector<16xf32>
    %add3A_2619 = arith.addf %get3A_2560, %mul3A_2618 : vector<16xf32>
    %add3A_2620 = arith.addf %add3A_2619, %get3A_2569 : vector<16xf32>
    %swap3A_2621 = arith.constant 608 : index
    %swap3A_2622 = tpu.vector_load %arg11[%swap3A_2621] {strides = array<i32>} : memref<1024xf32, #tpu.memory_space<vmem>>, vector<16xf32>,
    %swap3A_2623 = vector.shape_cast %swap3A_2622 : vector<16xf32> to vector<16xf32>
    %swap3A_2624 = vector.shape_cast %add3A_2620 : vector<16xf32> to vector<16xf32>
    tpu.vector_store %arg11[%swap3A_2621], %swap3A_2624 {strides = array<i32>} : memref<1024xf32, #tpu.memory_space<vmem>>, vector<16xf32>,
    %get3A_2625 = arith.constant 624 : index
    %get3A_2626 = tpu.vector_load %arg9[%get3A_2625] {strides = array<i32>} : memref<1024xf32, #tpu.memory_space<vmem>>, vector<16xf32>,
    %get3A_2627 = vector.shape_cast %get3A_2626 : vector<16xf32> to vector<16xf32>
    %get3A_2628 = arith.constant 624 : index
    %get3A_2629 = tpu.vector_load %arg7[%get3A_2628] {strides = array<i32>} : memref<1024xf32, #tpu.memory_space<vmem>>, vector<16xf32>,
    %get3A_2630 = vector.shape_cast %get3A_2629 : vector<16xf32> to vector<16xf32>
    %get3A_2631 = arith.constant 624 : index
    %get3A_2632 = tpu.vector_load %arg8[%get3A_2631] {strides = array<i32>} : memref<1024xf32, #tpu.memory_space<vmem>>, vector<16xf32>,
    %get3A_2633 = vector.shape_cast %get3A_2632 : vector<16xf32> to vector<16xf32>
    %get3A_2634 = arith.constant 624 : index
    %get3A_2635 = tpu.vector_load %arg10[%get3A_2634] {strides = array<i32>} : memref<1024xf32, #tpu.memory_space<vmem>>, vector<16xf32>,
    %get3A_2636 = vector.shape_cast %get3A_2635 : vector<16xf32> to vector<16xf32>
    %mul3A_2637 = arith.constant 2.000000e+00 : f32
    %mul3A_2638 = vector.broadcast %mul3A_2637 : f32 to vector<16xf32>
    %mul3A_2639 = arith.mulf %get3A_2630, %mul3A_2638 : vector<16xf32>
    %exp3A_2640 = math.exp %mul3A_2639 : vector<16xf32>
    %add3A_2641 = arith.constant 1.000000e+00 : f32
    %add3A_2642 = vector.broadcast %add3A_2641 : f32 to vector<16xf32>
    %add3A_2643 = arith.addf %exp3A_2640, %add3A_2642 : vector<16xf32>
    %div3A_2644 = arith.constant 2.000000e+00 : f32
    %div3A_2645 = vector.broadcast %div3A_2644 : f32 to vector<16xf32>
    %div3A_2646 = arith.divf %div3A_2645, %add3A_2643 : vector<16xf32>
    %sub3A_2647 = arith.constant 1.000000e+00 : f32
    %sub3A_2648 = vector.broadcast %sub3A_2647 : f32 to vector<16xf32>
    %sub3A_2649 = arith.subf %sub3A_2648, %div3A_2646 : vector<16xf32>
    %neg3A_2650 = arith.constant 0.000000e+00 : f32
    %neg3A_2651 = vector.broadcast %neg3A_2650 : f32 to vector<16xf32>
    %neg3A_2652 = arith.subf %neg3A_2651, %get3A_2627 : vector<16xf32>
    %mul3A_2653 = arith.constant 1.000000e-01 : f32
    %mul3A_2654 = vector.broadcast %mul3A_2653 : f32 to vector<16xf32>
    %mul3A_2655 = arith.mulf %mul3A_2654, %sub3A_2649 : vector<16xf32>
    %add3A_2656 = arith.addf %neg3A_2652, %mul3A_2655 : vector<16xf32>
    %mul3A_2657 = arith.constant 1.000000e-01 : f32
    %mul3A_2658 = vector.broadcast %mul3A_2657 : f32 to vector<16xf32>
    %mul3A_2659 = arith.mulf %mul3A_2658, %add3A_2656 : vector<16xf32>
    %add3A_2660 = arith.addf %get3A_2627, %mul3A_2659 : vector<16xf32>
    %add3A_2661 = arith.addf %add3A_2660, %get3A_2636 : vector<16xf32>
    %mul3A_2662 = arith.constant 2.000000e+00 : f32
    %mul3A_2663 = vector.broadcast %mul3A_2662 : f32 to vector<16xf32>
    %mul3A_2664 = arith.mulf %get3A_2633, %mul3A_2663 : vector<16xf32>
    %exp3A_2665 = math.exp %mul3A_2664 : vector<16xf32>
    %add3A_2666 = arith.constant 1.000000e+00 : f32
    %add3A_2667 = vector.broadcast %add3A_2666 : f32 to vector<16xf32>
    %add3A_2668 = arith.addf %exp3A_2665, %add3A_2667 : vector<16xf32>
    %div3A_2669 = arith.constant 2.000000e+00 : f32
    %div3A_2670 = vector.broadcast %div3A_2669 : f32 to vector<16xf32>
    %div3A_2671 = arith.divf %div3A_2670, %add3A_2668 : vector<16xf32>
    %sub3A_2672 = arith.constant 1.000000e+00 : f32
    %sub3A_2673 = vector.broadcast %sub3A_2672 : f32 to vector<16xf32>
    %sub3A_2674 = arith.subf %sub3A_2673, %div3A_2671 : vector<16xf32>
    %neg3A_2675 = arith.constant 0.000000e+00 : f32
    %neg3A_2676 = vector.broadcast %neg3A_2675 : f32 to vector<16xf32>
    %neg3A_2677 = arith.subf %neg3A_2676, %add3A_2661 : vector<16xf32>
    %mul3A_2678 = arith.constant 1.000000e-01 : f32
    %mul3A_2679 = vector.broadcast %mul3A_2678 : f32 to vector<16xf32>
    %mul3A_2680 = arith.mulf %mul3A_2679, %sub3A_2674 : vector<16xf32>
    %add3A_2681 = arith.addf %neg3A_2677, %mul3A_2680 : vector<16xf32>
    %add3A_2682 = arith.addf %add3A_2656, %add3A_2681 : vector<16xf32>
    %mul3A_2683 = arith.constant 5.000000e-02 : f32
    %mul3A_2684 = vector.broadcast %mul3A_2683 : f32 to vector<16xf32>
    %mul3A_2685 = arith.mulf %mul3A_2684, %add3A_2682 : vector<16xf32>
    %add3A_2686 = arith.addf %get3A_2627, %mul3A_2685 : vector<16xf32>
    %add3A_2687 = arith.addf %add3A_2686, %get3A_2636 : vector<16xf32>
    %swap3A_2688 = arith.constant 624 : index
    %swap3A_2689 = tpu.vector_load %arg11[%swap3A_2688] {strides = array<i32>} : memref<1024xf32, #tpu.memory_space<vmem>>, vector<16xf32>,
    %swap3A_2690 = vector.shape_cast %swap3A_2689 : vector<16xf32> to vector<16xf32>
    %swap3A_2691 = vector.shape_cast %add3A_2687 : vector<16xf32> to vector<16xf32>
    tpu.vector_store %arg11[%swap3A_2688], %swap3A_2691 {strides = array<i32>} : memref<1024xf32, #tpu.memory_space<vmem>>, vector<16xf32>,
    %get3A_2692 = arith.constant 640 : index
    %get3A_2693 = tpu.vector_load %arg9[%get3A_2692] {strides = array<i32>} : memref<1024xf32, #tpu.memory_space<vmem>>, vector<16xf32>,
    %get3A_2694 = vector.shape_cast %get3A_2693 : vector<16xf32> to vector<16xf32>
    %get3A_2695 = arith.constant 640 : index
    %get3A_2696 = tpu.vector_load %arg7[%get3A_2695] {strides = array<i32>} : memref<1024xf32, #tpu.memory_space<vmem>>, vector<16xf32>,
    %get3A_2697 = vector.shape_cast %get3A_2696 : vector<16xf32> to vector<16xf32>
    %get3A_2698 = arith.constant 640 : index
    %get3A_2699 = tpu.vector_load %arg8[%get3A_2698] {strides = array<i32>} : memref<1024xf32, #tpu.memory_space<vmem>>, vector<16xf32>,
    %get3A_2700 = vector.shape_cast %get3A_2699 : vector<16xf32> to vector<16xf32>
    %get3A_2701 = arith.constant 640 : index
    %get3A_2702 = tpu.vector_load %arg10[%get3A_2701] {strides = array<i32>} : memref<1024xf32, #tpu.memory_space<vmem>>, vector<16xf32>,
    %get3A_2703 = vector.shape_cast %get3A_2702 : vector<16xf32> to vector<16xf32>
    %mul3A_2704 = arith.constant 2.000000e+00 : f32
    %mul3A_2705 = vector.broadcast %mul3A_2704 : f32 to vector<16xf32>
    %mul3A_2706 = arith.mulf %get3A_2697, %mul3A_2705 : vector<16xf32>
    %exp3A_2707 = math.exp %mul3A_2706 : vector<16xf32>
    %add3A_2708 = arith.constant 1.000000e+00 : f32
    %add3A_2709 = vector.broadcast %add3A_2708 : f32 to vector<16xf32>
    %add3A_2710 = arith.addf %exp3A_2707, %add3A_2709 : vector<16xf32>
    %div3A_2711 = arith.constant 2.000000e+00 : f32
    %div3A_2712 = vector.broadcast %div3A_2711 : f32 to vector<16xf32>
    %div3A_2713 = arith.divf %div3A_2712, %add3A_2710 : vector<16xf32>
    %sub3A_2714 = arith.constant 1.000000e+00 : f32
    %sub3A_2715 = vector.broadcast %sub3A_2714 : f32 to vector<16xf32>
    %sub3A_2716 = arith.subf %sub3A_2715, %div3A_2713 : vector<16xf32>
    %neg3A_2717 = arith.constant 0.000000e+00 : f32
    %neg3A_2718 = vector.broadcast %neg3A_2717 : f32 to vector<16xf32>
    %neg3A_2719 = arith.subf %neg3A_2718, %get3A_2694 : vector<16xf32>
    %mul3A_2720 = arith.constant 1.000000e-01 : f32
    %mul3A_2721 = vector.broadcast %mul3A_2720 : f32 to vector<16xf32>
    %mul3A_2722 = arith.mulf %mul3A_2721, %sub3A_2716 : vector<16xf32>
    %add3A_2723 = arith.addf %neg3A_2719, %mul3A_2722 : vector<16xf32>
    %mul3A_2724 = arith.constant 1.000000e-01 : f32
    %mul3A_2725 = vector.broadcast %mul3A_2724 : f32 to vector<16xf32>
    %mul3A_2726 = arith.mulf %mul3A_2725, %add3A_2723 : vector<16xf32>
    %add3A_2727 = arith.addf %get3A_2694, %mul3A_2726 : vector<16xf32>
    %add3A_2728 = arith.addf %add3A_2727, %get3A_2703 : vector<16xf32>
    %mul3A_2729 = arith.constant 2.000000e+00 : f32
    %mul3A_2730 = vector.broadcast %mul3A_2729 : f32 to vector<16xf32>
    %mul3A_2731 = arith.mulf %get3A_2700, %mul3A_2730 : vector<16xf32>
    %exp3A_2732 = math.exp %mul3A_2731 : vector<16xf32>
    %add3A_2733 = arith.constant 1.000000e+00 : f32
    %add3A_2734 = vector.broadcast %add3A_2733 : f32 to vector<16xf32>
    %add3A_2735 = arith.addf %exp3A_2732, %add3A_2734 : vector<16xf32>
    %div3A_2736 = arith.constant 2.000000e+00 : f32
    %div3A_2737 = vector.broadcast %div3A_2736 : f32 to vector<16xf32>
    %div3A_2738 = arith.divf %div3A_2737, %add3A_2735 : vector<16xf32>
    %sub3A_2739 = arith.constant 1.000000e+00 : f32
    %sub3A_2740 = vector.broadcast %sub3A_2739 : f32 to vector<16xf32>
    %sub3A_2741 = arith.subf %sub3A_2740, %div3A_2738 : vector<16xf32>
    %neg3A_2742 = arith.constant 0.000000e+00 : f32
    %neg3A_2743 = vector.broadcast %neg3A_2742 : f32 to vector<16xf32>
    %neg3A_2744 = arith.subf %neg3A_2743, %add3A_2728 : vector<16xf32>
    %mul3A_2745 = arith.constant 1.000000e-01 : f32
    %mul3A_2746 = vector.broadcast %mul3A_2745 : f32 to vector<16xf32>
    %mul3A_2747 = arith.mulf %mul3A_2746, %sub3A_2741 : vector<16xf32>
    %add3A_2748 = arith.addf %neg3A_2744, %mul3A_2747 : vector<16xf32>
    %add3A_2749 = arith.addf %add3A_2723, %add3A_2748 : vector<16xf32>
    %mul3A_2750 = arith.constant 5.000000e-02 : f32
    %mul3A_2751 = vector.broadcast %mul3A_2750 : f32 to vector<16xf32>
    %mul3A_2752 = arith.mulf %mul3A_2751, %add3A_2749 : vector<16xf32>
    %add3A_2753 = arith.addf %get3A_2694, %mul3A_2752 : vector<16xf32>
    %add3A_2754 = arith.addf %add3A_2753, %get3A_2703 : vector<16xf32>
    %swap3A_2755 = arith.constant 640 : index
    %swap3A_2756 = tpu.vector_load %arg11[%swap3A_2755] {strides = array<i32>} : memref<1024xf32, #tpu.memory_space<vmem>>, vector<16xf32>,
    %swap3A_2757 = vector.shape_cast %swap3A_2756 : vector<16xf32> to vector<16xf32>
    %swap3A_2758 = vector.shape_cast %add3A_2754 : vector<16xf32> to vector<16xf32>
    tpu.vector_store %arg11[%swap3A_2755], %swap3A_2758 {strides = array<i32>} : memref<1024xf32, #tpu.memory_space<vmem>>, vector<16xf32>,
    %get3A_2759 = arith.constant 656 : index
    %get3A_2760 = tpu.vector_load %arg9[%get3A_2759] {strides = array<i32>} : memref<1024xf32, #tpu.memory_space<vmem>>, vector<16xf32>,
    %get3A_2761 = vector.shape_cast %get3A_2760 : vector<16xf32> to vector<16xf32>
    %get3A_2762 = arith.constant 656 : index
    %get3A_2763 = tpu.vector_load %arg7[%get3A_2762] {strides = array<i32>} : memref<1024xf32, #tpu.memory_space<vmem>>, vector<16xf32>,
    %get3A_2764 = vector.shape_cast %get3A_2763 : vector<16xf32> to vector<16xf32>
    %get3A_2765 = arith.constant 656 : index
    %get3A_2766 = tpu.vector_load %arg8[%get3A_2765] {strides = array<i32>} : memref<1024xf32, #tpu.memory_space<vmem>>, vector<16xf32>,
    %get3A_2767 = vector.shape_cast %get3A_2766 : vector<16xf32> to vector<16xf32>
    %get3A_2768 = arith.constant 656 : index
    %get3A_2769 = tpu.vector_load %arg10[%get3A_2768] {strides = array<i32>} : memref<1024xf32, #tpu.memory_space<vmem>>, vector<16xf32>,
    %get3A_2770 = vector.shape_cast %get3A_2769 : vector<16xf32> to vector<16xf32>
    %mul3A_2771 = arith.constant 2.000000e+00 : f32
    %mul3A_2772 = vector.broadcast %mul3A_2771 : f32 to vector<16xf32>
    %mul3A_2773 = arith.mulf %get3A_2764, %mul3A_2772 : vector<16xf32>
    %exp3A_2774 = math.exp %mul3A_2773 : vector<16xf32>
    %add3A_2775 = arith.constant 1.000000e+00 : f32
    %add3A_2776 = vector.broadcast %add3A_2775 : f32 to vector<16xf32>
    %add3A_2777 = arith.addf %exp3A_2774, %add3A_2776 : vector<16xf32>
    %div3A_2778 = arith.constant 2.000000e+00 : f32
    %div3A_2779 = vector.broadcast %div3A_2778 : f32 to vector<16xf32>
    %div3A_2780 = arith.divf %div3A_2779, %add3A_2777 : vector<16xf32>
    %sub3A_2781 = arith.constant 1.000000e+00 : f32
    %sub3A_2782 = vector.broadcast %sub3A_2781 : f32 to vector<16xf32>
    %sub3A_2783 = arith.subf %sub3A_2782, %div3A_2780 : vector<16xf32>
    %neg3A_2784 = arith.constant 0.000000e+00 : f32
    %neg3A_2785 = vector.broadcast %neg3A_2784 : f32 to vector<16xf32>
    %neg3A_2786 = arith.subf %neg3A_2785, %get3A_2761 : vector<16xf32>
    %mul3A_2787 = arith.constant 1.000000e-01 : f32
    %mul3A_2788 = vector.broadcast %mul3A_2787 : f32 to vector<16xf32>
    %mul3A_2789 = arith.mulf %mul3A_2788, %sub3A_2783 : vector<16xf32>
    %add3A_2790 = arith.addf %neg3A_2786, %mul3A_2789 : vector<16xf32>
    %mul3A_2791 = arith.constant 1.000000e-01 : f32
    %mul3A_2792 = vector.broadcast %mul3A_2791 : f32 to vector<16xf32>
    %mul3A_2793 = arith.mulf %mul3A_2792, %add3A_2790 : vector<16xf32>
    %add3A_2794 = arith.addf %get3A_2761, %mul3A_2793 : vector<16xf32>
    %add3A_2795 = arith.addf %add3A_2794, %get3A_2770 : vector<16xf32>
    %mul3A_2796 = arith.constant 2.000000e+00 : f32
    %mul3A_2797 = vector.broadcast %mul3A_2796 : f32 to vector<16xf32>
    %mul3A_2798 = arith.mulf %get3A_2767, %mul3A_2797 : vector<16xf32>
    %exp3A_2799 = math.exp %mul3A_2798 : vector<16xf32>
    %add3A_2800 = arith.constant 1.000000e+00 : f32
    %add3A_2801 = vector.broadcast %add3A_2800 : f32 to vector<16xf32>
    %add3A_2802 = arith.addf %exp3A_2799, %add3A_2801 : vector<16xf32>
    %div3A_2803 = arith.constant 2.000000e+00 : f32
    %div3A_2804 = vector.broadcast %div3A_2803 : f32 to vector<16xf32>
    %div3A_2805 = arith.divf %div3A_2804, %add3A_2802 : vector<16xf32>
    %sub3A_2806 = arith.constant 1.000000e+00 : f32
    %sub3A_2807 = vector.broadcast %sub3A_2806 : f32 to vector<16xf32>
    %sub3A_2808 = arith.subf %sub3A_2807, %div3A_2805 : vector<16xf32>
    %neg3A_2809 = arith.constant 0.000000e+00 : f32
    %neg3A_2810 = vector.broadcast %neg3A_2809 : f32 to vector<16xf32>
    %neg3A_2811 = arith.subf %neg3A_2810, %add3A_2795 : vector<16xf32>
    %mul3A_2812 = arith.constant 1.000000e-01 : f32
    %mul3A_2813 = vector.broadcast %mul3A_2812 : f32 to vector<16xf32>
    %mul3A_2814 = arith.mulf %mul3A_2813, %sub3A_2808 : vector<16xf32>
    %add3A_2815 = arith.addf %neg3A_2811, %mul3A_2814 : vector<16xf32>
    %add3A_2816 = arith.addf %add3A_2790, %add3A_2815 : vector<16xf32>
    %mul3A_2817 = arith.constant 5.000000e-02 : f32
    %mul3A_2818 = vector.broadcast %mul3A_2817 : f32 to vector<16xf32>
    %mul3A_2819 = arith.mulf %mul3A_2818, %add3A_2816 : vector<16xf32>
    %add3A_2820 = arith.addf %get3A_2761, %mul3A_2819 : vector<16xf32>
    %add3A_2821 = arith.addf %add3A_2820, %get3A_2770 : vector<16xf32>
    %swap3A_2822 = arith.constant 656 : index
    %swap3A_2823 = tpu.vector_load %arg11[%swap3A_2822] {strides = array<i32>} : memref<1024xf32, #tpu.memory_space<vmem>>, vector<16xf32>,
    %swap3A_2824 = vector.shape_cast %swap3A_2823 : vector<16xf32> to vector<16xf32>
    %swap3A_2825 = vector.shape_cast %add3A_2821 : vector<16xf32> to vector<16xf32>
    tpu.vector_store %arg11[%swap3A_2822], %swap3A_2825 {strides = array<i32>} : memref<1024xf32, #tpu.memory_space<vmem>>, vector<16xf32>,
    %get3A_2826 = arith.constant 672 : index
    %get3A_2827 = tpu.vector_load %arg9[%get3A_2826] {strides = array<i32>} : memref<1024xf32, #tpu.memory_space<vmem>>, vector<16xf32>,
    %get3A_2828 = vector.shape_cast %get3A_2827 : vector<16xf32> to vector<16xf32>
    %get3A_2829 = arith.constant 672 : index
    %get3A_2830 = tpu.vector_load %arg7[%get3A_2829] {strides = array<i32>} : memref<1024xf32, #tpu.memory_space<vmem>>, vector<16xf32>,
    %get3A_2831 = vector.shape_cast %get3A_2830 : vector<16xf32> to vector<16xf32>
    %get3A_2832 = arith.constant 672 : index
    %get3A_2833 = tpu.vector_load %arg8[%get3A_2832] {strides = array<i32>} : memref<1024xf32, #tpu.memory_space<vmem>>, vector<16xf32>,
    %get3A_2834 = vector.shape_cast %get3A_2833 : vector<16xf32> to vector<16xf32>
    %get3A_2835 = arith.constant 672 : index
    %get3A_2836 = tpu.vector_load %arg10[%get3A_2835] {strides = array<i32>} : memref<1024xf32, #tpu.memory_space<vmem>>, vector<16xf32>,
    %get3A_2837 = vector.shape_cast %get3A_2836 : vector<16xf32> to vector<16xf32>
    %mul3A_2838 = arith.constant 2.000000e+00 : f32
    %mul3A_2839 = vector.broadcast %mul3A_2838 : f32 to vector<16xf32>
    %mul3A_2840 = arith.mulf %get3A_2831, %mul3A_2839 : vector<16xf32>
    %exp3A_2841 = math.exp %mul3A_2840 : vector<16xf32>
    %add3A_2842 = arith.constant 1.000000e+00 : f32
    %add3A_2843 = vector.broadcast %add3A_2842 : f32 to vector<16xf32>
    %add3A_2844 = arith.addf %exp3A_2841, %add3A_2843 : vector<16xf32>
    %div3A_2845 = arith.constant 2.000000e+00 : f32
    %div3A_2846 = vector.broadcast %div3A_2845 : f32 to vector<16xf32>
    %div3A_2847 = arith.divf %div3A_2846, %add3A_2844 : vector<16xf32>
    %sub3A_2848 = arith.constant 1.000000e+00 : f32
    %sub3A_2849 = vector.broadcast %sub3A_2848 : f32 to vector<16xf32>
    %sub3A_2850 = arith.subf %sub3A_2849, %div3A_2847 : vector<16xf32>
    %neg3A_2851 = arith.constant 0.000000e+00 : f32
    %neg3A_2852 = vector.broadcast %neg3A_2851 : f32 to vector<16xf32>
    %neg3A_2853 = arith.subf %neg3A_2852, %get3A_2828 : vector<16xf32>
    %mul3A_2854 = arith.constant 1.000000e-01 : f32
    %mul3A_2855 = vector.broadcast %mul3A_2854 : f32 to vector<16xf32>
    %mul3A_2856 = arith.mulf %mul3A_2855, %sub3A_2850 : vector<16xf32>
    %add3A_2857 = arith.addf %neg3A_2853, %mul3A_2856 : vector<16xf32>
    %mul3A_2858 = arith.constant 1.000000e-01 : f32
    %mul3A_2859 = vector.broadcast %mul3A_2858 : f32 to vector<16xf32>
    %mul3A_2860 = arith.mulf %mul3A_2859, %add3A_2857 : vector<16xf32>
    %add3A_2861 = arith.addf %get3A_2828, %mul3A_2860 : vector<16xf32>
    %add3A_2862 = arith.addf %add3A_2861, %get3A_2837 : vector<16xf32>
    %mul3A_2863 = arith.constant 2.000000e+00 : f32
    %mul3A_2864 = vector.broadcast %mul3A_2863 : f32 to vector<16xf32>
    %mul3A_2865 = arith.mulf %get3A_2834, %mul3A_2864 : vector<16xf32>
    %exp3A_2866 = math.exp %mul3A_2865 : vector<16xf32>
    %add3A_2867 = arith.constant 1.000000e+00 : f32
    %add3A_2868 = vector.broadcast %add3A_2867 : f32 to vector<16xf32>
    %add3A_2869 = arith.addf %exp3A_2866, %add3A_2868 : vector<16xf32>
    %div3A_2870 = arith.constant 2.000000e+00 : f32
    %div3A_2871 = vector.broadcast %div3A_2870 : f32 to vector<16xf32>
    %div3A_2872 = arith.divf %div3A_2871, %add3A_2869 : vector<16xf32>
    %sub3A_2873 = arith.constant 1.000000e+00 : f32
    %sub3A_2874 = vector.broadcast %sub3A_2873 : f32 to vector<16xf32>
    %sub3A_2875 = arith.subf %sub3A_2874, %div3A_2872 : vector<16xf32>
    %neg3A_2876 = arith.constant 0.000000e+00 : f32
    %neg3A_2877 = vector.broadcast %neg3A_2876 : f32 to vector<16xf32>
    %neg3A_2878 = arith.subf %neg3A_2877, %add3A_2862 : vector<16xf32>
    %mul3A_2879 = arith.constant 1.000000e-01 : f32
    %mul3A_2880 = vector.broadcast %mul3A_2879 : f32 to vector<16xf32>
    %mul3A_2881 = arith.mulf %mul3A_2880, %sub3A_2875 : vector<16xf32>
    %add3A_2882 = arith.addf %neg3A_2878, %mul3A_2881 : vector<16xf32>
    %add3A_2883 = arith.addf %add3A_2857, %add3A_2882 : vector<16xf32>
    %mul3A_2884 = arith.constant 5.000000e-02 : f32
    %mul3A_2885 = vector.broadcast %mul3A_2884 : f32 to vector<16xf32>
    %mul3A_2886 = arith.mulf %mul3A_2885, %add3A_2883 : vector<16xf32>
    %add3A_2887 = arith.addf %get3A_2828, %mul3A_2886 : vector<16xf32>
    %add3A_2888 = arith.addf %add3A_2887, %get3A_2837 : vector<16xf32>
    %swap3A_2889 = arith.constant 672 : index
    %swap3A_2890 = tpu.vector_load %arg11[%swap3A_2889] {strides = array<i32>} : memref<1024xf32, #tpu.memory_space<vmem>>, vector<16xf32>,
    %swap3A_2891 = vector.shape_cast %swap3A_2890 : vector<16xf32> to vector<16xf32>
    %swap3A_2892 = vector.shape_cast %add3A_2888 : vector<16xf32> to vector<16xf32>
    tpu.vector_store %arg11[%swap3A_2889], %swap3A_2892 {strides = array<i32>} : memref<1024xf32, #tpu.memory_space<vmem>>, vector<16xf32>,
    %get3A_2893 = arith.constant 688 : index
    %get3A_2894 = tpu.vector_load %arg9[%get3A_2893] {strides = array<i32>} : memref<1024xf32, #tpu.memory_space<vmem>>, vector<16xf32>,
    %get3A_2895 = vector.shape_cast %get3A_2894 : vector<16xf32> to vector<16xf32>
    %get3A_2896 = arith.constant 688 : index
    %get3A_2897 = tpu.vector_load %arg7[%get3A_2896] {strides = array<i32>} : memref<1024xf32, #tpu.memory_space<vmem>>, vector<16xf32>,
    %get3A_2898 = vector.shape_cast %get3A_2897 : vector<16xf32> to vector<16xf32>
    %get3A_2899 = arith.constant 688 : index
    %get3A_2900 = tpu.vector_load %arg8[%get3A_2899] {strides = array<i32>} : memref<1024xf32, #tpu.memory_space<vmem>>, vector<16xf32>,
    %get3A_2901 = vector.shape_cast %get3A_2900 : vector<16xf32> to vector<16xf32>
    %get3A_2902 = arith.constant 688 : index
    %get3A_2903 = tpu.vector_load %arg10[%get3A_2902] {strides = array<i32>} : memref<1024xf32, #tpu.memory_space<vmem>>, vector<16xf32>,
    %get3A_2904 = vector.shape_cast %get3A_2903 : vector<16xf32> to vector<16xf32>
    %mul3A_2905 = arith.constant 2.000000e+00 : f32
    %mul3A_2906 = vector.broadcast %mul3A_2905 : f32 to vector<16xf32>
    %mul3A_2907 = arith.mulf %get3A_2898, %mul3A_2906 : vector<16xf32>
    %exp3A_2908 = math.exp %mul3A_2907 : vector<16xf32>
    %add3A_2909 = arith.constant 1.000000e+00 : f32
    %add3A_2910 = vector.broadcast %add3A_2909 : f32 to vector<16xf32>
    %add3A_2911 = arith.addf %exp3A_2908, %add3A_2910 : vector<16xf32>
    %div3A_2912 = arith.constant 2.000000e+00 : f32
    %div3A_2913 = vector.broadcast %div3A_2912 : f32 to vector<16xf32>
    %div3A_2914 = arith.divf %div3A_2913, %add3A_2911 : vector<16xf32>
    %sub3A_2915 = arith.constant 1.000000e+00 : f32
    %sub3A_2916 = vector.broadcast %sub3A_2915 : f32 to vector<16xf32>
    %sub3A_2917 = arith.subf %sub3A_2916, %div3A_2914 : vector<16xf32>
    %neg3A_2918 = arith.constant 0.000000e+00 : f32
    %neg3A_2919 = vector.broadcast %neg3A_2918 : f32 to vector<16xf32>
    %neg3A_2920 = arith.subf %neg3A_2919, %get3A_2895 : vector<16xf32>
    %mul3A_2921 = arith.constant 1.000000e-01 : f32
    %mul3A_2922 = vector.broadcast %mul3A_2921 : f32 to vector<16xf32>
    %mul3A_2923 = arith.mulf %mul3A_2922, %sub3A_2917 : vector<16xf32>
    %add3A_2924 = arith.addf %neg3A_2920, %mul3A_2923 : vector<16xf32>
    %mul3A_2925 = arith.constant 1.000000e-01 : f32
    %mul3A_2926 = vector.broadcast %mul3A_2925 : f32 to vector<16xf32>
    %mul3A_2927 = arith.mulf %mul3A_2926, %add3A_2924 : vector<16xf32>
    %add3A_2928 = arith.addf %get3A_2895, %mul3A_2927 : vector<16xf32>
    %add3A_2929 = arith.addf %add3A_2928, %get3A_2904 : vector<16xf32>
    %mul3A_2930 = arith.constant 2.000000e+00 : f32
    %mul3A_2931 = vector.broadcast %mul3A_2930 : f32 to vector<16xf32>
    %mul3A_2932 = arith.mulf %get3A_2901, %mul3A_2931 : vector<16xf32>
    %exp3A_2933 = math.exp %mul3A_2932 : vector<16xf32>
    %add3A_2934 = arith.constant 1.000000e+00 : f32
    %add3A_2935 = vector.broadcast %add3A_2934 : f32 to vector<16xf32>
    %add3A_2936 = arith.addf %exp3A_2933, %add3A_2935 : vector<16xf32>
    %div3A_2937 = arith.constant 2.000000e+00 : f32
    %div3A_2938 = vector.broadcast %div3A_2937 : f32 to vector<16xf32>
    %div3A_2939 = arith.divf %div3A_2938, %add3A_2936 : vector<16xf32>
    %sub3A_2940 = arith.constant 1.000000e+00 : f32
    %sub3A_2941 = vector.broadcast %sub3A_2940 : f32 to vector<16xf32>
    %sub3A_2942 = arith.subf %sub3A_2941, %div3A_2939 : vector<16xf32>
    %neg3A_2943 = arith.constant 0.000000e+00 : f32
    %neg3A_2944 = vector.broadcast %neg3A_2943 : f32 to vector<16xf32>
    %neg3A_2945 = arith.subf %neg3A_2944, %add3A_2929 : vector<16xf32>
    %mul3A_2946 = arith.constant 1.000000e-01 : f32
    %mul3A_2947 = vector.broadcast %mul3A_2946 : f32 to vector<16xf32>
    %mul3A_2948 = arith.mulf %mul3A_2947, %sub3A_2942 : vector<16xf32>
    %add3A_2949 = arith.addf %neg3A_2945, %mul3A_2948 : vector<16xf32>
    %add3A_2950 = arith.addf %add3A_2924, %add3A_2949 : vector<16xf32>
    %mul3A_2951 = arith.constant 5.000000e-02 : f32
    %mul3A_2952 = vector.broadcast %mul3A_2951 : f32 to vector<16xf32>
    %mul3A_2953 = arith.mulf %mul3A_2952, %add3A_2950 : vector<16xf32>
    %add3A_2954 = arith.addf %get3A_2895, %mul3A_2953 : vector<16xf32>
    %add3A_2955 = arith.addf %add3A_2954, %get3A_2904 : vector<16xf32>
    %swap3A_2956 = arith.constant 688 : index
    %swap3A_2957 = tpu.vector_load %arg11[%swap3A_2956] {strides = array<i32>} : memref<1024xf32, #tpu.memory_space<vmem>>, vector<16xf32>,
    %swap3A_2958 = vector.shape_cast %swap3A_2957 : vector<16xf32> to vector<16xf32>
    %swap3A_2959 = vector.shape_cast %add3A_2955 : vector<16xf32> to vector<16xf32>
    tpu.vector_store %arg11[%swap3A_2956], %swap3A_2959 {strides = array<i32>} : memref<1024xf32, #tpu.memory_space<vmem>>, vector<16xf32>,
    %get3A_2960 = arith.constant 704 : index
    %get3A_2961 = tpu.vector_load %arg9[%get3A_2960] {strides = array<i32>} : memref<1024xf32, #tpu.memory_space<vmem>>, vector<16xf32>,
    %get3A_2962 = vector.shape_cast %get3A_2961 : vector<16xf32> to vector<16xf32>
    %get3A_2963 = arith.constant 704 : index
    %get3A_2964 = tpu.vector_load %arg7[%get3A_2963] {strides = array<i32>} : memref<1024xf32, #tpu.memory_space<vmem>>, vector<16xf32>,
    %get3A_2965 = vector.shape_cast %get3A_2964 : vector<16xf32> to vector<16xf32>
    %get3A_2966 = arith.constant 704 : index
    %get3A_2967 = tpu.vector_load %arg8[%get3A_2966] {strides = array<i32>} : memref<1024xf32, #tpu.memory_space<vmem>>, vector<16xf32>,
    %get3A_2968 = vector.shape_cast %get3A_2967 : vector<16xf32> to vector<16xf32>
    %get3A_2969 = arith.constant 704 : index
    %get3A_2970 = tpu.vector_load %arg10[%get3A_2969] {strides = array<i32>} : memref<1024xf32, #tpu.memory_space<vmem>>, vector<16xf32>,
    %get3A_2971 = vector.shape_cast %get3A_2970 : vector<16xf32> to vector<16xf32>
    %mul3A_2972 = arith.constant 2.000000e+00 : f32
    %mul3A_2973 = vector.broadcast %mul3A_2972 : f32 to vector<16xf32>
    %mul3A_2974 = arith.mulf %get3A_2965, %mul3A_2973 : vector<16xf32>
    %exp3A_2975 = math.exp %mul3A_2974 : vector<16xf32>
    %add3A_2976 = arith.constant 1.000000e+00 : f32
    %add3A_2977 = vector.broadcast %add3A_2976 : f32 to vector<16xf32>
    %add3A_2978 = arith.addf %exp3A_2975, %add3A_2977 : vector<16xf32>
    %div3A_2979 = arith.constant 2.000000e+00 : f32
    %div3A_2980 = vector.broadcast %div3A_2979 : f32 to vector<16xf32>
    %div3A_2981 = arith.divf %div3A_2980, %add3A_2978 : vector<16xf32>
    %sub3A_2982 = arith.constant 1.000000e+00 : f32
    %sub3A_2983 = vector.broadcast %sub3A_2982 : f32 to vector<16xf32>
    %sub3A_2984 = arith.subf %sub3A_2983, %div3A_2981 : vector<16xf32>
    %neg3A_2985 = arith.constant 0.000000e+00 : f32
    %neg3A_2986 = vector.broadcast %neg3A_2985 : f32 to vector<16xf32>
    %neg3A_2987 = arith.subf %neg3A_2986, %get3A_2962 : vector<16xf32>
    %mul3A_2988 = arith.constant 1.000000e-01 : f32
    %mul3A_2989 = vector.broadcast %mul3A_2988 : f32 to vector<16xf32>
    %mul3A_2990 = arith.mulf %mul3A_2989, %sub3A_2984 : vector<16xf32>
    %add3A_2991 = arith.addf %neg3A_2987, %mul3A_2990 : vector<16xf32>
    %mul3A_2992 = arith.constant 1.000000e-01 : f32
    %mul3A_2993 = vector.broadcast %mul3A_2992 : f32 to vector<16xf32>
    %mul3A_2994 = arith.mulf %mul3A_2993, %add3A_2991 : vector<16xf32>
    %add3A_2995 = arith.addf %get3A_2962, %mul3A_2994 : vector<16xf32>
    %add3A_2996 = arith.addf %add3A_2995, %get3A_2971 : vector<16xf32>
    %mul3A_2997 = arith.constant 2.000000e+00 : f32
    %mul3A_2998 = vector.broadcast %mul3A_2997 : f32 to vector<16xf32>
    %mul3A_2999 = arith.mulf %get3A_2968, %mul3A_2998 : vector<16xf32>
    %exp3A_3000 = math.exp %mul3A_2999 : vector<16xf32>
    %add3A_3001 = arith.constant 1.000000e+00 : f32
    %add3A_3002 = vector.broadcast %add3A_3001 : f32 to vector<16xf32>
    %add3A_3003 = arith.addf %exp3A_3000, %add3A_3002 : vector<16xf32>
    %div3A_3004 = arith.constant 2.000000e+00 : f32
    %div3A_3005 = vector.broadcast %div3A_3004 : f32 to vector<16xf32>
    %div3A_3006 = arith.divf %div3A_3005, %add3A_3003 : vector<16xf32>
    %sub3A_3007 = arith.constant 1.000000e+00 : f32
    %sub3A_3008 = vector.broadcast %sub3A_3007 : f32 to vector<16xf32>
    %sub3A_3009 = arith.subf %sub3A_3008, %div3A_3006 : vector<16xf32>
    %neg3A_3010 = arith.constant 0.000000e+00 : f32
    %neg3A_3011 = vector.broadcast %neg3A_3010 : f32 to vector<16xf32>
    %neg3A_3012 = arith.subf %neg3A_3011, %add3A_2996 : vector<16xf32>
    %mul3A_3013 = arith.constant 1.000000e-01 : f32
    %mul3A_3014 = vector.broadcast %mul3A_3013 : f32 to vector<16xf32>
    %mul3A_3015 = arith.mulf %mul3A_3014, %sub3A_3009 : vector<16xf32>
    %add3A_3016 = arith.addf %neg3A_3012, %mul3A_3015 : vector<16xf32>
    %add3A_3017 = arith.addf %add3A_2991, %add3A_3016 : vector<16xf32>
    %mul3A_3018 = arith.constant 5.000000e-02 : f32
    %mul3A_3019 = vector.broadcast %mul3A_3018 : f32 to vector<16xf32>
    %mul3A_3020 = arith.mulf %mul3A_3019, %add3A_3017 : vector<16xf32>
    %add3A_3021 = arith.addf %get3A_2962, %mul3A_3020 : vector<16xf32>
    %add3A_3022 = arith.addf %add3A_3021, %get3A_2971 : vector<16xf32>
    %swap3A_3023 = arith.constant 704 : index
    %swap3A_3024 = tpu.vector_load %arg11[%swap3A_3023] {strides = array<i32>} : memref<1024xf32, #tpu.memory_space<vmem>>, vector<16xf32>,
    %swap3A_3025 = vector.shape_cast %swap3A_3024 : vector<16xf32> to vector<16xf32>
    %swap3A_3026 = vector.shape_cast %add3A_3022 : vector<16xf32> to vector<16xf32>
    tpu.vector_store %arg11[%swap3A_3023], %swap3A_3026 {strides = array<i32>} : memref<1024xf32, #tpu.memory_space<vmem>>, vector<16xf32>,
    %get3A_3027 = arith.constant 720 : index
    %get3A_3028 = tpu.vector_load %arg9[%get3A_3027] {strides = array<i32>} : memref<1024xf32, #tpu.memory_space<vmem>>, vector<16xf32>,
    %get3A_3029 = vector.shape_cast %get3A_3028 : vector<16xf32> to vector<16xf32>
    %get3A_3030 = arith.constant 720 : index
    %get3A_3031 = tpu.vector_load %arg7[%get3A_3030] {strides = array<i32>} : memref<1024xf32, #tpu.memory_space<vmem>>, vector<16xf32>,
    %get3A_3032 = vector.shape_cast %get3A_3031 : vector<16xf32> to vector<16xf32>
    %get3A_3033 = arith.constant 720 : index
    %get3A_3034 = tpu.vector_load %arg8[%get3A_3033] {strides = array<i32>} : memref<1024xf32, #tpu.memory_space<vmem>>, vector<16xf32>,
    %get3A_3035 = vector.shape_cast %get3A_3034 : vector<16xf32> to vector<16xf32>
    %get3A_3036 = arith.constant 720 : index
    %get3A_3037 = tpu.vector_load %arg10[%get3A_3036] {strides = array<i32>} : memref<1024xf32, #tpu.memory_space<vmem>>, vector<16xf32>,
    %get3A_3038 = vector.shape_cast %get3A_3037 : vector<16xf32> to vector<16xf32>
    %mul3A_3039 = arith.constant 2.000000e+00 : f32
    %mul3A_3040 = vector.broadcast %mul3A_3039 : f32 to vector<16xf32>
    %mul3A_3041 = arith.mulf %get3A_3032, %mul3A_3040 : vector<16xf32>
    %exp3A_3042 = math.exp %mul3A_3041 : vector<16xf32>
    %add3A_3043 = arith.constant 1.000000e+00 : f32
    %add3A_3044 = vector.broadcast %add3A_3043 : f32 to vector<16xf32>
    %add3A_3045 = arith.addf %exp3A_3042, %add3A_3044 : vector<16xf32>
    %div3A_3046 = arith.constant 2.000000e+00 : f32
    %div3A_3047 = vector.broadcast %div3A_3046 : f32 to vector<16xf32>
    %div3A_3048 = arith.divf %div3A_3047, %add3A_3045 : vector<16xf32>
    %sub3A_3049 = arith.constant 1.000000e+00 : f32
    %sub3A_3050 = vector.broadcast %sub3A_3049 : f32 to vector<16xf32>
    %sub3A_3051 = arith.subf %sub3A_3050, %div3A_3048 : vector<16xf32>
    %neg3A_3052 = arith.constant 0.000000e+00 : f32
    %neg3A_3053 = vector.broadcast %neg3A_3052 : f32 to vector<16xf32>
    %neg3A_3054 = arith.subf %neg3A_3053, %get3A_3029 : vector<16xf32>
    %mul3A_3055 = arith.constant 1.000000e-01 : f32
    %mul3A_3056 = vector.broadcast %mul3A_3055 : f32 to vector<16xf32>
    %mul3A_3057 = arith.mulf %mul3A_3056, %sub3A_3051 : vector<16xf32>
    %add3A_3058 = arith.addf %neg3A_3054, %mul3A_3057 : vector<16xf32>
    %mul3A_3059 = arith.constant 1.000000e-01 : f32
    %mul3A_3060 = vector.broadcast %mul3A_3059 : f32 to vector<16xf32>
    %mul3A_3061 = arith.mulf %mul3A_3060, %add3A_3058 : vector<16xf32>
    %add3A_3062 = arith.addf %get3A_3029, %mul3A_3061 : vector<16xf32>
    %add3A_3063 = arith.addf %add3A_3062, %get3A_3038 : vector<16xf32>
    %mul3A_3064 = arith.constant 2.000000e+00 : f32
    %mul3A_3065 = vector.broadcast %mul3A_3064 : f32 to vector<16xf32>
    %mul3A_3066 = arith.mulf %get3A_3035, %mul3A_3065 : vector<16xf32>
    %exp3A_3067 = math.exp %mul3A_3066 : vector<16xf32>
    %add3A_3068 = arith.constant 1.000000e+00 : f32
    %add3A_3069 = vector.broadcast %add3A_3068 : f32 to vector<16xf32>
    %add3A_3070 = arith.addf %exp3A_3067, %add3A_3069 : vector<16xf32>
    %div3A_3071 = arith.constant 2.000000e+00 : f32
    %div3A_3072 = vector.broadcast %div3A_3071 : f32 to vector<16xf32>
    %div3A_3073 = arith.divf %div3A_3072, %add3A_3070 : vector<16xf32>
    %sub3A_3074 = arith.constant 1.000000e+00 : f32
    %sub3A_3075 = vector.broadcast %sub3A_3074 : f32 to vector<16xf32>
    %sub3A_3076 = arith.subf %sub3A_3075, %div3A_3073 : vector<16xf32>
    %neg3A_3077 = arith.constant 0.000000e+00 : f32
    %neg3A_3078 = vector.broadcast %neg3A_3077 : f32 to vector<16xf32>
    %neg3A_3079 = arith.subf %neg3A_3078, %add3A_3063 : vector<16xf32>
    %mul3A_3080 = arith.constant 1.000000e-01 : f32
    %mul3A_3081 = vector.broadcast %mul3A_3080 : f32 to vector<16xf32>
    %mul3A_3082 = arith.mulf %mul3A_3081, %sub3A_3076 : vector<16xf32>
    %add3A_3083 = arith.addf %neg3A_3079, %mul3A_3082 : vector<16xf32>
    %add3A_3084 = arith.addf %add3A_3058, %add3A_3083 : vector<16xf32>
    %mul3A_3085 = arith.constant 5.000000e-02 : f32
    %mul3A_3086 = vector.broadcast %mul3A_3085 : f32 to vector<16xf32>
    %mul3A_3087 = arith.mulf %mul3A_3086, %add3A_3084 : vector<16xf32>
    %add3A_3088 = arith.addf %get3A_3029, %mul3A_3087 : vector<16xf32>
    %add3A_3089 = arith.addf %add3A_3088, %get3A_3038 : vector<16xf32>
    %swap3A_3090 = arith.constant 720 : index
    %swap3A_3091 = tpu.vector_load %arg11[%swap3A_3090] {strides = array<i32>} : memref<1024xf32, #tpu.memory_space<vmem>>, vector<16xf32>,
    %swap3A_3092 = vector.shape_cast %swap3A_3091 : vector<16xf32> to vector<16xf32>
    %swap3A_3093 = vector.shape_cast %add3A_3089 : vector<16xf32> to vector<16xf32>
    tpu.vector_store %arg11[%swap3A_3090], %swap3A_3093 {strides = array<i32>} : memref<1024xf32, #tpu.memory_space<vmem>>, vector<16xf32>,
    %get3A_3094 = arith.constant 736 : index
    %get3A_3095 = tpu.vector_load %arg9[%get3A_3094] {strides = array<i32>} : memref<1024xf32, #tpu.memory_space<vmem>>, vector<16xf32>,
    %get3A_3096 = vector.shape_cast %get3A_3095 : vector<16xf32> to vector<16xf32>
    %get3A_3097 = arith.constant 736 : index
    %get3A_3098 = tpu.vector_load %arg7[%get3A_3097] {strides = array<i32>} : memref<1024xf32, #tpu.memory_space<vmem>>, vector<16xf32>,
    %get3A_3099 = vector.shape_cast %get3A_3098 : vector<16xf32> to vector<16xf32>
    %get3A_3100 = arith.constant 736 : index
    %get3A_3101 = tpu.vector_load %arg8[%get3A_3100] {strides = array<i32>} : memref<1024xf32, #tpu.memory_space<vmem>>, vector<16xf32>,
    %get3A_3102 = vector.shape_cast %get3A_3101 : vector<16xf32> to vector<16xf32>
    %get3A_3103 = arith.constant 736 : index
    %get3A_3104 = tpu.vector_load %arg10[%get3A_3103] {strides = array<i32>} : memref<1024xf32, #tpu.memory_space<vmem>>, vector<16xf32>,
    %get3A_3105 = vector.shape_cast %get3A_3104 : vector<16xf32> to vector<16xf32>
    %mul3A_3106 = arith.constant 2.000000e+00 : f32
    %mul3A_3107 = vector.broadcast %mul3A_3106 : f32 to vector<16xf32>
    %mul3A_3108 = arith.mulf %get3A_3099, %mul3A_3107 : vector<16xf32>
    %exp3A_3109 = math.exp %mul3A_3108 : vector<16xf32>
    %add3A_3110 = arith.constant 1.000000e+00 : f32
    %add3A_3111 = vector.broadcast %add3A_3110 : f32 to vector<16xf32>
    %add3A_3112 = arith.addf %exp3A_3109, %add3A_3111 : vector<16xf32>
    %div3A_3113 = arith.constant 2.000000e+00 : f32
    %div3A_3114 = vector.broadcast %div3A_3113 : f32 to vector<16xf32>
    %div3A_3115 = arith.divf %div3A_3114, %add3A_3112 : vector<16xf32>
    %sub3A_3116 = arith.constant 1.000000e+00 : f32
    %sub3A_3117 = vector.broadcast %sub3A_3116 : f32 to vector<16xf32>
    %sub3A_3118 = arith.subf %sub3A_3117, %div3A_3115 : vector<16xf32>
    %neg3A_3119 = arith.constant 0.000000e+00 : f32
    %neg3A_3120 = vector.broadcast %neg3A_3119 : f32 to vector<16xf32>
    %neg3A_3121 = arith.subf %neg3A_3120, %get3A_3096 : vector<16xf32>
    %mul3A_3122 = arith.constant 1.000000e-01 : f32
    %mul3A_3123 = vector.broadcast %mul3A_3122 : f32 to vector<16xf32>
    %mul3A_3124 = arith.mulf %mul3A_3123, %sub3A_3118 : vector<16xf32>
    %add3A_3125 = arith.addf %neg3A_3121, %mul3A_3124 : vector<16xf32>
    %mul3A_3126 = arith.constant 1.000000e-01 : f32
    %mul3A_3127 = vector.broadcast %mul3A_3126 : f32 to vector<16xf32>
    %mul3A_3128 = arith.mulf %mul3A_3127, %add3A_3125 : vector<16xf32>
    %add3A_3129 = arith.addf %get3A_3096, %mul3A_3128 : vector<16xf32>
    %add3A_3130 = arith.addf %add3A_3129, %get3A_3105 : vector<16xf32>
    %mul3A_3131 = arith.constant 2.000000e+00 : f32
    %mul3A_3132 = vector.broadcast %mul3A_3131 : f32 to vector<16xf32>
    %mul3A_3133 = arith.mulf %get3A_3102, %mul3A_3132 : vector<16xf32>
    %exp3A_3134 = math.exp %mul3A_3133 : vector<16xf32>
    %add3A_3135 = arith.constant 1.000000e+00 : f32
    %add3A_3136 = vector.broadcast %add3A_3135 : f32 to vector<16xf32>
    %add3A_3137 = arith.addf %exp3A_3134, %add3A_3136 : vector<16xf32>
    %div3A_3138 = arith.constant 2.000000e+00 : f32
    %div3A_3139 = vector.broadcast %div3A_3138 : f32 to vector<16xf32>
    %div3A_3140 = arith.divf %div3A_3139, %add3A_3137 : vector<16xf32>
    %sub3A_3141 = arith.constant 1.000000e+00 : f32
    %sub3A_3142 = vector.broadcast %sub3A_3141 : f32 to vector<16xf32>
    %sub3A_3143 = arith.subf %sub3A_3142, %div3A_3140 : vector<16xf32>
    %neg3A_3144 = arith.constant 0.000000e+00 : f32
    %neg3A_3145 = vector.broadcast %neg3A_3144 : f32 to vector<16xf32>
    %neg3A_3146 = arith.subf %neg3A_3145, %add3A_3130 : vector<16xf32>
    %mul3A_3147 = arith.constant 1.000000e-01 : f32
    %mul3A_3148 = vector.broadcast %mul3A_3147 : f32 to vector<16xf32>
    %mul3A_3149 = arith.mulf %mul3A_3148, %sub3A_3143 : vector<16xf32>
    %add3A_3150 = arith.addf %neg3A_3146, %mul3A_3149 : vector<16xf32>
    %add3A_3151 = arith.addf %add3A_3125, %add3A_3150 : vector<16xf32>
    %mul3A_3152 = arith.constant 5.000000e-02 : f32
    %mul3A_3153 = vector.broadcast %mul3A_3152 : f32 to vector<16xf32>
    %mul3A_3154 = arith.mulf %mul3A_3153, %add3A_3151 : vector<16xf32>
    %add3A_3155 = arith.addf %get3A_3096, %mul3A_3154 : vector<16xf32>
    %add3A_3156 = arith.addf %add3A_3155, %get3A_3105 : vector<16xf32>
    %swap3A_3157 = arith.constant 736 : index
    %swap3A_3158 = tpu.vector_load %arg11[%swap3A_3157] {strides = array<i32>} : memref<1024xf32, #tpu.memory_space<vmem>>, vector<16xf32>,
    %swap3A_3159 = vector.shape_cast %swap3A_3158 : vector<16xf32> to vector<16xf32>
    %swap3A_3160 = vector.shape_cast %add3A_3156 : vector<16xf32> to vector<16xf32>
    tpu.vector_store %arg11[%swap3A_3157], %swap3A_3160 {strides = array<i32>} : memref<1024xf32, #tpu.memory_space<vmem>>, vector<16xf32>,
    %get3A_3161 = arith.constant 752 : index
    %get3A_3162 = tpu.vector_load %arg9[%get3A_3161] {strides = array<i32>} : memref<1024xf32, #tpu.memory_space<vmem>>, vector<16xf32>,
    %get3A_3163 = vector.shape_cast %get3A_3162 : vector<16xf32> to vector<16xf32>
    %get3A_3164 = arith.constant 752 : index
    %get3A_3165 = tpu.vector_load %arg7[%get3A_3164] {strides = array<i32>} : memref<1024xf32, #tpu.memory_space<vmem>>, vector<16xf32>,
    %get3A_3166 = vector.shape_cast %get3A_3165 : vector<16xf32> to vector<16xf32>
    %get3A_3167 = arith.constant 752 : index
    %get3A_3168 = tpu.vector_load %arg8[%get3A_3167] {strides = array<i32>} : memref<1024xf32, #tpu.memory_space<vmem>>, vector<16xf32>,
    %get3A_3169 = vector.shape_cast %get3A_3168 : vector<16xf32> to vector<16xf32>
    %get3A_3170 = arith.constant 752 : index
    %get3A_3171 = tpu.vector_load %arg10[%get3A_3170] {strides = array<i32>} : memref<1024xf32, #tpu.memory_space<vmem>>, vector<16xf32>,
    %get3A_3172 = vector.shape_cast %get3A_3171 : vector<16xf32> to vector<16xf32>
    %mul3A_3173 = arith.constant 2.000000e+00 : f32
    %mul3A_3174 = vector.broadcast %mul3A_3173 : f32 to vector<16xf32>
    %mul3A_3175 = arith.mulf %get3A_3166, %mul3A_3174 : vector<16xf32>
    %exp3A_3176 = math.exp %mul3A_3175 : vector<16xf32>
    %add3A_3177 = arith.constant 1.000000e+00 : f32
    %add3A_3178 = vector.broadcast %add3A_3177 : f32 to vector<16xf32>
    %add3A_3179 = arith.addf %exp3A_3176, %add3A_3178 : vector<16xf32>
    %div3A_3180 = arith.constant 2.000000e+00 : f32
    %div3A_3181 = vector.broadcast %div3A_3180 : f32 to vector<16xf32>
    %div3A_3182 = arith.divf %div3A_3181, %add3A_3179 : vector<16xf32>
    %sub3A_3183 = arith.constant 1.000000e+00 : f32
    %sub3A_3184 = vector.broadcast %sub3A_3183 : f32 to vector<16xf32>
    %sub3A_3185 = arith.subf %sub3A_3184, %div3A_3182 : vector<16xf32>
    %neg3A_3186 = arith.constant 0.000000e+00 : f32
    %neg3A_3187 = vector.broadcast %neg3A_3186 : f32 to vector<16xf32>
    %neg3A_3188 = arith.subf %neg3A_3187, %get3A_3163 : vector<16xf32>
    %mul3A_3189 = arith.constant 1.000000e-01 : f32
    %mul3A_3190 = vector.broadcast %mul3A_3189 : f32 to vector<16xf32>
    %mul3A_3191 = arith.mulf %mul3A_3190, %sub3A_3185 : vector<16xf32>
    %add3A_3192 = arith.addf %neg3A_3188, %mul3A_3191 : vector<16xf32>
    %mul3A_3193 = arith.constant 1.000000e-01 : f32
    %mul3A_3194 = vector.broadcast %mul3A_3193 : f32 to vector<16xf32>
    %mul3A_3195 = arith.mulf %mul3A_3194, %add3A_3192 : vector<16xf32>
    %add3A_3196 = arith.addf %get3A_3163, %mul3A_3195 : vector<16xf32>
    %add3A_3197 = arith.addf %add3A_3196, %get3A_3172 : vector<16xf32>
    %mul3A_3198 = arith.constant 2.000000e+00 : f32
    %mul3A_3199 = vector.broadcast %mul3A_3198 : f32 to vector<16xf32>
    %mul3A_3200 = arith.mulf %get3A_3169, %mul3A_3199 : vector<16xf32>
    %exp3A_3201 = math.exp %mul3A_3200 : vector<16xf32>
    %add3A_3202 = arith.constant 1.000000e+00 : f32
    %add3A_3203 = vector.broadcast %add3A_3202 : f32 to vector<16xf32>
    %add3A_3204 = arith.addf %exp3A_3201, %add3A_3203 : vector<16xf32>
    %div3A_3205 = arith.constant 2.000000e+00 : f32
    %div3A_3206 = vector.broadcast %div3A_3205 : f32 to vector<16xf32>
    %div3A_3207 = arith.divf %div3A_3206, %add3A_3204 : vector<16xf32>
    %sub3A_3208 = arith.constant 1.000000e+00 : f32
    %sub3A_3209 = vector.broadcast %sub3A_3208 : f32 to vector<16xf32>
    %sub3A_3210 = arith.subf %sub3A_3209, %div3A_3207 : vector<16xf32>
    %neg3A_3211 = arith.constant 0.000000e+00 : f32
    %neg3A_3212 = vector.broadcast %neg3A_3211 : f32 to vector<16xf32>
    %neg3A_3213 = arith.subf %neg3A_3212, %add3A_3197 : vector<16xf32>
    %mul3A_3214 = arith.constant 1.000000e-01 : f32
    %mul3A_3215 = vector.broadcast %mul3A_3214 : f32 to vector<16xf32>
    %mul3A_3216 = arith.mulf %mul3A_3215, %sub3A_3210 : vector<16xf32>
    %add3A_3217 = arith.addf %neg3A_3213, %mul3A_3216 : vector<16xf32>
    %add3A_3218 = arith.addf %add3A_3192, %add3A_3217 : vector<16xf32>
    %mul3A_3219 = arith.constant 5.000000e-02 : f32
    %mul3A_3220 = vector.broadcast %mul3A_3219 : f32 to vector<16xf32>
    %mul3A_3221 = arith.mulf %mul3A_3220, %add3A_3218 : vector<16xf32>
    %add3A_3222 = arith.addf %get3A_3163, %mul3A_3221 : vector<16xf32>
    %add3A_3223 = arith.addf %add3A_3222, %get3A_3172 : vector<16xf32>
    %swap3A_3224 = arith.constant 752 : index
    %swap3A_3225 = tpu.vector_load %arg11[%swap3A_3224] {strides = array<i32>} : memref<1024xf32, #tpu.memory_space<vmem>>, vector<16xf32>,
    %swap3A_3226 = vector.shape_cast %swap3A_3225 : vector<16xf32> to vector<16xf32>
    %swap3A_3227 = vector.shape_cast %add3A_3223 : vector<16xf32> to vector<16xf32>
    tpu.vector_store %arg11[%swap3A_3224], %swap3A_3227 {strides = array<i32>} : memref<1024xf32, #tpu.memory_space<vmem>>, vector<16xf32>,
    %get3A_3228 = arith.constant 768 : index
    %get3A_3229 = tpu.vector_load %arg9[%get3A_3228] {strides = array<i32>} : memref<1024xf32, #tpu.memory_space<vmem>>, vector<16xf32>,
    %get3A_3230 = vector.shape_cast %get3A_3229 : vector<16xf32> to vector<16xf32>
    %get3A_3231 = arith.constant 768 : index
    %get3A_3232 = tpu.vector_load %arg7[%get3A_3231] {strides = array<i32>} : memref<1024xf32, #tpu.memory_space<vmem>>, vector<16xf32>,
    %get3A_3233 = vector.shape_cast %get3A_3232 : vector<16xf32> to vector<16xf32>
    %get3A_3234 = arith.constant 768 : index
    %get3A_3235 = tpu.vector_load %arg8[%get3A_3234] {strides = array<i32>} : memref<1024xf32, #tpu.memory_space<vmem>>, vector<16xf32>,
    %get3A_3236 = vector.shape_cast %get3A_3235 : vector<16xf32> to vector<16xf32>
    %get3A_3237 = arith.constant 768 : index
    %get3A_3238 = tpu.vector_load %arg10[%get3A_3237] {strides = array<i32>} : memref<1024xf32, #tpu.memory_space<vmem>>, vector<16xf32>,
    %get3A_3239 = vector.shape_cast %get3A_3238 : vector<16xf32> to vector<16xf32>
    %mul3A_3240 = arith.constant 2.000000e+00 : f32
    %mul3A_3241 = vector.broadcast %mul3A_3240 : f32 to vector<16xf32>
    %mul3A_3242 = arith.mulf %get3A_3233, %mul3A_3241 : vector<16xf32>
    %exp3A_3243 = math.exp %mul3A_3242 : vector<16xf32>
    %add3A_3244 = arith.constant 1.000000e+00 : f32
    %add3A_3245 = vector.broadcast %add3A_3244 : f32 to vector<16xf32>
    %add3A_3246 = arith.addf %exp3A_3243, %add3A_3245 : vector<16xf32>
    %div3A_3247 = arith.constant 2.000000e+00 : f32
    %div3A_3248 = vector.broadcast %div3A_3247 : f32 to vector<16xf32>
    %div3A_3249 = arith.divf %div3A_3248, %add3A_3246 : vector<16xf32>
    %sub3A_3250 = arith.constant 1.000000e+00 : f32
    %sub3A_3251 = vector.broadcast %sub3A_3250 : f32 to vector<16xf32>
    %sub3A_3252 = arith.subf %sub3A_3251, %div3A_3249 : vector<16xf32>
    %neg3A_3253 = arith.constant 0.000000e+00 : f32
    %neg3A_3254 = vector.broadcast %neg3A_3253 : f32 to vector<16xf32>
    %neg3A_3255 = arith.subf %neg3A_3254, %get3A_3230 : vector<16xf32>
    %mul3A_3256 = arith.constant 1.000000e-01 : f32
    %mul3A_3257 = vector.broadcast %mul3A_3256 : f32 to vector<16xf32>
    %mul3A_3258 = arith.mulf %mul3A_3257, %sub3A_3252 : vector<16xf32>
    %add3A_3259 = arith.addf %neg3A_3255, %mul3A_3258 : vector<16xf32>
    %mul3A_3260 = arith.constant 1.000000e-01 : f32
    %mul3A_3261 = vector.broadcast %mul3A_3260 : f32 to vector<16xf32>
    %mul3A_3262 = arith.mulf %mul3A_3261, %add3A_3259 : vector<16xf32>
    %add3A_3263 = arith.addf %get3A_3230, %mul3A_3262 : vector<16xf32>
    %add3A_3264 = arith.addf %add3A_3263, %get3A_3239 : vector<16xf32>
    %mul3A_3265 = arith.constant 2.000000e+00 : f32
    %mul3A_3266 = vector.broadcast %mul3A_3265 : f32 to vector<16xf32>
    %mul3A_3267 = arith.mulf %get3A_3236, %mul3A_3266 : vector<16xf32>
    %exp3A_3268 = math.exp %mul3A_3267 : vector<16xf32>
    %add3A_3269 = arith.constant 1.000000e+00 : f32
    %add3A_3270 = vector.broadcast %add3A_3269 : f32 to vector<16xf32>
    %add3A_3271 = arith.addf %exp3A_3268, %add3A_3270 : vector<16xf32>
    %div3A_3272 = arith.constant 2.000000e+00 : f32
    %div3A_3273 = vector.broadcast %div3A_3272 : f32 to vector<16xf32>
    %div3A_3274 = arith.divf %div3A_3273, %add3A_3271 : vector<16xf32>
    %sub3A_3275 = arith.constant 1.000000e+00 : f32
    %sub3A_3276 = vector.broadcast %sub3A_3275 : f32 to vector<16xf32>
    %sub3A_3277 = arith.subf %sub3A_3276, %div3A_3274 : vector<16xf32>
    %neg3A_3278 = arith.constant 0.000000e+00 : f32
    %neg3A_3279 = vector.broadcast %neg3A_3278 : f32 to vector<16xf32>
    %neg3A_3280 = arith.subf %neg3A_3279, %add3A_3264 : vector<16xf32>
    %mul3A_3281 = arith.constant 1.000000e-01 : f32
    %mul3A_3282 = vector.broadcast %mul3A_3281 : f32 to vector<16xf32>
    %mul3A_3283 = arith.mulf %mul3A_3282, %sub3A_3277 : vector<16xf32>
    %add3A_3284 = arith.addf %neg3A_3280, %mul3A_3283 : vector<16xf32>
    %add3A_3285 = arith.addf %add3A_3259, %add3A_3284 : vector<16xf32>
    %mul3A_3286 = arith.constant 5.000000e-02 : f32
    %mul3A_3287 = vector.broadcast %mul3A_3286 : f32 to vector<16xf32>
    %mul3A_3288 = arith.mulf %mul3A_3287, %add3A_3285 : vector<16xf32>
    %add3A_3289 = arith.addf %get3A_3230, %mul3A_3288 : vector<16xf32>
    %add3A_3290 = arith.addf %add3A_3289, %get3A_3239 : vector<16xf32>
    %swap3A_3291 = arith.constant 768 : index
    %swap3A_3292 = tpu.vector_load %arg11[%swap3A_3291] {strides = array<i32>} : memref<1024xf32, #tpu.memory_space<vmem>>, vector<16xf32>,
    %swap3A_3293 = vector.shape_cast %swap3A_3292 : vector<16xf32> to vector<16xf32>
    %swap3A_3294 = vector.shape_cast %add3A_3290 : vector<16xf32> to vector<16xf32>
    tpu.vector_store %arg11[%swap3A_3291], %swap3A_3294 {strides = array<i32>} : memref<1024xf32, #tpu.memory_space<vmem>>, vector<16xf32>,
    %get3A_3295 = arith.constant 784 : index
    %get3A_3296 = tpu.vector_load %arg9[%get3A_3295] {strides = array<i32>} : memref<1024xf32, #tpu.memory_space<vmem>>, vector<16xf32>,
    %get3A_3297 = vector.shape_cast %get3A_3296 : vector<16xf32> to vector<16xf32>
    %get3A_3298 = arith.constant 784 : index
    %get3A_3299 = tpu.vector_load %arg7[%get3A_3298] {strides = array<i32>} : memref<1024xf32, #tpu.memory_space<vmem>>, vector<16xf32>,
    %get3A_3300 = vector.shape_cast %get3A_3299 : vector<16xf32> to vector<16xf32>
    %get3A_3301 = arith.constant 784 : index
    %get3A_3302 = tpu.vector_load %arg8[%get3A_3301] {strides = array<i32>} : memref<1024xf32, #tpu.memory_space<vmem>>, vector<16xf32>,
    %get3A_3303 = vector.shape_cast %get3A_3302 : vector<16xf32> to vector<16xf32>
    %get3A_3304 = arith.constant 784 : index
    %get3A_3305 = tpu.vector_load %arg10[%get3A_3304] {strides = array<i32>} : memref<1024xf32, #tpu.memory_space<vmem>>, vector<16xf32>,
    %get3A_3306 = vector.shape_cast %get3A_3305 : vector<16xf32> to vector<16xf32>
    %mul3A_3307 = arith.constant 2.000000e+00 : f32
    %mul3A_3308 = vector.broadcast %mul3A_3307 : f32 to vector<16xf32>
    %mul3A_3309 = arith.mulf %get3A_3300, %mul3A_3308 : vector<16xf32>
    %exp3A_3310 = math.exp %mul3A_3309 : vector<16xf32>
    %add3A_3311 = arith.constant 1.000000e+00 : f32
    %add3A_3312 = vector.broadcast %add3A_3311 : f32 to vector<16xf32>
    %add3A_3313 = arith.addf %exp3A_3310, %add3A_3312 : vector<16xf32>
    %div3A_3314 = arith.constant 2.000000e+00 : f32
    %div3A_3315 = vector.broadcast %div3A_3314 : f32 to vector<16xf32>
    %div3A_3316 = arith.divf %div3A_3315, %add3A_3313 : vector<16xf32>
    %sub3A_3317 = arith.constant 1.000000e+00 : f32
    %sub3A_3318 = vector.broadcast %sub3A_3317 : f32 to vector<16xf32>
    %sub3A_3319 = arith.subf %sub3A_3318, %div3A_3316 : vector<16xf32>
    %neg3A_3320 = arith.constant 0.000000e+00 : f32
    %neg3A_3321 = vector.broadcast %neg3A_3320 : f32 to vector<16xf32>
    %neg3A_3322 = arith.subf %neg3A_3321, %get3A_3297 : vector<16xf32>
    %mul3A_3323 = arith.constant 1.000000e-01 : f32
    %mul3A_3324 = vector.broadcast %mul3A_3323 : f32 to vector<16xf32>
    %mul3A_3325 = arith.mulf %mul3A_3324, %sub3A_3319 : vector<16xf32>
    %add3A_3326 = arith.addf %neg3A_3322, %mul3A_3325 : vector<16xf32>
    %mul3A_3327 = arith.constant 1.000000e-01 : f32
    %mul3A_3328 = vector.broadcast %mul3A_3327 : f32 to vector<16xf32>
    %mul3A_3329 = arith.mulf %mul3A_3328, %add3A_3326 : vector<16xf32>
    %add3A_3330 = arith.addf %get3A_3297, %mul3A_3329 : vector<16xf32>
    %add3A_3331 = arith.addf %add3A_3330, %get3A_3306 : vector<16xf32>
    %mul3A_3332 = arith.constant 2.000000e+00 : f32
    %mul3A_3333 = vector.broadcast %mul3A_3332 : f32 to vector<16xf32>
    %mul3A_3334 = arith.mulf %get3A_3303, %mul3A_3333 : vector<16xf32>
    %exp3A_3335 = math.exp %mul3A_3334 : vector<16xf32>
    %add3A_3336 = arith.constant 1.000000e+00 : f32
    %add3A_3337 = vector.broadcast %add3A_3336 : f32 to vector<16xf32>
    %add3A_3338 = arith.addf %exp3A_3335, %add3A_3337 : vector<16xf32>
    %div3A_3339 = arith.constant 2.000000e+00 : f32
    %div3A_3340 = vector.broadcast %div3A_3339 : f32 to vector<16xf32>
    %div3A_3341 = arith.divf %div3A_3340, %add3A_3338 : vector<16xf32>
    %sub3A_3342 = arith.constant 1.000000e+00 : f32
    %sub3A_3343 = vector.broadcast %sub3A_3342 : f32 to vector<16xf32>
    %sub3A_3344 = arith.subf %sub3A_3343, %div3A_3341 : vector<16xf32>
    %neg3A_3345 = arith.constant 0.000000e+00 : f32
    %neg3A_3346 = vector.broadcast %neg3A_3345 : f32 to vector<16xf32>
    %neg3A_3347 = arith.subf %neg3A_3346, %add3A_3331 : vector<16xf32>
    %mul3A_3348 = arith.constant 1.000000e-01 : f32
    %mul3A_3349 = vector.broadcast %mul3A_3348 : f32 to vector<16xf32>
    %mul3A_3350 = arith.mulf %mul3A_3349, %sub3A_3344 : vector<16xf32>
    %add3A_3351 = arith.addf %neg3A_3347, %mul3A_3350 : vector<16xf32>
    %add3A_3352 = arith.addf %add3A_3326, %add3A_3351 : vector<16xf32>
    %mul3A_3353 = arith.constant 5.000000e-02 : f32
    %mul3A_3354 = vector.broadcast %mul3A_3353 : f32 to vector<16xf32>
    %mul3A_3355 = arith.mulf %mul3A_3354, %add3A_3352 : vector<16xf32>
    %add3A_3356 = arith.addf %get3A_3297, %mul3A_3355 : vector<16xf32>
    %add3A_3357 = arith.addf %add3A_3356, %get3A_3306 : vector<16xf32>
    %swap3A_3358 = arith.constant 784 : index
    %swap3A_3359 = tpu.vector_load %arg11[%swap3A_3358] {strides = array<i32>} : memref<1024xf32, #tpu.memory_space<vmem>>, vector<16xf32>,
    %swap3A_3360 = vector.shape_cast %swap3A_3359 : vector<16xf32> to vector<16xf32>
    %swap3A_3361 = vector.shape_cast %add3A_3357 : vector<16xf32> to vector<16xf32>
    tpu.vector_store %arg11[%swap3A_3358], %swap3A_3361 {strides = array<i32>} : memref<1024xf32, #tpu.memory_space<vmem>>, vector<16xf32>,
    %get3A_3362 = arith.constant 800 : index
    %get3A_3363 = tpu.vector_load %arg9[%get3A_3362] {strides = array<i32>} : memref<1024xf32, #tpu.memory_space<vmem>>, vector<16xf32>,
    %get3A_3364 = vector.shape_cast %get3A_3363 : vector<16xf32> to vector<16xf32>
    %get3A_3365 = arith.constant 800 : index
    %get3A_3366 = tpu.vector_load %arg7[%get3A_3365] {strides = array<i32>} : memref<1024xf32, #tpu.memory_space<vmem>>, vector<16xf32>,
    %get3A_3367 = vector.shape_cast %get3A_3366 : vector<16xf32> to vector<16xf32>
    %get3A_3368 = arith.constant 800 : index
    %get3A_3369 = tpu.vector_load %arg8[%get3A_3368] {strides = array<i32>} : memref<1024xf32, #tpu.memory_space<vmem>>, vector<16xf32>,
    %get3A_3370 = vector.shape_cast %get3A_3369 : vector<16xf32> to vector<16xf32>
    %get3A_3371 = arith.constant 800 : index
    %get3A_3372 = tpu.vector_load %arg10[%get3A_3371] {strides = array<i32>} : memref<1024xf32, #tpu.memory_space<vmem>>, vector<16xf32>,
    %get3A_3373 = vector.shape_cast %get3A_3372 : vector<16xf32> to vector<16xf32>
    %mul3A_3374 = arith.constant 2.000000e+00 : f32
    %mul3A_3375 = vector.broadcast %mul3A_3374 : f32 to vector<16xf32>
    %mul3A_3376 = arith.mulf %get3A_3367, %mul3A_3375 : vector<16xf32>
    %exp3A_3377 = math.exp %mul3A_3376 : vector<16xf32>
    %add3A_3378 = arith.constant 1.000000e+00 : f32
    %add3A_3379 = vector.broadcast %add3A_3378 : f32 to vector<16xf32>
    %add3A_3380 = arith.addf %exp3A_3377, %add3A_3379 : vector<16xf32>
    %div3A_3381 = arith.constant 2.000000e+00 : f32
    %div3A_3382 = vector.broadcast %div3A_3381 : f32 to vector<16xf32>
    %div3A_3383 = arith.divf %div3A_3382, %add3A_3380 : vector<16xf32>
    %sub3A_3384 = arith.constant 1.000000e+00 : f32
    %sub3A_3385 = vector.broadcast %sub3A_3384 : f32 to vector<16xf32>
    %sub3A_3386 = arith.subf %sub3A_3385, %div3A_3383 : vector<16xf32>
    %neg3A_3387 = arith.constant 0.000000e+00 : f32
    %neg3A_3388 = vector.broadcast %neg3A_3387 : f32 to vector<16xf32>
    %neg3A_3389 = arith.subf %neg3A_3388, %get3A_3364 : vector<16xf32>
    %mul3A_3390 = arith.constant 1.000000e-01 : f32
    %mul3A_3391 = vector.broadcast %mul3A_3390 : f32 to vector<16xf32>
    %mul3A_3392 = arith.mulf %mul3A_3391, %sub3A_3386 : vector<16xf32>
    %add3A_3393 = arith.addf %neg3A_3389, %mul3A_3392 : vector<16xf32>
    %mul3A_3394 = arith.constant 1.000000e-01 : f32
    %mul3A_3395 = vector.broadcast %mul3A_3394 : f32 to vector<16xf32>
    %mul3A_3396 = arith.mulf %mul3A_3395, %add3A_3393 : vector<16xf32>
    %add3A_3397 = arith.addf %get3A_3364, %mul3A_3396 : vector<16xf32>
    %add3A_3398 = arith.addf %add3A_3397, %get3A_3373 : vector<16xf32>
    %mul3A_3399 = arith.constant 2.000000e+00 : f32
    %mul3A_3400 = vector.broadcast %mul3A_3399 : f32 to vector<16xf32>
    %mul3A_3401 = arith.mulf %get3A_3370, %mul3A_3400 : vector<16xf32>
    %exp3A_3402 = math.exp %mul3A_3401 : vector<16xf32>
    %add3A_3403 = arith.constant 1.000000e+00 : f32
    %add3A_3404 = vector.broadcast %add3A_3403 : f32 to vector<16xf32>
    %add3A_3405 = arith.addf %exp3A_3402, %add3A_3404 : vector<16xf32>
    %div3A_3406 = arith.constant 2.000000e+00 : f32
    %div3A_3407 = vector.broadcast %div3A_3406 : f32 to vector<16xf32>
    %div3A_3408 = arith.divf %div3A_3407, %add3A_3405 : vector<16xf32>
    %sub3A_3409 = arith.constant 1.000000e+00 : f32
    %sub3A_3410 = vector.broadcast %sub3A_3409 : f32 to vector<16xf32>
    %sub3A_3411 = arith.subf %sub3A_3410, %div3A_3408 : vector<16xf32>
    %neg3A_3412 = arith.constant 0.000000e+00 : f32
    %neg3A_3413 = vector.broadcast %neg3A_3412 : f32 to vector<16xf32>
    %neg3A_3414 = arith.subf %neg3A_3413, %add3A_3398 : vector<16xf32>
    %mul3A_3415 = arith.constant 1.000000e-01 : f32
    %mul3A_3416 = vector.broadcast %mul3A_3415 : f32 to vector<16xf32>
    %mul3A_3417 = arith.mulf %mul3A_3416, %sub3A_3411 : vector<16xf32>
    %add3A_3418 = arith.addf %neg3A_3414, %mul3A_3417 : vector<16xf32>
    %add3A_3419 = arith.addf %add3A_3393, %add3A_3418 : vector<16xf32>
    %mul3A_3420 = arith.constant 5.000000e-02 : f32
    %mul3A_3421 = vector.broadcast %mul3A_3420 : f32 to vector<16xf32>
    %mul3A_3422 = arith.mulf %mul3A_3421, %add3A_3419 : vector<16xf32>
    %add3A_3423 = arith.addf %get3A_3364, %mul3A_3422 : vector<16xf32>
    %add3A_3424 = arith.addf %add3A_3423, %get3A_3373 : vector<16xf32>
    %swap3A_3425 = arith.constant 800 : index
    %swap3A_3426 = tpu.vector_load %arg11[%swap3A_3425] {strides = array<i32>} : memref<1024xf32, #tpu.memory_space<vmem>>, vector<16xf32>,
    %swap3A_3427 = vector.shape_cast %swap3A_3426 : vector<16xf32> to vector<16xf32>
    %swap3A_3428 = vector.shape_cast %add3A_3424 : vector<16xf32> to vector<16xf32>
    tpu.vector_store %arg11[%swap3A_3425], %swap3A_3428 {strides = array<i32>} : memref<1024xf32, #tpu.memory_space<vmem>>, vector<16xf32>,
    %get3A_3429 = arith.constant 816 : index
    %get3A_3430 = tpu.vector_load %arg9[%get3A_3429] {strides = array<i32>} : memref<1024xf32, #tpu.memory_space<vmem>>, vector<16xf32>,
    %get3A_3431 = vector.shape_cast %get3A_3430 : vector<16xf32> to vector<16xf32>
    %get3A_3432 = arith.constant 816 : index
    %get3A_3433 = tpu.vector_load %arg7[%get3A_3432] {strides = array<i32>} : memref<1024xf32, #tpu.memory_space<vmem>>, vector<16xf32>,
    %get3A_3434 = vector.shape_cast %get3A_3433 : vector<16xf32> to vector<16xf32>
    %get3A_3435 = arith.constant 816 : index
    %get3A_3436 = tpu.vector_load %arg8[%get3A_3435] {strides = array<i32>} : memref<1024xf32, #tpu.memory_space<vmem>>, vector<16xf32>,
    %get3A_3437 = vector.shape_cast %get3A_3436 : vector<16xf32> to vector<16xf32>
    %get3A_3438 = arith.constant 816 : index
    %get3A_3439 = tpu.vector_load %arg10[%get3A_3438] {strides = array<i32>} : memref<1024xf32, #tpu.memory_space<vmem>>, vector<16xf32>,
    %get3A_3440 = vector.shape_cast %get3A_3439 : vector<16xf32> to vector<16xf32>
    %mul3A_3441 = arith.constant 2.000000e+00 : f32
    %mul3A_3442 = vector.broadcast %mul3A_3441 : f32 to vector<16xf32>
    %mul3A_3443 = arith.mulf %get3A_3434, %mul3A_3442 : vector<16xf32>
    %exp3A_3444 = math.exp %mul3A_3443 : vector<16xf32>
    %add3A_3445 = arith.constant 1.000000e+00 : f32
    %add3A_3446 = vector.broadcast %add3A_3445 : f32 to vector<16xf32>
    %add3A_3447 = arith.addf %exp3A_3444, %add3A_3446 : vector<16xf32>
    %div3A_3448 = arith.constant 2.000000e+00 : f32
    %div3A_3449 = vector.broadcast %div3A_3448 : f32 to vector<16xf32>
    %div3A_3450 = arith.divf %div3A_3449, %add3A_3447 : vector<16xf32>
    %sub3A_3451 = arith.constant 1.000000e+00 : f32
    %sub3A_3452 = vector.broadcast %sub3A_3451 : f32 to vector<16xf32>
    %sub3A_3453 = arith.subf %sub3A_3452, %div3A_3450 : vector<16xf32>
    %neg3A_3454 = arith.constant 0.000000e+00 : f32
    %neg3A_3455 = vector.broadcast %neg3A_3454 : f32 to vector<16xf32>
    %neg3A_3456 = arith.subf %neg3A_3455, %get3A_3431 : vector<16xf32>
    %mul3A_3457 = arith.constant 1.000000e-01 : f32
    %mul3A_3458 = vector.broadcast %mul3A_3457 : f32 to vector<16xf32>
    %mul3A_3459 = arith.mulf %mul3A_3458, %sub3A_3453 : vector<16xf32>
    %add3A_3460 = arith.addf %neg3A_3456, %mul3A_3459 : vector<16xf32>
    %mul3A_3461 = arith.constant 1.000000e-01 : f32
    %mul3A_3462 = vector.broadcast %mul3A_3461 : f32 to vector<16xf32>
    %mul3A_3463 = arith.mulf %mul3A_3462, %add3A_3460 : vector<16xf32>
    %add3A_3464 = arith.addf %get3A_3431, %mul3A_3463 : vector<16xf32>
    %add3A_3465 = arith.addf %add3A_3464, %get3A_3440 : vector<16xf32>
    %mul3A_3466 = arith.constant 2.000000e+00 : f32
    %mul3A_3467 = vector.broadcast %mul3A_3466 : f32 to vector<16xf32>
    %mul3A_3468 = arith.mulf %get3A_3437, %mul3A_3467 : vector<16xf32>
    %exp3A_3469 = math.exp %mul3A_3468 : vector<16xf32>
    %add3A_3470 = arith.constant 1.000000e+00 : f32
    %add3A_3471 = vector.broadcast %add3A_3470 : f32 to vector<16xf32>
    %add3A_3472 = arith.addf %exp3A_3469, %add3A_3471 : vector<16xf32>
    %div3A_3473 = arith.constant 2.000000e+00 : f32
    %div3A_3474 = vector.broadcast %div3A_3473 : f32 to vector<16xf32>
    %div3A_3475 = arith.divf %div3A_3474, %add3A_3472 : vector<16xf32>
    %sub3A_3476 = arith.constant 1.000000e+00 : f32
    %sub3A_3477 = vector.broadcast %sub3A_3476 : f32 to vector<16xf32>
    %sub3A_3478 = arith.subf %sub3A_3477, %div3A_3475 : vector<16xf32>
    %neg3A_3479 = arith.constant 0.000000e+00 : f32
    %neg3A_3480 = vector.broadcast %neg3A_3479 : f32 to vector<16xf32>
    %neg3A_3481 = arith.subf %neg3A_3480, %add3A_3465 : vector<16xf32>
    %mul3A_3482 = arith.constant 1.000000e-01 : f32
    %mul3A_3483 = vector.broadcast %mul3A_3482 : f32 to vector<16xf32>
    %mul3A_3484 = arith.mulf %mul3A_3483, %sub3A_3478 : vector<16xf32>
    %add3A_3485 = arith.addf %neg3A_3481, %mul3A_3484 : vector<16xf32>
    %add3A_3486 = arith.addf %add3A_3460, %add3A_3485 : vector<16xf32>
    %mul3A_3487 = arith.constant 5.000000e-02 : f32
    %mul3A_3488 = vector.broadcast %mul3A_3487 : f32 to vector<16xf32>
    %mul3A_3489 = arith.mulf %mul3A_3488, %add3A_3486 : vector<16xf32>
    %add3A_3490 = arith.addf %get3A_3431, %mul3A_3489 : vector<16xf32>
    %add3A_3491 = arith.addf %add3A_3490, %get3A_3440 : vector<16xf32>
    %swap3A_3492 = arith.constant 816 : index
    %swap3A_3493 = tpu.vector_load %arg11[%swap3A_3492] {strides = array<i32>} : memref<1024xf32, #tpu.memory_space<vmem>>, vector<16xf32>,
    %swap3A_3494 = vector.shape_cast %swap3A_3493 : vector<16xf32> to vector<16xf32>
    %swap3A_3495 = vector.shape_cast %add3A_3491 : vector<16xf32> to vector<16xf32>
    tpu.vector_store %arg11[%swap3A_3492], %swap3A_3495 {strides = array<i32>} : memref<1024xf32, #tpu.memory_space<vmem>>, vector<16xf32>,
    %get3A_3496 = arith.constant 832 : index
    %get3A_3497 = tpu.vector_load %arg9[%get3A_3496] {strides = array<i32>} : memref<1024xf32, #tpu.memory_space<vmem>>, vector<16xf32>,
    %get3A_3498 = vector.shape_cast %get3A_3497 : vector<16xf32> to vector<16xf32>
    %get3A_3499 = arith.constant 832 : index
    %get3A_3500 = tpu.vector_load %arg7[%get3A_3499] {strides = array<i32>} : memref<1024xf32, #tpu.memory_space<vmem>>, vector<16xf32>,
    %get3A_3501 = vector.shape_cast %get3A_3500 : vector<16xf32> to vector<16xf32>
    %get3A_3502 = arith.constant 832 : index
    %get3A_3503 = tpu.vector_load %arg8[%get3A_3502] {strides = array<i32>} : memref<1024xf32, #tpu.memory_space<vmem>>, vector<16xf32>,
    %get3A_3504 = vector.shape_cast %get3A_3503 : vector<16xf32> to vector<16xf32>
    %get3A_3505 = arith.constant 832 : index
    %get3A_3506 = tpu.vector_load %arg10[%get3A_3505] {strides = array<i32>} : memref<1024xf32, #tpu.memory_space<vmem>>, vector<16xf32>,
    %get3A_3507 = vector.shape_cast %get3A_3506 : vector<16xf32> to vector<16xf32>
    %mul3A_3508 = arith.constant 2.000000e+00 : f32
    %mul3A_3509 = vector.broadcast %mul3A_3508 : f32 to vector<16xf32>
    %mul3A_3510 = arith.mulf %get3A_3501, %mul3A_3509 : vector<16xf32>
    %exp3A_3511 = math.exp %mul3A_3510 : vector<16xf32>
    %add3A_3512 = arith.constant 1.000000e+00 : f32
    %add3A_3513 = vector.broadcast %add3A_3512 : f32 to vector<16xf32>
    %add3A_3514 = arith.addf %exp3A_3511, %add3A_3513 : vector<16xf32>
    %div3A_3515 = arith.constant 2.000000e+00 : f32
    %div3A_3516 = vector.broadcast %div3A_3515 : f32 to vector<16xf32>
    %div3A_3517 = arith.divf %div3A_3516, %add3A_3514 : vector<16xf32>
    %sub3A_3518 = arith.constant 1.000000e+00 : f32
    %sub3A_3519 = vector.broadcast %sub3A_3518 : f32 to vector<16xf32>
    %sub3A_3520 = arith.subf %sub3A_3519, %div3A_3517 : vector<16xf32>
    %neg3A_3521 = arith.constant 0.000000e+00 : f32
    %neg3A_3522 = vector.broadcast %neg3A_3521 : f32 to vector<16xf32>
    %neg3A_3523 = arith.subf %neg3A_3522, %get3A_3498 : vector<16xf32>
    %mul3A_3524 = arith.constant 1.000000e-01 : f32
    %mul3A_3525 = vector.broadcast %mul3A_3524 : f32 to vector<16xf32>
    %mul3A_3526 = arith.mulf %mul3A_3525, %sub3A_3520 : vector<16xf32>
    %add3A_3527 = arith.addf %neg3A_3523, %mul3A_3526 : vector<16xf32>
    %mul3A_3528 = arith.constant 1.000000e-01 : f32
    %mul3A_3529 = vector.broadcast %mul3A_3528 : f32 to vector<16xf32>
    %mul3A_3530 = arith.mulf %mul3A_3529, %add3A_3527 : vector<16xf32>
    %add3A_3531 = arith.addf %get3A_3498, %mul3A_3530 : vector<16xf32>
    %add3A_3532 = arith.addf %add3A_3531, %get3A_3507 : vector<16xf32>
    %mul3A_3533 = arith.constant 2.000000e+00 : f32
    %mul3A_3534 = vector.broadcast %mul3A_3533 : f32 to vector<16xf32>
    %mul3A_3535 = arith.mulf %get3A_3504, %mul3A_3534 : vector<16xf32>
    %exp3A_3536 = math.exp %mul3A_3535 : vector<16xf32>
    %add3A_3537 = arith.constant 1.000000e+00 : f32
    %add3A_3538 = vector.broadcast %add3A_3537 : f32 to vector<16xf32>
    %add3A_3539 = arith.addf %exp3A_3536, %add3A_3538 : vector<16xf32>
    %div3A_3540 = arith.constant 2.000000e+00 : f32
    %div3A_3541 = vector.broadcast %div3A_3540 : f32 to vector<16xf32>
    %div3A_3542 = arith.divf %div3A_3541, %add3A_3539 : vector<16xf32>
    %sub3A_3543 = arith.constant 1.000000e+00 : f32
    %sub3A_3544 = vector.broadcast %sub3A_3543 : f32 to vector<16xf32>
    %sub3A_3545 = arith.subf %sub3A_3544, %div3A_3542 : vector<16xf32>
    %neg3A_3546 = arith.constant 0.000000e+00 : f32
    %neg3A_3547 = vector.broadcast %neg3A_3546 : f32 to vector<16xf32>
    %neg3A_3548 = arith.subf %neg3A_3547, %add3A_3532 : vector<16xf32>
    %mul3A_3549 = arith.constant 1.000000e-01 : f32
    %mul3A_3550 = vector.broadcast %mul3A_3549 : f32 to vector<16xf32>
    %mul3A_3551 = arith.mulf %mul3A_3550, %sub3A_3545 : vector<16xf32>
    %add3A_3552 = arith.addf %neg3A_3548, %mul3A_3551 : vector<16xf32>
    %add3A_3553 = arith.addf %add3A_3527, %add3A_3552 : vector<16xf32>
    %mul3A_3554 = arith.constant 5.000000e-02 : f32
    %mul3A_3555 = vector.broadcast %mul3A_3554 : f32 to vector<16xf32>
    %mul3A_3556 = arith.mulf %mul3A_3555, %add3A_3553 : vector<16xf32>
    %add3A_3557 = arith.addf %get3A_3498, %mul3A_3556 : vector<16xf32>
    %add3A_3558 = arith.addf %add3A_3557, %get3A_3507 : vector<16xf32>
    %swap3A_3559 = arith.constant 832 : index
    %swap3A_3560 = tpu.vector_load %arg11[%swap3A_3559] {strides = array<i32>} : memref<1024xf32, #tpu.memory_space<vmem>>, vector<16xf32>,
    %swap3A_3561 = vector.shape_cast %swap3A_3560 : vector<16xf32> to vector<16xf32>
    %swap3A_3562 = vector.shape_cast %add3A_3558 : vector<16xf32> to vector<16xf32>
    tpu.vector_store %arg11[%swap3A_3559], %swap3A_3562 {strides = array<i32>} : memref<1024xf32, #tpu.memory_space<vmem>>, vector<16xf32>,
    %get3A_3563 = arith.constant 848 : index
    %get3A_3564 = tpu.vector_load %arg9[%get3A_3563] {strides = array<i32>} : memref<1024xf32, #tpu.memory_space<vmem>>, vector<16xf32>,
    %get3A_3565 = vector.shape_cast %get3A_3564 : vector<16xf32> to vector<16xf32>
    %get3A_3566 = arith.constant 848 : index
    %get3A_3567 = tpu.vector_load %arg7[%get3A_3566] {strides = array<i32>} : memref<1024xf32, #tpu.memory_space<vmem>>, vector<16xf32>,
    %get3A_3568 = vector.shape_cast %get3A_3567 : vector<16xf32> to vector<16xf32>
    %get3A_3569 = arith.constant 848 : index
    %get3A_3570 = tpu.vector_load %arg8[%get3A_3569] {strides = array<i32>} : memref<1024xf32, #tpu.memory_space<vmem>>, vector<16xf32>,
    %get3A_3571 = vector.shape_cast %get3A_3570 : vector<16xf32> to vector<16xf32>
    %get3A_3572 = arith.constant 848 : index
    %get3A_3573 = tpu.vector_load %arg10[%get3A_3572] {strides = array<i32>} : memref<1024xf32, #tpu.memory_space<vmem>>, vector<16xf32>,
    %get3A_3574 = vector.shape_cast %get3A_3573 : vector<16xf32> to vector<16xf32>
    %mul3A_3575 = arith.constant 2.000000e+00 : f32
    %mul3A_3576 = vector.broadcast %mul3A_3575 : f32 to vector<16xf32>
    %mul3A_3577 = arith.mulf %get3A_3568, %mul3A_3576 : vector<16xf32>
    %exp3A_3578 = math.exp %mul3A_3577 : vector<16xf32>
    %add3A_3579 = arith.constant 1.000000e+00 : f32
    %add3A_3580 = vector.broadcast %add3A_3579 : f32 to vector<16xf32>
    %add3A_3581 = arith.addf %exp3A_3578, %add3A_3580 : vector<16xf32>
    %div3A_3582 = arith.constant 2.000000e+00 : f32
    %div3A_3583 = vector.broadcast %div3A_3582 : f32 to vector<16xf32>
    %div3A_3584 = arith.divf %div3A_3583, %add3A_3581 : vector<16xf32>
    %sub3A_3585 = arith.constant 1.000000e+00 : f32
    %sub3A_3586 = vector.broadcast %sub3A_3585 : f32 to vector<16xf32>
    %sub3A_3587 = arith.subf %sub3A_3586, %div3A_3584 : vector<16xf32>
    %neg3A_3588 = arith.constant 0.000000e+00 : f32
    %neg3A_3589 = vector.broadcast %neg3A_3588 : f32 to vector<16xf32>
    %neg3A_3590 = arith.subf %neg3A_3589, %get3A_3565 : vector<16xf32>
    %mul3A_3591 = arith.constant 1.000000e-01 : f32
    %mul3A_3592 = vector.broadcast %mul3A_3591 : f32 to vector<16xf32>
    %mul3A_3593 = arith.mulf %mul3A_3592, %sub3A_3587 : vector<16xf32>
    %add3A_3594 = arith.addf %neg3A_3590, %mul3A_3593 : vector<16xf32>
    %mul3A_3595 = arith.constant 1.000000e-01 : f32
    %mul3A_3596 = vector.broadcast %mul3A_3595 : f32 to vector<16xf32>
    %mul3A_3597 = arith.mulf %mul3A_3596, %add3A_3594 : vector<16xf32>
    %add3A_3598 = arith.addf %get3A_3565, %mul3A_3597 : vector<16xf32>
    %add3A_3599 = arith.addf %add3A_3598, %get3A_3574 : vector<16xf32>
    %mul3A_3600 = arith.constant 2.000000e+00 : f32
    %mul3A_3601 = vector.broadcast %mul3A_3600 : f32 to vector<16xf32>
    %mul3A_3602 = arith.mulf %get3A_3571, %mul3A_3601 : vector<16xf32>
    %exp3A_3603 = math.exp %mul3A_3602 : vector<16xf32>
    %add3A_3604 = arith.constant 1.000000e+00 : f32
    %add3A_3605 = vector.broadcast %add3A_3604 : f32 to vector<16xf32>
    %add3A_3606 = arith.addf %exp3A_3603, %add3A_3605 : vector<16xf32>
    %div3A_3607 = arith.constant 2.000000e+00 : f32
    %div3A_3608 = vector.broadcast %div3A_3607 : f32 to vector<16xf32>
    %div3A_3609 = arith.divf %div3A_3608, %add3A_3606 : vector<16xf32>
    %sub3A_3610 = arith.constant 1.000000e+00 : f32
    %sub3A_3611 = vector.broadcast %sub3A_3610 : f32 to vector<16xf32>
    %sub3A_3612 = arith.subf %sub3A_3611, %div3A_3609 : vector<16xf32>
    %neg3A_3613 = arith.constant 0.000000e+00 : f32
    %neg3A_3614 = vector.broadcast %neg3A_3613 : f32 to vector<16xf32>
    %neg3A_3615 = arith.subf %neg3A_3614, %add3A_3599 : vector<16xf32>
    %mul3A_3616 = arith.constant 1.000000e-01 : f32
    %mul3A_3617 = vector.broadcast %mul3A_3616 : f32 to vector<16xf32>
    %mul3A_3618 = arith.mulf %mul3A_3617, %sub3A_3612 : vector<16xf32>
    %add3A_3619 = arith.addf %neg3A_3615, %mul3A_3618 : vector<16xf32>
    %add3A_3620 = arith.addf %add3A_3594, %add3A_3619 : vector<16xf32>
    %mul3A_3621 = arith.constant 5.000000e-02 : f32
    %mul3A_3622 = vector.broadcast %mul3A_3621 : f32 to vector<16xf32>
    %mul3A_3623 = arith.mulf %mul3A_3622, %add3A_3620 : vector<16xf32>
    %add3A_3624 = arith.addf %get3A_3565, %mul3A_3623 : vector<16xf32>
    %add3A_3625 = arith.addf %add3A_3624, %get3A_3574 : vector<16xf32>
    %swap3A_3626 = arith.constant 848 : index
    %swap3A_3627 = tpu.vector_load %arg11[%swap3A_3626] {strides = array<i32>} : memref<1024xf32, #tpu.memory_space<vmem>>, vector<16xf32>,
    %swap3A_3628 = vector.shape_cast %swap3A_3627 : vector<16xf32> to vector<16xf32>
    %swap3A_3629 = vector.shape_cast %add3A_3625 : vector<16xf32> to vector<16xf32>
    tpu.vector_store %arg11[%swap3A_3626], %swap3A_3629 {strides = array<i32>} : memref<1024xf32, #tpu.memory_space<vmem>>, vector<16xf32>,
    %get3A_3630 = arith.constant 864 : index
    %get3A_3631 = tpu.vector_load %arg9[%get3A_3630] {strides = array<i32>} : memref<1024xf32, #tpu.memory_space<vmem>>, vector<16xf32>,
    %get3A_3632 = vector.shape_cast %get3A_3631 : vector<16xf32> to vector<16xf32>
    %get3A_3633 = arith.constant 864 : index
    %get3A_3634 = tpu.vector_load %arg7[%get3A_3633] {strides = array<i32>} : memref<1024xf32, #tpu.memory_space<vmem>>, vector<16xf32>,
    %get3A_3635 = vector.shape_cast %get3A_3634 : vector<16xf32> to vector<16xf32>
    %get3A_3636 = arith.constant 864 : index
    %get3A_3637 = tpu.vector_load %arg8[%get3A_3636] {strides = array<i32>} : memref<1024xf32, #tpu.memory_space<vmem>>, vector<16xf32>,
    %get3A_3638 = vector.shape_cast %get3A_3637 : vector<16xf32> to vector<16xf32>
    %get3A_3639 = arith.constant 864 : index
    %get3A_3640 = tpu.vector_load %arg10[%get3A_3639] {strides = array<i32>} : memref<1024xf32, #tpu.memory_space<vmem>>, vector<16xf32>,
    %get3A_3641 = vector.shape_cast %get3A_3640 : vector<16xf32> to vector<16xf32>
    %mul3A_3642 = arith.constant 2.000000e+00 : f32
    %mul3A_3643 = vector.broadcast %mul3A_3642 : f32 to vector<16xf32>
    %mul3A_3644 = arith.mulf %get3A_3635, %mul3A_3643 : vector<16xf32>
    %exp3A_3645 = math.exp %mul3A_3644 : vector<16xf32>
    %add3A_3646 = arith.constant 1.000000e+00 : f32
    %add3A_3647 = vector.broadcast %add3A_3646 : f32 to vector<16xf32>
    %add3A_3648 = arith.addf %exp3A_3645, %add3A_3647 : vector<16xf32>
    %div3A_3649 = arith.constant 2.000000e+00 : f32
    %div3A_3650 = vector.broadcast %div3A_3649 : f32 to vector<16xf32>
    %div3A_3651 = arith.divf %div3A_3650, %add3A_3648 : vector<16xf32>
    %sub3A_3652 = arith.constant 1.000000e+00 : f32
    %sub3A_3653 = vector.broadcast %sub3A_3652 : f32 to vector<16xf32>
    %sub3A_3654 = arith.subf %sub3A_3653, %div3A_3651 : vector<16xf32>
    %neg3A_3655 = arith.constant 0.000000e+00 : f32
    %neg3A_3656 = vector.broadcast %neg3A_3655 : f32 to vector<16xf32>
    %neg3A_3657 = arith.subf %neg3A_3656, %get3A_3632 : vector<16xf32>
    %mul3A_3658 = arith.constant 1.000000e-01 : f32
    %mul3A_3659 = vector.broadcast %mul3A_3658 : f32 to vector<16xf32>
    %mul3A_3660 = arith.mulf %mul3A_3659, %sub3A_3654 : vector<16xf32>
    %add3A_3661 = arith.addf %neg3A_3657, %mul3A_3660 : vector<16xf32>
    %mul3A_3662 = arith.constant 1.000000e-01 : f32
    %mul3A_3663 = vector.broadcast %mul3A_3662 : f32 to vector<16xf32>
    %mul3A_3664 = arith.mulf %mul3A_3663, %add3A_3661 : vector<16xf32>
    %add3A_3665 = arith.addf %get3A_3632, %mul3A_3664 : vector<16xf32>
    %add3A_3666 = arith.addf %add3A_3665, %get3A_3641 : vector<16xf32>
    %mul3A_3667 = arith.constant 2.000000e+00 : f32
    %mul3A_3668 = vector.broadcast %mul3A_3667 : f32 to vector<16xf32>
    %mul3A_3669 = arith.mulf %get3A_3638, %mul3A_3668 : vector<16xf32>
    %exp3A_3670 = math.exp %mul3A_3669 : vector<16xf32>
    %add3A_3671 = arith.constant 1.000000e+00 : f32
    %add3A_3672 = vector.broadcast %add3A_3671 : f32 to vector<16xf32>
    %add3A_3673 = arith.addf %exp3A_3670, %add3A_3672 : vector<16xf32>
    %div3A_3674 = arith.constant 2.000000e+00 : f32
    %div3A_3675 = vector.broadcast %div3A_3674 : f32 to vector<16xf32>
    %div3A_3676 = arith.divf %div3A_3675, %add3A_3673 : vector<16xf32>
    %sub3A_3677 = arith.constant 1.000000e+00 : f32
    %sub3A_3678 = vector.broadcast %sub3A_3677 : f32 to vector<16xf32>
    %sub3A_3679 = arith.subf %sub3A_3678, %div3A_3676 : vector<16xf32>
    %neg3A_3680 = arith.constant 0.000000e+00 : f32
    %neg3A_3681 = vector.broadcast %neg3A_3680 : f32 to vector<16xf32>
    %neg3A_3682 = arith.subf %neg3A_3681, %add3A_3666 : vector<16xf32>
    %mul3A_3683 = arith.constant 1.000000e-01 : f32
    %mul3A_3684 = vector.broadcast %mul3A_3683 : f32 to vector<16xf32>
    %mul3A_3685 = arith.mulf %mul3A_3684, %sub3A_3679 : vector<16xf32>
    %add3A_3686 = arith.addf %neg3A_3682, %mul3A_3685 : vector<16xf32>
    %add3A_3687 = arith.addf %add3A_3661, %add3A_3686 : vector<16xf32>
    %mul3A_3688 = arith.constant 5.000000e-02 : f32
    %mul3A_3689 = vector.broadcast %mul3A_3688 : f32 to vector<16xf32>
    %mul3A_3690 = arith.mulf %mul3A_3689, %add3A_3687 : vector<16xf32>
    %add3A_3691 = arith.addf %get3A_3632, %mul3A_3690 : vector<16xf32>
    %add3A_3692 = arith.addf %add3A_3691, %get3A_3641 : vector<16xf32>
    %swap3A_3693 = arith.constant 864 : index
    %swap3A_3694 = tpu.vector_load %arg11[%swap3A_3693] {strides = array<i32>} : memref<1024xf32, #tpu.memory_space<vmem>>, vector<16xf32>,
    %swap3A_3695 = vector.shape_cast %swap3A_3694 : vector<16xf32> to vector<16xf32>
    %swap3A_3696 = vector.shape_cast %add3A_3692 : vector<16xf32> to vector<16xf32>
    tpu.vector_store %arg11[%swap3A_3693], %swap3A_3696 {strides = array<i32>} : memref<1024xf32, #tpu.memory_space<vmem>>, vector<16xf32>,
    %get3A_3697 = arith.constant 880 : index
    %get3A_3698 = tpu.vector_load %arg9[%get3A_3697] {strides = array<i32>} : memref<1024xf32, #tpu.memory_space<vmem>>, vector<16xf32>,
    %get3A_3699 = vector.shape_cast %get3A_3698 : vector<16xf32> to vector<16xf32>
    %get3A_3700 = arith.constant 880 : index
    %get3A_3701 = tpu.vector_load %arg7[%get3A_3700] {strides = array<i32>} : memref<1024xf32, #tpu.memory_space<vmem>>, vector<16xf32>,
    %get3A_3702 = vector.shape_cast %get3A_3701 : vector<16xf32> to vector<16xf32>
    %get3A_3703 = arith.constant 880 : index
    %get3A_3704 = tpu.vector_load %arg8[%get3A_3703] {strides = array<i32>} : memref<1024xf32, #tpu.memory_space<vmem>>, vector<16xf32>,
    %get3A_3705 = vector.shape_cast %get3A_3704 : vector<16xf32> to vector<16xf32>
    %get3A_3706 = arith.constant 880 : index
    %get3A_3707 = tpu.vector_load %arg10[%get3A_3706] {strides = array<i32>} : memref<1024xf32, #tpu.memory_space<vmem>>, vector<16xf32>,
    %get3A_3708 = vector.shape_cast %get3A_3707 : vector<16xf32> to vector<16xf32>
    %mul3A_3709 = arith.constant 2.000000e+00 : f32
    %mul3A_3710 = vector.broadcast %mul3A_3709 : f32 to vector<16xf32>
    %mul3A_3711 = arith.mulf %get3A_3702, %mul3A_3710 : vector<16xf32>
    %exp3A_3712 = math.exp %mul3A_3711 : vector<16xf32>
    %add3A_3713 = arith.constant 1.000000e+00 : f32
    %add3A_3714 = vector.broadcast %add3A_3713 : f32 to vector<16xf32>
    %add3A_3715 = arith.addf %exp3A_3712, %add3A_3714 : vector<16xf32>
    %div3A_3716 = arith.constant 2.000000e+00 : f32
    %div3A_3717 = vector.broadcast %div3A_3716 : f32 to vector<16xf32>
    %div3A_3718 = arith.divf %div3A_3717, %add3A_3715 : vector<16xf32>
    %sub3A_3719 = arith.constant 1.000000e+00 : f32
    %sub3A_3720 = vector.broadcast %sub3A_3719 : f32 to vector<16xf32>
    %sub3A_3721 = arith.subf %sub3A_3720, %div3A_3718 : vector<16xf32>
    %neg3A_3722 = arith.constant 0.000000e+00 : f32
    %neg3A_3723 = vector.broadcast %neg3A_3722 : f32 to vector<16xf32>
    %neg3A_3724 = arith.subf %neg3A_3723, %get3A_3699 : vector<16xf32>
    %mul3A_3725 = arith.constant 1.000000e-01 : f32
    %mul3A_3726 = vector.broadcast %mul3A_3725 : f32 to vector<16xf32>
    %mul3A_3727 = arith.mulf %mul3A_3726, %sub3A_3721 : vector<16xf32>
    %add3A_3728 = arith.addf %neg3A_3724, %mul3A_3727 : vector<16xf32>
    %mul3A_3729 = arith.constant 1.000000e-01 : f32
    %mul3A_3730 = vector.broadcast %mul3A_3729 : f32 to vector<16xf32>
    %mul3A_3731 = arith.mulf %mul3A_3730, %add3A_3728 : vector<16xf32>
    %add3A_3732 = arith.addf %get3A_3699, %mul3A_3731 : vector<16xf32>
    %add3A_3733 = arith.addf %add3A_3732, %get3A_3708 : vector<16xf32>
    %mul3A_3734 = arith.constant 2.000000e+00 : f32
    %mul3A_3735 = vector.broadcast %mul3A_3734 : f32 to vector<16xf32>
    %mul3A_3736 = arith.mulf %get3A_3705, %mul3A_3735 : vector<16xf32>
    %exp3A_3737 = math.exp %mul3A_3736 : vector<16xf32>
    %add3A_3738 = arith.constant 1.000000e+00 : f32
    %add3A_3739 = vector.broadcast %add3A_3738 : f32 to vector<16xf32>
    %add3A_3740 = arith.addf %exp3A_3737, %add3A_3739 : vector<16xf32>
    %div3A_3741 = arith.constant 2.000000e+00 : f32
    %div3A_3742 = vector.broadcast %div3A_3741 : f32 to vector<16xf32>
    %div3A_3743 = arith.divf %div3A_3742, %add3A_3740 : vector<16xf32>
    %sub3A_3744 = arith.constant 1.000000e+00 : f32
    %sub3A_3745 = vector.broadcast %sub3A_3744 : f32 to vector<16xf32>
    %sub3A_3746 = arith.subf %sub3A_3745, %div3A_3743 : vector<16xf32>
    %neg3A_3747 = arith.constant 0.000000e+00 : f32
    %neg3A_3748 = vector.broadcast %neg3A_3747 : f32 to vector<16xf32>
    %neg3A_3749 = arith.subf %neg3A_3748, %add3A_3733 : vector<16xf32>
    %mul3A_3750 = arith.constant 1.000000e-01 : f32
    %mul3A_3751 = vector.broadcast %mul3A_3750 : f32 to vector<16xf32>
    %mul3A_3752 = arith.mulf %mul3A_3751, %sub3A_3746 : vector<16xf32>
    %add3A_3753 = arith.addf %neg3A_3749, %mul3A_3752 : vector<16xf32>
    %add3A_3754 = arith.addf %add3A_3728, %add3A_3753 : vector<16xf32>
    %mul3A_3755 = arith.constant 5.000000e-02 : f32
    %mul3A_3756 = vector.broadcast %mul3A_3755 : f32 to vector<16xf32>
    %mul3A_3757 = arith.mulf %mul3A_3756, %add3A_3754 : vector<16xf32>
    %add3A_3758 = arith.addf %get3A_3699, %mul3A_3757 : vector<16xf32>
    %add3A_3759 = arith.addf %add3A_3758, %get3A_3708 : vector<16xf32>
    %swap3A_3760 = arith.constant 880 : index
    %swap3A_3761 = tpu.vector_load %arg11[%swap3A_3760] {strides = array<i32>} : memref<1024xf32, #tpu.memory_space<vmem>>, vector<16xf32>,
    %swap3A_3762 = vector.shape_cast %swap3A_3761 : vector<16xf32> to vector<16xf32>
    %swap3A_3763 = vector.shape_cast %add3A_3759 : vector<16xf32> to vector<16xf32>
    tpu.vector_store %arg11[%swap3A_3760], %swap3A_3763 {strides = array<i32>} : memref<1024xf32, #tpu.memory_space<vmem>>, vector<16xf32>,
    %get3A_3764 = arith.constant 896 : index
    %get3A_3765 = tpu.vector_load %arg9[%get3A_3764] {strides = array<i32>} : memref<1024xf32, #tpu.memory_space<vmem>>, vector<16xf32>,
    %get3A_3766 = vector.shape_cast %get3A_3765 : vector<16xf32> to vector<16xf32>
    %get3A_3767 = arith.constant 896 : index
    %get3A_3768 = tpu.vector_load %arg7[%get3A_3767] {strides = array<i32>} : memref<1024xf32, #tpu.memory_space<vmem>>, vector<16xf32>,
    %get3A_3769 = vector.shape_cast %get3A_3768 : vector<16xf32> to vector<16xf32>
    %get3A_3770 = arith.constant 896 : index
    %get3A_3771 = tpu.vector_load %arg8[%get3A_3770] {strides = array<i32>} : memref<1024xf32, #tpu.memory_space<vmem>>, vector<16xf32>,
    %get3A_3772 = vector.shape_cast %get3A_3771 : vector<16xf32> to vector<16xf32>
    %get3A_3773 = arith.constant 896 : index
    %get3A_3774 = tpu.vector_load %arg10[%get3A_3773] {strides = array<i32>} : memref<1024xf32, #tpu.memory_space<vmem>>, vector<16xf32>,
    %get3A_3775 = vector.shape_cast %get3A_3774 : vector<16xf32> to vector<16xf32>
    %mul3A_3776 = arith.constant 2.000000e+00 : f32
    %mul3A_3777 = vector.broadcast %mul3A_3776 : f32 to vector<16xf32>
    %mul3A_3778 = arith.mulf %get3A_3769, %mul3A_3777 : vector<16xf32>
    %exp3A_3779 = math.exp %mul3A_3778 : vector<16xf32>
    %add3A_3780 = arith.constant 1.000000e+00 : f32
    %add3A_3781 = vector.broadcast %add3A_3780 : f32 to vector<16xf32>
    %add3A_3782 = arith.addf %exp3A_3779, %add3A_3781 : vector<16xf32>
    %div3A_3783 = arith.constant 2.000000e+00 : f32
    %div3A_3784 = vector.broadcast %div3A_3783 : f32 to vector<16xf32>
    %div3A_3785 = arith.divf %div3A_3784, %add3A_3782 : vector<16xf32>
    %sub3A_3786 = arith.constant 1.000000e+00 : f32
    %sub3A_3787 = vector.broadcast %sub3A_3786 : f32 to vector<16xf32>
    %sub3A_3788 = arith.subf %sub3A_3787, %div3A_3785 : vector<16xf32>
    %neg3A_3789 = arith.constant 0.000000e+00 : f32
    %neg3A_3790 = vector.broadcast %neg3A_3789 : f32 to vector<16xf32>
    %neg3A_3791 = arith.subf %neg3A_3790, %get3A_3766 : vector<16xf32>
    %mul3A_3792 = arith.constant 1.000000e-01 : f32
    %mul3A_3793 = vector.broadcast %mul3A_3792 : f32 to vector<16xf32>
    %mul3A_3794 = arith.mulf %mul3A_3793, %sub3A_3788 : vector<16xf32>
    %add3A_3795 = arith.addf %neg3A_3791, %mul3A_3794 : vector<16xf32>
    %mul3A_3796 = arith.constant 1.000000e-01 : f32
    %mul3A_3797 = vector.broadcast %mul3A_3796 : f32 to vector<16xf32>
    %mul3A_3798 = arith.mulf %mul3A_3797, %add3A_3795 : vector<16xf32>
    %add3A_3799 = arith.addf %get3A_3766, %mul3A_3798 : vector<16xf32>
    %add3A_3800 = arith.addf %add3A_3799, %get3A_3775 : vector<16xf32>
    %mul3A_3801 = arith.constant 2.000000e+00 : f32
    %mul3A_3802 = vector.broadcast %mul3A_3801 : f32 to vector<16xf32>
    %mul3A_3803 = arith.mulf %get3A_3772, %mul3A_3802 : vector<16xf32>
    %exp3A_3804 = math.exp %mul3A_3803 : vector<16xf32>
    %add3A_3805 = arith.constant 1.000000e+00 : f32
    %add3A_3806 = vector.broadcast %add3A_3805 : f32 to vector<16xf32>
    %add3A_3807 = arith.addf %exp3A_3804, %add3A_3806 : vector<16xf32>
    %div3A_3808 = arith.constant 2.000000e+00 : f32
    %div3A_3809 = vector.broadcast %div3A_3808 : f32 to vector<16xf32>
    %div3A_3810 = arith.divf %div3A_3809, %add3A_3807 : vector<16xf32>
    %sub3A_3811 = arith.constant 1.000000e+00 : f32
    %sub3A_3812 = vector.broadcast %sub3A_3811 : f32 to vector<16xf32>
    %sub3A_3813 = arith.subf %sub3A_3812, %div3A_3810 : vector<16xf32>
    %neg3A_3814 = arith.constant 0.000000e+00 : f32
    %neg3A_3815 = vector.broadcast %neg3A_3814 : f32 to vector<16xf32>
    %neg3A_3816 = arith.subf %neg3A_3815, %add3A_3800 : vector<16xf32>
    %mul3A_3817 = arith.constant 1.000000e-01 : f32
    %mul3A_3818 = vector.broadcast %mul3A_3817 : f32 to vector<16xf32>
    %mul3A_3819 = arith.mulf %mul3A_3818, %sub3A_3813 : vector<16xf32>
    %add3A_3820 = arith.addf %neg3A_3816, %mul3A_3819 : vector<16xf32>
    %add3A_3821 = arith.addf %add3A_3795, %add3A_3820 : vector<16xf32>
    %mul3A_3822 = arith.constant 5.000000e-02 : f32
    %mul3A_3823 = vector.broadcast %mul3A_3822 : f32 to vector<16xf32>
    %mul3A_3824 = arith.mulf %mul3A_3823, %add3A_3821 : vector<16xf32>
    %add3A_3825 = arith.addf %get3A_3766, %mul3A_3824 : vector<16xf32>
    %add3A_3826 = arith.addf %add3A_3825, %get3A_3775 : vector<16xf32>
    %swap3A_3827 = arith.constant 896 : index
    %swap3A_3828 = tpu.vector_load %arg11[%swap3A_3827] {strides = array<i32>} : memref<1024xf32, #tpu.memory_space<vmem>>, vector<16xf32>,
    %swap3A_3829 = vector.shape_cast %swap3A_3828 : vector<16xf32> to vector<16xf32>
    %swap3A_3830 = vector.shape_cast %add3A_3826 : vector<16xf32> to vector<16xf32>
    tpu.vector_store %arg11[%swap3A_3827], %swap3A_3830 {strides = array<i32>} : memref<1024xf32, #tpu.memory_space<vmem>>, vector<16xf32>,
    %get3A_3831 = arith.constant 912 : index
    %get3A_3832 = tpu.vector_load %arg9[%get3A_3831] {strides = array<i32>} : memref<1024xf32, #tpu.memory_space<vmem>>, vector<16xf32>,
    %get3A_3833 = vector.shape_cast %get3A_3832 : vector<16xf32> to vector<16xf32>
    %get3A_3834 = arith.constant 912 : index
    %get3A_3835 = tpu.vector_load %arg7[%get3A_3834] {strides = array<i32>} : memref<1024xf32, #tpu.memory_space<vmem>>, vector<16xf32>,
    %get3A_3836 = vector.shape_cast %get3A_3835 : vector<16xf32> to vector<16xf32>
    %get3A_3837 = arith.constant 912 : index
    %get3A_3838 = tpu.vector_load %arg8[%get3A_3837] {strides = array<i32>} : memref<1024xf32, #tpu.memory_space<vmem>>, vector<16xf32>,
    %get3A_3839 = vector.shape_cast %get3A_3838 : vector<16xf32> to vector<16xf32>
    %get3A_3840 = arith.constant 912 : index
    %get3A_3841 = tpu.vector_load %arg10[%get3A_3840] {strides = array<i32>} : memref<1024xf32, #tpu.memory_space<vmem>>, vector<16xf32>,
    %get3A_3842 = vector.shape_cast %get3A_3841 : vector<16xf32> to vector<16xf32>
    %mul3A_3843 = arith.constant 2.000000e+00 : f32
    %mul3A_3844 = vector.broadcast %mul3A_3843 : f32 to vector<16xf32>
    %mul3A_3845 = arith.mulf %get3A_3836, %mul3A_3844 : vector<16xf32>
    %exp3A_3846 = math.exp %mul3A_3845 : vector<16xf32>
    %add3A_3847 = arith.constant 1.000000e+00 : f32
    %add3A_3848 = vector.broadcast %add3A_3847 : f32 to vector<16xf32>
    %add3A_3849 = arith.addf %exp3A_3846, %add3A_3848 : vector<16xf32>
    %div3A_3850 = arith.constant 2.000000e+00 : f32
    %div3A_3851 = vector.broadcast %div3A_3850 : f32 to vector<16xf32>
    %div3A_3852 = arith.divf %div3A_3851, %add3A_3849 : vector<16xf32>
    %sub3A_3853 = arith.constant 1.000000e+00 : f32
    %sub3A_3854 = vector.broadcast %sub3A_3853 : f32 to vector<16xf32>
    %sub3A_3855 = arith.subf %sub3A_3854, %div3A_3852 : vector<16xf32>
    %neg3A_3856 = arith.constant 0.000000e+00 : f32
    %neg3A_3857 = vector.broadcast %neg3A_3856 : f32 to vector<16xf32>
    %neg3A_3858 = arith.subf %neg3A_3857, %get3A_3833 : vector<16xf32>
    %mul3A_3859 = arith.constant 1.000000e-01 : f32
    %mul3A_3860 = vector.broadcast %mul3A_3859 : f32 to vector<16xf32>
    %mul3A_3861 = arith.mulf %mul3A_3860, %sub3A_3855 : vector<16xf32>
    %add3A_3862 = arith.addf %neg3A_3858, %mul3A_3861 : vector<16xf32>
    %mul3A_3863 = arith.constant 1.000000e-01 : f32
    %mul3A_3864 = vector.broadcast %mul3A_3863 : f32 to vector<16xf32>
    %mul3A_3865 = arith.mulf %mul3A_3864, %add3A_3862 : vector<16xf32>
    %add3A_3866 = arith.addf %get3A_3833, %mul3A_3865 : vector<16xf32>
    %add3A_3867 = arith.addf %add3A_3866, %get3A_3842 : vector<16xf32>
    %mul3A_3868 = arith.constant 2.000000e+00 : f32
    %mul3A_3869 = vector.broadcast %mul3A_3868 : f32 to vector<16xf32>
    %mul3A_3870 = arith.mulf %get3A_3839, %mul3A_3869 : vector<16xf32>
    %exp3A_3871 = math.exp %mul3A_3870 : vector<16xf32>
    %add3A_3872 = arith.constant 1.000000e+00 : f32
    %add3A_3873 = vector.broadcast %add3A_3872 : f32 to vector<16xf32>
    %add3A_3874 = arith.addf %exp3A_3871, %add3A_3873 : vector<16xf32>
    %div3A_3875 = arith.constant 2.000000e+00 : f32
    %div3A_3876 = vector.broadcast %div3A_3875 : f32 to vector<16xf32>
    %div3A_3877 = arith.divf %div3A_3876, %add3A_3874 : vector<16xf32>
    %sub3A_3878 = arith.constant 1.000000e+00 : f32
    %sub3A_3879 = vector.broadcast %sub3A_3878 : f32 to vector<16xf32>
    %sub3A_3880 = arith.subf %sub3A_3879, %div3A_3877 : vector<16xf32>
    %neg3A_3881 = arith.constant 0.000000e+00 : f32
    %neg3A_3882 = vector.broadcast %neg3A_3881 : f32 to vector<16xf32>
    %neg3A_3883 = arith.subf %neg3A_3882, %add3A_3867 : vector<16xf32>
    %mul3A_3884 = arith.constant 1.000000e-01 : f32
    %mul3A_3885 = vector.broadcast %mul3A_3884 : f32 to vector<16xf32>
    %mul3A_3886 = arith.mulf %mul3A_3885, %sub3A_3880 : vector<16xf32>
    %add3A_3887 = arith.addf %neg3A_3883, %mul3A_3886 : vector<16xf32>
    %add3A_3888 = arith.addf %add3A_3862, %add3A_3887 : vector<16xf32>
    %mul3A_3889 = arith.constant 5.000000e-02 : f32
    %mul3A_3890 = vector.broadcast %mul3A_3889 : f32 to vector<16xf32>
    %mul3A_3891 = arith.mulf %mul3A_3890, %add3A_3888 : vector<16xf32>
    %add3A_3892 = arith.addf %get3A_3833, %mul3A_3891 : vector<16xf32>
    %add3A_3893 = arith.addf %add3A_3892, %get3A_3842 : vector<16xf32>
    %swap3A_3894 = arith.constant 912 : index
    %swap3A_3895 = tpu.vector_load %arg11[%swap3A_3894] {strides = array<i32>} : memref<1024xf32, #tpu.memory_space<vmem>>, vector<16xf32>,
    %swap3A_3896 = vector.shape_cast %swap3A_3895 : vector<16xf32> to vector<16xf32>
    %swap3A_3897 = vector.shape_cast %add3A_3893 : vector<16xf32> to vector<16xf32>
    tpu.vector_store %arg11[%swap3A_3894], %swap3A_3897 {strides = array<i32>} : memref<1024xf32, #tpu.memory_space<vmem>>, vector<16xf32>,
    %get3A_3898 = arith.constant 928 : index
    %get3A_3899 = tpu.vector_load %arg9[%get3A_3898] {strides = array<i32>} : memref<1024xf32, #tpu.memory_space<vmem>>, vector<16xf32>,
    %get3A_3900 = vector.shape_cast %get3A_3899 : vector<16xf32> to vector<16xf32>
    %get3A_3901 = arith.constant 928 : index
    %get3A_3902 = tpu.vector_load %arg7[%get3A_3901] {strides = array<i32>} : memref<1024xf32, #tpu.memory_space<vmem>>, vector<16xf32>,
    %get3A_3903 = vector.shape_cast %get3A_3902 : vector<16xf32> to vector<16xf32>
    %get3A_3904 = arith.constant 928 : index
    %get3A_3905 = tpu.vector_load %arg8[%get3A_3904] {strides = array<i32>} : memref<1024xf32, #tpu.memory_space<vmem>>, vector<16xf32>,
    %get3A_3906 = vector.shape_cast %get3A_3905 : vector<16xf32> to vector<16xf32>
    %get3A_3907 = arith.constant 928 : index
    %get3A_3908 = tpu.vector_load %arg10[%get3A_3907] {strides = array<i32>} : memref<1024xf32, #tpu.memory_space<vmem>>, vector<16xf32>,
    %get3A_3909 = vector.shape_cast %get3A_3908 : vector<16xf32> to vector<16xf32>
    %mul3A_3910 = arith.constant 2.000000e+00 : f32
    %mul3A_3911 = vector.broadcast %mul3A_3910 : f32 to vector<16xf32>
    %mul3A_3912 = arith.mulf %get3A_3903, %mul3A_3911 : vector<16xf32>
    %exp3A_3913 = math.exp %mul3A_3912 : vector<16xf32>
    %add3A_3914 = arith.constant 1.000000e+00 : f32
    %add3A_3915 = vector.broadcast %add3A_3914 : f32 to vector<16xf32>
    %add3A_3916 = arith.addf %exp3A_3913, %add3A_3915 : vector<16xf32>
    %div3A_3917 = arith.constant 2.000000e+00 : f32
    %div3A_3918 = vector.broadcast %div3A_3917 : f32 to vector<16xf32>
    %div3A_3919 = arith.divf %div3A_3918, %add3A_3916 : vector<16xf32>
    %sub3A_3920 = arith.constant 1.000000e+00 : f32
    %sub3A_3921 = vector.broadcast %sub3A_3920 : f32 to vector<16xf32>
    %sub3A_3922 = arith.subf %sub3A_3921, %div3A_3919 : vector<16xf32>
    %neg3A_3923 = arith.constant 0.000000e+00 : f32
    %neg3A_3924 = vector.broadcast %neg3A_3923 : f32 to vector<16xf32>
    %neg3A_3925 = arith.subf %neg3A_3924, %get3A_3900 : vector<16xf32>
    %mul3A_3926 = arith.constant 1.000000e-01 : f32
    %mul3A_3927 = vector.broadcast %mul3A_3926 : f32 to vector<16xf32>
    %mul3A_3928 = arith.mulf %mul3A_3927, %sub3A_3922 : vector<16xf32>
    %add3A_3929 = arith.addf %neg3A_3925, %mul3A_3928 : vector<16xf32>
    %mul3A_3930 = arith.constant 1.000000e-01 : f32
    %mul3A_3931 = vector.broadcast %mul3A_3930 : f32 to vector<16xf32>
    %mul3A_3932 = arith.mulf %mul3A_3931, %add3A_3929 : vector<16xf32>
    %add3A_3933 = arith.addf %get3A_3900, %mul3A_3932 : vector<16xf32>
    %add3A_3934 = arith.addf %add3A_3933, %get3A_3909 : vector<16xf32>
    %mul3A_3935 = arith.constant 2.000000e+00 : f32
    %mul3A_3936 = vector.broadcast %mul3A_3935 : f32 to vector<16xf32>
    %mul3A_3937 = arith.mulf %get3A_3906, %mul3A_3936 : vector<16xf32>
    %exp3A_3938 = math.exp %mul3A_3937 : vector<16xf32>
    %add3A_3939 = arith.constant 1.000000e+00 : f32
    %add3A_3940 = vector.broadcast %add3A_3939 : f32 to vector<16xf32>
    %add3A_3941 = arith.addf %exp3A_3938, %add3A_3940 : vector<16xf32>
    %div3A_3942 = arith.constant 2.000000e+00 : f32
    %div3A_3943 = vector.broadcast %div3A_3942 : f32 to vector<16xf32>
    %div3A_3944 = arith.divf %div3A_3943, %add3A_3941 : vector<16xf32>
    %sub3A_3945 = arith.constant 1.000000e+00 : f32
    %sub3A_3946 = vector.broadcast %sub3A_3945 : f32 to vector<16xf32>
    %sub3A_3947 = arith.subf %sub3A_3946, %div3A_3944 : vector<16xf32>
    %neg3A_3948 = arith.constant 0.000000e+00 : f32
    %neg3A_3949 = vector.broadcast %neg3A_3948 : f32 to vector<16xf32>
    %neg3A_3950 = arith.subf %neg3A_3949, %add3A_3934 : vector<16xf32>
    %mul3A_3951 = arith.constant 1.000000e-01 : f32
    %mul3A_3952 = vector.broadcast %mul3A_3951 : f32 to vector<16xf32>
    %mul3A_3953 = arith.mulf %mul3A_3952, %sub3A_3947 : vector<16xf32>
    %add3A_3954 = arith.addf %neg3A_3950, %mul3A_3953 : vector<16xf32>
    %add3A_3955 = arith.addf %add3A_3929, %add3A_3954 : vector<16xf32>
    %mul3A_3956 = arith.constant 5.000000e-02 : f32
    %mul3A_3957 = vector.broadcast %mul3A_3956 : f32 to vector<16xf32>
    %mul3A_3958 = arith.mulf %mul3A_3957, %add3A_3955 : vector<16xf32>
    %add3A_3959 = arith.addf %get3A_3900, %mul3A_3958 : vector<16xf32>
    %add3A_3960 = arith.addf %add3A_3959, %get3A_3909 : vector<16xf32>
    %swap3A_3961 = arith.constant 928 : index
    %swap3A_3962 = tpu.vector_load %arg11[%swap3A_3961] {strides = array<i32>} : memref<1024xf32, #tpu.memory_space<vmem>>, vector<16xf32>,
    %swap3A_3963 = vector.shape_cast %swap3A_3962 : vector<16xf32> to vector<16xf32>
    %swap3A_3964 = vector.shape_cast %add3A_3960 : vector<16xf32> to vector<16xf32>
    tpu.vector_store %arg11[%swap3A_3961], %swap3A_3964 {strides = array<i32>} : memref<1024xf32, #tpu.memory_space<vmem>>, vector<16xf32>,
    %get3A_3965 = arith.constant 944 : index
    %get3A_3966 = tpu.vector_load %arg9[%get3A_3965] {strides = array<i32>} : memref<1024xf32, #tpu.memory_space<vmem>>, vector<16xf32>,
    %get3A_3967 = vector.shape_cast %get3A_3966 : vector<16xf32> to vector<16xf32>
    %get3A_3968 = arith.constant 944 : index
    %get3A_3969 = tpu.vector_load %arg7[%get3A_3968] {strides = array<i32>} : memref<1024xf32, #tpu.memory_space<vmem>>, vector<16xf32>,
    %get3A_3970 = vector.shape_cast %get3A_3969 : vector<16xf32> to vector<16xf32>
    %get3A_3971 = arith.constant 944 : index
    %get3A_3972 = tpu.vector_load %arg8[%get3A_3971] {strides = array<i32>} : memref<1024xf32, #tpu.memory_space<vmem>>, vector<16xf32>,
    %get3A_3973 = vector.shape_cast %get3A_3972 : vector<16xf32> to vector<16xf32>
    %get3A_3974 = arith.constant 944 : index
    %get3A_3975 = tpu.vector_load %arg10[%get3A_3974] {strides = array<i32>} : memref<1024xf32, #tpu.memory_space<vmem>>, vector<16xf32>,
    %get3A_3976 = vector.shape_cast %get3A_3975 : vector<16xf32> to vector<16xf32>
    %mul3A_3977 = arith.constant 2.000000e+00 : f32
    %mul3A_3978 = vector.broadcast %mul3A_3977 : f32 to vector<16xf32>
    %mul3A_3979 = arith.mulf %get3A_3970, %mul3A_3978 : vector<16xf32>
    %exp3A_3980 = math.exp %mul3A_3979 : vector<16xf32>
    %add3A_3981 = arith.constant 1.000000e+00 : f32
    %add3A_3982 = vector.broadcast %add3A_3981 : f32 to vector<16xf32>
    %add3A_3983 = arith.addf %exp3A_3980, %add3A_3982 : vector<16xf32>
    %div3A_3984 = arith.constant 2.000000e+00 : f32
    %div3A_3985 = vector.broadcast %div3A_3984 : f32 to vector<16xf32>
    %div3A_3986 = arith.divf %div3A_3985, %add3A_3983 : vector<16xf32>
    %sub3A_3987 = arith.constant 1.000000e+00 : f32
    %sub3A_3988 = vector.broadcast %sub3A_3987 : f32 to vector<16xf32>
    %sub3A_3989 = arith.subf %sub3A_3988, %div3A_3986 : vector<16xf32>
    %neg3A_3990 = arith.constant 0.000000e+00 : f32
    %neg3A_3991 = vector.broadcast %neg3A_3990 : f32 to vector<16xf32>
    %neg3A_3992 = arith.subf %neg3A_3991, %get3A_3967 : vector<16xf32>
    %mul3A_3993 = arith.constant 1.000000e-01 : f32
    %mul3A_3994 = vector.broadcast %mul3A_3993 : f32 to vector<16xf32>
    %mul3A_3995 = arith.mulf %mul3A_3994, %sub3A_3989 : vector<16xf32>
    %add3A_3996 = arith.addf %neg3A_3992, %mul3A_3995 : vector<16xf32>
    %mul3A_3997 = arith.constant 1.000000e-01 : f32
    %mul3A_3998 = vector.broadcast %mul3A_3997 : f32 to vector<16xf32>
    %mul3A_3999 = arith.mulf %mul3A_3998, %add3A_3996 : vector<16xf32>
    %add3A_4000 = arith.addf %get3A_3967, %mul3A_3999 : vector<16xf32>
    %add3A_4001 = arith.addf %add3A_4000, %get3A_3976 : vector<16xf32>
    %mul3A_4002 = arith.constant 2.000000e+00 : f32
    %mul3A_4003 = vector.broadcast %mul3A_4002 : f32 to vector<16xf32>
    %mul3A_4004 = arith.mulf %get3A_3973, %mul3A_4003 : vector<16xf32>
    %exp3A_4005 = math.exp %mul3A_4004 : vector<16xf32>
    %add3A_4006 = arith.constant 1.000000e+00 : f32
    %add3A_4007 = vector.broadcast %add3A_4006 : f32 to vector<16xf32>
    %add3A_4008 = arith.addf %exp3A_4005, %add3A_4007 : vector<16xf32>
    %div3A_4009 = arith.constant 2.000000e+00 : f32
    %div3A_4010 = vector.broadcast %div3A_4009 : f32 to vector<16xf32>
    %div3A_4011 = arith.divf %div3A_4010, %add3A_4008 : vector<16xf32>
    %sub3A_4012 = arith.constant 1.000000e+00 : f32
    %sub3A_4013 = vector.broadcast %sub3A_4012 : f32 to vector<16xf32>
    %sub3A_4014 = arith.subf %sub3A_4013, %div3A_4011 : vector<16xf32>
    %neg3A_4015 = arith.constant 0.000000e+00 : f32
    %neg3A_4016 = vector.broadcast %neg3A_4015 : f32 to vector<16xf32>
    %neg3A_4017 = arith.subf %neg3A_4016, %add3A_4001 : vector<16xf32>
    %mul3A_4018 = arith.constant 1.000000e-01 : f32
    %mul3A_4019 = vector.broadcast %mul3A_4018 : f32 to vector<16xf32>
    %mul3A_4020 = arith.mulf %mul3A_4019, %sub3A_4014 : vector<16xf32>
    %add3A_4021 = arith.addf %neg3A_4017, %mul3A_4020 : vector<16xf32>
    %add3A_4022 = arith.addf %add3A_3996, %add3A_4021 : vector<16xf32>
    %mul3A_4023 = arith.constant 5.000000e-02 : f32
    %mul3A_4024 = vector.broadcast %mul3A_4023 : f32 to vector<16xf32>
    %mul3A_4025 = arith.mulf %mul3A_4024, %add3A_4022 : vector<16xf32>
    %add3A_4026 = arith.addf %get3A_3967, %mul3A_4025 : vector<16xf32>
    %add3A_4027 = arith.addf %add3A_4026, %get3A_3976 : vector<16xf32>
    %swap3A_4028 = arith.constant 944 : index
    %swap3A_4029 = tpu.vector_load %arg11[%swap3A_4028] {strides = array<i32>} : memref<1024xf32, #tpu.memory_space<vmem>>, vector<16xf32>,
    %swap3A_4030 = vector.shape_cast %swap3A_4029 : vector<16xf32> to vector<16xf32>
    %swap3A_4031 = vector.shape_cast %add3A_4027 : vector<16xf32> to vector<16xf32>
    tpu.vector_store %arg11[%swap3A_4028], %swap3A_4031 {strides = array<i32>} : memref<1024xf32, #tpu.memory_space<vmem>>, vector<16xf32>,
    %get3A_4032 = arith.constant 960 : index
    %get3A_4033 = tpu.vector_load %arg9[%get3A_4032] {strides = array<i32>} : memref<1024xf32, #tpu.memory_space<vmem>>, vector<16xf32>,
    %get3A_4034 = vector.shape_cast %get3A_4033 : vector<16xf32> to vector<16xf32>
    %get3A_4035 = arith.constant 960 : index
    %get3A_4036 = tpu.vector_load %arg7[%get3A_4035] {strides = array<i32>} : memref<1024xf32, #tpu.memory_space<vmem>>, vector<16xf32>,
    %get3A_4037 = vector.shape_cast %get3A_4036 : vector<16xf32> to vector<16xf32>
    %get3A_4038 = arith.constant 960 : index
    %get3A_4039 = tpu.vector_load %arg8[%get3A_4038] {strides = array<i32>} : memref<1024xf32, #tpu.memory_space<vmem>>, vector<16xf32>,
    %get3A_4040 = vector.shape_cast %get3A_4039 : vector<16xf32> to vector<16xf32>
    %get3A_4041 = arith.constant 960 : index
    %get3A_4042 = tpu.vector_load %arg10[%get3A_4041] {strides = array<i32>} : memref<1024xf32, #tpu.memory_space<vmem>>, vector<16xf32>,
    %get3A_4043 = vector.shape_cast %get3A_4042 : vector<16xf32> to vector<16xf32>
    %mul3A_4044 = arith.constant 2.000000e+00 : f32
    %mul3A_4045 = vector.broadcast %mul3A_4044 : f32 to vector<16xf32>
    %mul3A_4046 = arith.mulf %get3A_4037, %mul3A_4045 : vector<16xf32>
    %exp3A_4047 = math.exp %mul3A_4046 : vector<16xf32>
    %add3A_4048 = arith.constant 1.000000e+00 : f32
    %add3A_4049 = vector.broadcast %add3A_4048 : f32 to vector<16xf32>
    %add3A_4050 = arith.addf %exp3A_4047, %add3A_4049 : vector<16xf32>
    %div3A_4051 = arith.constant 2.000000e+00 : f32
    %div3A_4052 = vector.broadcast %div3A_4051 : f32 to vector<16xf32>
    %div3A_4053 = arith.divf %div3A_4052, %add3A_4050 : vector<16xf32>
    %sub3A_4054 = arith.constant 1.000000e+00 : f32
    %sub3A_4055 = vector.broadcast %sub3A_4054 : f32 to vector<16xf32>
    %sub3A_4056 = arith.subf %sub3A_4055, %div3A_4053 : vector<16xf32>
    %neg3A_4057 = arith.constant 0.000000e+00 : f32
    %neg3A_4058 = vector.broadcast %neg3A_4057 : f32 to vector<16xf32>
    %neg3A_4059 = arith.subf %neg3A_4058, %get3A_4034 : vector<16xf32>
    %mul3A_4060 = arith.constant 1.000000e-01 : f32
    %mul3A_4061 = vector.broadcast %mul3A_4060 : f32 to vector<16xf32>
    %mul3A_4062 = arith.mulf %mul3A_4061, %sub3A_4056 : vector<16xf32>
    %add3A_4063 = arith.addf %neg3A_4059, %mul3A_4062 : vector<16xf32>
    %mul3A_4064 = arith.constant 1.000000e-01 : f32
    %mul3A_4065 = vector.broadcast %mul3A_4064 : f32 to vector<16xf32>
    %mul3A_4066 = arith.mulf %mul3A_4065, %add3A_4063 : vector<16xf32>
    %add3A_4067 = arith.addf %get3A_4034, %mul3A_4066 : vector<16xf32>
    %add3A_4068 = arith.addf %add3A_4067, %get3A_4043 : vector<16xf32>
    %mul3A_4069 = arith.constant 2.000000e+00 : f32
    %mul3A_4070 = vector.broadcast %mul3A_4069 : f32 to vector<16xf32>
    %mul3A_4071 = arith.mulf %get3A_4040, %mul3A_4070 : vector<16xf32>
    %exp3A_4072 = math.exp %mul3A_4071 : vector<16xf32>
    %add3A_4073 = arith.constant 1.000000e+00 : f32
    %add3A_4074 = vector.broadcast %add3A_4073 : f32 to vector<16xf32>
    %add3A_4075 = arith.addf %exp3A_4072, %add3A_4074 : vector<16xf32>
    %div3A_4076 = arith.constant 2.000000e+00 : f32
    %div3A_4077 = vector.broadcast %div3A_4076 : f32 to vector<16xf32>
    %div3A_4078 = arith.divf %div3A_4077, %add3A_4075 : vector<16xf32>
    %sub3A_4079 = arith.constant 1.000000e+00 : f32
    %sub3A_4080 = vector.broadcast %sub3A_4079 : f32 to vector<16xf32>
    %sub3A_4081 = arith.subf %sub3A_4080, %div3A_4078 : vector<16xf32>
    %neg3A_4082 = arith.constant 0.000000e+00 : f32
    %neg3A_4083 = vector.broadcast %neg3A_4082 : f32 to vector<16xf32>
    %neg3A_4084 = arith.subf %neg3A_4083, %add3A_4068 : vector<16xf32>
    %mul3A_4085 = arith.constant 1.000000e-01 : f32
    %mul3A_4086 = vector.broadcast %mul3A_4085 : f32 to vector<16xf32>
    %mul3A_4087 = arith.mulf %mul3A_4086, %sub3A_4081 : vector<16xf32>
    %add3A_4088 = arith.addf %neg3A_4084, %mul3A_4087 : vector<16xf32>
    %add3A_4089 = arith.addf %add3A_4063, %add3A_4088 : vector<16xf32>
    %mul3A_4090 = arith.constant 5.000000e-02 : f32
    %mul3A_4091 = vector.broadcast %mul3A_4090 : f32 to vector<16xf32>
    %mul3A_4092 = arith.mulf %mul3A_4091, %add3A_4089 : vector<16xf32>
    %add3A_4093 = arith.addf %get3A_4034, %mul3A_4092 : vector<16xf32>
    %add3A_4094 = arith.addf %add3A_4093, %get3A_4043 : vector<16xf32>
    %swap3A_4095 = arith.constant 960 : index
    %swap3A_4096 = tpu.vector_load %arg11[%swap3A_4095] {strides = array<i32>} : memref<1024xf32, #tpu.memory_space<vmem>>, vector<16xf32>,
    %swap3A_4097 = vector.shape_cast %swap3A_4096 : vector<16xf32> to vector<16xf32>
    %swap3A_4098 = vector.shape_cast %add3A_4094 : vector<16xf32> to vector<16xf32>
    tpu.vector_store %arg11[%swap3A_4095], %swap3A_4098 {strides = array<i32>} : memref<1024xf32, #tpu.memory_space<vmem>>, vector<16xf32>,
    %get3A_4099 = arith.constant 976 : index
    %get3A_4100 = tpu.vector_load %arg9[%get3A_4099] {strides = array<i32>} : memref<1024xf32, #tpu.memory_space<vmem>>, vector<16xf32>,
    %get3A_4101 = vector.shape_cast %get3A_4100 : vector<16xf32> to vector<16xf32>
    %get3A_4102 = arith.constant 976 : index
    %get3A_4103 = tpu.vector_load %arg7[%get3A_4102] {strides = array<i32>} : memref<1024xf32, #tpu.memory_space<vmem>>, vector<16xf32>,
    %get3A_4104 = vector.shape_cast %get3A_4103 : vector<16xf32> to vector<16xf32>
    %get3A_4105 = arith.constant 976 : index
    %get3A_4106 = tpu.vector_load %arg8[%get3A_4105] {strides = array<i32>} : memref<1024xf32, #tpu.memory_space<vmem>>, vector<16xf32>,
    %get3A_4107 = vector.shape_cast %get3A_4106 : vector<16xf32> to vector<16xf32>
    %get3A_4108 = arith.constant 976 : index
    %get3A_4109 = tpu.vector_load %arg10[%get3A_4108] {strides = array<i32>} : memref<1024xf32, #tpu.memory_space<vmem>>, vector<16xf32>,
    %get3A_4110 = vector.shape_cast %get3A_4109 : vector<16xf32> to vector<16xf32>
    %mul3A_4111 = arith.constant 2.000000e+00 : f32
    %mul3A_4112 = vector.broadcast %mul3A_4111 : f32 to vector<16xf32>
    %mul3A_4113 = arith.mulf %get3A_4104, %mul3A_4112 : vector<16xf32>
    %exp3A_4114 = math.exp %mul3A_4113 : vector<16xf32>
    %add3A_4115 = arith.constant 1.000000e+00 : f32
    %add3A_4116 = vector.broadcast %add3A_4115 : f32 to vector<16xf32>
    %add3A_4117 = arith.addf %exp3A_4114, %add3A_4116 : vector<16xf32>
    %div3A_4118 = arith.constant 2.000000e+00 : f32
    %div3A_4119 = vector.broadcast %div3A_4118 : f32 to vector<16xf32>
    %div3A_4120 = arith.divf %div3A_4119, %add3A_4117 : vector<16xf32>
    %sub3A_4121 = arith.constant 1.000000e+00 : f32
    %sub3A_4122 = vector.broadcast %sub3A_4121 : f32 to vector<16xf32>
    %sub3A_4123 = arith.subf %sub3A_4122, %div3A_4120 : vector<16xf32>
    %neg3A_4124 = arith.constant 0.000000e+00 : f32
    %neg3A_4125 = vector.broadcast %neg3A_4124 : f32 to vector<16xf32>
    %neg3A_4126 = arith.subf %neg3A_4125, %get3A_4101 : vector<16xf32>
    %mul3A_4127 = arith.constant 1.000000e-01 : f32
    %mul3A_4128 = vector.broadcast %mul3A_4127 : f32 to vector<16xf32>
    %mul3A_4129 = arith.mulf %mul3A_4128, %sub3A_4123 : vector<16xf32>
    %add3A_4130 = arith.addf %neg3A_4126, %mul3A_4129 : vector<16xf32>
    %mul3A_4131 = arith.constant 1.000000e-01 : f32
    %mul3A_4132 = vector.broadcast %mul3A_4131 : f32 to vector<16xf32>
    %mul3A_4133 = arith.mulf %mul3A_4132, %add3A_4130 : vector<16xf32>
    %add3A_4134 = arith.addf %get3A_4101, %mul3A_4133 : vector<16xf32>
    %add3A_4135 = arith.addf %add3A_4134, %get3A_4110 : vector<16xf32>
    %mul3A_4136 = arith.constant 2.000000e+00 : f32
    %mul3A_4137 = vector.broadcast %mul3A_4136 : f32 to vector<16xf32>
    %mul3A_4138 = arith.mulf %get3A_4107, %mul3A_4137 : vector<16xf32>
    %exp3A_4139 = math.exp %mul3A_4138 : vector<16xf32>
    %add3A_4140 = arith.constant 1.000000e+00 : f32
    %add3A_4141 = vector.broadcast %add3A_4140 : f32 to vector<16xf32>
    %add3A_4142 = arith.addf %exp3A_4139, %add3A_4141 : vector<16xf32>
    %div3A_4143 = arith.constant 2.000000e+00 : f32
    %div3A_4144 = vector.broadcast %div3A_4143 : f32 to vector<16xf32>
    %div3A_4145 = arith.divf %div3A_4144, %add3A_4142 : vector<16xf32>
    %sub3A_4146 = arith.constant 1.000000e+00 : f32
    %sub3A_4147 = vector.broadcast %sub3A_4146 : f32 to vector<16xf32>
    %sub3A_4148 = arith.subf %sub3A_4147, %div3A_4145 : vector<16xf32>
    %neg3A_4149 = arith.constant 0.000000e+00 : f32
    %neg3A_4150 = vector.broadcast %neg3A_4149 : f32 to vector<16xf32>
    %neg3A_4151 = arith.subf %neg3A_4150, %add3A_4135 : vector<16xf32>
    %mul3A_4152 = arith.constant 1.000000e-01 : f32
    %mul3A_4153 = vector.broadcast %mul3A_4152 : f32 to vector<16xf32>
    %mul3A_4154 = arith.mulf %mul3A_4153, %sub3A_4148 : vector<16xf32>
    %add3A_4155 = arith.addf %neg3A_4151, %mul3A_4154 : vector<16xf32>
    %add3A_4156 = arith.addf %add3A_4130, %add3A_4155 : vector<16xf32>
    %mul3A_4157 = arith.constant 5.000000e-02 : f32
    %mul3A_4158 = vector.broadcast %mul3A_4157 : f32 to vector<16xf32>
    %mul3A_4159 = arith.mulf %mul3A_4158, %add3A_4156 : vector<16xf32>
    %add3A_4160 = arith.addf %get3A_4101, %mul3A_4159 : vector<16xf32>
    %add3A_4161 = arith.addf %add3A_4160, %get3A_4110 : vector<16xf32>
    %swap3A_4162 = arith.constant 976 : index
    %swap3A_4163 = tpu.vector_load %arg11[%swap3A_4162] {strides = array<i32>} : memref<1024xf32, #tpu.memory_space<vmem>>, vector<16xf32>,
    %swap3A_4164 = vector.shape_cast %swap3A_4163 : vector<16xf32> to vector<16xf32>
    %swap3A_4165 = vector.shape_cast %add3A_4161 : vector<16xf32> to vector<16xf32>
    tpu.vector_store %arg11[%swap3A_4162], %swap3A_4165 {strides = array<i32>} : memref<1024xf32, #tpu.memory_space<vmem>>, vector<16xf32>,
    %get3A_4166 = arith.constant 992 : index
    %get3A_4167 = tpu.vector_load %arg9[%get3A_4166] {strides = array<i32>} : memref<1024xf32, #tpu.memory_space<vmem>>, vector<16xf32>,
    %get3A_4168 = vector.shape_cast %get3A_4167 : vector<16xf32> to vector<16xf32>
    %get3A_4169 = arith.constant 992 : index
    %get3A_4170 = tpu.vector_load %arg7[%get3A_4169] {strides = array<i32>} : memref<1024xf32, #tpu.memory_space<vmem>>, vector<16xf32>,
    %get3A_4171 = vector.shape_cast %get3A_4170 : vector<16xf32> to vector<16xf32>
    %get3A_4172 = arith.constant 992 : index
    %get3A_4173 = tpu.vector_load %arg8[%get3A_4172] {strides = array<i32>} : memref<1024xf32, #tpu.memory_space<vmem>>, vector<16xf32>,
    %get3A_4174 = vector.shape_cast %get3A_4173 : vector<16xf32> to vector<16xf32>
    %get3A_4175 = arith.constant 992 : index
    %get3A_4176 = tpu.vector_load %arg10[%get3A_4175] {strides = array<i32>} : memref<1024xf32, #tpu.memory_space<vmem>>, vector<16xf32>,
    %get3A_4177 = vector.shape_cast %get3A_4176 : vector<16xf32> to vector<16xf32>
    %mul3A_4178 = arith.constant 2.000000e+00 : f32
    %mul3A_4179 = vector.broadcast %mul3A_4178 : f32 to vector<16xf32>
    %mul3A_4180 = arith.mulf %get3A_4171, %mul3A_4179 : vector<16xf32>
    %exp3A_4181 = math.exp %mul3A_4180 : vector<16xf32>
    %add3A_4182 = arith.constant 1.000000e+00 : f32
    %add3A_4183 = vector.broadcast %add3A_4182 : f32 to vector<16xf32>
    %add3A_4184 = arith.addf %exp3A_4181, %add3A_4183 : vector<16xf32>
    %div3A_4185 = arith.constant 2.000000e+00 : f32
    %div3A_4186 = vector.broadcast %div3A_4185 : f32 to vector<16xf32>
    %div3A_4187 = arith.divf %div3A_4186, %add3A_4184 : vector<16xf32>
    %sub3A_4188 = arith.constant 1.000000e+00 : f32
    %sub3A_4189 = vector.broadcast %sub3A_4188 : f32 to vector<16xf32>
    %sub3A_4190 = arith.subf %sub3A_4189, %div3A_4187 : vector<16xf32>
    %neg3A_4191 = arith.constant 0.000000e+00 : f32
    %neg3A_4192 = vector.broadcast %neg3A_4191 : f32 to vector<16xf32>
    %neg3A_4193 = arith.subf %neg3A_4192, %get3A_4168 : vector<16xf32>
    %mul3A_4194 = arith.constant 1.000000e-01 : f32
    %mul3A_4195 = vector.broadcast %mul3A_4194 : f32 to vector<16xf32>
    %mul3A_4196 = arith.mulf %mul3A_4195, %sub3A_4190 : vector<16xf32>
    %add3A_4197 = arith.addf %neg3A_4193, %mul3A_4196 : vector<16xf32>
    %mul3A_4198 = arith.constant 1.000000e-01 : f32
    %mul3A_4199 = vector.broadcast %mul3A_4198 : f32 to vector<16xf32>
    %mul3A_4200 = arith.mulf %mul3A_4199, %add3A_4197 : vector<16xf32>
    %add3A_4201 = arith.addf %get3A_4168, %mul3A_4200 : vector<16xf32>
    %add3A_4202 = arith.addf %add3A_4201, %get3A_4177 : vector<16xf32>
    %mul3A_4203 = arith.constant 2.000000e+00 : f32
    %mul3A_4204 = vector.broadcast %mul3A_4203 : f32 to vector<16xf32>
    %mul3A_4205 = arith.mulf %get3A_4174, %mul3A_4204 : vector<16xf32>
    %exp3A_4206 = math.exp %mul3A_4205 : vector<16xf32>
    %add3A_4207 = arith.constant 1.000000e+00 : f32
    %add3A_4208 = vector.broadcast %add3A_4207 : f32 to vector<16xf32>
    %add3A_4209 = arith.addf %exp3A_4206, %add3A_4208 : vector<16xf32>
    %div3A_4210 = arith.constant 2.000000e+00 : f32
    %div3A_4211 = vector.broadcast %div3A_4210 : f32 to vector<16xf32>
    %div3A_4212 = arith.divf %div3A_4211, %add3A_4209 : vector<16xf32>
    %sub3A_4213 = arith.constant 1.000000e+00 : f32
    %sub3A_4214 = vector.broadcast %sub3A_4213 : f32 to vector<16xf32>
    %sub3A_4215 = arith.subf %sub3A_4214, %div3A_4212 : vector<16xf32>
    %neg3A_4216 = arith.constant 0.000000e+00 : f32
    %neg3A_4217 = vector.broadcast %neg3A_4216 : f32 to vector<16xf32>
    %neg3A_4218 = arith.subf %neg3A_4217, %add3A_4202 : vector<16xf32>
    %mul3A_4219 = arith.constant 1.000000e-01 : f32
    %mul3A_4220 = vector.broadcast %mul3A_4219 : f32 to vector<16xf32>
    %mul3A_4221 = arith.mulf %mul3A_4220, %sub3A_4215 : vector<16xf32>
    %add3A_4222 = arith.addf %neg3A_4218, %mul3A_4221 : vector<16xf32>
    %add3A_4223 = arith.addf %add3A_4197, %add3A_4222 : vector<16xf32>
    %mul3A_4224 = arith.constant 5.000000e-02 : f32
    %mul3A_4225 = vector.broadcast %mul3A_4224 : f32 to vector<16xf32>
    %mul3A_4226 = arith.mulf %mul3A_4225, %add3A_4223 : vector<16xf32>
    %add3A_4227 = arith.addf %get3A_4168, %mul3A_4226 : vector<16xf32>
    %add3A_4228 = arith.addf %add3A_4227, %get3A_4177 : vector<16xf32>
    %swap3A_4229 = arith.constant 992 : index
    %swap3A_4230 = tpu.vector_load %arg11[%swap3A_4229] {strides = array<i32>} : memref<1024xf32, #tpu.memory_space<vmem>>, vector<16xf32>,
    %swap3A_4231 = vector.shape_cast %swap3A_4230 : vector<16xf32> to vector<16xf32>
    %swap3A_4232 = vector.shape_cast %add3A_4228 : vector<16xf32> to vector<16xf32>
    tpu.vector_store %arg11[%swap3A_4229], %swap3A_4232 {strides = array<i32>} : memref<1024xf32, #tpu.memory_space<vmem>>, vector<16xf32>,
    %get3A_4233 = arith.constant 1008 : index
    %get3A_4234 = tpu.vector_load %arg9[%get3A_4233] {strides = array<i32>} : memref<1024xf32, #tpu.memory_space<vmem>>, vector<16xf32>,
    %get3A_4235 = vector.shape_cast %get3A_4234 : vector<16xf32> to vector<16xf32>
    %get3A_4236 = arith.constant 1008 : index
    %get3A_4237 = tpu.vector_load %arg7[%get3A_4236] {strides = array<i32>} : memref<1024xf32, #tpu.memory_space<vmem>>, vector<16xf32>,
    %get3A_4238 = vector.shape_cast %get3A_4237 : vector<16xf32> to vector<16xf32>
    %get3A_4239 = arith.constant 1008 : index
    %get3A_4240 = tpu.vector_load %arg8[%get3A_4239] {strides = array<i32>} : memref<1024xf32, #tpu.memory_space<vmem>>, vector<16xf32>,
    %get3A_4241 = vector.shape_cast %get3A_4240 : vector<16xf32> to vector<16xf32>
    %get3A_4242 = arith.constant 1008 : index
    %get3A_4243 = tpu.vector_load %arg10[%get3A_4242] {strides = array<i32>} : memref<1024xf32, #tpu.memory_space<vmem>>, vector<16xf32>,
    %get3A_4244 = vector.shape_cast %get3A_4243 : vector<16xf32> to vector<16xf32>
    %mul3A_4245 = arith.constant 2.000000e+00 : f32
    %mul3A_4246 = vector.broadcast %mul3A_4245 : f32 to vector<16xf32>
    %mul3A_4247 = arith.mulf %get3A_4238, %mul3A_4246 : vector<16xf32>
    %exp3A_4248 = math.exp %mul3A_4247 : vector<16xf32>
    %add3A_4249 = arith.constant 1.000000e+00 : f32
    %add3A_4250 = vector.broadcast %add3A_4249 : f32 to vector<16xf32>
    %add3A_4251 = arith.addf %exp3A_4248, %add3A_4250 : vector<16xf32>
    %div3A_4252 = arith.constant 2.000000e+00 : f32
    %div3A_4253 = vector.broadcast %div3A_4252 : f32 to vector<16xf32>
    %div3A_4254 = arith.divf %div3A_4253, %add3A_4251 : vector<16xf32>
    %sub3A_4255 = arith.constant 1.000000e+00 : f32
    %sub3A_4256 = vector.broadcast %sub3A_4255 : f32 to vector<16xf32>
    %sub3A_4257 = arith.subf %sub3A_4256, %div3A_4254 : vector<16xf32>
    %neg3A_4258 = arith.constant 0.000000e+00 : f32
    %neg3A_4259 = vector.broadcast %neg3A_4258 : f32 to vector<16xf32>
    %neg3A_4260 = arith.subf %neg3A_4259, %get3A_4235 : vector<16xf32>
    %mul3A_4261 = arith.constant 1.000000e-01 : f32
    %mul3A_4262 = vector.broadcast %mul3A_4261 : f32 to vector<16xf32>
    %mul3A_4263 = arith.mulf %mul3A_4262, %sub3A_4257 : vector<16xf32>
    %add3A_4264 = arith.addf %neg3A_4260, %mul3A_4263 : vector<16xf32>
    %mul3A_4265 = arith.constant 1.000000e-01 : f32
    %mul3A_4266 = vector.broadcast %mul3A_4265 : f32 to vector<16xf32>
    %mul3A_4267 = arith.mulf %mul3A_4266, %add3A_4264 : vector<16xf32>
    %add3A_4268 = arith.addf %get3A_4235, %mul3A_4267 : vector<16xf32>
    %add3A_4269 = arith.addf %add3A_4268, %get3A_4244 : vector<16xf32>
    %mul3A_4270 = arith.constant 2.000000e+00 : f32
    %mul3A_4271 = vector.broadcast %mul3A_4270 : f32 to vector<16xf32>
    %mul3A_4272 = arith.mulf %get3A_4241, %mul3A_4271 : vector<16xf32>
    %exp3A_4273 = math.exp %mul3A_4272 : vector<16xf32>
    %add3A_4274 = arith.constant 1.000000e+00 : f32
    %add3A_4275 = vector.broadcast %add3A_4274 : f32 to vector<16xf32>
    %add3A_4276 = arith.addf %exp3A_4273, %add3A_4275 : vector<16xf32>
    %div3A_4277 = arith.constant 2.000000e+00 : f32
    %div3A_4278 = vector.broadcast %div3A_4277 : f32 to vector<16xf32>
    %div3A_4279 = arith.divf %div3A_4278, %add3A_4276 : vector<16xf32>
    %sub3A_4280 = arith.constant 1.000000e+00 : f32
    %sub3A_4281 = vector.broadcast %sub3A_4280 : f32 to vector<16xf32>
    %sub3A_4282 = arith.subf %sub3A_4281, %div3A_4279 : vector<16xf32>
    %neg3A_4283 = arith.constant 0.000000e+00 : f32
    %neg3A_4284 = vector.broadcast %neg3A_4283 : f32 to vector<16xf32>
    %neg3A_4285 = arith.subf %neg3A_4284, %add3A_4269 : vector<16xf32>
    %mul3A_4286 = arith.constant 1.000000e-01 : f32
    %mul3A_4287 = vector.broadcast %mul3A_4286 : f32 to vector<16xf32>
    %mul3A_4288 = arith.mulf %mul3A_4287, %sub3A_4282 : vector<16xf32>
    %add3A_4289 = arith.addf %neg3A_4285, %mul3A_4288 : vector<16xf32>
    %add3A_4290 = arith.addf %add3A_4264, %add3A_4289 : vector<16xf32>
    %mul3A_4291 = arith.constant 5.000000e-02 : f32
    %mul3A_4292 = vector.broadcast %mul3A_4291 : f32 to vector<16xf32>
    %mul3A_4293 = arith.mulf %mul3A_4292, %add3A_4290 : vector<16xf32>
    %add3A_4294 = arith.addf %get3A_4235, %mul3A_4293 : vector<16xf32>
    %add3A_4295 = arith.addf %add3A_4294, %get3A_4244 : vector<16xf32>
    %swap3A_4296 = arith.constant 1008 : index
    %swap3A_4297 = tpu.vector_load %arg11[%swap3A_4296] {strides = array<i32>} : memref<1024xf32, #tpu.memory_space<vmem>>, vector<16xf32>,
    %swap3A_4298 = vector.shape_cast %swap3A_4297 : vector<16xf32> to vector<16xf32>
    %swap3A_4299 = vector.shape_cast %add3A_4295 : vector<16xf32> to vector<16xf32>
    tpu.vector_store %arg11[%swap3A_4296], %swap3A_4299 {strides = array<i32>} : memref<1024xf32, #tpu.memory_space<vmem>>, vector<16xf32>,
    "tpu.region"() ({
      %run_scoped3A_4300 = tpu.sem_alloc : memref<!tpu.dma_semaphore, #tpu.memory_space<semaphore_mem>>
      %dma_start3A = tpu.memref_slice %arg5[%mul3A_2] : memref<32768xf32, #tpu.memory_space<hbm>> -> memref<1024xf32, #tpu.memory_space<hbm>>
      %dma_start3A_4301 = tpu.memref_slice %arg5[%mul3A_2] : memref<32768xf32, #tpu.memory_space<hbm>> -> memref<1024xf32, #tpu.memory_space<hbm>>
      tpu.enqueue_dma source(%arg11 : memref<1024xf32, #tpu.memory_space<vmem>>) target(%dma_start3A_4301 : memref<1024xf32, #tpu.memory_space<hbm>>) target_semaphore(%run_scoped3A_4300 : memref<!tpu.dma_semaphore, #tpu.memory_space<semaphore_mem>>)
      %dma_wait3A = tpu.memref_slice %arg5[%mul3A_2] : memref<32768xf32, #tpu.memory_space<hbm>> -> memref<1024xf32, #tpu.memory_space<hbm>>
      %dma_wait3A_4302 = tpu.memref_slice %arg5[%mul3A_2] : memref<32768xf32, #tpu.memory_space<hbm>> -> memref<1024xf32, #tpu.memory_space<hbm>>
      tpu.wait_dma2 semaphore(%run_scoped3A_4300 : memref<!tpu.dma_semaphore, #tpu.memory_space<semaphore_mem>>) src(%arg11 : memref<1024xf32, #tpu.memory_space<vmem>>) dst(%dma_wait3A_4302 : memref<1024xf32, #tpu.memory_space<hbm>>)
      tpu.yield
    }) : () -> ()
    return
  }
}

module attributes {stable_mosaic.version = 14 : i64} {
  func.func @_copy_body(%arg0: i32, %arg1: memref<64x32768xf32, #tpu.memory_space<vmem>>, %arg2: memref<64x32768xf32, #tpu.memory_space<vmem>>) attributes {dimension_semantics = [#tpu.dimension_semantics<arbitrary>], iteration_bounds = array<i64: 32>, scalar_prefetch = 0 : i64, scratch_operands = 0 : i64, tpu.core_type = #tpu.core_type<tc>, window_params = [{transform_indices = @transform_0, window_bounds = array<i64: 64, 32768>}, {transform_indices = @transform_1, window_bounds = array<i64: 64, 32768>}]} {
    %get3A = arith.constant 0 : index
    %get3A_0 = arith.constant 0 : index
    %get3A_1 = vector.load %arg1[%get3A, %get3A_0] : memref<64x32768xf32, #tpu.memory_space<vmem>>, vector<64x32768xf32>
    %swap3A = arith.constant 0 : index
    %swap3A_2 = arith.constant 0 : index
    %swap3A_3 = vector.load %arg2[%swap3A, %swap3A_2] : memref<64x32768xf32, #tpu.memory_space<vmem>>, vector<64x32768xf32>
    tpu.vector_store %arg2[%swap3A, %swap3A_2], %get3A_1 {strides = array<i32>} : memref<64x32768xf32, #tpu.memory_space<vmem>>, vector<64x32768xf32>,
    return
  }
  func.func @transform_0(%arg0: i32) -> (i32, i32) {
    %c0_i32 = arith.constant 0 : i32
    %c0_i32_0 = arith.constant 0 : i32
    return %arg0, %c0_i32 : i32, i32
  }
  func.func @transform_1(%arg0: i32) -> (i32, i32) {
    %c0_i32 = arith.constant 0 : i32
    %c0_i32_0 = arith.constant 0 : i32
    return %arg0, %c0_i32 : i32, i32
  }
}

module attributes {stable_mosaic.version = 14 : i64} {
  func.func @_patch_body(%arg0: i32, %arg1: memref<1xi32, #tpu.memory_space<smem>>, %arg2: memref<8x32768xf32, #tpu.memory_space<vmem>>, %arg3: memref<32768xf32, #tpu.memory_space<vmem>>, %arg4: memref<8x32768xf32, #tpu.memory_space<vmem>>) attributes {dimension_semantics = [#tpu.dimension_semantics<arbitrary>], iteration_bounds = array<i64: 1>, scalar_prefetch = 1 : i64, scratch_operands = 0 : i64, tpu.core_type = #tpu.core_type<tc>, window_params = [{transform_indices = @transform_0, window_bounds = array<i64: 8, 32768>}, {pipeline_mode = #tpu.pipeline_mode<synchronous>, transform_indices = @transform_1, window_bounds = array<i64: 32768>}, {transform_indices = @transform_2, window_bounds = array<i64: 8, 32768>}]} {
    %get3A = arith.constant 0 : index
    %get3A_0 = memref.load %arg1[%get3A] : memref<1xi32, #tpu.memory_space<smem>>
    %get3A_1 = arith.constant 0 : index
    %get3A_2 = arith.constant 0 : index
    %get3A_3 = vector.load %arg2[%get3A_1, %get3A_2] : memref<8x32768xf32, #tpu.memory_space<vmem>>, vector<8x32768xf32>
    %swap3A = arith.constant 0 : index
    %swap3A_4 = arith.constant 0 : index
    %swap3A_5 = vector.load %arg4[%swap3A, %swap3A_4] : memref<8x32768xf32, #tpu.memory_space<vmem>>, vector<8x32768xf32>
    tpu.vector_store %arg4[%swap3A, %swap3A_4], %get3A_3 {strides = array<i32>} : memref<8x32768xf32, #tpu.memory_space<vmem>>, vector<8x32768xf32>,
    %get3A_6 = arith.constant 0 : index
    %get3A_7 = vector.load %arg3[%get3A_6] : memref<32768xf32, #tpu.memory_space<vmem>>, vector<32768xf32>
    %add3A = arith.constant 1024 : i32
    %add3A_8 = arith.addi %add3A, %get3A_0 : i32
    %add3A_9 = arith.constant 1 : i32
    %add3A_10 = arith.addi %add3A_8, %add3A_9 : i32
    %jit3A = arith.constant 8 : i32
    %eq3A = arith.constant 0 : i32
    %eq3A_11 = arith.cmpi eq, %jit3A, %eq3A : i32
    %jit3A_12 = arith.constant 1 : i32
    %select_n3A = arith.select %eq3A_11, %jit3A_12, %jit3A : i32
    %rem3A = arith.remsi %add3A_10, %select_n3A : i32
    %ne3A = arith.constant 0 : i32
    %ne3A_13 = arith.cmpi ne, %rem3A, %ne3A : i32
    %lt3A = arith.constant 0 : i32
    %lt3A_14 = arith.cmpi slt, %rem3A, %lt3A : i32
    %lt3A_15 = arith.constant 0 : i32
    %lt3A_16 = arith.cmpi slt, %select_n3A, %lt3A_15 : i32
    %ne3A_17 = arith.xori %lt3A_14, %lt3A_16 : i1
    %and3A = arith.andi %ne3A_17, %ne3A_13 : i1
    %add3A_18 = arith.addi %rem3A, %select_n3A : i32
    %select_n3A_19 = arith.select %and3A, %add3A_18, %rem3A : i32
    %swap3A_20 = arith.index_cast %select_n3A_19 : i32 to index
    %swap3A_21 = arith.constant 0 : index
    %swap3A_22 = vector.load %arg4[%swap3A_20, %swap3A_21] : memref<8x32768xf32, #tpu.memory_space<vmem>>, vector<1x32768xf32>
    %swap3A_23 = vector.shape_cast %swap3A_22 : vector<1x32768xf32> to vector<32768xf32>
    %swap3A_24 = vector.shape_cast %get3A_7 : vector<32768xf32> to vector<1x32768xf32>
    tpu.vector_store %arg4[%swap3A_20, %swap3A_21], %swap3A_24 {strides = array<i32>} : memref<8x32768xf32, #tpu.memory_space<vmem>>, vector<1x32768xf32>,
    return
  }
  func.func @transform_0(%arg0: i32, %arg1: memref<1xi32, #tpu.memory_space<smem>>) -> (i32, i32) {
    %get3A = arith.constant 0 : index
    %get3A_0 = memref.load %arg1[%get3A] : memref<1xi32, #tpu.memory_space<smem>>
    %add3A = arith.constant 1024 : i32
    %add3A_1 = arith.addi %add3A, %get3A_0 : i32
    %add3A_2 = arith.constant 1 : i32
    %add3A_3 = arith.addi %add3A_1, %add3A_2 : i32
    %jit3A = arith.constant 8 : i32
    %div3A = arith.divsi %add3A_3, %jit3A : i32
    %sign3A = arith.constant 0 : i32
    %sign3A_4 = arith.cmpi sgt, %add3A_3, %sign3A : i32
    %sign3A_5 = arith.extui %sign3A_4 : i1 to i32
    %sign3A_6 = arith.constant 0 : i32
    %sign3A_7 = arith.cmpi slt, %add3A_3, %sign3A_6 : i32
    %sign3A_8 = arith.extui %sign3A_7 : i1 to i32
    %sign3A_9 = arith.subi %sign3A_5, %sign3A_8 : i32
    %sign3A_10 = arith.constant 0 : i32
    %sign3A_11 = arith.cmpi sgt, %jit3A, %sign3A_10 : i32
    %sign3A_12 = arith.extui %sign3A_11 : i1 to i32
    %sign3A_13 = arith.constant 0 : i32
    %sign3A_14 = arith.cmpi slt, %jit3A, %sign3A_13 : i32
    %sign3A_15 = arith.extui %sign3A_14 : i1 to i32
    %sign3A_16 = arith.subi %sign3A_12, %sign3A_15 : i32
    %ne3A = arith.cmpi ne, %sign3A_9, %sign3A_16 : i32
    %rem3A = arith.remsi %add3A_3, %jit3A : i32
    %ne3A_17 = arith.constant 0 : i32
    %ne3A_18 = arith.cmpi ne, %rem3A, %ne3A_17 : i32
    %and3A = arith.andi %ne3A, %ne3A_18 : i1
    %sub3A = arith.constant 1 : i32
    %sub3A_19 = arith.subi %div3A, %sub3A : i32
    %select_n3A = arith.select %and3A, %sub3A_19, %div3A : i32
    %c0_i32 = arith.constant 0 : i32
    %c0_i32_20 = arith.constant 0 : i32
    return %select_n3A, %c0_i32 : i32, i32
  }
  func.func @transform_1(%arg0: i32, %arg1: memref<1xi32, #tpu.memory_space<smem>>) -> i32 {
    %c0_i32 = arith.constant 0 : i32
    %c0_i32_0 = arith.constant 0 : i32
    return %c0_i32 : i32
  }
  func.func @transform_2(%arg0: i32, %arg1: memref<1xi32, #tpu.memory_space<smem>>) -> (i32, i32) {
    %get3A = arith.constant 0 : index
    %get3A_0 = memref.load %arg1[%get3A] : memref<1xi32, #tpu.memory_space<smem>>
    %add3A = arith.constant 1024 : i32
    %add3A_1 = arith.addi %add3A, %get3A_0 : i32
    %add3A_2 = arith.constant 1 : i32
    %add3A_3 = arith.addi %add3A_1, %add3A_2 : i32
    %jit3A = arith.constant 8 : i32
    %div3A = arith.divsi %add3A_3, %jit3A : i32
    %sign3A = arith.constant 0 : i32
    %sign3A_4 = arith.cmpi sgt, %add3A_3, %sign3A : i32
    %sign3A_5 = arith.extui %sign3A_4 : i1 to i32
    %sign3A_6 = arith.constant 0 : i32
    %sign3A_7 = arith.cmpi slt, %add3A_3, %sign3A_6 : i32
    %sign3A_8 = arith.extui %sign3A_7 : i1 to i32
    %sign3A_9 = arith.subi %sign3A_5, %sign3A_8 : i32
    %sign3A_10 = arith.constant 0 : i32
    %sign3A_11 = arith.cmpi sgt, %jit3A, %sign3A_10 : i32
    %sign3A_12 = arith.extui %sign3A_11 : i1 to i32
    %sign3A_13 = arith.constant 0 : i32
    %sign3A_14 = arith.cmpi slt, %jit3A, %sign3A_13 : i32
    %sign3A_15 = arith.extui %sign3A_14 : i1 to i32
    %sign3A_16 = arith.subi %sign3A_12, %sign3A_15 : i32
    %ne3A = arith.cmpi ne, %sign3A_9, %sign3A_16 : i32
    %rem3A = arith.remsi %add3A_3, %jit3A : i32
    %ne3A_17 = arith.constant 0 : i32
    %ne3A_18 = arith.cmpi ne, %rem3A, %ne3A_17 : i32
    %and3A = arith.andi %ne3A, %ne3A_18 : i1
    %sub3A = arith.constant 1 : i32
    %sub3A_19 = arith.subi %div3A, %sub3A : i32
    %select_n3A = arith.select %and3A, %sub3A_19, %div3A : i32
    %c0_i32 = arith.constant 0 : i32
    %c0_i32_20 = arith.constant 0 : i32
    return %select_n3A, %c0_i32 : i32, i32
  }
}

</mosaic_0001>

<sc_bundles>
// kernel: kernel.5.cloned.1.call-start
scs
__scs_entry_jumppad:
0x0: {  	(pc) =	sbr.rel $0x88, $3  }
0x1: {  	(tag) =	ssettag $0x0;
	lr =	simm.s32 $0x1  }
0x2: {  	[smem:$0x3F9E] =	sst lr;
	_ =	strace $0xD0000000  }
0x3: {  	_ = 	snop  }
0x4: {  	_ = 	snop  }
0x5: {  	_ = 	snop  }
0x6: {  	_ = 	snop  }
0x7: {  	_ = 	snop  }
__scs_overlays_trampoline_lowered:
0x8: {  	[smem:$0x3FAD] =	sst s0  }
0x9: {  	[smem:$0x3FAE] =	sst s1  }
0xa: {  	[smem:$0x3FAF] =	sst s2  }
0xb: {  	[smem:$0x3FB0] =	sst s3  }
0xc: {  	[smem:$0x3FB1] =	sst s4  }
0xd: {  	[smem:$0x3FB2] =	sst s5  }
0xe: {  	[smem:$0x3FB3] =	sst s6  }
0xf: {  	[smem:$0x3FB4] =	sst s7  }
0x10: {  	[smem:$0x3FB5] =	sst s8  }
0x11: {  	[smem:$0x3FB6] =	sst s9;
	s0 =	simm.s32 @!p0 $0x0  }
0x12: {  	s1 =	sld [smem:$0x3F9C];
	s0 =	simm.s32 @p0 $0x1  }
0x13: {  	[smem:$0x3FB7] =	sst s0;
	s0 =	simm.s32 @!p1 $0x0  }
0x14: {  	s2 =	sld [smem:$0x3F9B];
	s0 =	simm.s32 @p1 $0x1  }
0x15: {  	[smem:$0x3FB8] =	sst s0;
	s0 =	simm.s32 @!p2 $0x0  }
0x16: {  	s3 =	sld [smem:$0x3FDB];
	s0 =	simm.s32 @p2 $0x1  }
0x17: {  	s4 =	simm.s32 $0x1BF5;
	[smem:$0x3FBA] =	sst s0  }
0x18: {  	s0 =	sld [smem:$0x3F9D];
	_ =	swait.ge [sflag:s4], $0x0  }
0x19: {  	s7 =	sld [smem:$0x3F9E]  }
0x1a: {  	s8 =	sadd.s32 $0xFFFFE003, lr  }
0x1b: {  	s9 =	sadd.s32 $0xFFFFFEF7, lr;
	s5 =	simm.s32 $0xFFFFFFFF;
	p2 =	slt.u32 s8, $0xFFFFF086  }
0x1c: {  	p1 =	slt.u32 s9, $0xF7A;
	s5 =	simm.s32 @!p2 $0x0  }
0x1d: {  	s5 =	simm.s32 @p1 $0x1;
	p0 =	seq.s32 s7, s2  }
0x1e: {  	s7 =	smul.u32 @!p0 $0xF7A, s2;
	p2 =	seq.s32 @!p0 s5, $0x0  }
0x1f: {  	s9 =	smul.u32 $0xF7A, s1;
	s8 =	simm.s32 @!p0 $0x1BF5;
	p2 =	por !p2, p0  }
0x20: {  	[sflag:s8] =	ssyncset.s32 @!p0 $0xFFFFF086;
	s6 =	sadd.s32 @!p0 s3, s7;
	s7 =	simm.s32 @!p0 $0x108  }
0x21: {  	s3 =	sadd.s32 s3, s9;
	s6 =	sadd.s32 @!p0 $0x88, s6;
	s7 =	simm.s32 @p2 $0x1082  }
0x22: {  	[simem:s7], [sflag:s8] =	dma.local @!p0 [hbm:s6], $0xF7A  }
0x23: {  	s9 =	sor.u32 $0xD0000000, s2;
	s6 =	simm.s32 $0x108;
	_ =	swait.ge @!p0 [sflag:s8], $0x0  }
0x24: {  	s3 =	sadd.s32 $0x88, s3;
	s6 =	simm.s32 @!p1 $0x1082;
	[sflag:s4] =	ssyncset.s32 $0xFFFFF086  }
0x25: {  	[simem:s6], [sflag:s4] =	dma.local [hbm:s3], $0xF7A  }
0x26: {  	[smem:$0x3F9E] =	sst s1;
	(tag) =	ssettag s2;
	_ =	strace s9  }
0x27: {  	s1 =	sld [smem:$0x3FAE]  }
0x28: {  	s2 =	sld [smem:$0x3FAF]  }
0x29: {  	s4 =	sld [smem:$0x3FB1]  }
0x2a: {  	p0 =	seq.s32 s5, $0x0;
	s5 =	sld [smem:$0x3FB2]  }
0x2b: {  	s6 =	sld [smem:$0x3FB3]  }
0x2c: {  	s7 =	sld [smem:$0x3FB4]  }
0x2d: {  	s3 =	simm.s32 $0x108;
	s8 =	sld [smem:$0x3FB5]  }
0x2e: {  	s3 =	simm.s32 @!p0 $0x1082;
	s9 =	sld [smem:$0x3FB6]  }
0x2f: {  	lr =	sadd.s32 s0, s3;
	s0 =	sld [smem:$0x3FAD]  }
0x30: {  	s3 =	sld [smem:$0x3FB0]  }
0x31: {  	[smem:$0x3FB9] =	sst s10  }
0x32: {  	s10 =	sld [smem:$0x3FB7];
	_ =	sdelay $0x3  }
0x33: {  	p0 =	seq.s32 s10, $0x1;
	s10 =	sld [smem:$0x3FB9];
	_ =	sdelay $0x3  }
0x34: {  	[smem:$0x3FB9] =	sst s10  }
0x35: {  	s10 =	sld [smem:$0x3FB8];
	_ =	sdelay $0x3  }
0x36: {  	p1 =	seq.s32 s10, $0x1;
	s10 =	sld [smem:$0x3FB9];
	_ =	sdelay $0x3  }
0x37: {  	[smem:$0x3FB9] =	sst s10  }
0x38: {  	s10 =	sld [smem:$0x3FBA]  }
0x39: {  	_ = 	snop;
	(pc) =	sbr.ind lr, $3  }
0x3a: {  	_ = 	snop  }
0x3b: {  	_ = 	snop  }
0x3c: {  	p2 =	seq.s32 s10, $0x1;
	s10 =	sld [smem:$0x3FB9]  }
0x3d: {  	_ =	shalt  }
0x3e: {  	_ =	shalt  }
0x3f: {  	_ =	shalt  }
0x40: {  	_ =	shalt  }
0x41: {  	_ =	shalt  }
0x42: {  	_ =	shalt  }
0x43: {  	_ =	shalt  }
0x44: {  	_ =	shalt  }
0x45: {  	_ =	shalt  }
0x46: {  	_ =	shalt  }
0x47: {  	_ =	shalt  }
0x48: {  	_ =	shalt  }
0x49: {  	_ =	shalt  }
0x4a: {  	_ =	shalt  }
0x4b: {  	_ =	shalt  }
0x4c: {  	_ =	shalt  }
0x4d: {  	_ =	shalt  }
0x4e: {  	_ =	shalt  }
0x4f: {  	_ =	shalt  }
0x50: {  	_ =	shalt  }
0x51: {  	_ =	shalt  }
0x52: {  	_ =	shalt  }
0x53: {  	_ =	shalt  }
0x54: {  	_ =	shalt  }
0x55: {  	_ =	shalt  }
0x56: {  	_ =	shalt  }
0x57: {  	_ =	shalt  }
0x58: {  	_ =	shalt  }
0x59: {  	_ =	shalt  }
0x5a: {  	_ =	shalt  }
0x5b: {  	_ =	shalt  }
0x5c: {  	_ =	shalt  }
0x5d: {  	_ =	shalt  }
0x5e: {  	_ =	shalt  }
0x5f: {  	_ =	shalt  }
0x60: {  	_ =	shalt  }
0x61: {  	_ =	shalt  }
0x62: {  	_ =	shalt  }
0x63: {  	_ =	shalt  }
0x64: {  	_ =	shalt  }
0x65: {  	_ =	shalt  }
0x66: {  	_ =	shalt  }
0x67: {  	_ =	shalt  }
0x68: {  	_ =	shalt  }
0x69: {  	_ =	shalt  }
0x6a: {  	_ =	shalt  }
0x6b: {  	_ =	shalt  }
0x6c: {  	_ =	shalt  }
0x6d: {  	_ =	shalt  }
0x6e: {  	_ =	shalt  }
0x6f: {  	_ =	shalt  }
0x70: {  	_ =	shalt  }
0x71: {  	_ =	shalt  }
0x72: {  	_ =	shalt  }
0x73: {  	_ =	shalt  }
0x74: {  	_ =	shalt  }
0x75: {  	_ =	shalt  }
0x76: {  	_ =	shalt  }
0x77: {  	_ =	shalt  }
0x78: {  	_ =	shalt  }
0x79: {  	_ =	shalt  }
0x7a: {  	_ =	shalt  }
0x7b: {  	_ =	shalt  }
0x7c: {  	_ =	shalt  }
0x7d: {  	_ =	shalt  }
0x7e: {  	_ =	shalt  }
0x7f: {  	_ =	shalt  }
0x80: {  	_ =	shalt  }
0x81: {  	_ =	shalt  }
0x82: {  	_ =	shalt  }
0x83: {  	_ =	shalt  }
0x84: {  	_ =	shalt  }
0x85: {  	_ =	shalt  }
0x86: {  	_ =	shalt  }
0x87: {  	_ =	shalt  }
.Lfunc_end0:
.L_simem_size_0:
called_computation_lowered:
.L_overlay_start_0:
0x88: {  	s2 =	sld [smem:$0x3FD9]  }
0x89: {  	s3 =	sld [smem:$0x3FFE];
	_ =	sdelay $0x1  }
0x8a: {  	s1 =	srdreg.scid  }
0x8b: {  	s0 =	sand.u32 $0x1, s1  }
0x8c: {  	s15 =	sshll.u32 s0, $0xA;
	s2 =	sadd.s32 s3, s2  }
0x8d: {  	s2 =	sadd.s32 s2, s15  }
0x8e: {  	[smem:$0x3FC5] =	sst s2  }
0x8f: {  	_ = 	snop  }
0x90: {  	s2 =	sld [smem:$0x3FD0]  }
0x91: {  	s16 =	sld [smem:$0x3FC9]  }
0x92: {  	s4 =	sld [smem:$0x3FC8]  }
0x93: {  	s6 =	simm.s32 $0xA;
	s7 =	simm.s32 $0x10;
	s5 =	sld [smem:$0x3FC7]  }
0x94: {  	[smem:s7], [sflag:s6] =	dma.local [hbm:s2], $0x1  }
0x95: {  	_ =	swait.eq [sflag:s6], $0x1  }
0x96: {  	[sflag:s6] =	ssyncset.done $0x0  }
0x97: {  	[sflag:s6] =	ssyncadd.s32 $0xFFFFFFFF  }
0x98: {  	s17 =	sld [smem:$0x11];
	(tm) =	ssettm $0x1  }
0x99: {  	s18 =	sld [smem:$0x3FFB];
	_ =	sdelay $0x3  }
0x9a: {  	_ =	strace s18  }
0x9b: {  	s6 =	sld [smem:$0x3FFC];
	_ =	sdelay $0x3  }
0x9c: {  	_ =	strace s6  }
0x9d: {  	s6 =	sld [smem:$0x3FFD];
	_ =	sdelay $0x3  }
0x9e: {  	_ =	strace s6  }
0x9f: {  	_ =	strace $0x8FFFFFFF  }
0xa0: {  	s19 =	sld [smem:$0x3FDB];
	_ =	sdelay $0x1  }
0xa1: {  	s20 =	simm.s32 $_scs_section_size  }
0xa2: {  	s8 =	simm.s32 $_size__tile_overlayer_lowered;
	s9 =	simm.s32 $_tile_overlayer_lowered  }
0xa3: {  	s23 =	simm.s32 $0x1BFF;
	s22 =	sshll.u32 s9, $0x1;
	s6 =	sadd.s32 s20, s19  }
0xa4: {  	s10 =	simm.s32 $0x0;
	s21 =	sshll.u32 s8, $0x1;
	s8 =	sadd.s32 s22, s6  }
0xa5: {  	[timem:s10], [sflag:s23] =	dma.local [hbm:s8], s21  }
0xa6: {  	_ =	swait.ge [sflag:s23], s21  }
0xa7: {  	s7 =	ssub.s32 $0x0, s21;
	[sflag:s23] =	ssyncset.done $0x0  }
0xa8: {  	[sflag:s23] =	ssyncadd.s32 s7;
	_ =	sdelay $0x1  }
0xa9: {  	s24 =	simm.s32 $0x1B8B  }
0xaa: {  	_ =	swait.ge [sflag:s24], $0x1  }
0xab: {  	[sflag:s24] =	ssyncset.done $0x0  }
0xac: {  	s25 =	simm.s32 $0x1B8E;
	[sflag:s24] =	ssyncadd.s32 $0xFFFFFFFF  }
0xad: {  	s26 =	simm.s32 $execute0_lowered;
	[smem:$0x3FD2] =	sst s25  }
0xae: {  	s7 =	sshll.u32 s26, $0x1;
	_ =	strace $0x80000046;
	[dreg:$0x1] =	wrdreg $0xFFFFFFFF  }
0xaf: {  	s28 =	simm.s32 $_size_execute0_lowered;
	s6 =	sadd.s32 s6, s7;
	[dreg:$0x0] =	wrdreg $0x0  }
0xb0: {  	s7 =	sshll.u32 s28, $0x1;
	[dreg:$0x2] =	wrdreg s6  }
0xb1: {  	[dreg:$0x3] =	wrdreg s7  }
0xb2: {  	[dreg:$0x4] =	wrdreg $0xC0  }
0xb3: {  	_ =	task [dreg:s10], $0x5FFFF  }
0xb4: {  	[dreg:$0x1] =	wrdreg $0xFFFFFFFF  }
0xb5: {  	[dreg:$0x0] =	wrdreg $0x60  }
0xb6: {  	[dreg:$0x2] =	wrdreg s16  }
0xb7: {  	[dreg:$0x3] =	wrdreg s4  }
0xb8: {  	[dreg:$0x4] =	wrdreg s5  }
0xb9: {  	[dreg:$0x5] =	wrdreg s17  }
0xba: {  	[dreg:$0x6] =	wrdreg $0x9  }
0xbb: {  	_ =	task.clear_ibuf [dreg:s10], $0x7FFFF;
	_ =	strace $0x90000046  }
0xbc: {  	s29 =	simm.s32 $0x9;
	_ =	strace $0x80000048  }
0xbd: {  	_ =	swait.ge [sflag:s29], $0x1  }
0xbe: {  	[sflag:s29] =	ssyncadd.s32 $0xFFFFFFFF  }
0xbf: {  	_ =	strace $0x90000048  }
0xc0: {  	_ =	sfence  }
0xc1: {  	s30 =	sld [smem:$0x0];
	_ =	sdelay $0x2  }
0xc2: {  	s31 =	sshll.u32 s1, $0xD;
	s1 =	sshrl.u32 s1, $0x2  }
0xc3: {  	s3 =	sand.u32 $0x4000, s31;
	s1 =	sadd.s32 s1, s30  }
0xc4: {  	s0 =	sor.u32 s3, s0;
	s1 =	sshll.u32 s1, $0x11  }
0xc5: {  	s0 =	sor.u32 s1, s0  }
0xc6: {  	s0 =	sadd.s32 $0x8F2B, s0  }
0xc7: {  	[sflag:s0] =	ssyncadd.remote.s32 $0x1  }
0xc8: {  	_ =	sfence.sel $0xFFFF  }
0xc9: {  	[dreg:$0x0] =	wrdreg $0xFFFFFFFF;
	(pc) =	sbr.abs _section_cstart, $3  }
0xca: {  	[dreg:$0x1] =	wrdreg $0xFFFFFFFF  }
0xcb: {  	_ =	task.clear_ibuf [dreg:s10], $0x2FFFF;
	_ =	strace $0x9FFFFFFF  }
0xcc: {  	(tm) =	ssettm $0x7FFFFFFF  }
0xcd: {  	_ =	shalt  }
tec
execute0_lowered:
.L_overlay_start_1:
0x0: {  	(tag) =	ssettag $0x1  }
0x1: {  	s0 =	rddreg [dreg:$0x0]  }
0x2: {  	s5 =	rddreg [dreg:$0x1]  }
0x3: {  	s1 =	rddreg [dreg:$0x2]  }
0x4: {  	s28 =	srdreg.scid;
	s6 =	rddreg [dreg:$0x3]  }
0x5: {  	s2 =	stileid.u32;
	s3 =	simm.s32 $0x0;
	s10 =	simm.s32 $0x80  }
0x6: {  	s11 =	simm.s32 $0x480;
	s12 =	simm.s32 $0x880;
	s13 =	simm.s32 $0xC80  }
0x7: {  	s14 =	simm.s32 $0x1080;
	[dreg:$0x5] =	wrdreg s1;
	s4 =	sand.u32 $0x1, s28  }
0x8: {  	s1 =	rddreg [dreg:$0x4];
	s7 =	sshll.u32 s2, $0xB;
	s8 =	sshll.u32 s4, $0xA  }
0x9: {  	[smem:$0x7FF] =	sst s3;
	s4 =	ssub.s32 $0x2, s4;
	s7 =	sor.u32 s8, s7  }
0xa: {  	_ =	strace $0x80000047;
	s29 =	sshrl.u32 s4, $0x1;
	s9 =	sshll.u32 s7, $0x3  }
0xb: {  	s8 =	ssub.s32 s4, s29;
	s31 =	sadd.s32 s0, s7;
	s7 =	sshrl.u32 s7, $0x3  }
0xc: {  	s30 =	sor.u32 $0x1000000, s9;
	[dreg:$0x7] =	wrdreg s31;
	s4 =	sor.u32 $0x2000000, s9  }
0xd: {  	s5 =	sadd.s32 s5, s7;
	s6 =	sadd.s32 s6, s7;
	s7 =	smax.u32 s8, $0x1  }
0xe: {  	s8 =	simm.s32 $0x1;
	s9 =	simm.s32 $0x400;
	[dreg:$0x6] =	wrdreg s30  }
.LBB2_1:
0xf: {  	s15 =	rddreg [dreg:$0x5]  }
0x10: {  	[tilespmem:s3], [sflag:$0x1] =	stream.linear.gather [hbm4b:s15+s3], $0x10, $0x38;
	[tilespmem:$0x1480] =	vst v63  }
0x11: {  	_ =	swait.ge [sflag:s8], $0x10  }
0x12: {  	[sflag:s8] =	ssyncset.done $0x0  }
0x13: {  	[sflag:s8] =	ssyncadd.s32 $0xFFFFFFF0  }
0x14: {  	v0 =	vld [tilespmem:$0x0];
	_ =	sdelay $0x4  }
0x15: {  	(v2sf) =	vpush v0, $0x0;
	_ =	sdelay $0xe  }
0x16: {  	s29 =	spop (v2sf)  }
0x17: {  	s17 =	sshll.u32 s29, $0xF  }
0x18: {  	s16 =	rddreg [dreg:$0x6];
	s18 =	sshll.u32 s29, $0x7;
	s17 =	sand.u32 $0xFFFC0000, s17  }
0x19: {  	s18 =	sand.u32 $0x380, s18;
	s16 =	sadd.s32 s16, s17  }
0x1a: {  	s16 =	sor.u32 s18, s16  }
0x1b: {  	s15 =	sadd.s32 $0x201, s29;
	s16 =	sshrl.u32 s16, $0x3  }
0x1c: {  	s30 =	sshll.u32 s15, $0xF;
	s15 =	sshll.u32 s15, $0x7;
	s16 =	sadd.s32 s0, s16  }
0x1d: {  	[tilespmem:s10], [sflag:$0x1] =	stream.strided.gather [hbm4b:s16+s10], $0x400, s9, s10, $0x38;
	[tilespmem:$0x1480] =	vst v63  }
0x1e: {  	s15 =	sand.u32 $0x380, s15;
	s16 =	sand.u32 $0xFFFC0000, s30  }
0x1f: {  	_ =	swait.ge [sflag:s8], $0x400;
	s15 =	sor.u32 s15, s16  }
0x20: {  	s19 =	rddreg [dreg:$0x7];
	[sflag:s8] =	ssyncset.done $0x0;
	s15 =	sshrl.u32 s15, $0x3  }
0x21: {  	s31 =	sadd.s32 s4, s17;
	[sflag:s8] =	ssyncadd.s32 $0xFFFFFC00;
	s15 =	sadd.s32 s15, s19  }
0x22: {  	[tilespmem:s11], [sflag:$0x1] =	stream.strided.gather [hbm4b:s15+s10], $0x400, s9, s10, $0x38;
	[tilespmem:$0x1480] =	vst v63  }
0x23: {  	s15 =	sor.u32 s18, s31;
	_ =	swait.ge [sflag:s8], $0x400  }
0x24: {  	s15 =	sshrl.u32 s15, $0x3;
	[sflag:s8] =	ssyncset.done $0x0  }
0x25: {  	s15 =	sadd.s32 s0, s15;
	[sflag:s8] =	ssyncadd.s32 $0xFFFFFC00  }
0x26: {  	[tilespmem:s12], [sflag:$0x1] =	stream.strided.gather [hbm4b:s15+s10], $0x400, s9, s10, $0x38;
	[tilespmem:$0x1480] =	vst v63  }
0x27: {  	_ =	swait.ge [sflag:s8], $0x400  }
0x28: {  	[sflag:s8] =	ssyncset.done $0x0  }
0x29: {  	[sflag:s8] =	ssyncadd.s32 $0xFFFFFC00  }
0x2a: {  	[tilespmem:s13], [sflag:$0x1] =	stream.linear.gather [hbm4b:s5+s3], $0x400, $0x38;
	[tilespmem:$0x1480] =	vst v63  }
0x2b: {  	_ =	swait.ge [sflag:s8], $0x400  }
0x2c: {  	[sflag:s8] =	ssyncset.done $0x0  }
0x2d: {  	[sflag:s8] =	ssyncadd.s32 $0xFFFFFC00  }
0x2e: {  	v34 =	vld [tilespmem:$0x80];
	_ =	sdelay $0x4  }
0x2f: {  	v0 =	vadd.f32 v34, v34;
	_ =	sdelay $0x1  }
0x30: {  	v0 =	vmul.f32 $1.442695020e+00, v0;
	_ =	sdelay $0x1  }
0x31: {  	(erf) = vpow2.f32 v0;
	_ =	sdelay $0x3  }
0x32: {  	v35 =	vld [tilespmem:$0x480];
	_ =	sdelay $0x4  }
0x33: {  	v0 =	vadd.f32 v35, v35;
	v1 =	vpop (erf)  }
0x34: {  	v1 =	vadd.f32 $1.000000000e+00, v1  }
0x35: {  	v0 =	vmul.f32 $1.442695020e+00, v0  }
0x36: {  	(erf) = vrcp.f32 v1  }
0x37: {  	(erf) = vpow2.f32 v0;
	_ =	sdelay $0x3  }
0x38: {  	v36 =	vld [tilespmem:$0x90];
	_ =	sdelay $0x3  }
0x39: {  	v4 =	vpop (erf)  }
0x3a: {  	v0 =	vadd.f32 v36, v36;
	v37 =	vpop (erf)  }
0x3b: {  	v1 =	vadd.f32 $1.000000000e+00, v37  }
0x3c: {  	v0 =	vmul.f32 $1.442695020e+00, v0  }
0x3d: {  	(erf) = vrcp.f32 v1  }
0x3e: {  	(erf) = vpow2.f32 v0;
	_ =	sdelay $0x3  }
0x3f: {  	v38 =	vld [tilespmem:$0x490];
	_ =	sdelay $0x3  }
0x40: {  	v0 =	vpop (erf)  }
0x41: {  	v1 =	vadd.f32 v38, v38;
	v2 =	vpop (erf)  }
0x42: {  	v2 =	vadd.f32 $1.000000000e+00, v2  }
0x43: {  	v1 =	vmul.f32 $1.442695020e+00, v1  }
0x44: {  	(erf) = vrcp.f32 v2  }
0x45: {  	(erf) = vpow2.f32 v1;
	_ =	sdelay $0x3  }
0x46: {  	v39 =	vld [tilespmem:$0xA0];
	_ =	sdelay $0x3  }
0x47: {  	v34 =	vpop (erf)  }
0x48: {  	v1 =	vadd.f32 v39, v39;
	v40 =	vpop (erf)  }
0x49: {  	v2 =	vadd.f32 $1.000000000e+00, v40  }
0x4a: {  	v1 =	vmul.f32 $1.442695020e+00, v1  }
0x4b: {  	(erf) = vrcp.f32 v2  }
0x4c: {  	(erf) = vpow2.f32 v1;
	_ =	sdelay $0x3  }
0x4d: {  	v41 =	vld [tilespmem:$0x4A0];
	_ =	sdelay $0x3  }
0x4e: {  	v18 =	vpop (erf)  }
0x4f: {  	v1 =	vadd.f32 v41, v41;
	v42 =	vpop (erf)  }
0x50: {  	v2 =	vadd.f32 $1.000000000e+00, v42  }
0x51: {  	v1 =	vmul.f32 $1.442695020e+00, v1  }
0x52: {  	(erf) = vrcp.f32 v2  }
0x53: {  	(erf) = vpow2.f32 v1;
	_ =	sdelay $0x3  }
0x54: {  	v43 =	vld [tilespmem:$0xB0];
	_ =	sdelay $0x3  }
0x55: {  	v19 =	vpop (erf)  }
0x56: {  	v1 =	vadd.f32 v43, v43;
	v44 =	vpop (erf)  }
0x57: {  	v2 =	vadd.f32 $1.000000000e+00, v44  }
0x58: {  	v1 =	vmul.f32 $1.442695020e+00, v1  }
0x59: {  	(erf) = vrcp.f32 v2  }
0x5a: {  	(erf) = vpow2.f32 v1;
	_ =	sdelay $0x3  }
0x5b: {  	v45 =	vld [tilespmem:$0x4B0];
	_ =	sdelay $0x3  }
0x5c: {  	v1 =	vpop (erf)  }
0x5d: {  	v2 =	vadd.f32 v45, v45;
	v3 =	vpop (erf)  }
0x5e: {  	v3 =	vadd.f32 $1.000000000e+00, v3  }
0x5f: {  	v2 =	vmul.f32 $1.442695020e+00, v2  }
0x60: {  	(erf) = vrcp.f32 v3  }
0x61: {  	(erf) = vpow2.f32 v2;
	_ =	sdelay $0x3  }
0x62: {  	v46 =	vld [tilespmem:$0xC0];
	_ =	sdelay $0x3  }
0x63: {  	v32 =	vpop (erf)  }
0x64: {  	v2 =	vadd.f32 v46, v46;
	v47 =	vpop (erf)  }
0x65: {  	v3 =	vadd.f32 $1.000000000e+00, v47  }
0x66: {  	v2 =	vmul.f32 $1.442695020e+00, v2  }
0x67: {  	(erf) = vrcp.f32 v3  }
0x68: {  	(erf) = vpow2.f32 v2;
	_ =	sdelay $0x3  }
0x69: {  	v48 =	vld [tilespmem:$0x4C0];
	_ =	sdelay $0x3  }
0x6a: {  	v3 =	vpop (erf)  }
0x6b: {  	v2 =	vadd.f32 v48, v48;
	v5 =	vpop (erf)  }
0x6c: {  	v5 =	vadd.f32 $1.000000000e+00, v5  }
0x6d: {  	v2 =	vmul.f32 $1.442695020e+00, v2  }
0x6e: {  	(erf) = vrcp.f32 v5  }
0x6f: {  	(erf) = vpow2.f32 v2;
	_ =	sdelay $0x3  }
0x70: {  	v49 =	vld [tilespmem:$0xD0];
	_ =	sdelay $0x3  }
0x71: {  	v33 =	vpop (erf)  }
0x72: {  	v2 =	vadd.f32 v49, v49;
	v50 =	vpop (erf)  }
0x73: {  	v5 =	vadd.f32 $1.000000000e+00, v50  }
0x74: {  	v2 =	vmul.f32 $1.442695020e+00, v2  }
0x75: {  	(erf) = vrcp.f32 v5  }
0x76: {  	(erf) = vpow2.f32 v2;
	_ =	sdelay $0x3  }
0x77: {  	v51 =	vld [tilespmem:$0x4D0];
	_ =	sdelay $0x3  }
0x78: {  	v30 =	vpop (erf)  }
0x79: {  	v2 =	vadd.f32 v51, v51;
	v52 =	vpop (erf)  }
0x7a: {  	v5 =	vadd.f32 $1.000000000e+00, v52  }
0x7b: {  	v2 =	vmul.f32 $1.442695020e+00, v2  }
0x7c: {  	(erf) = vrcp.f32 v5  }
0x7d: {  	(erf) = vpow2.f32 v2;
	_ =	sdelay $0x3  }
0x7e: {  	v53 =	vld [tilespmem:$0xE0];
	_ =	sdelay $0x3  }
0x7f: {  	v5 =	vpop (erf)  }
0x80: {  	v2 =	vadd.f32 v53, v53;
	v6 =	vpop (erf)  }
0x81: {  	v6 =	vadd.f32 $1.000000000e+00, v6  }
0x82: {  	v2 =	vmul.f32 $1.442695020e+00, v2  }
0x83: {  	(erf) = vrcp.f32 v6  }
0x84: {  	(erf) = vpow2.f32 v2;
	_ =	sdelay $0x3  }
0x85: {  	v54 =	vld [tilespmem:$0x4E0];
	_ =	sdelay $0x3  }
0x86: {  	v26 =	vpop (erf)  }
0x87: {  	v2 =	vadd.f32 v54, v54;
	v55 =	vpop (erf)  }
0x88: {  	v6 =	vadd.f32 $1.000000000e+00, v55  }
0x89: {  	v2 =	vmul.f32 $1.442695020e+00, v2  }
0x8a: {  	(erf) = vrcp.f32 v6  }
0x8b: {  	(erf) = vpow2.f32 v2;
	_ =	sdelay $0x3  }
0x8c: {  	v56 =	vld [tilespmem:$0xF0];
	_ =	sdelay $0x3  }
0x8d: {  	v2 =	vpop (erf)  }
0x8e: {  	v6 =	vadd.f32 v56, v56;
	v7 =	vpop (erf)  }
0x8f: {  	v7 =	vadd.f32 $1.000000000e+00, v7  }
0x90: {  	v6 =	vmul.f32 $1.442695020e+00, v6  }
0x91: {  	(erf) = vrcp.f32 v7  }
0x92: {  	(erf) = vpow2.f32 v6;
	_ =	sdelay $0x3  }
0x93: {  	v57 =	vld [tilespmem:$0x4F0];
	_ =	sdelay $0x3  }
0x94: {  	v25 =	vpop (erf)  }
0x95: {  	v6 =	vadd.f32 v57, v57;
	v58 =	vpop (erf)  }
0x96: {  	v7 =	vadd.f32 $1.000000000e+00, v58  }
0x97: {  	v6 =	vmul.f32 $1.442695020e+00, v6  }
0x98: {  	(erf) = vrcp.f32 v7  }
0x99: {  	(erf) = vpow2.f32 v6;
	_ =	sdelay $0x3  }
0x9a: {  	v59 =	vld [tilespmem:$0x100];
	_ =	sdelay $0x3  }
0x9b: {  	v31 =	vpop (erf)  }
0x9c: {  	v6 =	vadd.f32 v59, v59;
	v60 =	vpop (erf)  }
0x9d: {  	v7 =	vadd.f32 $1.000000000e+00, v60  }
0x9e: {  	v6 =	vmul.f32 $1.442695020e+00, v6  }
0x9f: {  	(erf) = vrcp.f32 v7  }
0xa0: {  	(erf) = vpow2.f32 v6;
	_ =	sdelay $0x3  }
0xa1: {  	v61 =	vld [tilespmem:$0x500];
	_ =	sdelay $0x3  }
0xa2: {  	v27 =	vpop (erf)  }
0xa3: {  	v6 =	vadd.f32 v61, v61;
	v62 =	vpop (erf)  }
0xa4: {  	v7 =	vadd.f32 $1.000000000e+00, v62  }
0xa5: {  	v6 =	vmul.f32 $1.442695020e+00, v6  }
0xa6: {  	(erf) = vrcp.f32 v7  }
0xa7: {  	(erf) = vpow2.f32 v6;
	_ =	sdelay $0x3  }
0xa8: {  	v63 =	vld [tilespmem:$0x110];
	_ =	sdelay $0x3  }
0xa9: {  	v29 =	vpop (erf)  }
0xaa: {  	v6 =	vadd.f32 v63, v63;
	v9 =	vpop (erf)  }
0xab: {  	v7 =	vadd.f32 $1.000000000e+00, v9  }
0xac: {  	v6 =	vmul.f32 $1.442695020e+00, v6  }
0xad: {  	(erf) = vrcp.f32 v7  }
0xae: {  	(erf) = vpow2.f32 v6;
	_ =	sdelay $0x3  }
0xaf: {  	v10 =	vld [tilespmem:$0x510];
	_ =	sdelay $0x3  }
0xb0: {  	v21 =	vpop (erf)  }
0xb1: {  	v6 =	vadd.f32 v10, v10;
	v11 =	vpop (erf)  }
0xb2: {  	v7 =	vadd.f32 $1.000000000e+00, v11  }
0xb3: {  	v6 =	vmul.f32 $1.442695020e+00, v6  }
0xb4: {  	(erf) = vrcp.f32 v7  }
0xb5: {  	(erf) = vpow2.f32 v6;
	_ =	sdelay $0x3  }
0xb6: {  	v12 =	vld [tilespmem:$0x120];
	_ =	sdelay $0x3  }
0xb7: {  	v28 =	vpop (erf)  }
0xb8: {  	v6 =	vadd.f32 v12, v12;
	v13 =	vpop (erf)  }
0xb9: {  	v7 =	vadd.f32 $1.000000000e+00, v13  }
0xba: {  	v6 =	vmul.f32 $1.442695020e+00, v6  }
0xbb: {  	(erf) = vrcp.f32 v7  }
0xbc: {  	(erf) = vpow2.f32 v6;
	_ =	sdelay $0x3  }
0xbd: {  	v14 =	vld [tilespmem:$0x520];
	_ =	sdelay $0x3  }
0xbe: {  	v20 =	vpop (erf)  }
0xbf: {  	v6 =	vadd.f32 v14, v14;
	v15 =	vpop (erf)  }
0xc0: {  	v7 =	vadd.f32 $1.000000000e+00, v15  }
0xc1: {  	v6 =	vmul.f32 $1.442695020e+00, v6  }
0xc2: {  	(erf) = vrcp.f32 v7  }
0xc3: {  	(erf) = vpow2.f32 v6;
	_ =	sdelay $0x3  }
0xc4: {  	v16 =	vld [tilespmem:$0x130];
	_ =	sdelay $0x3  }
0xc5: {  	v22 =	vpop (erf)  }
0xc6: {  	v6 =	vadd.f32 v16, v16;
	v17 =	vpop (erf)  }
0xc7: {  	v7 =	vadd.f32 $1.000000000e+00, v17  }
0xc8: {  	v6 =	vmul.f32 $1.442695020e+00, v6  }
0xc9: {  	(erf) = vrcp.f32 v7  }
0xca: {  	(erf) = vpow2.f32 v6;
	_ =	sdelay $0x3  }
0xcb: {  	v23 =	vld [tilespmem:$0x530];
	_ =	sdelay $0x3  }
0xcc: {  	v14 =	vpop (erf)  }
0xcd: {  	v6 =	vadd.f32 v23, v23;
	v24 =	vpop (erf)  }
0xce: {  	v7 =	vadd.f32 $1.000000000e+00, v24  }
0xcf: {  	v6 =	vmul.f32 $1.442695020e+00, v6  }
0xd0: {  	(erf) = vrcp.f32 v7  }
0xd1: {  	(erf) = vpow2.f32 v6;
	_ =	sdelay $0x3  }
0xd2: {  	v35 =	vld [tilespmem:$0x140];
	_ =	sdelay $0x3  }
0xd3: {  	v23 =	vpop (erf)  }
0xd4: {  	v6 =	vadd.f32 v35, v35;
	v36 =	vpop (erf)  }
0xd5: {  	v7 =	vadd.f32 $1.000000000e+00, v36  }
0xd6: {  	v6 =	vmul.f32 $1.442695020e+00, v6  }
0xd7: {  	(erf) = vrcp.f32 v7  }
0xd8: {  	(erf) = vpow2.f32 v6;
	_ =	sdelay $0x3  }
0xd9: {  	v37 =	vld [tilespmem:$0x540];
	_ =	sdelay $0x3  }
0xda: {  	v13 =	vpop (erf)  }
0xdb: {  	v6 =	vadd.f32 v37, v37;
	v38 =	vpop (erf)  }
0xdc: {  	v7 =	vadd.f32 $1.000000000e+00, v38  }
0xdd: {  	v6 =	vmul.f32 $1.442695020e+00, v6  }
0xde: {  	(erf) = vrcp.f32 v7  }
0xdf: {  	(erf) = vpow2.f32 v6;
	_ =	sdelay $0x3  }
0xe0: {  	v39 =	vld [tilespmem:$0x150];
	_ =	sdelay $0x3  }
0xe1: {  	v24 =	vpop (erf)  }
0xe2: {  	v6 =	vadd.f32 v39, v39;
	v40 =	vpop (erf)  }
0xe3: {  	v7 =	vadd.f32 $1.000000000e+00, v40  }
0xe4: {  	v6 =	vmul.f32 $1.442695020e+00, v6  }
0xe5: {  	(erf) = vrcp.f32 v7  }
0xe6: {  	(erf) = vpow2.f32 v6;
	_ =	sdelay $0x3  }
0xe7: {  	v41 =	vld [tilespmem:$0x550];
	_ =	sdelay $0x3  }
0xe8: {  	v16 =	vpop (erf)  }
0xe9: {  	v6 =	vadd.f32 v41, v41;
	v42 =	vpop (erf)  }
0xea: {  	v7 =	vadd.f32 $1.000000000e+00, v42  }
0xeb: {  	v6 =	vmul.f32 $1.442695020e+00, v6  }
0xec: {  	(erf) = vrcp.f32 v7  }
0xed: {  	(erf) = vpow2.f32 v6;
	_ =	sdelay $0x3  }
0xee: {  	v43 =	vld [tilespmem:$0x160];
	_ =	sdelay $0x3  }
0xef: {  	v17 =	vpop (erf)  }
0xf0: {  	v6 =	vadd.f32 v43, v43;
	v44 =	vpop (erf)  }
0xf1: {  	v7 =	vadd.f32 $1.000000000e+00, v44  }
0xf2: {  	v6 =	vmul.f32 $1.442695020e+00, v6  }
0xf3: {  	(erf) = vrcp.f32 v7  }
0xf4: {  	(erf) = vpow2.f32 v6;
	_ =	sdelay $0x3  }
0xf5: {  	v45 =	vld [tilespmem:$0x560];
	_ =	sdelay $0x3  }
0xf6: {  	v9 =	vpop (erf)  }
0xf7: {  	v6 =	vadd.f32 v45, v45;
	v46 =	vpop (erf)  }
0xf8: {  	v7 =	vadd.f32 $1.000000000e+00, v46  }
0xf9: {  	v6 =	vmul.f32 $1.442695020e+00, v6  }
0xfa: {  	(erf) = vrcp.f32 v7  }
0xfb: {  	(erf) = vpow2.f32 v6;
	_ =	sdelay $0x3  }
0xfc: {  	v47 =	vld [tilespmem:$0x170];
	_ =	sdelay $0x3  }
0xfd: {  	v15 =	vpop (erf)  }
0xfe: {  	v6 =	vadd.f32 v47, v47;
	v48 =	vpop (erf)  }
0xff: {  	v7 =	vadd.f32 $1.000000000e+00, v48  }
0x100: {  	v6 =	vmul.f32 $1.442695020e+00, v6  }
0x101: {  	(erf) = vrcp.f32 v7  }
0x102: {  	(erf) = vpow2.f32 v6;
	_ =	sdelay $0x3  }
0x103: {  	v49 =	vld [tilespmem:$0x570];
	_ =	sdelay $0x3  }
0x104: {  	v8 =	vpop (erf)  }
0x105: {  	v6 =	vadd.f32 v49, v49;
	v50 =	vpop (erf)  }
0x106: {  	v7 =	vadd.f32 $1.000000000e+00, v50  }
0x107: {  	v6 =	vmul.f32 $1.442695020e+00, v6  }
0x108: {  	(erf) = vrcp.f32 v7  }
0x109: {  	(erf) = vpow2.f32 v6;
	_ =	sdelay $0x3  }
0x10a: {  	v51 =	vld [tilespmem:$0x180];
	_ =	sdelay $0x3  }
0x10b: {  	v12 =	vpop (erf)  }
0x10c: {  	v6 =	vadd.f32 v51, v51;
	v52 =	vpop (erf)  }
0x10d: {  	v7 =	vadd.f32 $1.000000000e+00, v52  }
0x10e: {  	v6 =	vmul.f32 $1.442695020e+00, v6  }
0x10f: {  	(erf) = vrcp.f32 v7  }
0x110: {  	(erf) = vpow2.f32 v6;
	_ =	sdelay $0x3  }
0x111: {  	v53 =	vld [tilespmem:$0x580];
	_ =	sdelay $0x3  }
0x112: {  	v7 =	vpop (erf)  }
0x113: {  	v6 =	vadd.f32 v53, v53;
	v10 =	vpop (erf)  }
0x114: {  	v10 =	vadd.f32 $1.000000000e+00, v10  }
0x115: {  	v6 =	vmul.f32 $1.442695020e+00, v6  }
0x116: {  	(erf) = vrcp.f32 v10  }
0x117: {  	(erf) = vpow2.f32 v6;
	_ =	sdelay $0x3  }
0x118: {  	v54 =	vld [tilespmem:$0x190];
	_ =	sdelay $0x3  }
0x119: {  	v11 =	vpop (erf)  }
0x11a: {  	v6 =	vadd.f32 v54, v54;
	v55 =	vpop (erf)  }
0x11b: {  	v10 =	vadd.f32 $1.000000000e+00, v55  }
0x11c: {  	v6 =	vmul.f32 $1.442695020e+00, v6  }
0x11d: {  	(erf) = vrcp.f32 v10  }
0x11e: {  	(erf) = vpow2.f32 v6;
	_ =	sdelay $0x3  }
0x11f: {  	v56 =	vld [tilespmem:$0x590];
	_ =	sdelay $0x3  }
0x120: {  	v6 =	vpop (erf)  }
0x121: {  	v10 =	vadd.f32 v56, v56;
	v35 =	vpop (erf)  }
0x122: {  	v35 =	vadd.f32 $1.000000000e+00, v35  }
0x123: {  	v10 =	vmul.f32 $1.442695020e+00, v10  }
0x124: {  	(erf) = vrcp.f32 v35  }
0x125: {  	(erf) = vpow2.f32 v10;
	_ =	sdelay $0x3  }
0x126: {  	v57 =	vld [tilespmem:$0x1A0];
	_ =	sdelay $0x3  }
0x127: {  	v10 =	vpop (erf)  }
0x128: {  	v35 =	vadd.f32 v57, v57;
	v36 =	vpop (erf)  }
0x129: {  	v36 =	vadd.f32 $1.000000000e+00, v36  }
0x12a: {  	v35 =	vmul.f32 $1.442695020e+00, v35  }
0x12b: {  	(erf) = vrcp.f32 v36  }
0x12c: {  	(erf) = vpow2.f32 v35;
	_ =	sdelay $0x3  }
0x12d: {  	v4 =	vadd.f32 v4, v4;
	v59 =	vld [tilespmem:$0x5A0];
	_ =	sdelay $0x3  }
0x12e: {  	v58 =	vld [tilespmem:$0x880];
	v37 =	vsub.f32 $1.000000000e+00, v4;
	v4 =	vpop (erf)  }
0x12f: {  	v36 =	vadd.f32 v59, v59;
	v40 =	vpop (erf)  }
0x130: {  	v40 =	vadd.f32 $1.000000000e+00, v40  }
0x131: {  	v36 =	vmul.f32 $1.442695020e+00, v36  }
0x132: {  	(erf) = vrcp.f32 v40  }
0x133: {  	v37 =	vmul.f32 $1.000000010e-01, v37;
	v38 =	vsub.f32 $0.0e+00, v58;
	(erf) = vpow2.f32 v36;
	_ =	sdelay $0x1  }
0x134: {  	v60 =	vld [tilespmem:$0xC80];
	v37 =	vadd.f32 v37, v38  }
0x135: {  	v39 =	vld [tilespmem:$0x890]  }
0x136: {  	v0 =	vadd.f32 v0, v0;
	v61 =	vmul.f32 $1.000000010e-01, v37;
	v45 =	vld [tilespmem:$0x1B0]  }
0x137: {  	v34 =	vadd.f32 v34, v34  }
0x138: {  	v0 =	vsub.f32 $1.000000000e+00, v0;
	v40 =	vadd.f32 v61, v58  }
0x139: {  	v34 =	vsub.f32 $1.000000000e+00, v34;
	v19 =	vadd.f32 v19, v19  }
0x13a: {  	v46 =	vadd.f32 v18, v18;
	v63 =	vadd.f32 v40, v60;
	v18 =	vpop (erf)  }
0x13b: {  	v0 =	vmul.f32 $1.000000010e-01, v0;
	v62 =	vsub.f32 $0.0e+00, v39;
	v40 =	vadd.f32 v45, v45;
	v43 =	vpop (erf)  }
0x13c: {  	v34 =	vmul.f32 $1.000000010e-01, v34;
	v44 =	vld [tilespmem:$0x8A0];
	v36 =	vsub.f32 $0.0e+00, v63;
	v43 =	vadd.f32 $1.000000000e+00, v43  }
0x13d: {  	v19 =	vsub.f32 $1.000000000e+00, v19;
	v1 =	vadd.f32 v1, v1;
	v47 =	vmul.f32 $1.442695020e+00, v40  }
0x13e: {  	v34 =	vadd.f32 v34, v62;
	v0 =	vadd.f32 v36, v0;
	(erf) = vrcp.f32 v43  }
0x13f: {  	v1 =	vsub.f32 $1.000000000e+00, v1;
	v32 =	vadd.f32 v32, v32;
	v41 =	vld [tilespmem:$0xC90];
	(erf) = vpow2.f32 v47  }
0x140: {  	v33 =	vadd.f32 v33, v33;
	v42 =	vmul.f32 $1.000000010e-01, v34;
	v0 =	vadd.f32 v0, v37;
	v37 =	vld [tilespmem:$0x8B0]  }
0x141: {  	v19 =	vmul.f32 $1.000000010e-01, v19;
	v49 =	vsub.f32 $0.0e+00, v44;
	v51 =	vsub.f32 $1.000000000e+00, v32;
	v35 =	vld [tilespmem:$0x8C0]  }
0x142: {  	v3 =	vadd.f32 v3, v3;
	v42 =	vadd.f32 v42, v39;
	v52 =	vld [tilespmem:$0x5B0]  }
0x143: {  	v33 =	vsub.f32 $1.000000000e+00, v33;
	v50 =	vadd.f32 v19, v49;
	v19 =	vmul.f32 $1.000000010e-01, v51  }
0x144: {  	v42 =	vadd.f32 v42, v41;
	v36 =	vsub.f32 $1.000000000e+00, v46  }
0x145: {  	v33 =	vmul.f32 $1.000000010e-01, v33;
	v30 =	vadd.f32 v30, v30;
	v53 =	vsub.f32 $0.0e+00, v37  }
0x146: {  	v48 =	vsub.f32 $0.0e+00, v42;
	v57 =	vsub.f32 $0.0e+00, v35;
	v36 =	vmul.f32 $1.000000010e-01, v36  }
0x147: {  	v32 =	vadd.f32 v52, v52;
	v0 =	vmul.f32 $5.000000070e-02, v0;
	v55 =	vadd.f32 v19, v53;
	v19 =	vpop (erf)  }
0x148: {  	v33 =	vadd.f32 v33, v57;
	v36 =	vadd.f32 v48, v36;
	v45 =	vpop (erf)  }
0x149: {  	v38 =	vld [tilespmem:$0xCA0];
	v0 =	vadd.f32 v0, v58;
	v45 =	vadd.f32 $1.000000000e+00, v45  }
0x14a: {  	v32 =	vmul.f32 $1.442695020e+00, v32;
	v56 =	vld [tilespmem:$0xCB0];
	v40 =	vmul.f32 $1.000000010e-01, v50;
	v34 =	vadd.f32 v36, v34  }
0x14b: {  	v59 =	vld [tilespmem:$0xCC0];
	v0 =	vadd.f32 v0, v60;
	v60 =	vmul.f32 $1.000000010e-01, v33;
	(erf) = vrcp.f32 v45  }
0x14c: {  	v3 =	vsub.f32 $1.000000000e+00, v3;
	v46 =	vmul.f32 $1.000000010e-01, v55;
	(erf) = vpow2.f32 v32  }
0x14d: {  	v30 =	vsub.f32 $1.000000000e+00, v30;
	v54 =	vadd.f32 v40, v44;
	v34 =	vmul.f32 $5.000000070e-02, v34  }
0x14e: {  	v62 =	vadd.f32 v60, v35;
	v58 =	vadd.f32 v46, v37  }
0x14f: {  	v34 =	vadd.f32 v34, v39;
	v39 =	vadd.f32 v54, v38  }
0x150: {  	v30 =	vmul.f32 $1.000000010e-01, v30;
	v47 =	vld [tilespmem:$0x1C0];
	v43 =	vadd.f32 v62, v59;
	v61 =	vadd.f32 v58, v56  }
0x151: {  	v63 =	vmul.f32 $1.000000010e-01, v1;
	v39 =	vsub.f32 $0.0e+00, v39  }
0x152: {  	v3 =	vmul.f32 $1.000000010e-01, v3;
	v48 =	vsub.f32 $0.0e+00, v43;
	v32 =	vsub.f32 $0.0e+00, v61  }
0x153: {  	v1 =	vadd.f32 v34, v41;
	v45 =	vadd.f32 v39, v63  }
0x154: {  	v3 =	vadd.f32 v32, v3;
	v32 =	vadd.f32 v48, v30;
	v30 =	vpop (erf)  }
0x155: {  	v34 =	vadd.f32 v45, v50;
	v50 =	vadd.f32 v47, v47;
	v49 =	vpop (erf)  }
0x156: {  	v5 =	vadd.f32 v5, v5;
	v51 =	vadd.f32 $1.000000000e+00, v49  }
0x157: {  	v39 =	vld [tilespmem:$0x8D0];
	v40 =	vmul.f32 $1.442695020e+00, v50  }
0x158: {  	v5 =	vsub.f32 $1.000000000e+00, v5;
	(erf) = vrcp.f32 v51  }
0x159: {  	v26 =	vadd.f32 v26, v26;
	v3 =	vadd.f32 v3, v55;
	(erf) = vpow2.f32 v40  }
0x15a: {  	v5 =	vmul.f32 $1.000000010e-01, v5;
	v31 =	vadd.f32 v31, v31  }
0x15b: {  	v26 =	vsub.f32 $1.000000000e+00, v26;
	v57 =	vld [tilespmem:$0x5C0];
	v32 =	vadd.f32 v32, v33;
	v3 =	vmul.f32 $5.000000070e-02, v3  }
0x15c: {  	v31 =	vsub.f32 $1.000000000e+00, v31;
	v34 =	vmul.f32 $5.000000070e-02, v34;
	v52 =	vsub.f32 $0.0e+00, v39  }
0x15d: {  	v27 =	vadd.f32 v27, v27;
	v32 =	vmul.f32 $5.000000070e-02, v32;
	v3 =	vadd.f32 v3, v37;
	v37 =	vld [tilespmem:$0x8F0]  }
0x15e: {  	v34 =	vadd.f32 v34, v44;
	v53 =	vadd.f32 v5, v52  }
0x15f: {  	v54 =	vadd.f32 v2, v2;
	v32 =	vadd.f32 v32, v35;
	v35 =	vld [tilespmem:$0xCD0]  }
0x160: {  	v36 =	vld [tilespmem:$0x8E0];
	v5 =	vadd.f32 v34, v38;
	v38 =	vadd.f32 v57, v57;
	v55 =	vmul.f32 $1.000000010e-01, v53  }
0x161: {  	v60 =	vmul.f32 $1.000000010e-01, v31;
	v3 =	vadd.f32 v3, v56;
	v2 =	vadd.f32 v32, v59;
	v31 =	vpop (erf)  }
0x162: {  	v34 =	vadd.f32 v55, v39;
	v59 =	vsub.f32 $0.0e+00, v37;
	v62 =	vpop (erf)  }
0x163: {  	v26 =	vmul.f32 $1.000000010e-01, v26;
	v56 =	vsub.f32 $1.000000000e+00, v54;
	v63 =	vadd.f32 $1.000000000e+00, v62  }
0x164: {  	v38 =	vmul.f32 $1.442695020e+00, v38;
	v34 =	vadd.f32 v34, v35;
	v41 =	vadd.f32 v60, v59  }
0x165: {  	v58 =	vsub.f32 $0.0e+00, v36;
	v49 =	vld [tilespmem:$0xCF0];
	v32 =	vmul.f32 $1.000000010e-01, v56;
	(erf) = vrcp.f32 v63  }
0x166: {  	v34 =	vsub.f32 $0.0e+00, v34;
	v50 =	vmul.f32 $1.000000010e-01, v41;
	(erf) = vpow2.f32 v38  }
0x167: {  	v27 =	vsub.f32 $1.000000000e+00, v27;
	v32 =	vadd.f32 v32, v58  }
0x168: {  	v40 =	vld [tilespmem:$0xCE0];
	v26 =	vadd.f32 v34, v26;
	v52 =	vadd.f32 v50, v37  }
0x169: {  	v25 =	vadd.f32 v25, v25;
	v29 =	vadd.f32 v29, v29;
	v61 =	vmul.f32 $1.000000010e-01, v32  }
0x16a: {  	v27 =	vmul.f32 $1.000000010e-01, v27;
	v26 =	vadd.f32 v26, v53;
	v53 =	vld [tilespmem:$0x1D0];
	v34 =	vadd.f32 v52, v49  }
0x16b: {  	v25 =	vsub.f32 $1.000000000e+00, v25;
	v48 =	vadd.f32 v61, v36  }
0x16c: {  	v29 =	vsub.f32 $1.000000000e+00, v29;
	v54 =	vsub.f32 $0.0e+00, v34  }
0x16d: {  	v21 =	vadd.f32 v21, v21;
	v51 =	vadd.f32 v48, v40  }
0x16e: {  	v28 =	vadd.f32 v28, v28;
	v26 =	vmul.f32 $5.000000070e-02, v26;
	v56 =	vadd.f32 v54, v27;
	v27 =	vpop (erf)  }
0x16f: {  	v25 =	vmul.f32 $1.000000010e-01, v25;
	v33 =	vsub.f32 $0.0e+00, v51;
	v42 =	vadd.f32 v53, v53;
	v57 =	vpop (erf)  }
0x170: {  	v26 =	vadd.f32 v26, v39;
	v39 =	vadd.f32 $1.000000000e+00, v57  }
0x171: {  	v21 =	vsub.f32 $1.000000000e+00, v21;
	v25 =	vadd.f32 v33, v25;
	v33 =	vld [tilespmem:$0x910];
	v59 =	vmul.f32 $1.442695020e+00, v42  }
0x172: {  	v28 =	vsub.f32 $1.000000000e+00, v28;
	v22 =	vadd.f32 v22, v22;
	v38 =	vld [tilespmem:$0x900];
	(erf) = vrcp.f32 v39  }
0x173: {  	v20 =	vadd.f32 v20, v20;
	v23 =	vadd.f32 v23, v23;
	(erf) = vpow2.f32 v59  }
0x174: {  	v29 =	vmul.f32 $1.000000010e-01, v29;
	v22 =	vsub.f32 $1.000000000e+00, v22;
	v25 =	vadd.f32 v25, v32  }
0x175: {  	v28 =	vmul.f32 $1.000000010e-01, v28;
	v23 =	vsub.f32 $1.000000000e+00, v23;
	v32 =	vadd.f32 v56, v41  }
0x176: {  	v13 =	vadd.f32 v13, v13;
	v25 =	vmul.f32 $5.000000070e-02, v25;
	v61 =	vsub.f32 $0.0e+00, v33  }
0x177: {  	v24 =	vadd.f32 v24, v24;
	v46 =	vld [tilespmem:$0x5D0];
	v32 =	vmul.f32 $5.000000070e-02, v32;
	v55 =	vsub.f32 $0.0e+00, v38  }
0x178: {  	v25 =	vadd.f32 v25, v36;
	v28 =	vadd.f32 v28, v61  }
0x179: {  	v44 =	vmul.f32 $1.000000010e-01, v21;
	v32 =	vadd.f32 v32, v37;
	v29 =	vadd.f32 v29, v55;
	v39 =	vld [tilespmem:$0xD10]  }
0x17a: {  	v34 =	vld [tilespmem:$0xD00];
	v26 =	vadd.f32 v26, v35;
	v21 =	vadd.f32 v25, v40;
	v45 =	vmul.f32 $1.000000010e-01, v28  }
0x17b: {  	v25 =	vadd.f32 v32, v49;
	v49 =	vsub.f32 $1.000000000e+00, v20;
	v58 =	vmul.f32 $1.000000010e-01, v29;
	v20 =	vpop (erf)  }
0x17c: {  	v40 =	vadd.f32 v46, v46;
	v35 =	vadd.f32 v45, v33;
	v50 =	vpop (erf)  }
0x17d: {  	v36 =	vld [tilespmem:$0x920];
	v60 =	vadd.f32 v58, v38;
	v37 =	vadd.f32 $1.000000000e+00, v50  }
0x17e: {  	v13 =	vsub.f32 $1.000000000e+00, v13;
	v40 =	vmul.f32 $1.442695020e+00, v40;
	v48 =	vadd.f32 v35, v39  }
0x17f: {  	v24 =	vsub.f32 $1.000000000e+00, v24;
	v62 =	vadd.f32 v60, v34;
	(erf) = vrcp.f32 v37  }
0x180: {  	v35 =	vmul.f32 $1.000000010e-01, v49;
	v32 =	vsub.f32 $0.0e+00, v48;
	(erf) = vpow2.f32 v40  }
0x181: {  	v16 =	vadd.f32 v16, v16;
	v63 =	vsub.f32 $0.0e+00, v62  }
0x182: {  	v22 =	vmul.f32 $1.000000010e-01, v22;
	v51 =	vsub.f32 $0.0e+00, v36;
	v52 =	vadd.f32 v32, v35  }
0x183: {  	v17 =	vadd.f32 v17, v17;
	v42 =	vld [tilespmem:$0x930];
	v47 =	vadd.f32 v63, v44  }
0x184: {  	v55 =	vld [tilespmem:$0x1E0];
	v41 =	vadd.f32 v22, v51;
	v22 =	vadd.f32 v52, v28  }
0x185: {  	v9 =	vadd.f32 v9, v9;
	v29 =	vadd.f32 v47, v29;
	v32 =	vld [tilespmem:$0x940]  }
0x186: {  	v23 =	vmul.f32 $1.000000010e-01, v23;
	v16 =	vsub.f32 $1.000000000e+00, v16;
	v15 =	vadd.f32 v15, v15  }
0x187: {  	v17 =	vsub.f32 $1.000000000e+00, v17;
	v9 =	vsub.f32 $1.000000000e+00, v9;
	v29 =	vmul.f32 $5.000000070e-02, v29  }
0x188: {  	v15 =	vsub.f32 $1.000000000e+00, v15;
	v54 =	vsub.f32 $0.0e+00, v42;
	v37 =	vld [tilespmem:$0xD20];
	v61 =	vmul.f32 $5.000000070e-02, v22;
	v22 =	vpop (erf)  }
0x189: {  	v53 =	vmul.f32 $1.000000010e-01, v41;
	v29 =	vadd.f32 v29, v38;
	v38 =	vadd.f32 v55, v55;
	v62 =	vpop (erf)  }
0x18a: {  	v24 =	vmul.f32 $1.000000010e-01, v24;
	v58 =	vsub.f32 $0.0e+00, v32;
	v44 =	vadd.f32 $1.000000000e+00, v62  }
0x18b: {  	v56 =	vadd.f32 v14, v14;
	v35 =	vadd.f32 v53, v36;
	v48 =	vmul.f32 $1.442695020e+00, v38  }
0x18c: {  	v43 =	vld [tilespmem:$0xD40];
	v23 =	vadd.f32 v23, v54;
	v24 =	vadd.f32 v24, v58;
	(erf) = vrcp.f32 v44  }
0x18d: {  	v59 =	vsub.f32 $1.000000000e+00, v56;
	v57 =	vadd.f32 v35, v37;
	v35 =	vld [tilespmem:$0xD30];
	(erf) = vpow2.f32 v48  }
0x18e: {  	v8 =	vadd.f32 v8, v8;
	v51 =	vld [tilespmem:$0x950];
	v60 =	vmul.f32 $1.000000010e-01, v23;
	v63 =	vmul.f32 $1.000000010e-01, v24  }
0x18f: {  	v14 =	vadd.f32 v29, v34;
	v29 =	vmul.f32 $1.000000010e-01, v59;
	v28 =	vsub.f32 $0.0e+00, v57  }
0x190: {  	v53 =	vld [tilespmem:$0x5E0];
	v34 =	vadd.f32 v60, v42;
	v49 =	vadd.f32 v63, v32  }
0x191: {  	v17 =	vmul.f32 $1.000000010e-01, v17;
	v45 =	vsub.f32 $1.000000000e+00, v8;
	v28 =	vadd.f32 v28, v29  }
0x192: {  	v50 =	vadd.f32 v49, v43;
	v47 =	vadd.f32 v34, v35  }
0x193: {  	v13 =	vmul.f32 $1.000000010e-01, v13;
	v54 =	vsub.f32 $0.0e+00, v51;
	v28 =	vadd.f32 v28, v41  }
0x194: {  	v16 =	vmul.f32 $1.000000010e-01, v16;
	v56 =	vld [tilespmem:$0x960];
	v52 =	vsub.f32 $0.0e+00, v50;
	v29 =	vsub.f32 $0.0e+00, v47  }
0x195: {  	v55 =	vadd.f32 v17, v54;
	v34 =	vadd.f32 v53, v53;
	v28 =	vmul.f32 $5.000000070e-02, v28;
	v17 =	vpop (erf)  }
0x196: {  	v13 =	vadd.f32 v29, v13;
	v29 =	vadd.f32 v52, v16;
	v58 =	vpop (erf)  }
0x197: {  	v28 =	vadd.f32 v28, v36;
	v36 =	vadd.f32 $1.000000000e+00, v58  }
0x198: {  	v59 =	vmul.f32 $1.000000010e-01, v55;
	v57 =	vld [tilespmem:$0xD50];
	v34 =	vmul.f32 $1.442695020e+00, v34;
	v24 =	vadd.f32 v29, v24  }
0x199: {  	v60 =	vsub.f32 $0.0e+00, v56;
	v23 =	vadd.f32 v13, v23;
	(erf) = vrcp.f32 v36  }
0x19a: {  	v33 =	vadd.f32 v61, v33;
	v24 =	vmul.f32 $5.000000070e-02, v24;
	(erf) = vpow2.f32 v34  }
0x19b: {  	v13 =	vadd.f32 v28, v37;
	v37 =	vadd.f32 v59, v51;
	v23 =	vmul.f32 $5.000000070e-02, v23  }
0x19c: {  	v15 =	vmul.f32 $1.000000010e-01, v15;
	v63 =	vadd.f32 v12, v12;
	v24 =	vadd.f32 v24, v32;
	v32 =	vld [tilespmem:$0x970]  }
0x19d: {  	v61 =	vadd.f32 v37, v57;
	v23 =	vadd.f32 v23, v42;
	v42 =	vld [tilespmem:$0x1F0]  }
0x19e: {  	v15 =	vadd.f32 v15, v60;
	v62 =	vmul.f32 $1.000000010e-01, v9;
	v9 =	vadd.f32 v24, v43  }
0x19f: {  	v37 =	vld [tilespmem:$0xD60];
	v43 =	vsub.f32 $1.000000000e+00, v63;
	v34 =	vsub.f32 $0.0e+00, v61  }
0x1a0: {  	v41 =	vmul.f32 $1.000000010e-01, v15;
	v16 =	vadd.f32 v33, v39;
	v12 =	vadd.f32 v23, v35  }
0x1a1: {  	v35 =	vmul.f32 $1.000000010e-01, v43;
	v44 =	vsub.f32 $0.0e+00, v32;
	v34 =	vadd.f32 v34, v62  }
0x1a2: {  	v23 =	vadd.f32 v41, v56;
	v24 =	vadd.f32 v42, v42;
	v8 =	vpop (erf)  }
0x1a3: {  	v28 =	vadd.f32 v34, v55;
	v34 =	vadd.f32 v35, v44;
	v46 =	vpop (erf)  }
0x1a4: {  	v40 =	vld [tilespmem:$0xD70];
	v23 =	vadd.f32 v23, v37;
	v39 =	vadd.f32 $1.000000000e+00, v46  }
0x1a5: {  	v24 =	vmul.f32 $1.442695020e+00, v24;
	v47 =	vmul.f32 $1.000000010e-01, v34  }
0x1a6: {  	v36 =	vmul.f32 $1.000000010e-01, v45;
	v23 =	vsub.f32 $0.0e+00, v23;
	(erf) = vrcp.f32 v39  }
0x1a7: {  	v48 =	vadd.f32 v47, v32;
	(erf) = vpow2.f32 v24  }
0x1a8: {  	v23 =	vadd.f32 v23, v36;
	v28 =	vmul.f32 $5.000000070e-02, v28  }
0x1a9: {  	v7 =	vadd.f32 v7, v7;
	v50 =	vadd.f32 v48, v40  }
0x1aa: {  	v15 =	vadd.f32 v23, v15;
	v28 =	vadd.f32 v28, v51  }
0x1ab: {  	v52 =	vld [tilespmem:$0x5F0];
	v51 =	vsub.f32 $1.000000000e+00, v7;
	v23 =	vsub.f32 $0.0e+00, v50  }
0x1ac: {  	v11 =	vadd.f32 v11, v11;
	v35 =	vld [tilespmem:$0x980]  }
0x1ad: {  	v15 =	vmul.f32 $5.000000070e-02, v15;
	v53 =	vmul.f32 $1.000000010e-01, v51  }
0x1ae: {  	v11 =	vsub.f32 $1.000000000e+00, v11  }
0x1af: {  	v15 =	vadd.f32 v15, v56;
	v33 =	vadd.f32 v23, v53;
	v23 =	vpop (erf)  }
0x1b0: {  	v7 =	vadd.f32 v28, v57;
	v28 =	vadd.f32 v52, v52;
	v56 =	vpop (erf)  }
0x1b1: {  	v11 =	vmul.f32 $1.000000010e-01, v11;
	v49 =	vsub.f32 $0.0e+00, v35;
	v24 =	vld [tilespmem:$0x990];
	v57 =	vadd.f32 $1.000000000e+00, v56  }
0x1b2: {  	v10 =	vadd.f32 v10, v10;
	v28 =	vmul.f32 $1.442695020e+00, v28  }
0x1b3: {  	v11 =	vadd.f32 v11, v49;
	(erf) = vrcp.f32 v57  }
0x1b4: {  	v10 =	vsub.f32 $1.000000000e+00, v10;
	v29 =	vld [tilespmem:$0xD80];
	(erf) = vpow2.f32 v28  }
0x1b5: {  	v18 =	vadd.f32 v18, v18;
	v39 =	vld [tilespmem:$0x9A0];
	v54 =	vmul.f32 $1.000000010e-01, v11  }
0x1b6: {  	v6 =	vadd.f32 v6, v6;
	v10 =	vmul.f32 $1.000000010e-01, v10;
	v55 =	vsub.f32 $0.0e+00, v24  }
0x1b7: {  	v18 =	vsub.f32 $1.000000000e+00, v18;
	v36 =	vadd.f32 v54, v35  }
0x1b8: {  	v4 =	vadd.f32 v4, v4;
	v46 =	vld [tilespmem:$0x200];
	v10 =	vadd.f32 v10, v55  }
0x1b9: {  	v6 =	vsub.f32 $1.000000000e+00, v6;
	v18 =	vmul.f32 $1.000000010e-01, v18;
	v58 =	vld [tilespmem:$0xD90];
	v36 =	vadd.f32 v36, v29  }
0x1ba: {  	v62 =	vsub.f32 $1.000000000e+00, v4;
	v60 =	vsub.f32 $0.0e+00, v39;
	v59 =	vmul.f32 $1.000000010e-01, v10  }
0x1bb: {  	v6 =	vmul.f32 $1.000000010e-01, v6;
	v4 =	vadd.f32 v15, v37;
	v36 =	vsub.f32 $0.0e+00, v36  }
0x1bc: {  	v18 =	vadd.f32 v18, v60;
	v61 =	vadd.f32 v59, v24;
	v48 =	vpop (erf)  }
0x1bd: {  	v63 =	vld [tilespmem:$0xDA0];
	v6 =	vadd.f32 v36, v6;
	v36 =	vadd.f32 v46, v46;
	v49 =	vpop (erf)  }
0x1be: {  	v45 =	vmul.f32 $1.000000010e-01, v18;
	v28 =	vadd.f32 v61, v58;
	v37 =	vadd.f32 $1.000000000e+00, v49  }
0x1bf: {  	v19 =	vadd.f32 v19, v19;
	v47 =	vmul.f32 $1.000000010e-01, v62;
	v36 =	vmul.f32 $1.442695020e+00, v36  }
0x1c0: {  	v15 =	vadd.f32 v45, v39;
	v28 =	vsub.f32 $0.0e+00, v28;
	(erf) = vrcp.f32 v37  }
0x1c1: {  	v19 =	vsub.f32 $1.000000000e+00, v19;
	(erf) = vpow2.f32 v36  }
0x1c2: {  	v15 =	vadd.f32 v15, v63;
	v28 =	vadd.f32 v28, v47  }
0x1c3: {  	v33 =	vadd.f32 v33, v34  }
0x1c4: {  	v19 =	vmul.f32 $1.000000010e-01, v19;
	v15 =	vsub.f32 $0.0e+00, v15;
	v10 =	vadd.f32 v28, v10  }
0x1c5: {  	v54 =	vld [tilespmem:$0x600];
	v33 =	vmul.f32 $5.000000070e-02, v33  }
0x1c6: {  	v19 =	vadd.f32 v15, v19;
	v52 =	vmul.f32 $5.000000070e-02, v10  }
0x1c7: {  	v32 =	vadd.f32 v33, v32;
	v11 =	vadd.f32 v6, v11  }
0x1c8: {  	v18 =	vadd.f32 v19, v18;
	v24 =	vadd.f32 v52, v24  }
0x1c9: {  	v27 =	vadd.f32 v27, v27;
	v51 =	vmul.f32 $5.000000070e-02, v11;
	v11 =	vld [tilespmem:$0x9C0];
	v15 =	vadd.f32 v32, v40;
	v33 =	vpop (erf)  }
0x1ca: {  	v32 =	vadd.f32 v54, v54;
	v55 =	vmul.f32 $5.000000070e-02, v18;
	v18 =	vadd.f32 v24, v58;
	v58 =	vpop (erf)  }
0x1cb: {  	v6 =	vld [tilespmem:$0x9B0];
	v28 =	vadd.f32 v51, v35;
	v35 =	vadd.f32 $1.000000000e+00, v58  }
0x1cc: {  	v30 =	vadd.f32 v30, v30;
	v32 =	vmul.f32 $1.442695020e+00, v32  }
0x1cd: {  	v27 =	vsub.f32 $1.000000000e+00, v27;
	(erf) = vrcp.f32 v35  }
0x1ce: {  	v30 =	vsub.f32 $1.000000000e+00, v30;
	v57 =	vsub.f32 $0.0e+00, v11;
	(erf) = vpow2.f32 v32  }
0x1cf: {  	v27 =	vmul.f32 $1.000000010e-01, v27;
	v19 =	vadd.f32 v28, v29;
	v28 =	vadd.f32 v55, v39  }
0x1d0: {  	v30 =	vmul.f32 $1.000000010e-01, v30;
	v50 =	vsub.f32 $0.0e+00, v6  }
0x1d1: {  	v28 =	vadd.f32 v28, v63;
	v63 =	vld [tilespmem:$0x210];
	v24 =	vadd.f32 v27, v57  }
0x1d2: {  	v31 =	vadd.f32 v31, v31;
	v30 =	vadd.f32 v30, v50;
	v36 =	vld [tilespmem:$0xDC0]  }
0x1d3: {  	v10 =	vld [tilespmem:$0xDB0];
	v59 =	vmul.f32 $1.000000010e-01, v24  }
0x1d4: {  	v31 =	vsub.f32 $1.000000000e+00, v31;
	v53 =	vmul.f32 $1.000000010e-01, v30  }
0x1d5: {  	v20 =	vadd.f32 v20, v20;
	v37 =	vadd.f32 v59, v11  }
0x1d6: {  	v22 =	vadd.f32 v22, v22;
	v56 =	vadd.f32 v53, v6;
	v45 =	vpop (erf)  }
0x1d7: {  	v61 =	vadd.f32 v37, v36;
	v37 =	vadd.f32 v63, v63;
	v47 =	vpop (erf)  }
0x1d8: {  	v31 =	vmul.f32 $1.000000010e-01, v31;
	v29 =	vadd.f32 v56, v10;
	v32 =	vld [tilespmem:$0x9E0];
	v34 =	vadd.f32 $1.000000000e+00, v47  }
0x1d9: {  	v20 =	vsub.f32 $1.000000000e+00, v20;
	v8 =	vadd.f32 v8, v8;
	v49 =	vmul.f32 $1.442695020e+00, v37  }
0x1da: {  	v38 =	vld [tilespmem:$0x9F0];
	v22 =	vsub.f32 $1.000000000e+00, v22;
	v29 =	vsub.f32 $0.0e+00, v29;
	(erf) = vrcp.f32 v34  }
0x1db: {  	v8 =	vsub.f32 $1.000000000e+00, v8;
	v46 =	vadd.f32 v48, v48;
	v27 =	vld [tilespmem:$0x9D0];
	(erf) = vpow2.f32 v49  }
0x1dc: {  	v20 =	vmul.f32 $1.000000010e-01, v20;
	v29 =	vadd.f32 v29, v31;
	v31 =	vsub.f32 $0.0e+00, v61  }
0x1dd: {  	v17 =	vadd.f32 v17, v17;
	v8 =	vmul.f32 $1.000000010e-01, v8;
	v44 =	vsub.f32 $0.0e+00, v32  }
0x1de: {  	v20 =	vadd.f32 v31, v20;
	v31 =	vsub.f32 $1.000000000e+00, v46  }
0x1df: {  	v22 =	vmul.f32 $1.000000010e-01, v22;
	v23 =	vadd.f32 v23, v23;
	v61 =	vld [tilespmem:$0x610];
	v8 =	vadd.f32 v8, v44  }
0x1e0: {  	v41 =	vld [tilespmem:$0xDE0];
	v50 =	vsub.f32 $0.0e+00, v38;
	v60 =	vsub.f32 $0.0e+00, v27;
	v31 =	vmul.f32 $1.000000010e-01, v31  }
0x1e1: {  	v17 =	vsub.f32 $1.000000000e+00, v17;
	v55 =	vsub.f32 $1.000000000e+00, v23;
	v48 =	vmul.f32 $1.000000010e-01, v8  }
0x1e2: {  	v22 =	vadd.f32 v22, v60;
	v52 =	vadd.f32 v31, v50  }
0x1e3: {  	v56 =	vld [tilespmem:$0xDF0];
	v63 =	vadd.f32 v33, v33;
	v51 =	vadd.f32 v48, v32;
	v33 =	vpop (erf)  }
0x1e4: {  	[tilespmem:$0x1080] =	vst v0;
	v60 =	vadd.f32 v20, v24;
	v20 =	vadd.f32 v61, v61;
	v58 =	vmul.f32 $1.000000010e-01, v52;
	v42 =	vpop (erf)  }
0x1e5: {  	[tilespmem:$0x10E0] =	vst v21;
	v57 =	vmul.f32 $1.000000010e-01, v17;
	v0 =	vadd.f32 v51, v41;
	v21 =	vadd.f32 $1.000000000e+00, v42  }
0x1e6: {  	v17 =	vadd.f32 v58, v38;
	v39 =	vadd.f32 v45, v45;
	v45 =	vmul.f32 $1.442695020e+00, v20  }
0x1e7: {  	[tilespmem:$0x10A0] =	vst v5;
	v5 =	vmul.f32 $1.000000010e-01, v55;
	v0 =	vsub.f32 $0.0e+00, v0;
	(erf) = vrcp.f32 v21  }
0x1e8: {  	v17 =	vadd.f32 v17, v56;
	(erf) = vpow2.f32 v45  }
0x1e9: {  	v0 =	vadd.f32 v0, v5;
	v5 =	vsub.f32 $1.000000000e+00, v63;
	_ =	sdelay $0x1  }
0x1ea: {  	v44 =	vsub.f32 $0.0e+00, v17;
	v5 =	vmul.f32 $1.000000010e-01, v5  }
0x1eb: {  	[tilespmem:$0x10C0] =	vst v2;
	v2 =	vmul.f32 $5.000000070e-02, v60  }
0x1ec: {  	v5 =	vadd.f32 v44, v5  }
0x1ed: {  	v35 =	vld [tilespmem:$0xDD0];
	v2 =	vadd.f32 v2, v11  }
0x1ee: {  	[tilespmem:$0x1090] =	vst v1;
	v1 =	vadd.f32 v5, v52;
	v52 =	vld [tilespmem:$0x220]  }
0x1ef: {  	v62 =	vmul.f32 $1.000000010e-01, v22;
	v2 =	vadd.f32 v2, v36;
	v0 =	vadd.f32 v0, v8;
	v8 =	vpop (erf)  }
0x1f0: {  	v29 =	vadd.f32 v29, v30;
	v51 =	vpop (erf)  }
0x1f1: {  	v40 =	vld [tilespmem:$0xA00];
	v30 =	vadd.f32 v62, v27;
	[tilespmem:$0x11C0] =	vst v2;
	v2 =	vadd.f32 $1.000000000e+00, v51;
	_ =	sdelay $0x1  }
0x1f2: {  	v30 =	vadd.f32 v30, v35;
	(erf) = vrcp.f32 v2;
	v2 =	vadd.f32 v52, v52  }
0x1f3: {  	v39 =	vsub.f32 $1.000000000e+00, v39  }
0x1f4: {  	v30 =	vsub.f32 $0.0e+00, v30;
	v2 =	vmul.f32 $1.442695020e+00, v2  }
0x1f5: {  	v53 =	vsub.f32 $0.0e+00, v40;
	v54 =	vmul.f32 $1.000000010e-01, v39  }
0x1f6: {  	[tilespmem:$0x10B0] =	vst v3;
	v3 =	vadd.f32 v30, v57;
	(erf) = vpow2.f32 v2  }
0x1f7: {  	v31 =	vadd.f32 v54, v53  }
0x1f8: {  	v59 =	vld [tilespmem:$0xE00];
	v43 =	vmul.f32 $5.000000070e-02, v29;
	v3 =	vadd.f32 v3, v22  }
0x1f9: {  	v62 =	vmul.f32 $1.000000010e-01, v31  }
0x1fa: {  	[tilespmem:$0x10D0] =	vst v26;
	v6 =	vadd.f32 v43, v6;
	v3 =	vmul.f32 $5.000000070e-02, v3;
	v53 =	vld [tilespmem:$0x620]  }
0x1fb: {  	[tilespmem:$0x10F0] =	vst v25;
	v30 =	vadd.f32 v62, v40;
	v34 =	vadd.f32 v33, v33  }
0x1fc: {  	[tilespmem:$0x1100] =	vst v14;
	v3 =	vadd.f32 v3, v27  }
0x1fd: {  	[tilespmem:$0x1110] =	vst v16;
	v39 =	vadd.f32 v30, v59;
	v14 =	vsub.f32 $1.000000000e+00, v34  }
0x1fe: {  	[tilespmem:$0x1120] =	vst v13;
	v48 =	vadd.f32 v6, v10;
	v3 =	vadd.f32 v3, v35;
	v6 =	vpop (erf)  }
0x1ff: {  	[tilespmem:$0x1130] =	vst v12;
	v46 =	vsub.f32 $0.0e+00, v39;
	v14 =	vmul.f32 $1.000000010e-01, v14;
	v2 =	vadd.f32 v53, v53;
	v54 =	vpop (erf)  }
0x200: {  	[tilespmem:$0x11D0] =	vst v3;
	v3 =	vadd.f32 $1.000000000e+00, v54  }
0x201: {  	[tilespmem:$0x1140] =	vst v9;
	v47 =	vadd.f32 v46, v14;
	v2 =	vmul.f32 $1.442695020e+00, v2  }
0x202: {  	[tilespmem:$0x1160] =	vst v4;
	(erf) = vrcp.f32 v3  }
0x203: {  	[tilespmem:$0x1150] =	vst v7;
	v0 =	vmul.f32 $5.000000070e-02, v0;
	v4 =	vadd.f32 v47, v31;
	(erf) = vpow2.f32 v2  }
0x204: {  	[tilespmem:$0x1170] =	vst v15;
	v1 =	vmul.f32 $5.000000070e-02, v1  }
0x205: {  	[tilespmem:$0x1180] =	vst v19;
	v0 =	vadd.f32 v0, v32;
	v4 =	vmul.f32 $5.000000070e-02, v4  }
0x206: {  	[tilespmem:$0x11A0] =	vst v28;
	v1 =	vadd.f32 v1, v38  }
0x207: {  	v55 =	vld [tilespmem:$0x230];
	[tilespmem:$0x1190] =	vst v18;
	v0 =	vadd.f32 v0, v41;
	v49 =	vadd.f32 v4, v40  }
0x208: {  	[tilespmem:$0x11B0] =	vst v48;
	v1 =	vadd.f32 v1, v56  }
0x209: {  	[tilespmem:$0x11E0] =	vst v0;
	v50 =	vadd.f32 v49, v59  }
0x20a: {  	[tilespmem:$0x11F0] =	vst v1  }
0x20b: {  	v9 =	vld [tilespmem:$0xE10];
	[tilespmem:$0x1200] =	vst v50;
	v57 =	vpop (erf)  }
0x20c: {  	v7 =	vld [tilespmem:$0xA10];
	v2 =	vadd.f32 v55, v55;
	v3 =	vpop (erf)  }
0x20d: {  	v3 =	vadd.f32 $1.000000000e+00, v3  }
0x20e: {  	v2 =	vmul.f32 $1.442695020e+00, v2  }
0x20f: {  	(erf) = vrcp.f32 v3  }
0x210: {  	(erf) = vpow2.f32 v2;
	_ =	sdelay $0x3  }
0x211: {  	v56 =	vld [tilespmem:$0x630];
	_ =	sdelay $0x3  }
0x212: {  	v53 =	vpop (erf)  }
0x213: {  	v2 =	vadd.f32 v56, v56;
	v58 =	vpop (erf)  }
0x214: {  	v3 =	vadd.f32 $1.000000000e+00, v58  }
0x215: {  	v2 =	vmul.f32 $1.442695020e+00, v2  }
0x216: {  	(erf) = vrcp.f32 v3  }
0x217: {  	(erf) = vpow2.f32 v2;
	_ =	sdelay $0x3  }
0x218: {  	v59 =	vld [tilespmem:$0x240];
	_ =	sdelay $0x3  }
0x219: {  	v55 =	vpop (erf)  }
0x21a: {  	v2 =	vadd.f32 v59, v59;
	v60 =	vpop (erf)  }
0x21b: {  	v3 =	vadd.f32 $1.000000000e+00, v60  }
0x21c: {  	v2 =	vmul.f32 $1.442695020e+00, v2  }
0x21d: {  	(erf) = vrcp.f32 v3  }
0x21e: {  	(erf) = vpow2.f32 v2;
	_ =	sdelay $0x3  }
0x21f: {  	v61 =	vld [tilespmem:$0x640];
	_ =	sdelay $0x3  }
0x220: {  	v22 =	vpop (erf)  }
0x221: {  	v2 =	vadd.f32 v61, v61;
	v62 =	vpop (erf)  }
0x222: {  	v3 =	vadd.f32 $1.000000000e+00, v62  }
0x223: {  	v2 =	vmul.f32 $1.442695020e+00, v2  }
0x224: {  	(erf) = vrcp.f32 v3  }
0x225: {  	(erf) = vpow2.f32 v2;
	_ =	sdelay $0x3  }
0x226: {  	v63 =	vld [tilespmem:$0x250];
	_ =	sdelay $0x3  }
0x227: {  	v56 =	vpop (erf)  }
0x228: {  	v2 =	vadd.f32 v63, v63;
	v10 =	vpop (erf)  }
0x229: {  	v3 =	vadd.f32 $1.000000000e+00, v10  }
0x22a: {  	v2 =	vmul.f32 $1.442695020e+00, v2  }
0x22b: {  	(erf) = vrcp.f32 v3  }
0x22c: {  	(erf) = vpow2.f32 v2;
	_ =	sdelay $0x3  }
0x22d: {  	v11 =	vld [tilespmem:$0x650];
	_ =	sdelay $0x3  }
0x22e: {  	v51 =	vpop (erf)  }
0x22f: {  	v2 =	vadd.f32 v11, v11;
	v12 =	vpop (erf)  }
0x230: {  	v3 =	vadd.f32 $1.000000000e+00, v12  }
0x231: {  	v2 =	vmul.f32 $1.442695020e+00, v2  }
0x232: {  	(erf) = vrcp.f32 v3  }
0x233: {  	(erf) = vpow2.f32 v2;
	_ =	sdelay $0x3  }
0x234: {  	v13 =	vld [tilespmem:$0x260];
	_ =	sdelay $0x3  }
0x235: {  	v23 =	vpop (erf)  }
0x236: {  	v2 =	vadd.f32 v13, v13;
	v14 =	vpop (erf)  }
0x237: {  	v3 =	vadd.f32 $1.000000000e+00, v14  }
0x238: {  	v2 =	vmul.f32 $1.442695020e+00, v2  }
0x239: {  	(erf) = vrcp.f32 v3  }
0x23a: {  	(erf) = vpow2.f32 v2;
	_ =	sdelay $0x3  }
0x23b: {  	v15 =	vld [tilespmem:$0x660];
	_ =	sdelay $0x3  }
0x23c: {  	v10 =	vpop (erf)  }
0x23d: {  	v2 =	vadd.f32 v15, v15;
	v16 =	vpop (erf)  }
0x23e: {  	v4 =	vadd.f32 $1.000000000e+00, v16  }
0x23f: {  	v2 =	vmul.f32 $1.442695020e+00, v2  }
0x240: {  	(erf) = vrcp.f32 v4  }
0x241: {  	(erf) = vpow2.f32 v2;
	_ =	sdelay $0x3  }
0x242: {  	v17 =	vld [tilespmem:$0x270];
	_ =	sdelay $0x3  }
0x243: {  	v52 =	vpop (erf)  }
0x244: {  	v2 =	vadd.f32 v17, v17;
	v18 =	vpop (erf)  }
0x245: {  	v4 =	vadd.f32 $1.000000000e+00, v18  }
0x246: {  	v2 =	vmul.f32 $1.442695020e+00, v2  }
0x247: {  	(erf) = vrcp.f32 v4  }
0x248: {  	(erf) = vpow2.f32 v2;
	_ =	sdelay $0x3  }
0x249: {  	v19 =	vld [tilespmem:$0x670];
	_ =	sdelay $0x3  }
0x24a: {  	v4 =	vpop (erf)  }
0x24b: {  	v2 =	vadd.f32 v19, v19;
	v20 =	vpop (erf)  }
0x24c: {  	v5 =	vadd.f32 $1.000000000e+00, v20  }
0x24d: {  	v2 =	vmul.f32 $1.442695020e+00, v2  }
0x24e: {  	(erf) = vrcp.f32 v5  }
0x24f: {  	(erf) = vpow2.f32 v2;
	_ =	sdelay $0x3  }
0x250: {  	v21 =	vld [tilespmem:$0x280];
	_ =	sdelay $0x3  }
0x251: {  	v54 =	vpop (erf)  }
0x252: {  	v2 =	vadd.f32 v21, v21;
	v24 =	vpop (erf)  }
0x253: {  	v5 =	vadd.f32 $1.000000000e+00, v24  }
0x254: {  	v2 =	vmul.f32 $1.442695020e+00, v2  }
0x255: {  	(erf) = vrcp.f32 v5  }
0x256: {  	(erf) = vpow2.f32 v2;
	_ =	sdelay $0x3  }
0x257: {  	v25 =	vld [tilespmem:$0x680];
	_ =	sdelay $0x3  }
0x258: {  	v16 =	vpop (erf)  }
0x259: {  	v2 =	vadd.f32 v25, v25;
	v26 =	vpop (erf)  }
0x25a: {  	v5 =	vadd.f32 $1.000000000e+00, v26  }
0x25b: {  	v2 =	vmul.f32 $1.442695020e+00, v2  }
0x25c: {  	(erf) = vrcp.f32 v5  }
0x25d: {  	(erf) = vpow2.f32 v2;
	_ =	sdelay $0x3  }
0x25e: {  	v27 =	vld [tilespmem:$0x290];
	_ =	sdelay $0x3  }
0x25f: {  	v48 =	vpop (erf)  }
0x260: {  	v2 =	vadd.f32 v27, v27;
	v28 =	vpop (erf)  }
0x261: {  	v5 =	vadd.f32 $1.000000000e+00, v28  }
0x262: {  	v2 =	vmul.f32 $1.442695020e+00, v2  }
0x263: {  	(erf) = vrcp.f32 v5  }
0x264: {  	(erf) = vpow2.f32 v2;
	_ =	sdelay $0x3  }
0x265: {  	v29 =	vld [tilespmem:$0x690];
	_ =	sdelay $0x3  }
0x266: {  	v11 =	vpop (erf)  }
0x267: {  	v2 =	vadd.f32 v29, v29;
	v30 =	vpop (erf)  }
0x268: {  	v5 =	vadd.f32 $1.000000000e+00, v30  }
0x269: {  	v2 =	vmul.f32 $1.442695020e+00, v2  }
0x26a: {  	(erf) = vrcp.f32 v5  }
0x26b: {  	(erf) = vpow2.f32 v2;
	_ =	sdelay $0x3  }
0x26c: {  	v31 =	vld [tilespmem:$0x2A0];
	_ =	sdelay $0x3  }
0x26d: {  	v12 =	vpop (erf)  }
0x26e: {  	v2 =	vadd.f32 v31, v31;
	v32 =	vpop (erf)  }
0x26f: {  	v5 =	vadd.f32 $1.000000000e+00, v32  }
0x270: {  	v2 =	vmul.f32 $1.442695020e+00, v2  }
0x271: {  	(erf) = vrcp.f32 v5  }
0x272: {  	(erf) = vpow2.f32 v2;
	_ =	sdelay $0x3  }
0x273: {  	v33 =	vld [tilespmem:$0x6A0];
	_ =	sdelay $0x3  }
0x274: {  	v26 =	vpop (erf)  }
0x275: {  	v2 =	vadd.f32 v33, v33;
	v34 =	vpop (erf)  }
0x276: {  	v5 =	vadd.f32 $1.000000000e+00, v34  }
0x277: {  	v2 =	vmul.f32 $1.442695020e+00, v2  }
0x278: {  	(erf) = vrcp.f32 v5  }
0x279: {  	(erf) = vpow2.f32 v2;
	_ =	sdelay $0x3  }
0x27a: {  	v35 =	vld [tilespmem:$0x2B0];
	_ =	sdelay $0x3  }
0x27b: {  	v50 =	vpop (erf)  }
0x27c: {  	v2 =	vadd.f32 v35, v35;
	v36 =	vpop (erf)  }
0x27d: {  	v5 =	vadd.f32 $1.000000000e+00, v36  }
0x27e: {  	v2 =	vmul.f32 $1.442695020e+00, v2  }
0x27f: {  	(erf) = vrcp.f32 v5  }
0x280: {  	(erf) = vpow2.f32 v2;
	_ =	sdelay $0x3  }
0x281: {  	v37 =	vld [tilespmem:$0x6B0];
	_ =	sdelay $0x3  }
0x282: {  	v49 =	vpop (erf)  }
0x283: {  	v2 =	vadd.f32 v37, v37;
	v38 =	vpop (erf)  }
0x284: {  	v5 =	vadd.f32 $1.000000000e+00, v38  }
0x285: {  	v2 =	vmul.f32 $1.442695020e+00, v2  }
0x286: {  	(erf) = vrcp.f32 v5  }
0x287: {  	(erf) = vpow2.f32 v2;
	_ =	sdelay $0x3  }
0x288: {  	v39 =	vld [tilespmem:$0x2C0];
	_ =	sdelay $0x3  }
0x289: {  	v27 =	vpop (erf)  }
0x28a: {  	v2 =	vadd.f32 v39, v39;
	v40 =	vpop (erf)  }
0x28b: {  	v5 =	vadd.f32 $1.000000000e+00, v40  }
0x28c: {  	v2 =	vmul.f32 $1.442695020e+00, v2  }
0x28d: {  	(erf) = vrcp.f32 v5  }
0x28e: {  	(erf) = vpow2.f32 v2;
	_ =	sdelay $0x3  }
0x28f: {  	v41 =	vld [tilespmem:$0x6C0];
	_ =	sdelay $0x3  }
0x290: {  	v44 =	vpop (erf)  }
0x291: {  	v2 =	vadd.f32 v41, v41;
	v47 =	vpop (erf)  }
0x292: {  	v5 =	vadd.f32 $1.000000000e+00, v47  }
0x293: {  	v2 =	vmul.f32 $1.442695020e+00, v2  }
0x294: {  	(erf) = vrcp.f32 v5  }
0x295: {  	(erf) = vpow2.f32 v2;
	_ =	sdelay $0x3  }
0x296: {  	v58 =	vld [tilespmem:$0x2D0];
	_ =	sdelay $0x3  }
0x297: {  	v29 =	vpop (erf)  }
0x298: {  	v2 =	vadd.f32 v58, v58;
	v59 =	vpop (erf)  }
0x299: {  	v5 =	vadd.f32 $1.000000000e+00, v59  }
0x29a: {  	v2 =	vmul.f32 $1.442695020e+00, v2  }
0x29b: {  	(erf) = vrcp.f32 v5  }
0x29c: {  	(erf) = vpow2.f32 v2;
	_ =	sdelay $0x3  }
0x29d: {  	v60 =	vld [tilespmem:$0x6D0];
	_ =	sdelay $0x3  }
0x29e: {  	v45 =	vpop (erf)  }
0x29f: {  	v2 =	vadd.f32 v60, v60;
	v61 =	vpop (erf)  }
0x2a0: {  	v5 =	vadd.f32 $1.000000000e+00, v61  }
0x2a1: {  	v2 =	vmul.f32 $1.442695020e+00, v2  }
0x2a2: {  	(erf) = vrcp.f32 v5  }
0x2a3: {  	(erf) = vpow2.f32 v2;
	_ =	sdelay $0x3  }
0x2a4: {  	v62 =	vld [tilespmem:$0x2E0];
	_ =	sdelay $0x3  }
0x2a5: {  	v46 =	vpop (erf)  }
0x2a6: {  	v2 =	vadd.f32 v62, v62;
	v63 =	vpop (erf)  }
0x2a7: {  	v5 =	vadd.f32 $1.000000000e+00, v63  }
0x2a8: {  	v2 =	vmul.f32 $1.442695020e+00, v2  }
0x2a9: {  	(erf) = vrcp.f32 v5  }
0x2aa: {  	(erf) = vpow2.f32 v2;
	_ =	sdelay $0x3  }
0x2ab: {  	v13 =	vld [tilespmem:$0x6E0];
	_ =	sdelay $0x3  }
0x2ac: {  	v43 =	vpop (erf)  }
0x2ad: {  	v2 =	vadd.f32 v13, v13;
	v14 =	vpop (erf)  }
0x2ae: {  	v5 =	vadd.f32 $1.000000000e+00, v14  }
0x2af: {  	v2 =	vmul.f32 $1.442695020e+00, v2  }
0x2b0: {  	(erf) = vrcp.f32 v5  }
0x2b1: {  	(erf) = vpow2.f32 v2;
	_ =	sdelay $0x3  }
0x2b2: {  	v15 =	vld [tilespmem:$0x2F0];
	_ =	sdelay $0x3  }
0x2b3: {  	v47 =	vpop (erf)  }
0x2b4: {  	v2 =	vadd.f32 v15, v15;
	v17 =	vpop (erf)  }
0x2b5: {  	v5 =	vadd.f32 $1.000000000e+00, v17  }
0x2b6: {  	v2 =	vmul.f32 $1.442695020e+00, v2  }
0x2b7: {  	(erf) = vrcp.f32 v5  }
0x2b8: {  	(erf) = vpow2.f32 v2;
	_ =	sdelay $0x3  }
0x2b9: {  	v18 =	vld [tilespmem:$0x6F0];
	_ =	sdelay $0x3  }
0x2ba: {  	v40 =	vpop (erf)  }
0x2bb: {  	v2 =	vadd.f32 v18, v18;
	v19 =	vpop (erf)  }
0x2bc: {  	v5 =	vadd.f32 $1.000000000e+00, v19  }
0x2bd: {  	v2 =	vmul.f32 $1.442695020e+00, v2  }
0x2be: {  	(erf) = vrcp.f32 v5  }
0x2bf: {  	(erf) = vpow2.f32 v2;
	_ =	sdelay $0x3  }
0x2c0: {  	v20 =	vld [tilespmem:$0x300];
	_ =	sdelay $0x3  }
0x2c1: {  	v41 =	vpop (erf)  }
0x2c2: {  	v2 =	vadd.f32 v20, v20;
	v21 =	vpop (erf)  }
0x2c3: {  	v5 =	vadd.f32 $1.000000000e+00, v21  }
0x2c4: {  	v2 =	vmul.f32 $1.442695020e+00, v2  }
0x2c5: {  	(erf) = vrcp.f32 v5  }
0x2c6: {  	(erf) = vpow2.f32 v2;
	_ =	sdelay $0x3  }
0x2c7: {  	v24 =	vld [tilespmem:$0x700];
	_ =	sdelay $0x3  }
0x2c8: {  	v34 =	vpop (erf)  }
0x2c9: {  	v2 =	vadd.f32 v24, v24;
	v25 =	vpop (erf)  }
0x2ca: {  	v5 =	vadd.f32 $1.000000000e+00, v25  }
0x2cb: {  	v2 =	vmul.f32 $1.442695020e+00, v2  }
0x2cc: {  	(erf) = vrcp.f32 v5  }
0x2cd: {  	(erf) = vpow2.f32 v2;
	_ =	sdelay $0x3  }
0x2ce: {  	v28 =	vld [tilespmem:$0x310];
	_ =	sdelay $0x3  }
0x2cf: {  	v42 =	vpop (erf)  }
0x2d0: {  	v2 =	vadd.f32 v28, v28;
	v30 =	vpop (erf)  }
0x2d1: {  	v5 =	vadd.f32 $1.000000000e+00, v30  }
0x2d2: {  	v2 =	vmul.f32 $1.442695020e+00, v2  }
0x2d3: {  	(erf) = vrcp.f32 v5  }
0x2d4: {  	(erf) = vpow2.f32 v2;
	_ =	sdelay $0x3  }
0x2d5: {  	v31 =	vld [tilespmem:$0x710];
	_ =	sdelay $0x3  }
0x2d6: {  	v35 =	vpop (erf)  }
0x2d7: {  	v2 =	vadd.f32 v31, v31;
	v32 =	vpop (erf)  }
0x2d8: {  	v5 =	vadd.f32 $1.000000000e+00, v32  }
0x2d9: {  	v2 =	vmul.f32 $1.442695020e+00, v2  }
0x2da: {  	(erf) = vrcp.f32 v5  }
0x2db: {  	(erf) = vpow2.f32 v2;
	_ =	sdelay $0x3  }
0x2dc: {  	v33 =	vld [tilespmem:$0x320];
	_ =	sdelay $0x3  }
0x2dd: {  	v39 =	vpop (erf)  }
0x2de: {  	v2 =	vadd.f32 v33, v33;
	v36 =	vpop (erf)  }
0x2df: {  	v5 =	vadd.f32 $1.000000000e+00, v36  }
0x2e0: {  	v2 =	vmul.f32 $1.442695020e+00, v2  }
0x2e1: {  	(erf) = vrcp.f32 v5  }
0x2e2: {  	(erf) = vpow2.f32 v2;
	_ =	sdelay $0x3  }
0x2e3: {  	v37 =	vld [tilespmem:$0x720];
	_ =	sdelay $0x3  }
0x2e4: {  	v33 =	vpop (erf)  }
0x2e5: {  	v2 =	vadd.f32 v37, v37;
	v38 =	vpop (erf)  }
0x2e6: {  	v5 =	vadd.f32 $1.000000000e+00, v38  }
0x2e7: {  	v2 =	vmul.f32 $1.442695020e+00, v2  }
0x2e8: {  	(erf) = vrcp.f32 v5  }
0x2e9: {  	(erf) = vpow2.f32 v2;
	_ =	sdelay $0x3  }
0x2ea: {  	v58 =	vld [tilespmem:$0x330];
	_ =	sdelay $0x3  }
0x2eb: {  	v38 =	vpop (erf)  }
0x2ec: {  	v2 =	vadd.f32 v58, v58;
	v59 =	vpop (erf)  }
0x2ed: {  	v5 =	vadd.f32 $1.000000000e+00, v59  }
0x2ee: {  	v2 =	vmul.f32 $1.442695020e+00, v2  }
0x2ef: {  	(erf) = vrcp.f32 v5  }
0x2f0: {  	(erf) = vpow2.f32 v2;
	_ =	sdelay $0x3  }
0x2f1: {  	v60 =	vld [tilespmem:$0x730];
	_ =	sdelay $0x3  }
0x2f2: {  	v24 =	vpop (erf)  }
0x2f3: {  	v2 =	vadd.f32 v60, v60;
	v61 =	vpop (erf)  }
0x2f4: {  	v5 =	vadd.f32 $1.000000000e+00, v61  }
0x2f5: {  	v2 =	vmul.f32 $1.442695020e+00, v2  }
0x2f6: {  	(erf) = vrcp.f32 v5  }
0x2f7: {  	(erf) = vpow2.f32 v2;
	_ =	sdelay $0x3  }
0x2f8: {  	v62 =	vld [tilespmem:$0x340];
	_ =	sdelay $0x3  }
0x2f9: {  	v36 =	vpop (erf)  }
0x2fa: {  	v2 =	vadd.f32 v62, v62;
	v63 =	vpop (erf)  }
0x2fb: {  	v5 =	vadd.f32 $1.000000000e+00, v63  }
0x2fc: {  	v2 =	vmul.f32 $1.442695020e+00, v2  }
0x2fd: {  	(erf) = vrcp.f32 v5  }
0x2fe: {  	(erf) = vpow2.f32 v2;
	_ =	sdelay $0x3  }
0x2ff: {  	v13 =	vld [tilespmem:$0x740];
	_ =	sdelay $0x3  }
0x300: {  	v28 =	vpop (erf)  }
0x301: {  	v2 =	vadd.f32 v13, v13;
	v14 =	vpop (erf)  }
0x302: {  	v5 =	vadd.f32 $1.000000000e+00, v14  }
0x303: {  	v2 =	vmul.f32 $1.442695020e+00, v2  }
0x304: {  	(erf) = vrcp.f32 v5  }
0x305: {  	(erf) = vpow2.f32 v2;
	_ =	sdelay $0x3  }
0x306: {  	v15 =	vld [tilespmem:$0x350];
	_ =	sdelay $0x3  }
0x307: {  	v37 =	vpop (erf)  }
0x308: {  	v2 =	vadd.f32 v15, v15;
	v17 =	vpop (erf)  }
0x309: {  	v5 =	vadd.f32 $1.000000000e+00, v17  }
0x30a: {  	v2 =	vmul.f32 $1.442695020e+00, v2  }
0x30b: {  	(erf) = vrcp.f32 v5  }
0x30c: {  	(erf) = vpow2.f32 v2;
	_ =	sdelay $0x3  }
0x30d: {  	v18 =	vld [tilespmem:$0x750];
	_ =	sdelay $0x3  }
0x30e: {  	v31 =	vpop (erf)  }
0x30f: {  	v2 =	vadd.f32 v18, v18;
	v19 =	vpop (erf)  }
0x310: {  	v5 =	vadd.f32 $1.000000000e+00, v19  }
0x311: {  	v2 =	vmul.f32 $1.442695020e+00, v2  }
0x312: {  	(erf) = vrcp.f32 v5  }
0x313: {  	(erf) = vpow2.f32 v2;
	_ =	sdelay $0x3  }
0x314: {  	v20 =	vld [tilespmem:$0x360];
	_ =	sdelay $0x3  }
0x315: {  	v32 =	vpop (erf)  }
0x316: {  	v2 =	vadd.f32 v20, v20;
	v21 =	vpop (erf)  }
0x317: {  	v5 =	vadd.f32 $1.000000000e+00, v21  }
0x318: {  	v2 =	vmul.f32 $1.442695020e+00, v2  }
0x319: {  	(erf) = vrcp.f32 v5  }
0x31a: {  	(erf) = vpow2.f32 v2;
	_ =	sdelay $0x3  }
0x31b: {  	v25 =	vld [tilespmem:$0x760];
	_ =	sdelay $0x3  }
0x31c: {  	v18 =	vpop (erf)  }
0x31d: {  	v2 =	vadd.f32 v25, v25;
	v30 =	vpop (erf)  }
0x31e: {  	v5 =	vadd.f32 $1.000000000e+00, v30  }
0x31f: {  	v2 =	vmul.f32 $1.442695020e+00, v2  }
0x320: {  	(erf) = vrcp.f32 v5  }
0x321: {  	(erf) = vpow2.f32 v2;
	_ =	sdelay $0x3  }
0x322: {  	v58 =	vld [tilespmem:$0x370];
	_ =	sdelay $0x3  }
0x323: {  	v25 =	vpop (erf)  }
0x324: {  	v2 =	vadd.f32 v58, v58;
	v59 =	vpop (erf)  }
0x325: {  	v5 =	vadd.f32 $1.000000000e+00, v59  }
0x326: {  	v2 =	vmul.f32 $1.442695020e+00, v2  }
0x327: {  	(erf) = vrcp.f32 v5  }
0x328: {  	(erf) = vpow2.f32 v2;
	_ =	sdelay $0x3  }
0x329: {  	v60 =	vld [tilespmem:$0x770];
	_ =	sdelay $0x3  }
0x32a: {  	v14 =	vpop (erf)  }
0x32b: {  	v2 =	vadd.f32 v60, v60;
	v61 =	vpop (erf)  }
0x32c: {  	v5 =	vadd.f32 $1.000000000e+00, v61  }
0x32d: {  	v2 =	vmul.f32 $1.442695020e+00, v2  }
0x32e: {  	(erf) = vrcp.f32 v5  }
0x32f: {  	(erf) = vpow2.f32 v2;
	_ =	sdelay $0x3  }
0x330: {  	v62 =	vld [tilespmem:$0x380];
	_ =	sdelay $0x3  }
0x331: {  	v30 =	vpop (erf)  }
0x332: {  	v2 =	vadd.f32 v62, v62;
	v63 =	vpop (erf)  }
0x333: {  	v5 =	vadd.f32 $1.000000000e+00, v63  }
0x334: {  	v2 =	vmul.f32 $1.442695020e+00, v2  }
0x335: {  	(erf) = vrcp.f32 v5  }
0x336: {  	(erf) = vpow2.f32 v2;
	_ =	sdelay $0x3  }
0x337: {  	v13 =	vld [tilespmem:$0x780];
	_ =	sdelay $0x3  }
0x338: {  	v19 =	vpop (erf)  }
0x339: {  	v2 =	vadd.f32 v13, v13;
	v15 =	vpop (erf)  }
0x33a: {  	v5 =	vadd.f32 $1.000000000e+00, v15  }
0x33b: {  	v2 =	vmul.f32 $1.442695020e+00, v2  }
0x33c: {  	(erf) = vrcp.f32 v5  }
0x33d: {  	(erf) = vpow2.f32 v2;
	_ =	sdelay $0x3  }
0x33e: {  	v17 =	vld [tilespmem:$0x390];
	_ =	sdelay $0x3  }
0x33f: {  	v21 =	vpop (erf)  }
0x340: {  	v2 =	vadd.f32 v17, v17;
	v58 =	vpop (erf)  }
0x341: {  	v5 =	vadd.f32 $1.000000000e+00, v58  }
0x342: {  	v2 =	vmul.f32 $1.442695020e+00, v2  }
0x343: {  	(erf) = vrcp.f32 v5  }
0x344: {  	(erf) = vpow2.f32 v2;
	_ =	sdelay $0x3  }
0x345: {  	v59 =	vld [tilespmem:$0x790];
	_ =	sdelay $0x3  }
0x346: {  	v13 =	vpop (erf)  }
0x347: {  	v2 =	vadd.f32 v59, v59;
	v60 =	vpop (erf)  }
0x348: {  	v5 =	vadd.f32 $1.000000000e+00, v60  }
0x349: {  	v2 =	vmul.f32 $1.442695020e+00, v2  }
0x34a: {  	(erf) = vrcp.f32 v5  }
0x34b: {  	(erf) = vpow2.f32 v2;
	_ =	sdelay $0x3  }
0x34c: {  	v61 =	vld [tilespmem:$0x3A0];
	_ =	sdelay $0x3  }
0x34d: {  	v20 =	vpop (erf)  }
0x34e: {  	v2 =	vadd.f32 v61, v61;
	v62 =	vpop (erf)  }
0x34f: {  	v5 =	vadd.f32 $1.000000000e+00, v62  }
0x350: {  	v2 =	vmul.f32 $1.442695020e+00, v2  }
0x351: {  	(erf) = vrcp.f32 v5  }
0x352: {  	(erf) = vpow2.f32 v2;
	_ =	sdelay $0x3  }
0x353: {  	v63 =	vld [tilespmem:$0x7A0];
	_ =	sdelay $0x3  }
0x354: {  	v15 =	vpop (erf)  }
0x355: {  	v2 =	vadd.f32 v63, v63;
	v17 =	vpop (erf)  }
0x356: {  	v5 =	vadd.f32 $1.000000000e+00, v17  }
0x357: {  	v2 =	vmul.f32 $1.442695020e+00, v2  }
0x358: {  	(erf) = vrcp.f32 v5  }
0x359: {  	(erf) = vpow2.f32 v2;
	_ =	sdelay $0x3  }
0x35a: {  	v58 =	vld [tilespmem:$0x3B0];
	_ =	sdelay $0x3  }
0x35b: {  	v17 =	vpop (erf)  }
0x35c: {  	v2 =	vadd.f32 v58, v58;
	v59 =	vpop (erf)  }
0x35d: {  	v5 =	vadd.f32 $1.000000000e+00, v59  }
0x35e: {  	v2 =	vmul.f32 $1.442695020e+00, v2  }
0x35f: {  	(erf) = vrcp.f32 v5  }
0x360: {  	(erf) = vpow2.f32 v2;
	_ =	sdelay $0x3  }
0x361: {  	v60 =	vld [tilespmem:$0x7B0];
	_ =	sdelay $0x3  }
0x362: {  	v61 =	vpop (erf)  }
0x363: {  	v2 =	vadd.f32 v60, v60;
	v62 =	vpop (erf)  }
0x364: {  	v5 =	vadd.f32 $1.000000000e+00, v62  }
0x365: {  	v2 =	vmul.f32 $1.442695020e+00, v2  }
0x366: {  	(erf) = vrcp.f32 v5  }
0x367: {  	(erf) = vpow2.f32 v2;
	_ =	sdelay $0x3  }
0x368: {  	v63 =	vld [tilespmem:$0x3C0];
	_ =	sdelay $0x3  }
0x369: {  	v5 =	vpop (erf)  }
0x36a: {  	[tilespmem:$0x1FFB0] =	vst v15;
	v2 =	vadd.f32 v63, v63;
	v15 =	vpop (erf)  }
0x36b: {  	[tilespmem:$0x1FFD0] =	vst v5;
	v5 =	vadd.f32 $1.000000000e+00, v15  }
0x36c: {  	v2 =	vmul.f32 $1.442695020e+00, v2  }
0x36d: {  	(erf) = vrcp.f32 v5  }
0x36e: {  	(erf) = vpow2.f32 v2;
	_ =	sdelay $0x3  }
0x36f: {  	v58 =	vld [tilespmem:$0x7C0];
	_ =	sdelay $0x3  }
0x370: {  	v59 =	vpop (erf)  }
0x371: {  	v5 =	vadd.f32 v58, v58;
	v60 =	vpop (erf)  }
0x372: {  	v15 =	vadd.f32 $1.000000000e+00, v60  }
0x373: {  	v5 =	vmul.f32 $1.442695020e+00, v5  }
0x374: {  	(erf) = vrcp.f32 v15  }
0x375: {  	(erf) = vpow2.f32 v5;
	_ =	sdelay $0x3  }
0x376: {  	[tilespmem:$0x1FFC0] =	vst v61;
	v61 =	vld [tilespmem:$0x3D0];
	_ =	sdelay $0x3  }
0x377: {  	v15 =	vpop (erf)  }
0x378: {  	v5 =	vadd.f32 v61, v61;
	v58 =	vpop (erf)  }
0x379: {  	v58 =	vadd.f32 $1.000000000e+00, v58  }
0x37a: {  	v5 =	vmul.f32 $1.442695020e+00, v5  }
0x37b: {  	(erf) = vrcp.f32 v58  }
0x37c: {  	(erf) = vpow2.f32 v5;
	_ =	sdelay $0x3  }
0x37d: {  	v62 =	vld [tilespmem:$0x7D0];
	_ =	sdelay $0x3  }
0x37e: {  	v63 =	vpop (erf)  }
0x37f: {  	[tilespmem:$0x1FFE0] =	vst v59;
	v58 =	vadd.f32 v62, v62;
	v59 =	vpop (erf)  }
0x380: {  	v59 =	vadd.f32 $1.000000000e+00, v59  }
0x381: {  	v58 =	vmul.f32 $1.442695020e+00, v58  }
0x382: {  	(erf) = vrcp.f32 v59  }
0x383: {  	(erf) = vpow2.f32 v58;
	_ =	sdelay $0x1  }
0x384: {  	v8 =	vadd.f32 v8, v8;
	_ =	sdelay $0x1  }
0x385: {  	v8 =	vsub.f32 $1.000000000e+00, v8;
	v0 =	vld [tilespmem:$0x3E0];
	_ =	sdelay $0x3  }
0x386: {  	v61 =	vmul.f32 $1.000000010e-01, v8;
	v8 =	vpop (erf)  }
0x387: {  	v60 =	vsub.f32 $0.0e+00, v7;
	v58 =	vadd.f32 v0, v0;
	v62 =	vpop (erf)  }
0x388: {  	v59 =	vld [tilespmem:$0xA20];
	v1 =	vadd.f32 $1.000000000e+00, v62  }
0x389: {  	v57 =	vadd.f32 v57, v57;
	v60 =	vadd.f32 v61, v60;
	v58 =	vmul.f32 $1.442695020e+00, v58  }
0x38a: {  	v6 =	vadd.f32 v6, v6;
	(erf) = vrcp.f32 v1  }
0x38b: {  	v57 =	vsub.f32 $1.000000000e+00, v57;
	[tilespmem:$0x1FFF0] =	vst v63;
	v63 =	vmul.f32 $1.000000010e-01, v60;
	(erf) = vpow2.f32 v58  }
0x38c: {  	v6 =	vsub.f32 $1.000000000e+00, v6  }
0x38d: {  	v57 =	vmul.f32 $1.000000010e-01, v57;
	v3 =	vadd.f32 v63, v7;
	v2 =	vsub.f32 $0.0e+00, v59  }
0x38e: {  	v53 =	vadd.f32 v53, v53;
	v55 =	vadd.f32 v55, v55  }
0x38f: {  	v6 =	vmul.f32 $1.000000010e-01, v6;
	v63 =	vld [tilespmem:$0x7E0];
	v57 =	vadd.f32 v57, v2;
	v58 =	vadd.f32 v3, v9  }
0x390: {  	v53 =	vsub.f32 $1.000000000e+00, v53;
	v61 =	vld [tilespmem:$0xE20]  }
0x391: {  	v55 =	vsub.f32 $1.000000000e+00, v55;
	v2 =	vld [tilespmem:$0xA30];
	v62 =	vmul.f32 $1.000000010e-01, v57;
	v58 =	vsub.f32 $0.0e+00, v58  }
0x392: {  	v56 =	vadd.f32 v56, v56;
	v51 =	vadd.f32 v51, v51  }
0x393: {  	v62 =	vadd.f32 v62, v59;
	v58 =	vadd.f32 v58, v6;
	v6 =	vpop (erf)  }
0x394: {  	v53 =	vmul.f32 $1.000000010e-01, v53;
	v51 =	vsub.f32 $1.000000000e+00, v51;
	v63 =	vadd.f32 v63, v63;
	v5 =	vpop (erf)  }
0x395: {  	v55 =	vmul.f32 $1.000000010e-01, v55;
	v3 =	vld [tilespmem:$0xA40];
	v62 =	vadd.f32 v62, v61;
	v0 =	vadd.f32 $1.000000000e+00, v5  }
0x396: {  	v23 =	vadd.f32 v23, v23;
	v63 =	vmul.f32 $1.442695020e+00, v63;
	v5 =	vsub.f32 $0.0e+00, v2  }
0x397: {  	v62 =	vsub.f32 $0.0e+00, v62;
	v58 =	vadd.f32 v58, v60;
	(erf) = vrcp.f32 v0  }
0x398: {  	v60 =	vsub.f32 $1.000000000e+00, v56;
	v1 =	vadd.f32 v55, v5;
	(erf) = vpow2.f32 v63  }
0x399: {  	v23 =	vsub.f32 $1.000000000e+00, v23;
	v53 =	vadd.f32 v62, v53;
	v62 =	vmul.f32 $5.000000070e-02, v58  }
0x39a: {  	v56 =	vld [tilespmem:$0xE30];
	v0 =	vmul.f32 $1.000000010e-01, v60;
	v63 =	vsub.f32 $0.0e+00, v3;
	v60 =	vmul.f32 $1.000000010e-01, v1  }
0x39b: {  	v53 =	vadd.f32 v53, v57;
	v7 =	vadd.f32 v62, v7  }
0x39c: {  	v0 =	vadd.f32 v0, v63;
	v57 =	vadd.f32 v60, v2;
	v60 =	vld [tilespmem:$0x3F0]  }
0x39d: {  	v58 =	vmul.f32 $5.000000070e-02, v53;
	v55 =	vld [tilespmem:$0xE40];
	v53 =	vadd.f32 v7, v9;
	v7 =	vadd.f32 v22, v22  }
0x39e: {  	v52 =	vadd.f32 v52, v52;
	v4 =	vadd.f32 v4, v4;
	v62 =	vmul.f32 $1.000000010e-01, v0  }
0x39f: {  	v7 =	vsub.f32 $1.000000000e+00, v7;
	v63 =	vadd.f32 v57, v56  }
0x3a0: {  	v58 =	vadd.f32 v58, v59;
	v9 =	vadd.f32 v62, v3;
	v22 =	vpop (erf)  }
0x3a1: {  	v7 =	vmul.f32 $1.000000010e-01, v7;
	v57 =	vsub.f32 $0.0e+00, v63;
	v59 =	vadd.f32 v60, v60;
	v5 =	vpop (erf)  }
0x3a2: {  	v62 =	vld [tilespmem:$0xA50];
	v9 =	vadd.f32 v9, v55;
	v60 =	vadd.f32 $1.000000000e+00, v5  }
0x3a3: {  	v16 =	vadd.f32 v16, v16;
	v7 =	vadd.f32 v57, v7;
	v5 =	vmul.f32 $1.442695020e+00, v59  }
0x3a4: {  	v9 =	vsub.f32 $0.0e+00, v9;
	(erf) = vrcp.f32 v60;
	v60 =	vmul.f32 $1.000000010e-01, v51  }
0x3a5: {  	v4 =	vsub.f32 $1.000000000e+00, v4;
	v16 =	vsub.f32 $1.000000000e+00, v16  }
0x3a6: {  	v59 =	vld [tilespmem:$0x7F0];
	v1 =	vadd.f32 v7, v1;
	(erf) = vpow2.f32 v5;
	v63 =	vadd.f32 v9, v60  }
0x3a7: {  	v51 =	vadd.f32 v58, v61;
	v9 =	vld [tilespmem:$0xA60];
	v60 =	vsub.f32 $0.0e+00, v62  }
0x3a8: {  	v23 =	vmul.f32 $1.000000010e-01, v23;
	v58 =	vld [tilespmem:$0xA70];
	v0 =	vadd.f32 v63, v0;
	v63 =	vsub.f32 $1.000000000e+00, v52  }
0x3a9: {  	v48 =	vadd.f32 v48, v48;
	v61 =	vadd.f32 v54, v54  }
0x3aa: {  	v1 =	vmul.f32 $5.000000070e-02, v1;
	v54 =	vadd.f32 v23, v60;
	v23 =	vmul.f32 $1.000000010e-01, v63  }
0x3ab: {  	v48 =	vsub.f32 $1.000000000e+00, v48;
	v7 =	vsub.f32 $1.000000000e+00, v61;
	v0 =	vmul.f32 $5.000000070e-02, v0  }
0x3ac: {  	v5 =	vadd.f32 v1, v2;
	v2 =	vld [tilespmem:$0xE50];
	v60 =	vsub.f32 $0.0e+00, v9  }
0x3ad: {  	v59 =	vadd.f32 v59, v59;
	v52 =	vmul.f32 $1.000000010e-01, v54;
	v63 =	vsub.f32 $0.0e+00, v58  }
0x3ae: {  	v61 =	vmul.f32 $1.000000010e-01, v7;
	v1 =	vadd.f32 v0, v3;
	v57 =	vadd.f32 v23, v60;
	v23 =	vpop (erf)  }
0x3af: {  	v52 =	vadd.f32 v52, v62;
	v3 =	vadd.f32 v10, v10;
	v10 =	vld [tilespmem:$0xE60];
	v0 =	vpop (erf)  }
0x3b0: {  	v7 =	vadd.f32 v61, v63;
	v61 =	vmul.f32 $1.000000010e-01, v57;
	v60 =	vadd.f32 $1.000000000e+00, v0  }
0x3b1: {  	v11 =	vadd.f32 v11, v11;
	v59 =	vmul.f32 $1.442695020e+00, v59;
	v52 =	vadd.f32 v52, v2  }
0x3b2: {  	v3 =	vsub.f32 $1.000000000e+00, v3;
	(erf) = vrcp.f32 v60;
	v60 =	vadd.f32 v61, v9;
	v61 =	vld [tilespmem:$0xE70]  }
0x3b3: {  	v11 =	vsub.f32 $1.000000000e+00, v11;
	v63 =	vmul.f32 $1.000000010e-01, v7;
	(erf) = vpow2.f32 v59  }
0x3b4: {  	v52 =	vsub.f32 $0.0e+00, v52;
	v3 =	vmul.f32 $1.000000010e-01, v3;
	v0 =	vld [tilespmem:$0xA80];
	v60 =	vadd.f32 v60, v10  }
0x3b5: {  	v12 =	vadd.f32 v12, v12;
	v63 =	vadd.f32 v63, v58  }
0x3b6: {  	v4 =	vmul.f32 $1.000000010e-01, v4;
	v3 =	vadd.f32 v52, v3;
	v60 =	vsub.f32 $0.0e+00, v60  }
0x3b7: {  	v48 =	vmul.f32 $1.000000010e-01, v48;
	v12 =	vsub.f32 $1.000000000e+00, v12;
	v52 =	vadd.f32 v63, v61  }
0x3b8: {  	v3 =	vadd.f32 v3, v54;
	v54 =	vld [tilespmem:$0x400];
	v4 =	vadd.f32 v60, v4  }
0x3b9: {  	v16 =	vmul.f32 $1.000000010e-01, v16;
	v60 =	vsub.f32 $0.0e+00, v0;
	v59 =	vsub.f32 $0.0e+00, v52  }
0x3ba: {  	v63 =	vadd.f32 v4, v57;
	v4 =	vadd.f32 v5, v56;
	v5 =	vmul.f32 $5.000000070e-02, v3  }
0x3bb: {  	v57 =	vadd.f32 v48, v60;
	v3 =	vadd.f32 v1, v55;
	v48 =	vpop (erf)  }
0x3bc: {  	v55 =	vld [tilespmem:$0xE80];
	v60 =	vmul.f32 $5.000000070e-02, v63;
	v63 =	vadd.f32 v59, v16;
	v5 =	vadd.f32 v5, v62;
	v62 =	vpop (erf)  }
0x3bd: {  	v52 =	vld [tilespmem:$0xA90];
	v54 =	vadd.f32 v54, v54;
	v59 =	vmul.f32 $1.000000010e-01, v57;
	v16 =	vadd.f32 $1.000000000e+00, v62  }
0x3be: {  	v56 =	vld [tilespmem:$0xAA0];
	v9 =	vadd.f32 v60, v9;
	v1 =	vadd.f32 v63, v7  }
0x3bf: {  	v11 =	vmul.f32 $1.000000010e-01, v11;
	v60 =	vadd.f32 v59, v0;
	v63 =	vadd.f32 v50, v50  }
0x3c0: {  	v12 =	vmul.f32 $1.000000010e-01, v12;
	v27 =	vadd.f32 v27, v27;
	v59 =	vmul.f32 $1.442695020e+00, v54  }
0x3c1: {  	(erf) = vrcp.f32 v16;
	v7 =	vadd.f32 v60, v55;
	v16 =	vsub.f32 $1.000000000e+00, v63  }
0x3c2: {  	v1 =	vmul.f32 $5.000000070e-02, v1;
	(erf) = vpow2.f32 v59;
	v60 =	vsub.f32 $0.0e+00, v52  }
0x3c3: {  	v62 =	vsub.f32 $0.0e+00, v56;
	v7 =	vsub.f32 $0.0e+00, v7;
	v16 =	vmul.f32 $1.000000010e-01, v16  }
0x3c4: {  	v1 =	vadd.f32 v1, v58;
	v50 =	vadd.f32 v12, v60  }
0x3c5: {  	v58 =	vld [tilespmem:$0xE90];
	v7 =	vadd.f32 v7, v11;
	v54 =	vadd.f32 v16, v62  }
0x3c6: {  	v60 =	vld [tilespmem:$0x800];
	v16 =	vadd.f32 v5, v2;
	v11 =	vadd.f32 v9, v10  }
0x3c7: {  	v63 =	vmul.f32 $1.000000010e-01, v50;
	v5 =	vld [tilespmem:$0xEA0];
	v12 =	vadd.f32 v1, v61;
	v61 =	vadd.f32 v26, v26  }
0x3c8: {  	v62 =	vadd.f32 v49, v49;
	v1 =	vadd.f32 v7, v57;
	v59 =	vmul.f32 $1.000000010e-01, v54  }
0x3c9: {  	v2 =	vadd.f32 v63, v52;
	v10 =	vsub.f32 $1.000000000e+00, v61  }
0x3ca: {  	v26 =	vsub.f32 $1.000000000e+00, v62;
	v7 =	vadd.f32 v59, v56;
	v49 =	vpop (erf)  }
0x3cb: {  	v9 =	vadd.f32 v60, v60;
	v2 =	vadd.f32 v2, v58;
	v63 =	vpop (erf)  }
0x3cc: {  	v7 =	vadd.f32 v7, v5;
	v57 =	vadd.f32 $1.000000000e+00, v63  }
0x3cd: {  	v10 =	vmul.f32 $1.000000010e-01, v10;
	v9 =	vmul.f32 $1.442695020e+00, v9;
	v2 =	vsub.f32 $0.0e+00, v2  }
0x3ce: {  	v26 =	vmul.f32 $1.000000010e-01, v26;
	v59 =	vld [tilespmem:$0xAB0];
	v7 =	vsub.f32 $0.0e+00, v7;
	(erf) = vrcp.f32 v57  }
0x3cf: {  	v1 =	vmul.f32 $5.000000070e-02, v1;
	v2 =	vadd.f32 v2, v10;
	(erf) = vpow2.f32 v9  }
0x3d0: {  	v27 =	vsub.f32 $1.000000000e+00, v27;
	v61 =	vld [tilespmem:$0x410];
	v7 =	vadd.f32 v7, v26  }
0x3d1: {  	v0 =	vadd.f32 v1, v0;
	v2 =	vadd.f32 v2, v50  }
0x3d2: {  	v9 =	vld [tilespmem:$0xAC0];
	v7 =	vadd.f32 v7, v54;
	v54 =	vadd.f32 v29, v29  }
0x3d3: {  	v50 =	vsub.f32 $0.0e+00, v59;
	v26 =	vadd.f32 v0, v55;
	v55 =	vmul.f32 $5.000000070e-02, v2  }
0x3d4: {  	v1 =	vmul.f32 $1.000000010e-01, v27;
	v57 =	vmul.f32 $5.000000070e-02, v7;
	v60 =	vsub.f32 $1.000000000e+00, v54  }
0x3d5: {  	v10 =	vadd.f32 v61, v61;
	v0 =	vadd.f32 v55, v52  }
0x3d6: {  	v1 =	vadd.f32 v1, v50;
	v2 =	vadd.f32 v57, v56  }
0x3d7: {  	v52 =	vld [tilespmem:$0xEB0];
	v63 =	vsub.f32 $0.0e+00, v9;
	v7 =	vmul.f32 $1.000000010e-01, v60;
	v29 =	vadd.f32 v0, v58;
	v50 =	vpop (erf)  }
0x3d8: {  	v62 =	vmul.f32 $1.000000010e-01, v1;
	v58 =	vadd.f32 v44, v44;
	v27 =	vadd.f32 v2, v5;
	v60 =	vpop (erf)  }
0x3d9: {  	v55 =	vld [tilespmem:$0xAD0];
	v2 =	vadd.f32 v7, v63;
	v44 =	vadd.f32 $1.000000000e+00, v60  }
0x3da: {  	v45 =	vadd.f32 v45, v45;
	v10 =	vmul.f32 $1.442695020e+00, v10;
	v57 =	vadd.f32 v62, v59;
	v7 =	vld [tilespmem:$0xEC0]  }
0x3db: {  	v46 =	vadd.f32 v46, v46;
	v54 =	vmul.f32 $1.000000010e-01, v2;
	(erf) = vrcp.f32 v44  }
0x3dc: {  	v5 =	vsub.f32 $1.000000000e+00, v58;
	v0 =	vadd.f32 v57, v52;
	(erf) = vpow2.f32 v10  }
0x3dd: {  	v61 =	vsub.f32 $1.000000000e+00, v46;
	v54 =	vadd.f32 v54, v9  }
0x3de: {  	v45 =	vsub.f32 $1.000000000e+00, v45;
	v57 =	vld [tilespmem:$0x810];
	v5 =	vmul.f32 $1.000000010e-01, v5;
	v0 =	vsub.f32 $0.0e+00, v0  }
0x3df: {  	v63 =	vsub.f32 $0.0e+00, v55;
	v44 =	vmul.f32 $1.000000010e-01, v61;
	v62 =	vadd.f32 v54, v7;
	v54 =	vld [tilespmem:$0xAE0]  }
0x3e0: {  	v47 =	vadd.f32 v47, v47;
	v0 =	vadd.f32 v0, v5  }
0x3e1: {  	v45 =	vmul.f32 $1.000000010e-01, v45;
	v5 =	vadd.f32 v44, v63;
	v10 =	vsub.f32 $0.0e+00, v62  }
0x3e2: {  	v43 =	vadd.f32 v43, v43;
	v58 =	vsub.f32 $1.000000000e+00, v47  }
0x3e3: {  	v46 =	vadd.f32 v57, v57;
	v60 =	vmul.f32 $1.000000010e-01, v5;
	v10 =	vadd.f32 v10, v45;
	v45 =	vld [tilespmem:$0xED0]  }
0x3e4: {  	v47 =	vmul.f32 $1.000000010e-01, v58;
	v0 =	vadd.f32 v0, v1;
	v61 =	vsub.f32 $0.0e+00, v54;
	v44 =	vpop (erf)  }
0x3e5: {  	v1 =	vadd.f32 v60, v55;
	v2 =	vadd.f32 v10, v2;
	v62 =	vpop (erf)  }
0x3e6: {  	v10 =	vadd.f32 v47, v61;
	v47 =	vadd.f32 $1.000000000e+00, v62  }
0x3e7: {  	v46 =	vmul.f32 $1.442695020e+00, v46  }
0x3e8: {  	v43 =	vsub.f32 $1.000000000e+00, v43;
	v1 =	vadd.f32 v1, v45;
	(erf) = vrcp.f32 v47  }
0x3e9: {  	v0 =	vmul.f32 $5.000000070e-02, v0;
	(erf) = vpow2.f32 v46  }
0x3ea: {  	v63 =	vmul.f32 $1.000000010e-01, v43;
	v57 =	vld [tilespmem:$0xEE0];
	v1 =	vsub.f32 $0.0e+00, v1  }
0x3eb: {  	v40 =	vadd.f32 v40, v40;
	v0 =	vadd.f32 v0, v59;
	v60 =	vmul.f32 $1.000000010e-01, v10  }
0x3ec: {  	v41 =	vadd.f32 v41, v41;
	v2 =	vmul.f32 $5.000000070e-02, v2;
	v1 =	vadd.f32 v1, v63  }
0x3ed: {  	v43 =	vadd.f32 v0, v52;
	v52 =	vld [tilespmem:$0x420];
	v62 =	vadd.f32 v60, v54  }
0x3ee: {  	v61 =	vadd.f32 v2, v9;
	v9 =	vld [tilespmem:$0xAF0];
	v1 =	vadd.f32 v1, v5  }
0x3ef: {  	v41 =	vsub.f32 $1.000000000e+00, v41;
	v2 =	vadd.f32 v62, v57  }
0x3f0: {  	v63 =	vsub.f32 $1.000000000e+00, v40;
	v40 =	vadd.f32 v61, v7;
	v56 =	vmul.f32 $5.000000070e-02, v1  }
0x3f1: {  	v62 =	vadd.f32 v42, v42;
	v58 =	vsub.f32 $0.0e+00, v2;
	v42 =	vpop (erf)  }
0x3f2: {  	v59 =	vmul.f32 $1.000000010e-01, v63;
	v0 =	vadd.f32 v56, v55;
	v56 =	vadd.f32 v52, v52;
	v55 =	vpop (erf)  }
0x3f3: {  	v47 =	vld [tilespmem:$0xB00];
	v61 =	vmul.f32 $1.000000010e-01, v41;
	v60 =	vsub.f32 $0.0e+00, v9;
	v7 =	vadd.f32 $1.000000000e+00, v55  }
0x3f4: {  	v35 =	vadd.f32 v35, v35;
	v1 =	vadd.f32 v58, v59;
	v41 =	vmul.f32 $1.442695020e+00, v56  }
0x3f5: {  	v33 =	vadd.f32 v33, v33;
	v2 =	vadd.f32 v61, v60;
	(erf) = vrcp.f32 v7  }
0x3f6: {  	v63 =	vsub.f32 $1.000000000e+00, v62;
	v1 =	vadd.f32 v1, v10;
	v10 =	vld [tilespmem:$0xEF0];
	(erf) = vpow2.f32 v41  }
0x3f7: {  	v35 =	vsub.f32 $1.000000000e+00, v35;
	v38 =	vadd.f32 v38, v38;
	v58 =	vmul.f32 $1.000000010e-01, v2  }
0x3f8: {  	v33 =	vsub.f32 $1.000000000e+00, v33;
	v59 =	vsub.f32 $0.0e+00, v47;
	v5 =	vmul.f32 $1.000000010e-01, v63  }
0x3f9: {  	v38 =	vsub.f32 $1.000000000e+00, v38;
	v52 =	vld [tilespmem:$0xB10];
	v46 =	vadd.f32 v58, v9  }
0x3fa: {  	v60 =	vadd.f32 v34, v34;
	v5 =	vadd.f32 v5, v59;
	v1 =	vmul.f32 $5.000000070e-02, v1;
	v58 =	vld [tilespmem:$0x820]  }
0x3fb: {  	v55 =	vadd.f32 v39, v39;
	v62 =	vadd.f32 v46, v10  }
0x3fc: {  	v34 =	vadd.f32 v0, v45;
	v61 =	vadd.f32 v1, v54  }
0x3fd: {  	v35 =	vmul.f32 $1.000000010e-01, v35;
	v1 =	vld [tilespmem:$0xF00];
	v7 =	vsub.f32 $1.000000000e+00, v60;
	v0 =	vsub.f32 $1.000000000e+00, v55  }
0x3fe: {  	v63 =	vmul.f32 $1.000000010e-01, v5;
	v60 =	vsub.f32 $0.0e+00, v52;
	v41 =	vadd.f32 v61, v57;
	v39 =	vpop (erf)  }
0x3ff: {  	v0 =	vmul.f32 $1.000000010e-01, v0;
	v56 =	vsub.f32 $0.0e+00, v62;
	v46 =	vadd.f32 v58, v58;
	v62 =	vpop (erf)  }
0x400: {  	v7 =	vmul.f32 $1.000000010e-01, v7;
	v57 =	vadd.f32 v63, v47;
	v54 =	vadd.f32 $1.000000000e+00, v62  }
0x401: {  	v24 =	vadd.f32 v24, v24;
	v0 =	vadd.f32 v0, v60;
	v46 =	vmul.f32 $1.442695020e+00, v46  }
0x402: {  	v45 =	vld [tilespmem:$0xB20];
	v7 =	vadd.f32 v56, v7;
	v59 =	vadd.f32 v57, v1;
	(erf) = vrcp.f32 v54  }
0x403: {  	v24 =	vsub.f32 $1.000000000e+00, v24;
	v36 =	vadd.f32 v36, v36;
	v55 =	vld [tilespmem:$0xF10];
	(erf) = vpow2.f32 v46  }
0x404: {  	v63 =	vmul.f32 $1.000000010e-01, v0;
	v2 =	vadd.f32 v7, v2;
	v61 =	vsub.f32 $0.0e+00, v59  }
0x405: {  	v36 =	vsub.f32 $1.000000000e+00, v36;
	v28 =	vadd.f32 v28, v28  }
0x406: {  	v7 =	vadd.f32 v61, v35;
	v2 =	vmul.f32 $5.000000070e-02, v2;
	v35 =	vadd.f32 v63, v52  }
0x407: {  	v38 =	vmul.f32 $1.000000010e-01, v38;
	v37 =	vadd.f32 v37, v37;
	v56 =	vsub.f32 $0.0e+00, v45;
	v61 =	vld [tilespmem:$0x430]  }
0x408: {  	v35 =	vadd.f32 v35, v55;
	v2 =	vadd.f32 v2, v9;
	v9 =	vld [tilespmem:$0xB30]  }
0x409: {  	v5 =	vadd.f32 v7, v5;
	v7 =	vadd.f32 v38, v56  }
0x40a: {  	v57 =	vmul.f32 $1.000000010e-01, v33;
	v35 =	vsub.f32 $0.0e+00, v35;
	v33 =	vadd.f32 v2, v10;
	v10 =	vld [tilespmem:$0xB40]  }
0x40b: {  	v37 =	vsub.f32 $1.000000000e+00, v37;
	v5 =	vmul.f32 $5.000000070e-02, v5;
	v54 =	vmul.f32 $1.000000010e-01, v36;
	v36 =	vpop (erf)  }
0x40c: {  	v59 =	vmul.f32 $1.000000010e-01, v7;
	v38 =	vadd.f32 v61, v61;
	v60 =	vadd.f32 v35, v57;
	v56 =	vpop (erf)  }
0x40d: {  	v37 =	vmul.f32 $1.000000010e-01, v37;
	v63 =	vsub.f32 $0.0e+00, v9;
	v57 =	vadd.f32 $1.000000000e+00, v56  }
0x40e: {  	v58 =	vadd.f32 v5, v47;
	v62 =	vadd.f32 v59, v45;
	v38 =	vmul.f32 $1.442695020e+00, v38  }
0x40f: {  	v46 =	vld [tilespmem:$0xF20];
	v2 =	vadd.f32 v54, v63;
	v59 =	vsub.f32 $0.0e+00, v10;
	(erf) = vrcp.f32 v57  }
0x410: {  	v31 =	vadd.f32 v31, v31;
	v47 =	vld [tilespmem:$0xF30];
	v0 =	vadd.f32 v60, v0;
	(erf) = vpow2.f32 v38  }
0x411: {  	v35 =	vadd.f32 v58, v1;
	v58 =	vmul.f32 $1.000000010e-01, v2;
	v5 =	vadd.f32 v37, v59  }
0x412: {  	v28 =	vsub.f32 $1.000000000e+00, v28;
	v31 =	vsub.f32 $1.000000000e+00, v31;
	v0 =	vmul.f32 $5.000000070e-02, v0;
	v38 =	vld [tilespmem:$0xF40]  }
0x413: {  	v18 =	vadd.f32 v18, v18;
	v54 =	vadd.f32 v58, v9;
	v61 =	vmul.f32 $1.000000010e-01, v5  }
0x414: {  	v1 =	vadd.f32 v62, v46;
	v62 =	vld [tilespmem:$0x830];
	v0 =	vadd.f32 v0, v52  }
0x415: {  	v60 =	vadd.f32 v54, v47;
	v52 =	vadd.f32 v61, v10  }
0x416: {  	v24 =	vmul.f32 $1.000000010e-01, v24;
	v18 =	vsub.f32 $1.000000000e+00, v18;
	v1 =	vsub.f32 $0.0e+00, v1  }
0x417: {  	v28 =	vmul.f32 $1.000000010e-01, v28;
	v14 =	vadd.f32 v14, v14;
	v56 =	vadd.f32 v52, v38  }
0x418: {  	v59 =	vmul.f32 $1.000000010e-01, v31;
	v1 =	vadd.f32 v1, v24;
	v37 =	vsub.f32 $0.0e+00, v60;
	v31 =	vpop (erf)  }
0x419: {  	v61 =	vadd.f32 v62, v62;
	v58 =	vsub.f32 $0.0e+00, v56;
	v60 =	vpop (erf)  }
0x41a: {  	v63 =	vadd.f32 v37, v28;
	v37 =	vld [tilespmem:$0xB50];
	v62 =	vadd.f32 $1.000000000e+00, v60  }
0x41b: {  	v57 =	vadd.f32 v32, v32;
	v52 =	vmul.f32 $1.442695020e+00, v61;
	v24 =	vadd.f32 v58, v59  }
0x41c: {  	v30 =	vadd.f32 v30, v30;
	v1 =	vadd.f32 v1, v7;
	(erf) = vrcp.f32 v62  }
0x41d: {  	v7 =	vsub.f32 $1.000000000e+00, v57;
	v5 =	vadd.f32 v24, v5;
	(erf) = vpow2.f32 v52  }
0x41e: {  	v30 =	vsub.f32 $1.000000000e+00, v30;
	v2 =	vadd.f32 v63, v2  }
0x41f: {  	v7 =	vmul.f32 $1.000000010e-01, v7;
	v63 =	vsub.f32 $0.0e+00, v37;
	v52 =	vmul.f32 $5.000000070e-02, v5  }
0x420: {  	v19 =	vadd.f32 v19, v19;
	v1 =	vmul.f32 $5.000000070e-02, v1;
	v28 =	vadd.f32 v0, v55;
	v57 =	vld [tilespmem:$0x440]  }
0x421: {  	v7 =	vadd.f32 v7, v63;
	v0 =	vadd.f32 v52, v10;
	v10 =	vld [tilespmem:$0xB70]  }
0x422: {  	v14 =	vsub.f32 $1.000000000e+00, v14;
	v1 =	vadd.f32 v1, v45;
	v2 =	vmul.f32 $5.000000070e-02, v2;
	v5 =	vld [tilespmem:$0xF50]  }
0x423: {  	v19 =	vsub.f32 $1.000000000e+00, v19;
	v54 =	vadd.f32 v25, v25;
	v55 =	vmul.f32 $1.000000010e-01, v7  }
0x424: {  	v25 =	vadd.f32 v1, v46;
	v2 =	vadd.f32 v2, v9;
	v9 =	vld [tilespmem:$0xB60]  }
0x425: {  	v32 =	vadd.f32 v57, v57;
	v60 =	vmul.f32 $1.000000010e-01, v30;
	v1 =	vadd.f32 v55, v37;
	v30 =	vpop (erf)  }
0x426: {  	v18 =	vmul.f32 $1.000000010e-01, v18;
	v56 =	vsub.f32 $1.000000000e+00, v54;
	v59 =	vsub.f32 $0.0e+00, v10;
	v62 =	vpop (erf)  }
0x427: {  	v32 =	vmul.f32 $1.442695020e+00, v32;
	v1 =	vadd.f32 v1, v5;
	v63 =	vadd.f32 $1.000000000e+00, v62  }
0x428: {  	v24 =	vadd.f32 v2, v47;
	v2 =	vmul.f32 $1.000000010e-01, v56;
	v46 =	vadd.f32 v60, v59  }
0x429: {  	v54 =	vld [tilespmem:$0xF70];
	v58 =	vsub.f32 $0.0e+00, v9;
	v1 =	vsub.f32 $0.0e+00, v1;
	(erf) = vrcp.f32 v63  }
0x42a: {  	v21 =	vadd.f32 v21, v21;
	v56 =	vmul.f32 $1.000000010e-01, v46;
	(erf) = vpow2.f32 v32  }
0x42b: {  	v2 =	vadd.f32 v2, v58;
	v1 =	vadd.f32 v1, v18  }
0x42c: {  	v45 =	vld [tilespmem:$0xF60];
	v18 =	vadd.f32 v0, v38;
	v0 =	vadd.f32 v56, v10  }
0x42d: {  	v21 =	vsub.f32 $1.000000000e+00, v21;
	v20 =	vadd.f32 v20, v20;
	v61 =	vmul.f32 $1.000000010e-01, v2;
	v32 =	vld [tilespmem:$0xB80]  }
0x42e: {  	v19 =	vmul.f32 $1.000000010e-01, v19;
	v13 =	vadd.f32 v13, v13;
	v58 =	vld [tilespmem:$0x840];
	v0 =	vadd.f32 v0, v54  }
0x42f: {  	v20 =	vsub.f32 $1.000000000e+00, v20;
	v52 =	vadd.f32 v61, v9  }
0x430: {  	v17 =	vadd.f32 v17, v17;
	v0 =	vsub.f32 $0.0e+00, v0  }
0x431: {  	v57 =	vadd.f32 v52, v45;
	v1 =	vadd.f32 v1, v7  }
0x432: {  	v21 =	vmul.f32 $1.000000010e-01, v21;
	v59 =	vsub.f32 $0.0e+00, v32;
	v0 =	vadd.f32 v0, v19;
	v19 =	vpop (erf)  }
0x433: {  	v38 =	vadd.f32 v58, v58;
	v7 =	vsub.f32 $0.0e+00, v57;
	v1 =	vmul.f32 $5.000000070e-02, v1;
	v61 =	vpop (erf)  }
0x434: {  	v14 =	vmul.f32 $1.000000010e-01, v14;
	v60 =	vadd.f32 v21, v59;
	v21 =	vld [tilespmem:$0xB90];
	v47 =	vadd.f32 $1.000000000e+00, v61  }
0x435: {  	v15 =	vadd.f32 v15, v15;
	v38 =	vmul.f32 $1.442695020e+00, v38;
	v1 =	vadd.f32 v1, v37;
	v37 =	vld [tilespmem:$0xF80]  }
0x436: {  	v7 =	vadd.f32 v7, v14;
	v62 =	vmul.f32 $1.000000010e-01, v60;
	(erf) = vrcp.f32 v47  }
0x437: {  	v15 =	vsub.f32 $1.000000000e+00, v15;
	v8 =	vadd.f32 v8, v8;
	v57 =	vld [tilespmem:$0x450];
	(erf) = vpow2.f32 v38  }
0x438: {  	v2 =	vadd.f32 v7, v2;
	v59 =	vld [tilespmem:$0x1FFB0];
	v7 =	vadd.f32 v62, v32  }
0x439: {  	v58 =	vsub.f32 $1.000000000e+00, v17;
	v63 =	vsub.f32 $0.0e+00, v21  }
0x43a: {  	v20 =	vmul.f32 $1.000000010e-01, v20;
	v47 =	vsub.f32 $1.000000000e+00, v13;
	v7 =	vadd.f32 v7, v37  }
0x43b: {  	v52 =	vmul.f32 $5.000000070e-02, v2;
	v0 =	vadd.f32 v0, v46;
	v13 =	vadd.f32 v1, v5  }
0x43c: {  	v38 =	vld [tilespmem:$0xBA0];
	v5 =	vadd.f32 v20, v63;
	v55 =	vmul.f32 $1.000000010e-01, v47;
	v7 =	vsub.f32 $0.0e+00, v7  }
0x43d: {  	v2 =	vld [tilespmem:$0xF90];
	v46 =	vadd.f32 v57, v57;
	v0 =	vmul.f32 $5.000000070e-02, v0;
	v14 =	vadd.f32 v59, v59  }
0x43e: {  	v1 =	vadd.f32 v52, v9;
	v56 =	vmul.f32 $1.000000010e-01, v5;
	v7 =	vadd.f32 v7, v55  }
0x43f: {  	v0 =	vadd.f32 v0, v10;
	v14 =	vsub.f32 $1.000000000e+00, v14;
	v17 =	vpop (erf)  }
0x440: {  	v9 =	vadd.f32 v56, v21;
	v7 =	vadd.f32 v7, v60;
	v61 =	vpop (erf)  }
0x441: {  	v10 =	vmul.f32 $1.000000010e-01, v58;
	v60 =	vsub.f32 $0.0e+00, v38;
	v62 =	vadd.f32 $1.000000000e+00, v61  }
0x442: {  	v46 =	vmul.f32 $1.442695020e+00, v46;
	v63 =	vmul.f32 $1.000000010e-01, v14;
	v55 =	vld [tilespmem:$0x1FFD0];
	v9 =	vadd.f32 v9, v2  }
0x443: {  	v52 =	vld [tilespmem:$0xFA0];
	v7 =	vmul.f32 $5.000000070e-02, v7;
	v20 =	vadd.f32 v10, v60;
	(erf) = vrcp.f32 v62  }
0x444: {  	v10 =	vadd.f32 v0, v54;
	v54 =	vld [tilespmem:$0x1FFC0];
	v9 =	vsub.f32 $0.0e+00, v9;
	(erf) = vpow2.f32 v46  }
0x445: {  	v6 =	vadd.f32 v6, v6;
	v14 =	vadd.f32 v1, v45;
	v56 =	vld [tilespmem:$0x850];
	v45 =	vmul.f32 $1.000000010e-01, v20  }
0x446: {  	v7 =	vadd.f32 v7, v32;
	v32 =	vld [tilespmem:$0xBB0];
	v47 =	vadd.f32 v9, v63  }
0x447: {  	v9 =	vadd.f32 v55, v55;
	v1 =	vadd.f32 v45, v38  }
0x448: {  	v7 =	vadd.f32 v7, v37;
	v0 =	vadd.f32 v47, v5  }
0x449: {  	v45 =	vld [tilespmem:$0xBC0];
	v5 =	vadd.f32 v54, v54;
	v9 =	vsub.f32 $1.000000000e+00, v9  }
0x44a: {  	v55 =	vld [tilespmem:$0x1FFE0];
	v46 =	vadd.f32 v56, v56;
	v1 =	vadd.f32 v1, v52  }
0x44b: {  	v0 =	vmul.f32 $5.000000070e-02, v0;
	v57 =	vsub.f32 $0.0e+00, v32;
	v9 =	vmul.f32 $1.000000010e-01, v9  }
0x44c: {  	v59 =	vmul.f32 $1.000000010e-01, v15;
	v5 =	vsub.f32 $1.000000000e+00, v5;
	v1 =	vsub.f32 $0.0e+00, v1;
	v15 =	vpop (erf)  }
0x44d: {  	v0 =	vadd.f32 v0, v21;
	v21 =	vadd.f32 v9, v57;
	v60 =	vpop (erf)  }
0x44e: {  	v47 =	vld [tilespmem:$0xFB0];
	v5 =	vmul.f32 $1.000000010e-01, v5;
	v58 =	vsub.f32 $0.0e+00, v45;
	v61 =	vadd.f32 $1.000000000e+00, v60  }
0x44f: {  	v63 =	vmul.f32 $1.442695020e+00, v46;
	v37 =	vadd.f32 v55, v55;
	v62 =	vmul.f32 $1.000000010e-01, v21  }
0x450: {  	v1 =	vadd.f32 v1, v5;
	v5 =	vadd.f32 v59, v58;
	(erf) = vrcp.f32 v61  }
0x451: {  	v57 =	vld [tilespmem:$0x1FFF0];
	v9 =	vadd.f32 v0, v2;
	v0 =	vadd.f32 v62, v32;
	(erf) = vpow2.f32 v63  }
0x452: {  	v8 =	vsub.f32 $1.000000000e+00, v8;
	v6 =	vsub.f32 $1.000000000e+00, v6  }
0x453: {  	v54 =	vld [tilespmem:$0xFC0];
	v37 =	vsub.f32 $1.000000000e+00, v37;
	v46 =	vmul.f32 $1.000000010e-01, v5;
	v0 =	vadd.f32 v0, v47  }
0x454: {  	v22 =	vadd.f32 v22, v22;
	v23 =	vadd.f32 v23, v23;
	v58 =	vld [tilespmem:$0x460]  }
0x455: {  	v37 =	vmul.f32 $1.000000010e-01, v37;
	v56 =	vadd.f32 v46, v45;
	v46 =	vld [tilespmem:$0xBD0];
	v0 =	vsub.f32 $0.0e+00, v0  }
0x456: {  	v1 =	vadd.f32 v1, v20;
	v20 =	vadd.f32 v57, v57  }
0x457: {  	v23 =	vsub.f32 $1.000000000e+00, v23;
	v0 =	vadd.f32 v0, v37  }
0x458: {  	v20 =	vsub.f32 $1.000000000e+00, v20;
	v2 =	vadd.f32 v56, v54  }
0x459: {  	v8 =	vmul.f32 $1.000000010e-01, v8;
	v61 =	vadd.f32 v58, v58;
	v0 =	vadd.f32 v0, v21;
	v21 =	vpop (erf)  }
0x45a: {  	v20 =	vmul.f32 $1.000000010e-01, v20;
	v2 =	vsub.f32 $0.0e+00, v2;
	v59 =	vsub.f32 $0.0e+00, v46;
	v60 =	vpop (erf)  }
0x45b: {  	v50 =	vadd.f32 v50, v50;
	v1 =	vmul.f32 $5.000000070e-02, v1;
	v62 =	vadd.f32 $1.000000000e+00, v60  }
0x45c: {  	v56 =	vmul.f32 $1.442695020e+00, v61;
	v2 =	vadd.f32 v2, v20;
	v20 =	vadd.f32 v8, v59  }
0x45d: {  	v44 =	vadd.f32 v44, v44;
	v1 =	vadd.f32 v1, v38;
	v38 =	vld [tilespmem:$0xFD0];
	(erf) = vrcp.f32 v62  }
0x45e: {  	v5 =	vadd.f32 v2, v5;
	v57 =	vmul.f32 $1.000000010e-01, v20;
	(erf) = vpow2.f32 v56  }
0x45f: {  	v44 =	vsub.f32 $1.000000000e+00, v44;
	v2 =	vadd.f32 v1, v52;
	v52 =	vld [tilespmem:$0xBE0]  }
0x460: {  	v59 =	vsub.f32 $1.000000000e+00, v22;
	v22 =	vld [tilespmem:$0xBF0];
	v63 =	vmul.f32 $5.000000070e-02, v5;
	v58 =	vadd.f32 v57, v46  }
0x461: {  	v42 =	vadd.f32 v42, v42;
	v0 =	vmul.f32 $5.000000070e-02, v0;
	v60 =	vadd.f32 v48, v48  }
0x462: {  	v8 =	vmul.f32 $1.000000010e-01, v59;
	v1 =	vadd.f32 v63, v45;
	v45 =	vld [tilespmem:$0x860];
	v5 =	vadd.f32 v58, v38  }
0x463: {  	v0 =	vadd.f32 v0, v32;
	v63 =	vmul.f32 $1.000000010e-01, v6;
	v32 =	vsub.f32 $1.000000000e+00, v60  }
0x464: {  	v61 =	vsub.f32 $0.0e+00, v52;
	v62 =	vsub.f32 $0.0e+00, v5  }
0x465: {  	v31 =	vadd.f32 v31, v31;
	v60 =	vsub.f32 $0.0e+00, v22;
	v32 =	vmul.f32 $1.000000010e-01, v32  }
0x466: {  	v37 =	vadd.f32 v8, v61;
	v62 =	vadd.f32 v62, v63;
	v8 =	vpop (erf)  }
0x467: {  	v55 =	vld [tilespmem:$0xFE0];
	v45 =	vadd.f32 v45, v45;
	v32 =	vadd.f32 v32, v60;
	v63 =	vpop (erf)  }
0x468: {  	v6 =	vadd.f32 v0, v47;
	v47 =	vld [tilespmem:$0xFF0];
	v61 =	vmul.f32 $1.000000010e-01, v37;
	v48 =	vadd.f32 $1.000000000e+00, v63  }
0x469: {  	v5 =	vadd.f32 v1, v54;
	v54 =	vld [tilespmem:$0xC00];
	v45 =	vmul.f32 $1.442695020e+00, v45;
	v57 =	vmul.f32 $1.000000010e-01, v32  }
0x46a: {  	v58 =	vadd.f32 v49, v49;
	v0 =	vadd.f32 v61, v52;
	(erf) = vrcp.f32 v48  }
0x46b: {  	v1 =	vadd.f32 v62, v20;
	v20 =	vadd.f32 v57, v22;
	(erf) = vpow2.f32 v45  }
0x46c: {  	v59 =	vsub.f32 $1.000000000e+00, v50;
	v60 =	vsub.f32 $1.000000000e+00, v58  }
0x46d: {  	v23 =	vmul.f32 $1.000000010e-01, v23;
	v0 =	vadd.f32 v0, v55;
	v20 =	vadd.f32 v20, v47  }
0x46e: {  	v31 =	vsub.f32 $1.000000000e+00, v31;
	v50 =	vld [tilespmem:$0xC10];
	v49 =	vmul.f32 $1.000000010e-01, v59;
	v61 =	vsub.f32 $0.0e+00, v54  }
0x46f: {  	v0 =	vsub.f32 $0.0e+00, v0;
	v63 =	vld [tilespmem:$0x470];
	v20 =	vsub.f32 $0.0e+00, v20;
	v45 =	vmul.f32 $1.000000010e-01, v60  }
0x470: {  	v62 =	vsub.f32 $1.000000000e+00, v42;
	v1 =	vmul.f32 $5.000000070e-02, v1;
	v48 =	vadd.f32 v49, v61  }
0x471: {  	v0 =	vadd.f32 v0, v23;
	v20 =	vadd.f32 v20, v45;
	v45 =	vld [tilespmem:$0x1000]  }
0x472: {  	v30 =	vadd.f32 v30, v30;
	v1 =	vadd.f32 v1, v46;
	v56 =	vmul.f32 $1.000000010e-01, v48  }
0x473: {  	v57 =	vsub.f32 $0.0e+00, v50;
	v23 =	vmul.f32 $1.000000010e-01, v62;
	v0 =	vadd.f32 v0, v37;
	v46 =	vpop (erf)  }
0x474: {  	v42 =	vadd.f32 v63, v63;
	v58 =	vadd.f32 v56, v54;
	v59 =	vpop (erf)  }
0x475: {  	v44 =	vmul.f32 $1.000000010e-01, v44;
	v37 =	vadd.f32 v23, v57;
	v23 =	vadd.f32 $1.000000000e+00, v59  }
0x476: {  	v30 =	vsub.f32 $1.000000000e+00, v30;
	v62 =	vmul.f32 $1.442695020e+00, v42;
	v60 =	vadd.f32 v58, v45  }
0x477: {  	v19 =	vadd.f32 v19, v19;
	v17 =	vadd.f32 v17, v17;
	(erf) = vrcp.f32 v23  }
0x478: {  	v15 =	vadd.f32 v15, v15;
	v49 =	vld [tilespmem:$0x1010];
	v63 =	vsub.f32 $0.0e+00, v60;
	(erf) = vpow2.f32 v62  }
0x479: {  	v8 =	vadd.f32 v8, v8;
	v61 =	vmul.f32 $1.000000010e-01, v37;
	v32 =	vadd.f32 v20, v32;
	v20 =	vld [tilespmem:$0xC20]  }
0x47a: {  	v23 =	vadd.f32 v36, v36;
	v62 =	vadd.f32 v63, v44  }
0x47b: {  	v60 =	vadd.f32 v61, v50;
	v61 =	vadd.f32 v39, v39  }
0x47c: {  	v58 =	vld [tilespmem:$0x870];
	v23 =	vsub.f32 $1.000000000e+00, v23;
	v39 =	vadd.f32 v62, v48  }
0x47d: {  	v0 =	vmul.f32 $5.000000070e-02, v0;
	v32 =	vmul.f32 $5.000000070e-02, v32;
	v36 =	vsub.f32 $1.000000000e+00, v61  }
0x47e: {  	v56 =	vsub.f32 $0.0e+00, v20;
	v63 =	vadd.f32 v60, v49;
	v23 =	vmul.f32 $1.000000010e-01, v23  }
0x47f: {  	v0 =	vadd.f32 v0, v52;
	v60 =	vadd.f32 v32, v22;
	v57 =	vmul.f32 $1.000000010e-01, v36  }
0x480: {  	v42 =	vsub.f32 $0.0e+00, v63;
	v59 =	vmul.f32 $5.000000070e-02, v39;
	v44 =	vadd.f32 v23, v56;
	v39 =	vpop (erf)  }
0x481: {  	v32 =	vld [tilespmem:$0xC30];
	v23 =	vadd.f32 v0, v55;
	v56 =	vadd.f32 v58, v58;
	v55 =	vpop (erf)  }
0x482: {  	v22 =	vld [tilespmem:$0x1020];
	v61 =	vadd.f32 v42, v57;
	v42 =	vadd.f32 $1.000000000e+00, v55  }
0x483: {  	v15 =	vsub.f32 $1.000000000e+00, v15;
	v62 =	vmul.f32 $1.000000010e-01, v44;
	v48 =	vmul.f32 $1.442695020e+00, v56  }
0x484: {  	[tilespmem:$0x1280] =	vst v26;
	v26 =	vld [tilespmem:$0xC60];
	v8 =	vsub.f32 $1.000000000e+00, v8;
	v36 =	vadd.f32 v1, v38;
	(erf) = vrcp.f32 v42  }
0x485: {  	v1 =	vadd.f32 v60, v47;
	v63 =	vadd.f32 v62, v20;
	(erf) = vpow2.f32 v48  }
0x486: {  	[tilespmem:$0x1210] =	vst v53;
	v30 =	vmul.f32 $1.000000010e-01, v30;
	v57 =	vsub.f32 $0.0e+00, v32;
	v0 =	vadd.f32 v59, v54  }
0x487: {  	[tilespmem:$0x1220] =	vst v51;
	v37 =	vadd.f32 v61, v37;
	v38 =	vadd.f32 v63, v22  }
0x488: {  	[tilespmem:$0x1230] =	vst v4;
	v31 =	vmul.f32 $1.000000010e-01, v31;
	v61 =	vsub.f32 $1.000000000e+00, v17;
	v30 =	vadd.f32 v30, v57  }
0x489: {  	[tilespmem:$0x1240] =	vst v3;
	v54 =	vsub.f32 $0.0e+00, v26;
	v37 =	vmul.f32 $5.000000070e-02, v37;
	v38 =	vsub.f32 $0.0e+00, v38  }
0x48a: {  	[tilespmem:$0x1250] =	vst v16;
	v0 =	vadd.f32 v0, v45;
	v58 =	vmul.f32 $1.000000010e-01, v30;
	v62 =	vadd.f32 v21, v21;
	v42 =	vld [tilespmem:$0x1030]  }
0x48b: {  	[tilespmem:$0x1260] =	vst v11;
	v37 =	vadd.f32 v37, v50;
	v59 =	vadd.f32 v38, v31;
	v31 =	vld [tilespmem:$0xC50]  }
0x48c: {  	[tilespmem:$0x1270] =	vst v12;
	v45 =	vld [tilespmem:$0xC40];
	v50 =	vadd.f32 v46, v46;
	v60 =	vadd.f32 v58, v32  }
0x48d: {  	[tilespmem:$0x1290] =	vst v29;
	v17 =	vsub.f32 $1.000000000e+00, v62;
	v62 =	vadd.f32 v39, v39;
	v47 =	vpop (erf)  }
0x48e: {  	[tilespmem:$0x12A0] =	vst v27;
	v11 =	vmul.f32 $1.000000010e-01, v61;
	v4 =	vadd.f32 v37, v49;
	v52 =	vsub.f32 $1.000000000e+00, v50;
	v49 =	vpop (erf)  }
0x48f: {  	[tilespmem:$0x12B0] =	vst v43;
	v37 =	vsub.f32 $1.000000000e+00, v19;
	v17 =	vmul.f32 $1.000000010e-01, v17;
	v27 =	vadd.f32 $1.000000000e+00, v49  }
0x490: {  	[tilespmem:$0x12D0] =	vst v34;
	v19 =	vld [tilespmem:$0xC70];
	v34 =	vmul.f32 $1.000000010e-01, v52;
	v63 =	vadd.f32 v60, v42;
	v48 =	vsub.f32 $0.0e+00, v31  }
0x491: {  	[tilespmem:$0x12C0] =	vst v40;
	v38 =	vsub.f32 $0.0e+00, v45;
	v21 =	vadd.f32 v47, v47;
	(erf) = vrcp.f32 v27  }
0x492: {  	[tilespmem:$0x12E0] =	vst v41;
	v16 =	vmul.f32 $1.000000010e-01, v37;
	v12 =	vsub.f32 $0.0e+00, v63;
	v17 =	vadd.f32 v17, v48  }
0x493: {  	[tilespmem:$0x12F0] =	vst v33;
	v55 =	vadd.f32 v34, v54;
	v21 =	vsub.f32 $1.000000000e+00, v21;
	v27 =	vld [tilespmem:$0x1050]  }
0x494: {  	v29 =	vld [tilespmem:$0x1040];
	[tilespmem:$0x1300] =	vst v35;
	v11 =	vadd.f32 v11, v38;
	v12 =	vadd.f32 v12, v16;
	v53 =	vmul.f32 $1.000000010e-01, v17  }
0x495: {  	[tilespmem:$0x1330] =	vst v24;
	v24 =	vld [tilespmem:$0x1060];
	v56 =	vsub.f32 $0.0e+00, v19;
	v58 =	vmul.f32 $1.000000010e-01, v55;
	v21 =	vmul.f32 $1.000000010e-01, v21  }
0x496: {  	[tilespmem:$0x1310] =	vst v28;
	v51 =	vmul.f32 $1.000000010e-01, v11;
	v12 =	vadd.f32 v12, v30;
	v30 =	vadd.f32 v53, v31  }
0x497: {  	[tilespmem:$0x1320] =	vst v25;
	v61 =	vadd.f32 v58, v26;
	v21 =	vadd.f32 v21, v56  }
0x498: {  	[tilespmem:$0x1340] =	vst v18;
	v16 =	vadd.f32 v51, v45;
	v57 =	vadd.f32 v30, v27;
	v30 =	vld [tilespmem:$0x1070]  }
0x499: {  	[tilespmem:$0x1350] =	vst v13;
	v39 =	vsub.f32 $1.000000000e+00, v62;
	v3 =	vadd.f32 v59, v44;
	v60 =	vmul.f32 $1.000000010e-01, v21  }
0x49a: {  	[tilespmem:$0x1360] =	vst v14;
	v14 =	vadd.f32 v61, v24;
	v16 =	vadd.f32 v16, v29;
	v63 =	vpop (erf)  }
0x49b: {  	[tilespmem:$0x1370] =	vst v10;
	v35 =	vadd.f32 v60, v19;
	v37 =	vadd.f32 v63, v63  }
0x49c: {  	[tilespmem:$0x1380] =	vst v7;
	v38 =	vmul.f32 $1.000000010e-01, v15;
	v44 =	vsub.f32 $0.0e+00, v14;
	v16 =	vsub.f32 $0.0e+00, v16  }
0x49d: {  	[tilespmem:$0x1390] =	vst v9;
	v46 =	vmul.f32 $1.000000010e-01, v39;
	v40 =	vadd.f32 v35, v30;
	v41 =	vsub.f32 $1.000000000e+00, v37  }
0x49e: {  	[tilespmem:$0x13A0] =	vst v2;
	v8 =	vmul.f32 $1.000000010e-01, v8;
	v43 =	vadd.f32 v16, v38;
	v59 =	vsub.f32 $0.0e+00, v57  }
0x49f: {  	[tilespmem:$0x13B0] =	vst v6;
	v50 =	vadd.f32 v44, v46;
	v48 =	vsub.f32 $0.0e+00, v40;
	v49 =	vmul.f32 $1.000000010e-01, v41  }
0x4a0: {  	[tilespmem:$0x13C0] =	vst v5;
	v3 =	vmul.f32 $5.000000070e-02, v3;
	v2 =	vadd.f32 v43, v11;
	v47 =	vadd.f32 v59, v8  }
0x4a1: {  	[tilespmem:$0x13D0] =	vst v36;
	v52 =	vmul.f32 $5.000000070e-02, v12;
	v5 =	vadd.f32 v50, v55;
	v51 =	vadd.f32 v48, v49  }
0x4a2: {  	[tilespmem:$0x13F0] =	vst v1;
	v3 =	vadd.f32 v3, v20;
	v2 =	vmul.f32 $5.000000070e-02, v2;
	v6 =	vadd.f32 v47, v17  }
0x4a3: {  	[tilespmem:$0x13E0] =	vst v23;
	v53 =	vadd.f32 v52, v32;
	v55 =	vmul.f32 $5.000000070e-02, v5;
	v7 =	vadd.f32 v51, v21  }
0x4a4: {  	[tilespmem:$0x1400] =	vst v0;
	v54 =	vadd.f32 v3, v22;
	v2 =	vadd.f32 v2, v45;
	v6 =	vmul.f32 $5.000000070e-02, v6  }
0x4a5: {  	[tilespmem:$0x1410] =	vst v4;
	v1 =	vadd.f32 v53, v42;
	v59 =	vadd.f32 v55, v26;
	v57 =	vmul.f32 $5.000000070e-02, v7  }
0x4a6: {  	[tilespmem:$0x1420] =	vst v54;
	v58 =	vadd.f32 v2, v29;
	v56 =	vadd.f32 v6, v31  }
0x4a7: {  	[tilespmem:$0x1430] =	vst v1;
	v62 =	vadd.f32 v59, v24;
	v61 =	vadd.f32 v57, v19  }
0x4a8: {  	[tilespmem:$0x1440] =	vst v58;
	v60 =	vadd.f32 v56, v27  }
0x4a9: {  	[tilespmem:$0x1460] =	vst v62;
	v63 =	vadd.f32 v61, v30  }
0x4aa: {  	p0 =	sne.s32 s7, $0x1;
	[tilespmem:$0x1450] =	vst v60  }
.Ltmp0:
0x4ab: {  	[tilespmem:$0x1470] =	vst v63;
	(pc) =	sbr.rel @p0 .LBB2_1-.Ltmp0, $4  }
0x4ac: {  	[hbm4b:s6+s3] =	stream.linear.scatter [tilespmem:s14], [sflag:$0x1], $0x400, $0x38;
	[tilespmem:$0x1480] =	vst v63  }
0x4ad: {  	_ =	swait.ge [sflag:s8], $0x400  }
0x4ae: {  	[sflag:s8] =	ssyncset.done $0x0  }
0x4af: {  	s7 =	sadd.s32 $0xFFFFFFFF, s7;
	[sflag:s8] =	ssyncadd.s32 $0xFFFFFC00  }
0x4b0: {  	_ =	sfence.sel $0x180000  }
0x4b1: {  	[bflag:$0x0] =	sbarrier.arrive $0xFFFF  }
0x4b2: {  	p0 =	sne.s32 s2, $0x0;
	_ =	strace $0x90000047  }
0x4b3: {  	s0 =	sadd.s32 @!p0 $0x100000, s1;
	[bflag:$0x2] =	sbarrier.arrive $0xFFFF  }
0x4b4: {  	[sflag:s0] =	ssyncadd.tile.s32 @!p0 $0x1;
	_ =	shalt  }
.Lfunc_end2:
_tile_overlayer_lowered:
.L_overlay_start_2:
0x4b5: {  	(tag) =	ssettag $0x2  }
0x4b6: {  	s0 =	rddreg [dreg:$0x0];
	s2 =	stileid.u32  }
0x4b7: {  	s1 =	rddreg [dreg:$0x1];
	p0 =	sne.s32 s2, $0x0  }
0x4b8: {  	s3 =	rddreg [dreg:$0x2];
	[bflag:$0x3] =	sbarrier.arrive $0xFFFF;
	s2 =	simm.s32 @!p0 $0x1C01  }
0x4b9: {  	[timem:s3], [sflag:s2] =	dma.local @!p0 [hbm:s0], s1  }
0x4ba: {  	s0 =	simm.s32 @!p0 $0x1  }
0x4bb: {  	_ =	swait.ge @!p0 [sflag:s0], s1  }
0x4bc: {  	s1 =	ssub.s32 @!p0 $0x0, s1;
	[sflag:s0] =	ssyncset.done @!p0 $0x0  }
0x4bd: {  	[sflag:s0] =	ssyncadd.s32 @!p0 s1  }
0x4be: {  	[bflag:$0x3] =	sbarrier.arrive $0xFFFF  }
0x4bf: {  	_ =	shalt  }

</sc_bundles>
